<compile_context>
chip_gen: v7x
topology: tpu7x:2x2x1
jax: 0.10.2.dev20260603
libtpu: 0.0.44.dev20260713+nightly
codegen_flags: <defaults>
</compile_context>

<pallas_src>
import functools

import jax
import jax.numpy as jnp
from jax import lax
from jax.experimental import pallas as pl
from jax.experimental.pallas import tpu as pltpu
from jax.experimental.pallas import tpu_sc as plsc

FEATURE_NUM = 100000
FIELD_NUM = 26
LATENT_NUM = 32
BATCH = 4096

NC = 2
NS = 16
NW = NC * NS
BPW = BATCH // NW
QB = BPW // 4
LT = LATENT_NUM // 8
NSTEP = FIELD_NUM * 4
NPAIR = NSTEP // 2

_mesh = plsc.VectorSubcoreMesh(
    core_axis_name="c", subcore_axis_name="s", num_cores=NC, num_subcores=NS
)


@functools.partial(
    pl.kernel,
    out_type=jax.ShapeDtypeStruct(
        (FIELD_NUM, FIELD_NUM, LT, BATCH // 128, 8, 128), jnp.float32
    ),
    mesh=_mesh,
    scratch_types=[
        pltpu.VMEM((FIELD_NUM, BPW), jnp.float32),
        pltpu.VMEM((FIELD_NUM, BPW), jnp.int32),
        pltpu.VMEM((QB, FIELD_NUM, LATENT_NUM), jnp.float32),
        pltpu.VMEM((QB, FIELD_NUM, LATENT_NUM), jnp.float32),
        pltpu.VMEM((FIELD_NUM, LT, 8, QB + 1), jnp.float32),
        pltpu.VMEM((FIELD_NUM, LT, 8, QB + 1), jnp.float32),
        pltpu.SemaphoreType.DMA,
        pltpu.SemaphoreType.DMA,
        pltpu.SemaphoreType.DMA,
        pltpu.SemaphoreType.DMA,
    ],
    compiler_params=pltpu.CompilerParams(
        use_tc_tiling_on_sc=False, needs_layout_passes=False
    ),
)
def _gather_kernel(table_hbm, xt_hbm, out_hbm, idxf, idx_t, st0, st1, ob0, ob1,
                   g0, g1, os0, os1):
    wid = lax.axis_index("s") * NC + lax.axis_index("c")
    pltpu.sync_copy(xt_hbm.at[:, pl.ds(wid * BPW, BPW)], idxf)
    for f1 in range(FIELD_NUM):
        for g in range(BPW // 16):
            idx_t[f1, pl.ds(g * 16, 16)] = plsc.bitcast(
                idxf[f1, pl.ds(g * 16, 16)], jnp.int32
            )

    iota = lax.iota(jnp.int32, 16)

    def start_gather(s, st, gsem):
        f1 = lax.shift_right_logical(s, 2)
        qoff = pl.multiple_of(lax.mul(lax.rem(s, 4), QB), QB)
        pltpu.async_copy(table_hbm.at[idx_t.at[f1, pl.ds(qoff, QB)]], st, gsem)

    def wait_gather(st, gsem):
        pltpu.make_async_copy(table_hbm.at[pl.ds(0, QB)], st, gsem).wait()

    def start_store(s, ob, osem):
        f1 = lax.shift_right_logical(s, 2)
        qoff = pl.multiple_of(lax.mul(lax.rem(s, 4), QB), QB)
        pltpu.async_copy(
            ob.at[:, :, :, pl.ds(0, QB)],
            out_hbm.at[f1, :, :, wid, :, pl.ds(qoff, QB)],
            osem,
        )

    def wait_store(ob, osem):
        pltpu.make_async_copy(
            ob.at[:, :, :, pl.ds(0, QB)],
            out_hbm.at[0, :, :, wid, :, pl.ds(0, QB)],
            osem,
        ).wait()

    ltv = {l0: lax.shift_right_logical(l0 + iota, 3) for l0 in (0, 16)}
    lsv = {l0: lax.bitwise_and(l0 + iota, 7) for l0 in (0, 16)}

    def transpose_slab(st, ob):
        pairs = [(b, l0) for l0 in (0, 16) for b in range(QB)]

        @pl.loop(0, FIELD_NUM)
        def f2loop(f2):
            f2v = jnp.full((16,), f2, jnp.int32)
            for w0 in range(0, len(pairs), 8):
                wave = pairs[w0:w0 + 8]
                vecs = [st[b, f2, pl.ds(l0, 16)] for (b, l0) in wave]
                for (b, l0), vec in zip(wave, vecs):
                    plsc.store_scatter(
                        ob,
                        [f2v, ltv[l0], lsv[l0], jnp.full((16,), b, jnp.int32)],
                        vec,
                    )

    start_gather(0, st0, g0)

    @pl.loop(0, NPAIR)
    def pair(p):
        s0 = p * 2

        start_gather(s0 + 1, st1, g1)
        wait_gather(st0, g0)

        @pl.when(p > 0)
        def _():
            wait_store(ob0, os0)

        transpose_slab(st0, ob0)
        start_store(s0, ob0, os0)

        @pl.when(p < NPAIR - 1)
        def _():
            start_gather(s0 + 2, st0, g0)

        wait_gather(st1, g1)

        @pl.when(p > 0)
        def _():
            wait_store(ob1, os1)

        transpose_slab(st1, ob1)
        start_store(s0 + 1, ob1, os1)

    wait_store(ob0, os0)
    wait_store(ob1, os1)


def kernel(x, weights):
    xf = jax.lax.bitcast_convert_type(x, jnp.float32)
    out6 = _gather_kernel(weights, xf.T)
    return out6.transpose(3, 5, 0, 1, 2, 4).reshape(
        BATCH, FIELD_NUM, FIELD_NUM, LATENT_NUM
    )

# --- scband reference (transcript-rebuilt; emitter-appended) ---
"""Pipeline reference for scband-embedding3d-25580825215407 (READ-ONLY COPY).

The authoritative reference and input builder live on the scoring server;
editing this copy changes nothing except your own understanding.
"""

import jax, jax.numpy as jnp
import numpy as np

FEATURE_NUM = 100000
FIELD_NUM = 26
LATENT_NUM = 32
BATCH = 4096

def setup_inputs(seed: int = 0) -> dict:
    key = jax.random.key(seed)
    k1, k2 = jax.random.split(key)
    x = jax.random.randint(k1, (BATCH, FIELD_NUM), 0, FEATURE_NUM, dtype=jnp.int32)
    # nn.Parameter(torch.rand(...)) -> uniform [0, 1)
    weights = jax.random.uniform(k2, (FEATURE_NUM, FIELD_NUM, LATENT_NUM), dtype=jnp.float32)
    return {"x": x, "weights": weights}

def reference(x, weights):
    # torch.index_select(self.weights, 0, x.flatten()).view(-1, field_num, field_num, latent_num)
    gathered = jnp.take(weights, x.reshape(-1), axis=0)
    return gathered.reshape(-1, FIELD_NUM, FIELD_NUM, LATENT_NUM)

if __name__ == "__main__":
    import jax
    _d = setup_inputs()
    print(jax.jit(kernel)(*tuple(_d.values())))

</pallas_src>

<mosaic_0001>
#map = affine_map<(d0, d1) -> (0, 0, 0)>
#map1 = affine_map<(d0, d1) -> (0, 0)>
#map2 = affine_map<(d0, d1) -> (0, 0, 0, 0, 0, 0)>
module attributes {stable_mosaic.version = 14 : i64} {
  func.func @_gather_kernel(%arg0: i32, %arg1: i32, %arg2: memref<100000x26x32xf32, #tpu.memory_space<hbm>>, %arg3: memref<26x4096xf32, #tpu.memory_space<hbm>>, %arg4: memref<26x26x4x32x8x128xf32, #tpu.memory_space<hbm>>, %arg5: memref<26x128xf32, #tpu.memory_space<vmem>>, %arg6: memref<26x128xi32, #tpu.memory_space<vmem>>, %arg7: memref<32x26x32xf32, #tpu.memory_space<vmem>>, %arg8: memref<32x26x32xf32, #tpu.memory_space<vmem>>, %arg9: memref<26x4x8x33xf32, #tpu.memory_space<vmem>>, %arg10: memref<26x4x8x33xf32, #tpu.memory_space<vmem>>, %arg11: memref<!tpu.dma_semaphore, #tpu.memory_space<semaphore_mem>>, %arg12: memref<!tpu.dma_semaphore, #tpu.memory_space<semaphore_mem>>, %arg13: memref<!tpu.dma_semaphore, #tpu.memory_space<semaphore_mem>>, %arg14: memref<!tpu.dma_semaphore, #tpu.memory_space<semaphore_mem>>) attributes {dimension_semantics = [#tpu.dimension_semantics<core_parallel>, #tpu.dimension_semantics<subcore_parallel>], iteration_bounds = array<i64: 2, 16>, scalar_prefetch = 0 : i64, scratch_operands = 10 : i64, tpu.core_type = #tpu.core_type<sc_vector_subcore>, window_params = [{transform_indices = #map}, {transform_indices = #map1}, {transform_indices = #map2}]} {
    %mul3A = arith.constant 2 : i32
    %mul3A_0 = arith.muli %arg1, %mul3A : i32
    %add3A = arith.addi %mul3A_0, %arg0 : i32
    %mul3A_1 = arith.constant 128 : i32
    %mul3A_2 = arith.muli %add3A, %mul3A_1 : i32
    "tpu.region"() ({
      %run_scoped3A = tpu.sem_alloc : memref<!tpu.dma_semaphore, #tpu.memory_space<semaphore_mem>>
      %dma_start3A_1955 = arith.constant 0 : i32
      %dma_start3A_1956 = tpu.memref_slice %arg3[%dma_start3A_1955, %mul3A_2] : memref<26x4096xf32, #tpu.memory_space<hbm>> -> memref<26x128xf32, #tpu.memory_space<hbm>>
      %dma_start3A_1957 = arith.constant 0 : i32
      %dma_start3A_1958 = tpu.memref_slice %arg3[%dma_start3A_1957, %mul3A_2] : memref<26x4096xf32, #tpu.memory_space<hbm>> -> memref<26x128xf32, #tpu.memory_space<hbm>>
      tpu.enqueue_dma source(%dma_start3A_1958 : memref<26x128xf32, #tpu.memory_space<hbm>>) target(%arg5 : memref<26x128xf32, #tpu.memory_space<vmem>>) target_semaphore(%run_scoped3A : memref<!tpu.dma_semaphore, #tpu.memory_space<semaphore_mem>>)
      %dma_wait3A_1959 = arith.constant 0 : i32
      %dma_wait3A_1960 = tpu.memref_slice %arg3[%dma_wait3A_1959, %mul3A_2] : memref<26x4096xf32, #tpu.memory_space<hbm>> -> memref<26x128xf32, #tpu.memory_space<hbm>>
      %dma_wait3A_1961 = arith.constant 0 : i32
      %dma_wait3A_1962 = tpu.memref_slice %arg3[%dma_wait3A_1961, %mul3A_2] : memref<26x4096xf32, #tpu.memory_space<hbm>> -> memref<26x128xf32, #tpu.memory_space<hbm>>
      tpu.wait_dma2 semaphore(%run_scoped3A : memref<!tpu.dma_semaphore, #tpu.memory_space<semaphore_mem>>) src(%dma_wait3A_1962 : memref<26x128xf32, #tpu.memory_space<hbm>>) dst(%arg5 : memref<26x128xf32, #tpu.memory_space<vmem>>)
      tpu.yield
    }) : () -> ()
    %get3A = arith.constant 0 : i32
    %get3A_3 = arith.index_cast %get3A : i32 to index
    %get3A_4 = arith.constant 0 : index
    %get3A_5 = tpu.vector_load %arg5[%get3A_3, %get3A_4] {strides = array<i32>} : memref<26x128xf32, #tpu.memory_space<vmem>>, vector<16xf32>,
    %bitcast3A = vector.bitcast %get3A_5 : vector<16xf32> to vector<16xi32>
    %swap3A = arith.constant 0 : i32
    %swap3A_6 = arith.index_cast %swap3A : i32 to index
    %swap3A_7 = arith.constant 0 : index
    %swap3A_8 = tpu.vector_load %arg6[%swap3A_6, %swap3A_7] {strides = array<i32>} : memref<26x128xi32, #tpu.memory_space<vmem>>, vector<16xi32>,
    tpu.vector_store %arg6[%swap3A_6, %swap3A_7], %bitcast3A {strides = array<i32>} : memref<26x128xi32, #tpu.memory_space<vmem>>, vector<16xi32>,
    %get3A_9 = arith.constant 0 : i32
    %get3A_10 = arith.index_cast %get3A_9 : i32 to index
    %get3A_11 = arith.constant 16 : index
    %get3A_12 = tpu.vector_load %arg5[%get3A_10, %get3A_11] {strides = array<i32>} : memref<26x128xf32, #tpu.memory_space<vmem>>, vector<16xf32>,
    %bitcast3A_13 = vector.bitcast %get3A_12 : vector<16xf32> to vector<16xi32>
    %swap3A_14 = arith.constant 0 : i32
    %swap3A_15 = arith.index_cast %swap3A_14 : i32 to index
    %swap3A_16 = arith.constant 16 : index
    %swap3A_17 = tpu.vector_load %arg6[%swap3A_15, %swap3A_16] {strides = array<i32>} : memref<26x128xi32, #tpu.memory_space<vmem>>, vector<16xi32>,
    tpu.vector_store %arg6[%swap3A_15, %swap3A_16], %bitcast3A_13 {strides = array<i32>} : memref<26x128xi32, #tpu.memory_space<vmem>>, vector<16xi32>,
    %get3A_18 = arith.constant 0 : i32
    %get3A_19 = arith.index_cast %get3A_18 : i32 to index
    %get3A_20 = arith.constant 32 : index
    %get3A_21 = tpu.vector_load %arg5[%get3A_19, %get3A_20] {strides = array<i32>} : memref<26x128xf32, #tpu.memory_space<vmem>>, vector<16xf32>,
    %bitcast3A_22 = vector.bitcast %get3A_21 : vector<16xf32> to vector<16xi32>
    %swap3A_23 = arith.constant 0 : i32
    %swap3A_24 = arith.index_cast %swap3A_23 : i32 to index
    %swap3A_25 = arith.constant 32 : index
    %swap3A_26 = tpu.vector_load %arg6[%swap3A_24, %swap3A_25] {strides = array<i32>} : memref<26x128xi32, #tpu.memory_space<vmem>>, vector<16xi32>,
    tpu.vector_store %arg6[%swap3A_24, %swap3A_25], %bitcast3A_22 {strides = array<i32>} : memref<26x128xi32, #tpu.memory_space<vmem>>, vector<16xi32>,
    %get3A_27 = arith.constant 0 : i32
    %get3A_28 = arith.index_cast %get3A_27 : i32 to index
    %get3A_29 = arith.constant 48 : index
    %get3A_30 = tpu.vector_load %arg5[%get3A_28, %get3A_29] {strides = array<i32>} : memref<26x128xf32, #tpu.memory_space<vmem>>, vector<16xf32>,
    %bitcast3A_31 = vector.bitcast %get3A_30 : vector<16xf32> to vector<16xi32>
    %swap3A_32 = arith.constant 0 : i32
    %swap3A_33 = arith.index_cast %swap3A_32 : i32 to index
    %swap3A_34 = arith.constant 48 : index
    %swap3A_35 = tpu.vector_load %arg6[%swap3A_33, %swap3A_34] {strides = array<i32>} : memref<26x128xi32, #tpu.memory_space<vmem>>, vector<16xi32>,
    tpu.vector_store %arg6[%swap3A_33, %swap3A_34], %bitcast3A_31 {strides = array<i32>} : memref<26x128xi32, #tpu.memory_space<vmem>>, vector<16xi32>,
    %get3A_36 = arith.constant 0 : i32
    %get3A_37 = arith.index_cast %get3A_36 : i32 to index
    %get3A_38 = arith.constant 64 : index
    %get3A_39 = tpu.vector_load %arg5[%get3A_37, %get3A_38] {strides = array<i32>} : memref<26x128xf32, #tpu.memory_space<vmem>>, vector<16xf32>,
    %bitcast3A_40 = vector.bitcast %get3A_39 : vector<16xf32> to vector<16xi32>
    %swap3A_41 = arith.constant 0 : i32
    %swap3A_42 = arith.index_cast %swap3A_41 : i32 to index
    %swap3A_43 = arith.constant 64 : index
    %swap3A_44 = tpu.vector_load %arg6[%swap3A_42, %swap3A_43] {strides = array<i32>} : memref<26x128xi32, #tpu.memory_space<vmem>>, vector<16xi32>,
    tpu.vector_store %arg6[%swap3A_42, %swap3A_43], %bitcast3A_40 {strides = array<i32>} : memref<26x128xi32, #tpu.memory_space<vmem>>, vector<16xi32>,
    %get3A_45 = arith.constant 0 : i32
    %get3A_46 = arith.index_cast %get3A_45 : i32 to index
    %get3A_47 = arith.constant 80 : index
    %get3A_48 = tpu.vector_load %arg5[%get3A_46, %get3A_47] {strides = array<i32>} : memref<26x128xf32, #tpu.memory_space<vmem>>, vector<16xf32>,
    %bitcast3A_49 = vector.bitcast %get3A_48 : vector<16xf32> to vector<16xi32>
    %swap3A_50 = arith.constant 0 : i32
    %swap3A_51 = arith.index_cast %swap3A_50 : i32 to index
    %swap3A_52 = arith.constant 80 : index
    %swap3A_53 = tpu.vector_load %arg6[%swap3A_51, %swap3A_52] {strides = array<i32>} : memref<26x128xi32, #tpu.memory_space<vmem>>, vector<16xi32>,
    tpu.vector_store %arg6[%swap3A_51, %swap3A_52], %bitcast3A_49 {strides = array<i32>} : memref<26x128xi32, #tpu.memory_space<vmem>>, vector<16xi32>,
    %get3A_54 = arith.constant 0 : i32
    %get3A_55 = arith.index_cast %get3A_54 : i32 to index
    %get3A_56 = arith.constant 96 : index
    %get3A_57 = tpu.vector_load %arg5[%get3A_55, %get3A_56] {strides = array<i32>} : memref<26x128xf32, #tpu.memory_space<vmem>>, vector<16xf32>,
    %bitcast3A_58 = vector.bitcast %get3A_57 : vector<16xf32> to vector<16xi32>
    %swap3A_59 = arith.constant 0 : i32
    %swap3A_60 = arith.index_cast %swap3A_59 : i32 to index
    %swap3A_61 = arith.constant 96 : index
    %swap3A_62 = tpu.vector_load %arg6[%swap3A_60, %swap3A_61] {strides = array<i32>} : memref<26x128xi32, #tpu.memory_space<vmem>>, vector<16xi32>,
    tpu.vector_store %arg6[%swap3A_60, %swap3A_61], %bitcast3A_58 {strides = array<i32>} : memref<26x128xi32, #tpu.memory_space<vmem>>, vector<16xi32>,
    %get3A_63 = arith.constant 0 : i32
    %get3A_64 = arith.index_cast %get3A_63 : i32 to index
    %get3A_65 = arith.constant 112 : index
    %get3A_66 = tpu.vector_load %arg5[%get3A_64, %get3A_65] {strides = array<i32>} : memref<26x128xf32, #tpu.memory_space<vmem>>, vector<16xf32>,
    %bitcast3A_67 = vector.bitcast %get3A_66 : vector<16xf32> to vector<16xi32>
    %swap3A_68 = arith.constant 0 : i32
    %swap3A_69 = arith.index_cast %swap3A_68 : i32 to index
    %swap3A_70 = arith.constant 112 : index
    %swap3A_71 = tpu.vector_load %arg6[%swap3A_69, %swap3A_70] {strides = array<i32>} : memref<26x128xi32, #tpu.memory_space<vmem>>, vector<16xi32>,
    tpu.vector_store %arg6[%swap3A_69, %swap3A_70], %bitcast3A_67 {strides = array<i32>} : memref<26x128xi32, #tpu.memory_space<vmem>>, vector<16xi32>,
    %get3A_72 = arith.constant 1 : i32
    %get3A_73 = arith.index_cast %get3A_72 : i32 to index
    %get3A_74 = arith.constant 0 : index
    %get3A_75 = tpu.vector_load %arg5[%get3A_73, %get3A_74] {strides = array<i32>} : memref<26x128xf32, #tpu.memory_space<vmem>>, vector<16xf32>,
    %bitcast3A_76 = vector.bitcast %get3A_75 : vector<16xf32> to vector<16xi32>
    %swap3A_77 = arith.constant 1 : i32
    %swap3A_78 = arith.index_cast %swap3A_77 : i32 to index
    %swap3A_79 = arith.constant 0 : index
    %swap3A_80 = tpu.vector_load %arg6[%swap3A_78, %swap3A_79] {strides = array<i32>} : memref<26x128xi32, #tpu.memory_space<vmem>>, vector<16xi32>,
    tpu.vector_store %arg6[%swap3A_78, %swap3A_79], %bitcast3A_76 {strides = array<i32>} : memref<26x128xi32, #tpu.memory_space<vmem>>, vector<16xi32>,
    %get3A_81 = arith.constant 1 : i32
    %get3A_82 = arith.index_cast %get3A_81 : i32 to index
    %get3A_83 = arith.constant 16 : index
    %get3A_84 = tpu.vector_load %arg5[%get3A_82, %get3A_83] {strides = array<i32>} : memref<26x128xf32, #tpu.memory_space<vmem>>, vector<16xf32>,
    %bitcast3A_85 = vector.bitcast %get3A_84 : vector<16xf32> to vector<16xi32>
    %swap3A_86 = arith.constant 1 : i32
    %swap3A_87 = arith.index_cast %swap3A_86 : i32 to index
    %swap3A_88 = arith.constant 16 : index
    %swap3A_89 = tpu.vector_load %arg6[%swap3A_87, %swap3A_88] {strides = array<i32>} : memref<26x128xi32, #tpu.memory_space<vmem>>, vector<16xi32>,
    tpu.vector_store %arg6[%swap3A_87, %swap3A_88], %bitcast3A_85 {strides = array<i32>} : memref<26x128xi32, #tpu.memory_space<vmem>>, vector<16xi32>,
    %get3A_90 = arith.constant 1 : i32
    %get3A_91 = arith.index_cast %get3A_90 : i32 to index
    %get3A_92 = arith.constant 32 : index
    %get3A_93 = tpu.vector_load %arg5[%get3A_91, %get3A_92] {strides = array<i32>} : memref<26x128xf32, #tpu.memory_space<vmem>>, vector<16xf32>,
    %bitcast3A_94 = vector.bitcast %get3A_93 : vector<16xf32> to vector<16xi32>
    %swap3A_95 = arith.constant 1 : i32
    %swap3A_96 = arith.index_cast %swap3A_95 : i32 to index
    %swap3A_97 = arith.constant 32 : index
    %swap3A_98 = tpu.vector_load %arg6[%swap3A_96, %swap3A_97] {strides = array<i32>} : memref<26x128xi32, #tpu.memory_space<vmem>>, vector<16xi32>,
    tpu.vector_store %arg6[%swap3A_96, %swap3A_97], %bitcast3A_94 {strides = array<i32>} : memref<26x128xi32, #tpu.memory_space<vmem>>, vector<16xi32>,
    %get3A_99 = arith.constant 1 : i32
    %get3A_100 = arith.index_cast %get3A_99 : i32 to index
    %get3A_101 = arith.constant 48 : index
    %get3A_102 = tpu.vector_load %arg5[%get3A_100, %get3A_101] {strides = array<i32>} : memref<26x128xf32, #tpu.memory_space<vmem>>, vector<16xf32>,
    %bitcast3A_103 = vector.bitcast %get3A_102 : vector<16xf32> to vector<16xi32>
    %swap3A_104 = arith.constant 1 : i32
    %swap3A_105 = arith.index_cast %swap3A_104 : i32 to index
    %swap3A_106 = arith.constant 48 : index
    %swap3A_107 = tpu.vector_load %arg6[%swap3A_105, %swap3A_106] {strides = array<i32>} : memref<26x128xi32, #tpu.memory_space<vmem>>, vector<16xi32>,
    tpu.vector_store %arg6[%swap3A_105, %swap3A_106], %bitcast3A_103 {strides = array<i32>} : memref<26x128xi32, #tpu.memory_space<vmem>>, vector<16xi32>,
    %get3A_108 = arith.constant 1 : i32
    %get3A_109 = arith.index_cast %get3A_108 : i32 to index
    %get3A_110 = arith.constant 64 : index
    %get3A_111 = tpu.vector_load %arg5[%get3A_109, %get3A_110] {strides = array<i32>} : memref<26x128xf32, #tpu.memory_space<vmem>>, vector<16xf32>,
    %bitcast3A_112 = vector.bitcast %get3A_111 : vector<16xf32> to vector<16xi32>
    %swap3A_113 = arith.constant 1 : i32
    %swap3A_114 = arith.index_cast %swap3A_113 : i32 to index
    %swap3A_115 = arith.constant 64 : index
    %swap3A_116 = tpu.vector_load %arg6[%swap3A_114, %swap3A_115] {strides = array<i32>} : memref<26x128xi32, #tpu.memory_space<vmem>>, vector<16xi32>,
    tpu.vector_store %arg6[%swap3A_114, %swap3A_115], %bitcast3A_112 {strides = array<i32>} : memref<26x128xi32, #tpu.memory_space<vmem>>, vector<16xi32>,
    %get3A_117 = arith.constant 1 : i32
    %get3A_118 = arith.index_cast %get3A_117 : i32 to index
    %get3A_119 = arith.constant 80 : index
    %get3A_120 = tpu.vector_load %arg5[%get3A_118, %get3A_119] {strides = array<i32>} : memref<26x128xf32, #tpu.memory_space<vmem>>, vector<16xf32>,
    %bitcast3A_121 = vector.bitcast %get3A_120 : vector<16xf32> to vector<16xi32>
    %swap3A_122 = arith.constant 1 : i32
    %swap3A_123 = arith.index_cast %swap3A_122 : i32 to index
    %swap3A_124 = arith.constant 80 : index
    %swap3A_125 = tpu.vector_load %arg6[%swap3A_123, %swap3A_124] {strides = array<i32>} : memref<26x128xi32, #tpu.memory_space<vmem>>, vector<16xi32>,
    tpu.vector_store %arg6[%swap3A_123, %swap3A_124], %bitcast3A_121 {strides = array<i32>} : memref<26x128xi32, #tpu.memory_space<vmem>>, vector<16xi32>,
    %get3A_126 = arith.constant 1 : i32
    %get3A_127 = arith.index_cast %get3A_126 : i32 to index
    %get3A_128 = arith.constant 96 : index
    %get3A_129 = tpu.vector_load %arg5[%get3A_127, %get3A_128] {strides = array<i32>} : memref<26x128xf32, #tpu.memory_space<vmem>>, vector<16xf32>,
    %bitcast3A_130 = vector.bitcast %get3A_129 : vector<16xf32> to vector<16xi32>
    %swap3A_131 = arith.constant 1 : i32
    %swap3A_132 = arith.index_cast %swap3A_131 : i32 to index
    %swap3A_133 = arith.constant 96 : index
    %swap3A_134 = tpu.vector_load %arg6[%swap3A_132, %swap3A_133] {strides = array<i32>} : memref<26x128xi32, #tpu.memory_space<vmem>>, vector<16xi32>,
    tpu.vector_store %arg6[%swap3A_132, %swap3A_133], %bitcast3A_130 {strides = array<i32>} : memref<26x128xi32, #tpu.memory_space<vmem>>, vector<16xi32>,
    %get3A_135 = arith.constant 1 : i32
    %get3A_136 = arith.index_cast %get3A_135 : i32 to index
    %get3A_137 = arith.constant 112 : index
    %get3A_138 = tpu.vector_load %arg5[%get3A_136, %get3A_137] {strides = array<i32>} : memref<26x128xf32, #tpu.memory_space<vmem>>, vector<16xf32>,
    %bitcast3A_139 = vector.bitcast %get3A_138 : vector<16xf32> to vector<16xi32>
    %swap3A_140 = arith.constant 1 : i32
    %swap3A_141 = arith.index_cast %swap3A_140 : i32 to index
    %swap3A_142 = arith.constant 112 : index
    %swap3A_143 = tpu.vector_load %arg6[%swap3A_141, %swap3A_142] {strides = array<i32>} : memref<26x128xi32, #tpu.memory_space<vmem>>, vector<16xi32>,
    tpu.vector_store %arg6[%swap3A_141, %swap3A_142], %bitcast3A_139 {strides = array<i32>} : memref<26x128xi32, #tpu.memory_space<vmem>>, vector<16xi32>,
    %get3A_144 = arith.constant 2 : i32
    %get3A_145 = arith.index_cast %get3A_144 : i32 to index
    %get3A_146 = arith.constant 0 : index
    %get3A_147 = tpu.vector_load %arg5[%get3A_145, %get3A_146] {strides = array<i32>} : memref<26x128xf32, #tpu.memory_space<vmem>>, vector<16xf32>,
    %bitcast3A_148 = vector.bitcast %get3A_147 : vector<16xf32> to vector<16xi32>
    %swap3A_149 = arith.constant 2 : i32
    %swap3A_150 = arith.index_cast %swap3A_149 : i32 to index
    %swap3A_151 = arith.constant 0 : index
    %swap3A_152 = tpu.vector_load %arg6[%swap3A_150, %swap3A_151] {strides = array<i32>} : memref<26x128xi32, #tpu.memory_space<vmem>>, vector<16xi32>,
    tpu.vector_store %arg6[%swap3A_150, %swap3A_151], %bitcast3A_148 {strides = array<i32>} : memref<26x128xi32, #tpu.memory_space<vmem>>, vector<16xi32>,
    %get3A_153 = arith.constant 2 : i32
    %get3A_154 = arith.index_cast %get3A_153 : i32 to index
    %get3A_155 = arith.constant 16 : index
    %get3A_156 = tpu.vector_load %arg5[%get3A_154, %get3A_155] {strides = array<i32>} : memref<26x128xf32, #tpu.memory_space<vmem>>, vector<16xf32>,
    %bitcast3A_157 = vector.bitcast %get3A_156 : vector<16xf32> to vector<16xi32>
    %swap3A_158 = arith.constant 2 : i32
    %swap3A_159 = arith.index_cast %swap3A_158 : i32 to index
    %swap3A_160 = arith.constant 16 : index
    %swap3A_161 = tpu.vector_load %arg6[%swap3A_159, %swap3A_160] {strides = array<i32>} : memref<26x128xi32, #tpu.memory_space<vmem>>, vector<16xi32>,
    tpu.vector_store %arg6[%swap3A_159, %swap3A_160], %bitcast3A_157 {strides = array<i32>} : memref<26x128xi32, #tpu.memory_space<vmem>>, vector<16xi32>,
    %get3A_162 = arith.constant 2 : i32
    %get3A_163 = arith.index_cast %get3A_162 : i32 to index
    %get3A_164 = arith.constant 32 : index
    %get3A_165 = tpu.vector_load %arg5[%get3A_163, %get3A_164] {strides = array<i32>} : memref<26x128xf32, #tpu.memory_space<vmem>>, vector<16xf32>,
    %bitcast3A_166 = vector.bitcast %get3A_165 : vector<16xf32> to vector<16xi32>
    %swap3A_167 = arith.constant 2 : i32
    %swap3A_168 = arith.index_cast %swap3A_167 : i32 to index
    %swap3A_169 = arith.constant 32 : index
    %swap3A_170 = tpu.vector_load %arg6[%swap3A_168, %swap3A_169] {strides = array<i32>} : memref<26x128xi32, #tpu.memory_space<vmem>>, vector<16xi32>,
    tpu.vector_store %arg6[%swap3A_168, %swap3A_169], %bitcast3A_166 {strides = array<i32>} : memref<26x128xi32, #tpu.memory_space<vmem>>, vector<16xi32>,
    %get3A_171 = arith.constant 2 : i32
    %get3A_172 = arith.index_cast %get3A_171 : i32 to index
    %get3A_173 = arith.constant 48 : index
    %get3A_174 = tpu.vector_load %arg5[%get3A_172, %get3A_173] {strides = array<i32>} : memref<26x128xf32, #tpu.memory_space<vmem>>, vector<16xf32>,
    %bitcast3A_175 = vector.bitcast %get3A_174 : vector<16xf32> to vector<16xi32>
    %swap3A_176 = arith.constant 2 : i32
    %swap3A_177 = arith.index_cast %swap3A_176 : i32 to index
    %swap3A_178 = arith.constant 48 : index
    %swap3A_179 = tpu.vector_load %arg6[%swap3A_177, %swap3A_178] {strides = array<i32>} : memref<26x128xi32, #tpu.memory_space<vmem>>, vector<16xi32>,
    tpu.vector_store %arg6[%swap3A_177, %swap3A_178], %bitcast3A_175 {strides = array<i32>} : memref<26x128xi32, #tpu.memory_space<vmem>>, vector<16xi32>,
    %get3A_180 = arith.constant 2 : i32
    %get3A_181 = arith.index_cast %get3A_180 : i32 to index
    %get3A_182 = arith.constant 64 : index
    %get3A_183 = tpu.vector_load %arg5[%get3A_181, %get3A_182] {strides = array<i32>} : memref<26x128xf32, #tpu.memory_space<vmem>>, vector<16xf32>,
    %bitcast3A_184 = vector.bitcast %get3A_183 : vector<16xf32> to vector<16xi32>
    %swap3A_185 = arith.constant 2 : i32
    %swap3A_186 = arith.index_cast %swap3A_185 : i32 to index
    %swap3A_187 = arith.constant 64 : index
    %swap3A_188 = tpu.vector_load %arg6[%swap3A_186, %swap3A_187] {strides = array<i32>} : memref<26x128xi32, #tpu.memory_space<vmem>>, vector<16xi32>,
    tpu.vector_store %arg6[%swap3A_186, %swap3A_187], %bitcast3A_184 {strides = array<i32>} : memref<26x128xi32, #tpu.memory_space<vmem>>, vector<16xi32>,
    %get3A_189 = arith.constant 2 : i32
    %get3A_190 = arith.index_cast %get3A_189 : i32 to index
    %get3A_191 = arith.constant 80 : index
    %get3A_192 = tpu.vector_load %arg5[%get3A_190, %get3A_191] {strides = array<i32>} : memref<26x128xf32, #tpu.memory_space<vmem>>, vector<16xf32>,
    %bitcast3A_193 = vector.bitcast %get3A_192 : vector<16xf32> to vector<16xi32>
    %swap3A_194 = arith.constant 2 : i32
    %swap3A_195 = arith.index_cast %swap3A_194 : i32 to index
    %swap3A_196 = arith.constant 80 : index
    %swap3A_197 = tpu.vector_load %arg6[%swap3A_195, %swap3A_196] {strides = array<i32>} : memref<26x128xi32, #tpu.memory_space<vmem>>, vector<16xi32>,
    tpu.vector_store %arg6[%swap3A_195, %swap3A_196], %bitcast3A_193 {strides = array<i32>} : memref<26x128xi32, #tpu.memory_space<vmem>>, vector<16xi32>,
    %get3A_198 = arith.constant 2 : i32
    %get3A_199 = arith.index_cast %get3A_198 : i32 to index
    %get3A_200 = arith.constant 96 : index
    %get3A_201 = tpu.vector_load %arg5[%get3A_199, %get3A_200] {strides = array<i32>} : memref<26x128xf32, #tpu.memory_space<vmem>>, vector<16xf32>,
    %bitcast3A_202 = vector.bitcast %get3A_201 : vector<16xf32> to vector<16xi32>
    %swap3A_203 = arith.constant 2 : i32
    %swap3A_204 = arith.index_cast %swap3A_203 : i32 to index
    %swap3A_205 = arith.constant 96 : index
    %swap3A_206 = tpu.vector_load %arg6[%swap3A_204, %swap3A_205] {strides = array<i32>} : memref<26x128xi32, #tpu.memory_space<vmem>>, vector<16xi32>,
    tpu.vector_store %arg6[%swap3A_204, %swap3A_205], %bitcast3A_202 {strides = array<i32>} : memref<26x128xi32, #tpu.memory_space<vmem>>, vector<16xi32>,
    %get3A_207 = arith.constant 2 : i32
    %get3A_208 = arith.index_cast %get3A_207 : i32 to index
    %get3A_209 = arith.constant 112 : index
    %get3A_210 = tpu.vector_load %arg5[%get3A_208, %get3A_209] {strides = array<i32>} : memref<26x128xf32, #tpu.memory_space<vmem>>, vector<16xf32>,
    %bitcast3A_211 = vector.bitcast %get3A_210 : vector<16xf32> to vector<16xi32>
    %swap3A_212 = arith.constant 2 : i32
    %swap3A_213 = arith.index_cast %swap3A_212 : i32 to index
    %swap3A_214 = arith.constant 112 : index
    %swap3A_215 = tpu.vector_load %arg6[%swap3A_213, %swap3A_214] {strides = array<i32>} : memref<26x128xi32, #tpu.memory_space<vmem>>, vector<16xi32>,
    tpu.vector_store %arg6[%swap3A_213, %swap3A_214], %bitcast3A_211 {strides = array<i32>} : memref<26x128xi32, #tpu.memory_space<vmem>>, vector<16xi32>,
    %get3A_216 = arith.constant 3 : i32
    %get3A_217 = arith.index_cast %get3A_216 : i32 to index
    %get3A_218 = arith.constant 0 : index
    %get3A_219 = tpu.vector_load %arg5[%get3A_217, %get3A_218] {strides = array<i32>} : memref<26x128xf32, #tpu.memory_space<vmem>>, vector<16xf32>,
    %bitcast3A_220 = vector.bitcast %get3A_219 : vector<16xf32> to vector<16xi32>
    %swap3A_221 = arith.constant 3 : i32
    %swap3A_222 = arith.index_cast %swap3A_221 : i32 to index
    %swap3A_223 = arith.constant 0 : index
    %swap3A_224 = tpu.vector_load %arg6[%swap3A_222, %swap3A_223] {strides = array<i32>} : memref<26x128xi32, #tpu.memory_space<vmem>>, vector<16xi32>,
    tpu.vector_store %arg6[%swap3A_222, %swap3A_223], %bitcast3A_220 {strides = array<i32>} : memref<26x128xi32, #tpu.memory_space<vmem>>, vector<16xi32>,
    %get3A_225 = arith.constant 3 : i32
    %get3A_226 = arith.index_cast %get3A_225 : i32 to index
    %get3A_227 = arith.constant 16 : index
    %get3A_228 = tpu.vector_load %arg5[%get3A_226, %get3A_227] {strides = array<i32>} : memref<26x128xf32, #tpu.memory_space<vmem>>, vector<16xf32>,
    %bitcast3A_229 = vector.bitcast %get3A_228 : vector<16xf32> to vector<16xi32>
    %swap3A_230 = arith.constant 3 : i32
    %swap3A_231 = arith.index_cast %swap3A_230 : i32 to index
    %swap3A_232 = arith.constant 16 : index
    %swap3A_233 = tpu.vector_load %arg6[%swap3A_231, %swap3A_232] {strides = array<i32>} : memref<26x128xi32, #tpu.memory_space<vmem>>, vector<16xi32>,
    tpu.vector_store %arg6[%swap3A_231, %swap3A_232], %bitcast3A_229 {strides = array<i32>} : memref<26x128xi32, #tpu.memory_space<vmem>>, vector<16xi32>,
    %get3A_234 = arith.constant 3 : i32
    %get3A_235 = arith.index_cast %get3A_234 : i32 to index
    %get3A_236 = arith.constant 32 : index
    %get3A_237 = tpu.vector_load %arg5[%get3A_235, %get3A_236] {strides = array<i32>} : memref<26x128xf32, #tpu.memory_space<vmem>>, vector<16xf32>,
    %bitcast3A_238 = vector.bitcast %get3A_237 : vector<16xf32> to vector<16xi32>
    %swap3A_239 = arith.constant 3 : i32
    %swap3A_240 = arith.index_cast %swap3A_239 : i32 to index
    %swap3A_241 = arith.constant 32 : index
    %swap3A_242 = tpu.vector_load %arg6[%swap3A_240, %swap3A_241] {strides = array<i32>} : memref<26x128xi32, #tpu.memory_space<vmem>>, vector<16xi32>,
    tpu.vector_store %arg6[%swap3A_240, %swap3A_241], %bitcast3A_238 {strides = array<i32>} : memref<26x128xi32, #tpu.memory_space<vmem>>, vector<16xi32>,
    %get3A_243 = arith.constant 3 : i32
    %get3A_244 = arith.index_cast %get3A_243 : i32 to index
    %get3A_245 = arith.constant 48 : index
    %get3A_246 = tpu.vector_load %arg5[%get3A_244, %get3A_245] {strides = array<i32>} : memref<26x128xf32, #tpu.memory_space<vmem>>, vector<16xf32>,
    %bitcast3A_247 = vector.bitcast %get3A_246 : vector<16xf32> to vector<16xi32>
    %swap3A_248 = arith.constant 3 : i32
    %swap3A_249 = arith.index_cast %swap3A_248 : i32 to index
    %swap3A_250 = arith.constant 48 : index
    %swap3A_251 = tpu.vector_load %arg6[%swap3A_249, %swap3A_250] {strides = array<i32>} : memref<26x128xi32, #tpu.memory_space<vmem>>, vector<16xi32>,
    tpu.vector_store %arg6[%swap3A_249, %swap3A_250], %bitcast3A_247 {strides = array<i32>} : memref<26x128xi32, #tpu.memory_space<vmem>>, vector<16xi32>,
    %get3A_252 = arith.constant 3 : i32
    %get3A_253 = arith.index_cast %get3A_252 : i32 to index
    %get3A_254 = arith.constant 64 : index
    %get3A_255 = tpu.vector_load %arg5[%get3A_253, %get3A_254] {strides = array<i32>} : memref<26x128xf32, #tpu.memory_space<vmem>>, vector<16xf32>,
    %bitcast3A_256 = vector.bitcast %get3A_255 : vector<16xf32> to vector<16xi32>
    %swap3A_257 = arith.constant 3 : i32
    %swap3A_258 = arith.index_cast %swap3A_257 : i32 to index
    %swap3A_259 = arith.constant 64 : index
    %swap3A_260 = tpu.vector_load %arg6[%swap3A_258, %swap3A_259] {strides = array<i32>} : memref<26x128xi32, #tpu.memory_space<vmem>>, vector<16xi32>,
    tpu.vector_store %arg6[%swap3A_258, %swap3A_259], %bitcast3A_256 {strides = array<i32>} : memref<26x128xi32, #tpu.memory_space<vmem>>, vector<16xi32>,
    %get3A_261 = arith.constant 3 : i32
    %get3A_262 = arith.index_cast %get3A_261 : i32 to index
    %get3A_263 = arith.constant 80 : index
    %get3A_264 = tpu.vector_load %arg5[%get3A_262, %get3A_263] {strides = array<i32>} : memref<26x128xf32, #tpu.memory_space<vmem>>, vector<16xf32>,
    %bitcast3A_265 = vector.bitcast %get3A_264 : vector<16xf32> to vector<16xi32>
    %swap3A_266 = arith.constant 3 : i32
    %swap3A_267 = arith.index_cast %swap3A_266 : i32 to index
    %swap3A_268 = arith.constant 80 : index
    %swap3A_269 = tpu.vector_load %arg6[%swap3A_267, %swap3A_268] {strides = array<i32>} : memref<26x128xi32, #tpu.memory_space<vmem>>, vector<16xi32>,
    tpu.vector_store %arg6[%swap3A_267, %swap3A_268], %bitcast3A_265 {strides = array<i32>} : memref<26x128xi32, #tpu.memory_space<vmem>>, vector<16xi32>,
    %get3A_270 = arith.constant 3 : i32
    %get3A_271 = arith.index_cast %get3A_270 : i32 to index
    %get3A_272 = arith.constant 96 : index
    %get3A_273 = tpu.vector_load %arg5[%get3A_271, %get3A_272] {strides = array<i32>} : memref<26x128xf32, #tpu.memory_space<vmem>>, vector<16xf32>,
    %bitcast3A_274 = vector.bitcast %get3A_273 : vector<16xf32> to vector<16xi32>
    %swap3A_275 = arith.constant 3 : i32
    %swap3A_276 = arith.index_cast %swap3A_275 : i32 to index
    %swap3A_277 = arith.constant 96 : index
    %swap3A_278 = tpu.vector_load %arg6[%swap3A_276, %swap3A_277] {strides = array<i32>} : memref<26x128xi32, #tpu.memory_space<vmem>>, vector<16xi32>,
    tpu.vector_store %arg6[%swap3A_276, %swap3A_277], %bitcast3A_274 {strides = array<i32>} : memref<26x128xi32, #tpu.memory_space<vmem>>, vector<16xi32>,
    %get3A_279 = arith.constant 3 : i32
    %get3A_280 = arith.index_cast %get3A_279 : i32 to index
    %get3A_281 = arith.constant 112 : index
    %get3A_282 = tpu.vector_load %arg5[%get3A_280, %get3A_281] {strides = array<i32>} : memref<26x128xf32, #tpu.memory_space<vmem>>, vector<16xf32>,
    %bitcast3A_283 = vector.bitcast %get3A_282 : vector<16xf32> to vector<16xi32>
    %swap3A_284 = arith.constant 3 : i32
    %swap3A_285 = arith.index_cast %swap3A_284 : i32 to index
    %swap3A_286 = arith.constant 112 : index
    %swap3A_287 = tpu.vector_load %arg6[%swap3A_285, %swap3A_286] {strides = array<i32>} : memref<26x128xi32, #tpu.memory_space<vmem>>, vector<16xi32>,
    tpu.vector_store %arg6[%swap3A_285, %swap3A_286], %bitcast3A_283 {strides = array<i32>} : memref<26x128xi32, #tpu.memory_space<vmem>>, vector<16xi32>,
    %get3A_288 = arith.constant 4 : i32
    %get3A_289 = arith.index_cast %get3A_288 : i32 to index
    %get3A_290 = arith.constant 0 : index
    %get3A_291 = tpu.vector_load %arg5[%get3A_289, %get3A_290] {strides = array<i32>} : memref<26x128xf32, #tpu.memory_space<vmem>>, vector<16xf32>,
    %bitcast3A_292 = vector.bitcast %get3A_291 : vector<16xf32> to vector<16xi32>
    %swap3A_293 = arith.constant 4 : i32
    %swap3A_294 = arith.index_cast %swap3A_293 : i32 to index
    %swap3A_295 = arith.constant 0 : index
    %swap3A_296 = tpu.vector_load %arg6[%swap3A_294, %swap3A_295] {strides = array<i32>} : memref<26x128xi32, #tpu.memory_space<vmem>>, vector<16xi32>,
    tpu.vector_store %arg6[%swap3A_294, %swap3A_295], %bitcast3A_292 {strides = array<i32>} : memref<26x128xi32, #tpu.memory_space<vmem>>, vector<16xi32>,
    %get3A_297 = arith.constant 4 : i32
    %get3A_298 = arith.index_cast %get3A_297 : i32 to index
    %get3A_299 = arith.constant 16 : index
    %get3A_300 = tpu.vector_load %arg5[%get3A_298, %get3A_299] {strides = array<i32>} : memref<26x128xf32, #tpu.memory_space<vmem>>, vector<16xf32>,
    %bitcast3A_301 = vector.bitcast %get3A_300 : vector<16xf32> to vector<16xi32>
    %swap3A_302 = arith.constant 4 : i32
    %swap3A_303 = arith.index_cast %swap3A_302 : i32 to index
    %swap3A_304 = arith.constant 16 : index
    %swap3A_305 = tpu.vector_load %arg6[%swap3A_303, %swap3A_304] {strides = array<i32>} : memref<26x128xi32, #tpu.memory_space<vmem>>, vector<16xi32>,
    tpu.vector_store %arg6[%swap3A_303, %swap3A_304], %bitcast3A_301 {strides = array<i32>} : memref<26x128xi32, #tpu.memory_space<vmem>>, vector<16xi32>,
    %get3A_306 = arith.constant 4 : i32
    %get3A_307 = arith.index_cast %get3A_306 : i32 to index
    %get3A_308 = arith.constant 32 : index
    %get3A_309 = tpu.vector_load %arg5[%get3A_307, %get3A_308] {strides = array<i32>} : memref<26x128xf32, #tpu.memory_space<vmem>>, vector<16xf32>,
    %bitcast3A_310 = vector.bitcast %get3A_309 : vector<16xf32> to vector<16xi32>
    %swap3A_311 = arith.constant 4 : i32
    %swap3A_312 = arith.index_cast %swap3A_311 : i32 to index
    %swap3A_313 = arith.constant 32 : index
    %swap3A_314 = tpu.vector_load %arg6[%swap3A_312, %swap3A_313] {strides = array<i32>} : memref<26x128xi32, #tpu.memory_space<vmem>>, vector<16xi32>,
    tpu.vector_store %arg6[%swap3A_312, %swap3A_313], %bitcast3A_310 {strides = array<i32>} : memref<26x128xi32, #tpu.memory_space<vmem>>, vector<16xi32>,
    %get3A_315 = arith.constant 4 : i32
    %get3A_316 = arith.index_cast %get3A_315 : i32 to index
    %get3A_317 = arith.constant 48 : index
    %get3A_318 = tpu.vector_load %arg5[%get3A_316, %get3A_317] {strides = array<i32>} : memref<26x128xf32, #tpu.memory_space<vmem>>, vector<16xf32>,
    %bitcast3A_319 = vector.bitcast %get3A_318 : vector<16xf32> to vector<16xi32>
    %swap3A_320 = arith.constant 4 : i32
    %swap3A_321 = arith.index_cast %swap3A_320 : i32 to index
    %swap3A_322 = arith.constant 48 : index
    %swap3A_323 = tpu.vector_load %arg6[%swap3A_321, %swap3A_322] {strides = array<i32>} : memref<26x128xi32, #tpu.memory_space<vmem>>, vector<16xi32>,
    tpu.vector_store %arg6[%swap3A_321, %swap3A_322], %bitcast3A_319 {strides = array<i32>} : memref<26x128xi32, #tpu.memory_space<vmem>>, vector<16xi32>,
    %get3A_324 = arith.constant 4 : i32
    %get3A_325 = arith.index_cast %get3A_324 : i32 to index
    %get3A_326 = arith.constant 64 : index
    %get3A_327 = tpu.vector_load %arg5[%get3A_325, %get3A_326] {strides = array<i32>} : memref<26x128xf32, #tpu.memory_space<vmem>>, vector<16xf32>,
    %bitcast3A_328 = vector.bitcast %get3A_327 : vector<16xf32> to vector<16xi32>
    %swap3A_329 = arith.constant 4 : i32
    %swap3A_330 = arith.index_cast %swap3A_329 : i32 to index
    %swap3A_331 = arith.constant 64 : index
    %swap3A_332 = tpu.vector_load %arg6[%swap3A_330, %swap3A_331] {strides = array<i32>} : memref<26x128xi32, #tpu.memory_space<vmem>>, vector<16xi32>,
    tpu.vector_store %arg6[%swap3A_330, %swap3A_331], %bitcast3A_328 {strides = array<i32>} : memref<26x128xi32, #tpu.memory_space<vmem>>, vector<16xi32>,
    %get3A_333 = arith.constant 4 : i32
    %get3A_334 = arith.index_cast %get3A_333 : i32 to index
    %get3A_335 = arith.constant 80 : index
    %get3A_336 = tpu.vector_load %arg5[%get3A_334, %get3A_335] {strides = array<i32>} : memref<26x128xf32, #tpu.memory_space<vmem>>, vector<16xf32>,
    %bitcast3A_337 = vector.bitcast %get3A_336 : vector<16xf32> to vector<16xi32>
    %swap3A_338 = arith.constant 4 : i32
    %swap3A_339 = arith.index_cast %swap3A_338 : i32 to index
    %swap3A_340 = arith.constant 80 : index
    %swap3A_341 = tpu.vector_load %arg6[%swap3A_339, %swap3A_340] {strides = array<i32>} : memref<26x128xi32, #tpu.memory_space<vmem>>, vector<16xi32>,
    tpu.vector_store %arg6[%swap3A_339, %swap3A_340], %bitcast3A_337 {strides = array<i32>} : memref<26x128xi32, #tpu.memory_space<vmem>>, vector<16xi32>,
    %get3A_342 = arith.constant 4 : i32
    %get3A_343 = arith.index_cast %get3A_342 : i32 to index
    %get3A_344 = arith.constant 96 : index
    %get3A_345 = tpu.vector_load %arg5[%get3A_343, %get3A_344] {strides = array<i32>} : memref<26x128xf32, #tpu.memory_space<vmem>>, vector<16xf32>,
    %bitcast3A_346 = vector.bitcast %get3A_345 : vector<16xf32> to vector<16xi32>
    %swap3A_347 = arith.constant 4 : i32
    %swap3A_348 = arith.index_cast %swap3A_347 : i32 to index
    %swap3A_349 = arith.constant 96 : index
    %swap3A_350 = tpu.vector_load %arg6[%swap3A_348, %swap3A_349] {strides = array<i32>} : memref<26x128xi32, #tpu.memory_space<vmem>>, vector<16xi32>,
    tpu.vector_store %arg6[%swap3A_348, %swap3A_349], %bitcast3A_346 {strides = array<i32>} : memref<26x128xi32, #tpu.memory_space<vmem>>, vector<16xi32>,
    %get3A_351 = arith.constant 4 : i32
    %get3A_352 = arith.index_cast %get3A_351 : i32 to index
    %get3A_353 = arith.constant 112 : index
    %get3A_354 = tpu.vector_load %arg5[%get3A_352, %get3A_353] {strides = array<i32>} : memref<26x128xf32, #tpu.memory_space<vmem>>, vector<16xf32>,
    %bitcast3A_355 = vector.bitcast %get3A_354 : vector<16xf32> to vector<16xi32>
    %swap3A_356 = arith.constant 4 : i32
    %swap3A_357 = arith.index_cast %swap3A_356 : i32 to index
    %swap3A_358 = arith.constant 112 : index
    %swap3A_359 = tpu.vector_load %arg6[%swap3A_357, %swap3A_358] {strides = array<i32>} : memref<26x128xi32, #tpu.memory_space<vmem>>, vector<16xi32>,
    tpu.vector_store %arg6[%swap3A_357, %swap3A_358], %bitcast3A_355 {strides = array<i32>} : memref<26x128xi32, #tpu.memory_space<vmem>>, vector<16xi32>,
    %get3A_360 = arith.constant 5 : i32
    %get3A_361 = arith.index_cast %get3A_360 : i32 to index
    %get3A_362 = arith.constant 0 : index
    %get3A_363 = tpu.vector_load %arg5[%get3A_361, %get3A_362] {strides = array<i32>} : memref<26x128xf32, #tpu.memory_space<vmem>>, vector<16xf32>,
    %bitcast3A_364 = vector.bitcast %get3A_363 : vector<16xf32> to vector<16xi32>
    %swap3A_365 = arith.constant 5 : i32
    %swap3A_366 = arith.index_cast %swap3A_365 : i32 to index
    %swap3A_367 = arith.constant 0 : index
    %swap3A_368 = tpu.vector_load %arg6[%swap3A_366, %swap3A_367] {strides = array<i32>} : memref<26x128xi32, #tpu.memory_space<vmem>>, vector<16xi32>,
    tpu.vector_store %arg6[%swap3A_366, %swap3A_367], %bitcast3A_364 {strides = array<i32>} : memref<26x128xi32, #tpu.memory_space<vmem>>, vector<16xi32>,
    %get3A_369 = arith.constant 5 : i32
    %get3A_370 = arith.index_cast %get3A_369 : i32 to index
    %get3A_371 = arith.constant 16 : index
    %get3A_372 = tpu.vector_load %arg5[%get3A_370, %get3A_371] {strides = array<i32>} : memref<26x128xf32, #tpu.memory_space<vmem>>, vector<16xf32>,
    %bitcast3A_373 = vector.bitcast %get3A_372 : vector<16xf32> to vector<16xi32>
    %swap3A_374 = arith.constant 5 : i32
    %swap3A_375 = arith.index_cast %swap3A_374 : i32 to index
    %swap3A_376 = arith.constant 16 : index
    %swap3A_377 = tpu.vector_load %arg6[%swap3A_375, %swap3A_376] {strides = array<i32>} : memref<26x128xi32, #tpu.memory_space<vmem>>, vector<16xi32>,
    tpu.vector_store %arg6[%swap3A_375, %swap3A_376], %bitcast3A_373 {strides = array<i32>} : memref<26x128xi32, #tpu.memory_space<vmem>>, vector<16xi32>,
    %get3A_378 = arith.constant 5 : i32
    %get3A_379 = arith.index_cast %get3A_378 : i32 to index
    %get3A_380 = arith.constant 32 : index
    %get3A_381 = tpu.vector_load %arg5[%get3A_379, %get3A_380] {strides = array<i32>} : memref<26x128xf32, #tpu.memory_space<vmem>>, vector<16xf32>,
    %bitcast3A_382 = vector.bitcast %get3A_381 : vector<16xf32> to vector<16xi32>
    %swap3A_383 = arith.constant 5 : i32
    %swap3A_384 = arith.index_cast %swap3A_383 : i32 to index
    %swap3A_385 = arith.constant 32 : index
    %swap3A_386 = tpu.vector_load %arg6[%swap3A_384, %swap3A_385] {strides = array<i32>} : memref<26x128xi32, #tpu.memory_space<vmem>>, vector<16xi32>,
    tpu.vector_store %arg6[%swap3A_384, %swap3A_385], %bitcast3A_382 {strides = array<i32>} : memref<26x128xi32, #tpu.memory_space<vmem>>, vector<16xi32>,
    %get3A_387 = arith.constant 5 : i32
    %get3A_388 = arith.index_cast %get3A_387 : i32 to index
    %get3A_389 = arith.constant 48 : index
    %get3A_390 = tpu.vector_load %arg5[%get3A_388, %get3A_389] {strides = array<i32>} : memref<26x128xf32, #tpu.memory_space<vmem>>, vector<16xf32>,
    %bitcast3A_391 = vector.bitcast %get3A_390 : vector<16xf32> to vector<16xi32>
    %swap3A_392 = arith.constant 5 : i32
    %swap3A_393 = arith.index_cast %swap3A_392 : i32 to index
    %swap3A_394 = arith.constant 48 : index
    %swap3A_395 = tpu.vector_load %arg6[%swap3A_393, %swap3A_394] {strides = array<i32>} : memref<26x128xi32, #tpu.memory_space<vmem>>, vector<16xi32>,
    tpu.vector_store %arg6[%swap3A_393, %swap3A_394], %bitcast3A_391 {strides = array<i32>} : memref<26x128xi32, #tpu.memory_space<vmem>>, vector<16xi32>,
    %get3A_396 = arith.constant 5 : i32
    %get3A_397 = arith.index_cast %get3A_396 : i32 to index
    %get3A_398 = arith.constant 64 : index
    %get3A_399 = tpu.vector_load %arg5[%get3A_397, %get3A_398] {strides = array<i32>} : memref<26x128xf32, #tpu.memory_space<vmem>>, vector<16xf32>,
    %bitcast3A_400 = vector.bitcast %get3A_399 : vector<16xf32> to vector<16xi32>
    %swap3A_401 = arith.constant 5 : i32
    %swap3A_402 = arith.index_cast %swap3A_401 : i32 to index
    %swap3A_403 = arith.constant 64 : index
    %swap3A_404 = tpu.vector_load %arg6[%swap3A_402, %swap3A_403] {strides = array<i32>} : memref<26x128xi32, #tpu.memory_space<vmem>>, vector<16xi32>,
    tpu.vector_store %arg6[%swap3A_402, %swap3A_403], %bitcast3A_400 {strides = array<i32>} : memref<26x128xi32, #tpu.memory_space<vmem>>, vector<16xi32>,
    %get3A_405 = arith.constant 5 : i32
    %get3A_406 = arith.index_cast %get3A_405 : i32 to index
    %get3A_407 = arith.constant 80 : index
    %get3A_408 = tpu.vector_load %arg5[%get3A_406, %get3A_407] {strides = array<i32>} : memref<26x128xf32, #tpu.memory_space<vmem>>, vector<16xf32>,
    %bitcast3A_409 = vector.bitcast %get3A_408 : vector<16xf32> to vector<16xi32>
    %swap3A_410 = arith.constant 5 : i32
    %swap3A_411 = arith.index_cast %swap3A_410 : i32 to index
    %swap3A_412 = arith.constant 80 : index
    %swap3A_413 = tpu.vector_load %arg6[%swap3A_411, %swap3A_412] {strides = array<i32>} : memref<26x128xi32, #tpu.memory_space<vmem>>, vector<16xi32>,
    tpu.vector_store %arg6[%swap3A_411, %swap3A_412], %bitcast3A_409 {strides = array<i32>} : memref<26x128xi32, #tpu.memory_space<vmem>>, vector<16xi32>,
    %get3A_414 = arith.constant 5 : i32
    %get3A_415 = arith.index_cast %get3A_414 : i32 to index
    %get3A_416 = arith.constant 96 : index
    %get3A_417 = tpu.vector_load %arg5[%get3A_415, %get3A_416] {strides = array<i32>} : memref<26x128xf32, #tpu.memory_space<vmem>>, vector<16xf32>,
    %bitcast3A_418 = vector.bitcast %get3A_417 : vector<16xf32> to vector<16xi32>
    %swap3A_419 = arith.constant 5 : i32
    %swap3A_420 = arith.index_cast %swap3A_419 : i32 to index
    %swap3A_421 = arith.constant 96 : index
    %swap3A_422 = tpu.vector_load %arg6[%swap3A_420, %swap3A_421] {strides = array<i32>} : memref<26x128xi32, #tpu.memory_space<vmem>>, vector<16xi32>,
    tpu.vector_store %arg6[%swap3A_420, %swap3A_421], %bitcast3A_418 {strides = array<i32>} : memref<26x128xi32, #tpu.memory_space<vmem>>, vector<16xi32>,
    %get3A_423 = arith.constant 5 : i32
    %get3A_424 = arith.index_cast %get3A_423 : i32 to index
    %get3A_425 = arith.constant 112 : index
    %get3A_426 = tpu.vector_load %arg5[%get3A_424, %get3A_425] {strides = array<i32>} : memref<26x128xf32, #tpu.memory_space<vmem>>, vector<16xf32>,
    %bitcast3A_427 = vector.bitcast %get3A_426 : vector<16xf32> to vector<16xi32>
    %swap3A_428 = arith.constant 5 : i32
    %swap3A_429 = arith.index_cast %swap3A_428 : i32 to index
    %swap3A_430 = arith.constant 112 : index
    %swap3A_431 = tpu.vector_load %arg6[%swap3A_429, %swap3A_430] {strides = array<i32>} : memref<26x128xi32, #tpu.memory_space<vmem>>, vector<16xi32>,
    tpu.vector_store %arg6[%swap3A_429, %swap3A_430], %bitcast3A_427 {strides = array<i32>} : memref<26x128xi32, #tpu.memory_space<vmem>>, vector<16xi32>,
    %get3A_432 = arith.constant 6 : i32
    %get3A_433 = arith.index_cast %get3A_432 : i32 to index
    %get3A_434 = arith.constant 0 : index
    %get3A_435 = tpu.vector_load %arg5[%get3A_433, %get3A_434] {strides = array<i32>} : memref<26x128xf32, #tpu.memory_space<vmem>>, vector<16xf32>,
    %bitcast3A_436 = vector.bitcast %get3A_435 : vector<16xf32> to vector<16xi32>
    %swap3A_437 = arith.constant 6 : i32
    %swap3A_438 = arith.index_cast %swap3A_437 : i32 to index
    %swap3A_439 = arith.constant 0 : index
    %swap3A_440 = tpu.vector_load %arg6[%swap3A_438, %swap3A_439] {strides = array<i32>} : memref<26x128xi32, #tpu.memory_space<vmem>>, vector<16xi32>,
    tpu.vector_store %arg6[%swap3A_438, %swap3A_439], %bitcast3A_436 {strides = array<i32>} : memref<26x128xi32, #tpu.memory_space<vmem>>, vector<16xi32>,
    %get3A_441 = arith.constant 6 : i32
    %get3A_442 = arith.index_cast %get3A_441 : i32 to index
    %get3A_443 = arith.constant 16 : index
    %get3A_444 = tpu.vector_load %arg5[%get3A_442, %get3A_443] {strides = array<i32>} : memref<26x128xf32, #tpu.memory_space<vmem>>, vector<16xf32>,
    %bitcast3A_445 = vector.bitcast %get3A_444 : vector<16xf32> to vector<16xi32>
    %swap3A_446 = arith.constant 6 : i32
    %swap3A_447 = arith.index_cast %swap3A_446 : i32 to index
    %swap3A_448 = arith.constant 16 : index
    %swap3A_449 = tpu.vector_load %arg6[%swap3A_447, %swap3A_448] {strides = array<i32>} : memref<26x128xi32, #tpu.memory_space<vmem>>, vector<16xi32>,
    tpu.vector_store %arg6[%swap3A_447, %swap3A_448], %bitcast3A_445 {strides = array<i32>} : memref<26x128xi32, #tpu.memory_space<vmem>>, vector<16xi32>,
    %get3A_450 = arith.constant 6 : i32
    %get3A_451 = arith.index_cast %get3A_450 : i32 to index
    %get3A_452 = arith.constant 32 : index
    %get3A_453 = tpu.vector_load %arg5[%get3A_451, %get3A_452] {strides = array<i32>} : memref<26x128xf32, #tpu.memory_space<vmem>>, vector<16xf32>,
    %bitcast3A_454 = vector.bitcast %get3A_453 : vector<16xf32> to vector<16xi32>
    %swap3A_455 = arith.constant 6 : i32
    %swap3A_456 = arith.index_cast %swap3A_455 : i32 to index
    %swap3A_457 = arith.constant 32 : index
    %swap3A_458 = tpu.vector_load %arg6[%swap3A_456, %swap3A_457] {strides = array<i32>} : memref<26x128xi32, #tpu.memory_space<vmem>>, vector<16xi32>,
    tpu.vector_store %arg6[%swap3A_456, %swap3A_457], %bitcast3A_454 {strides = array<i32>} : memref<26x128xi32, #tpu.memory_space<vmem>>, vector<16xi32>,
    %get3A_459 = arith.constant 6 : i32
    %get3A_460 = arith.index_cast %get3A_459 : i32 to index
    %get3A_461 = arith.constant 48 : index
    %get3A_462 = tpu.vector_load %arg5[%get3A_460, %get3A_461] {strides = array<i32>} : memref<26x128xf32, #tpu.memory_space<vmem>>, vector<16xf32>,
    %bitcast3A_463 = vector.bitcast %get3A_462 : vector<16xf32> to vector<16xi32>
    %swap3A_464 = arith.constant 6 : i32
    %swap3A_465 = arith.index_cast %swap3A_464 : i32 to index
    %swap3A_466 = arith.constant 48 : index
    %swap3A_467 = tpu.vector_load %arg6[%swap3A_465, %swap3A_466] {strides = array<i32>} : memref<26x128xi32, #tpu.memory_space<vmem>>, vector<16xi32>,
    tpu.vector_store %arg6[%swap3A_465, %swap3A_466], %bitcast3A_463 {strides = array<i32>} : memref<26x128xi32, #tpu.memory_space<vmem>>, vector<16xi32>,
    %get3A_468 = arith.constant 6 : i32
    %get3A_469 = arith.index_cast %get3A_468 : i32 to index
    %get3A_470 = arith.constant 64 : index
    %get3A_471 = tpu.vector_load %arg5[%get3A_469, %get3A_470] {strides = array<i32>} : memref<26x128xf32, #tpu.memory_space<vmem>>, vector<16xf32>,
    %bitcast3A_472 = vector.bitcast %get3A_471 : vector<16xf32> to vector<16xi32>
    %swap3A_473 = arith.constant 6 : i32
    %swap3A_474 = arith.index_cast %swap3A_473 : i32 to index
    %swap3A_475 = arith.constant 64 : index
    %swap3A_476 = tpu.vector_load %arg6[%swap3A_474, %swap3A_475] {strides = array<i32>} : memref<26x128xi32, #tpu.memory_space<vmem>>, vector<16xi32>,
    tpu.vector_store %arg6[%swap3A_474, %swap3A_475], %bitcast3A_472 {strides = array<i32>} : memref<26x128xi32, #tpu.memory_space<vmem>>, vector<16xi32>,
    %get3A_477 = arith.constant 6 : i32
    %get3A_478 = arith.index_cast %get3A_477 : i32 to index
    %get3A_479 = arith.constant 80 : index
    %get3A_480 = tpu.vector_load %arg5[%get3A_478, %get3A_479] {strides = array<i32>} : memref<26x128xf32, #tpu.memory_space<vmem>>, vector<16xf32>,
    %bitcast3A_481 = vector.bitcast %get3A_480 : vector<16xf32> to vector<16xi32>
    %swap3A_482 = arith.constant 6 : i32
    %swap3A_483 = arith.index_cast %swap3A_482 : i32 to index
    %swap3A_484 = arith.constant 80 : index
    %swap3A_485 = tpu.vector_load %arg6[%swap3A_483, %swap3A_484] {strides = array<i32>} : memref<26x128xi32, #tpu.memory_space<vmem>>, vector<16xi32>,
    tpu.vector_store %arg6[%swap3A_483, %swap3A_484], %bitcast3A_481 {strides = array<i32>} : memref<26x128xi32, #tpu.memory_space<vmem>>, vector<16xi32>,
    %get3A_486 = arith.constant 6 : i32
    %get3A_487 = arith.index_cast %get3A_486 : i32 to index
    %get3A_488 = arith.constant 96 : index
    %get3A_489 = tpu.vector_load %arg5[%get3A_487, %get3A_488] {strides = array<i32>} : memref<26x128xf32, #tpu.memory_space<vmem>>, vector<16xf32>,
    %bitcast3A_490 = vector.bitcast %get3A_489 : vector<16xf32> to vector<16xi32>
    %swap3A_491 = arith.constant 6 : i32
    %swap3A_492 = arith.index_cast %swap3A_491 : i32 to index
    %swap3A_493 = arith.constant 96 : index
    %swap3A_494 = tpu.vector_load %arg6[%swap3A_492, %swap3A_493] {strides = array<i32>} : memref<26x128xi32, #tpu.memory_space<vmem>>, vector<16xi32>,
    tpu.vector_store %arg6[%swap3A_492, %swap3A_493], %bitcast3A_490 {strides = array<i32>} : memref<26x128xi32, #tpu.memory_space<vmem>>, vector<16xi32>,
    %get3A_495 = arith.constant 6 : i32
    %get3A_496 = arith.index_cast %get3A_495 : i32 to index
    %get3A_497 = arith.constant 112 : index
    %get3A_498 = tpu.vector_load %arg5[%get3A_496, %get3A_497] {strides = array<i32>} : memref<26x128xf32, #tpu.memory_space<vmem>>, vector<16xf32>,
    %bitcast3A_499 = vector.bitcast %get3A_498 : vector<16xf32> to vector<16xi32>
    %swap3A_500 = arith.constant 6 : i32
    %swap3A_501 = arith.index_cast %swap3A_500 : i32 to index
    %swap3A_502 = arith.constant 112 : index
    %swap3A_503 = tpu.vector_load %arg6[%swap3A_501, %swap3A_502] {strides = array<i32>} : memref<26x128xi32, #tpu.memory_space<vmem>>, vector<16xi32>,
    tpu.vector_store %arg6[%swap3A_501, %swap3A_502], %bitcast3A_499 {strides = array<i32>} : memref<26x128xi32, #tpu.memory_space<vmem>>, vector<16xi32>,
    %get3A_504 = arith.constant 7 : i32
    %get3A_505 = arith.index_cast %get3A_504 : i32 to index
    %get3A_506 = arith.constant 0 : index
    %get3A_507 = tpu.vector_load %arg5[%get3A_505, %get3A_506] {strides = array<i32>} : memref<26x128xf32, #tpu.memory_space<vmem>>, vector<16xf32>,
    %bitcast3A_508 = vector.bitcast %get3A_507 : vector<16xf32> to vector<16xi32>
    %swap3A_509 = arith.constant 7 : i32
    %swap3A_510 = arith.index_cast %swap3A_509 : i32 to index
    %swap3A_511 = arith.constant 0 : index
    %swap3A_512 = tpu.vector_load %arg6[%swap3A_510, %swap3A_511] {strides = array<i32>} : memref<26x128xi32, #tpu.memory_space<vmem>>, vector<16xi32>,
    tpu.vector_store %arg6[%swap3A_510, %swap3A_511], %bitcast3A_508 {strides = array<i32>} : memref<26x128xi32, #tpu.memory_space<vmem>>, vector<16xi32>,
    %get3A_513 = arith.constant 7 : i32
    %get3A_514 = arith.index_cast %get3A_513 : i32 to index
    %get3A_515 = arith.constant 16 : index
    %get3A_516 = tpu.vector_load %arg5[%get3A_514, %get3A_515] {strides = array<i32>} : memref<26x128xf32, #tpu.memory_space<vmem>>, vector<16xf32>,
    %bitcast3A_517 = vector.bitcast %get3A_516 : vector<16xf32> to vector<16xi32>
    %swap3A_518 = arith.constant 7 : i32
    %swap3A_519 = arith.index_cast %swap3A_518 : i32 to index
    %swap3A_520 = arith.constant 16 : index
    %swap3A_521 = tpu.vector_load %arg6[%swap3A_519, %swap3A_520] {strides = array<i32>} : memref<26x128xi32, #tpu.memory_space<vmem>>, vector<16xi32>,
    tpu.vector_store %arg6[%swap3A_519, %swap3A_520], %bitcast3A_517 {strides = array<i32>} : memref<26x128xi32, #tpu.memory_space<vmem>>, vector<16xi32>,
    %get3A_522 = arith.constant 7 : i32
    %get3A_523 = arith.index_cast %get3A_522 : i32 to index
    %get3A_524 = arith.constant 32 : index
    %get3A_525 = tpu.vector_load %arg5[%get3A_523, %get3A_524] {strides = array<i32>} : memref<26x128xf32, #tpu.memory_space<vmem>>, vector<16xf32>,
    %bitcast3A_526 = vector.bitcast %get3A_525 : vector<16xf32> to vector<16xi32>
    %swap3A_527 = arith.constant 7 : i32
    %swap3A_528 = arith.index_cast %swap3A_527 : i32 to index
    %swap3A_529 = arith.constant 32 : index
    %swap3A_530 = tpu.vector_load %arg6[%swap3A_528, %swap3A_529] {strides = array<i32>} : memref<26x128xi32, #tpu.memory_space<vmem>>, vector<16xi32>,
    tpu.vector_store %arg6[%swap3A_528, %swap3A_529], %bitcast3A_526 {strides = array<i32>} : memref<26x128xi32, #tpu.memory_space<vmem>>, vector<16xi32>,
    %get3A_531 = arith.constant 7 : i32
    %get3A_532 = arith.index_cast %get3A_531 : i32 to index
    %get3A_533 = arith.constant 48 : index
    %get3A_534 = tpu.vector_load %arg5[%get3A_532, %get3A_533] {strides = array<i32>} : memref<26x128xf32, #tpu.memory_space<vmem>>, vector<16xf32>,
    %bitcast3A_535 = vector.bitcast %get3A_534 : vector<16xf32> to vector<16xi32>
    %swap3A_536 = arith.constant 7 : i32
    %swap3A_537 = arith.index_cast %swap3A_536 : i32 to index
    %swap3A_538 = arith.constant 48 : index
    %swap3A_539 = tpu.vector_load %arg6[%swap3A_537, %swap3A_538] {strides = array<i32>} : memref<26x128xi32, #tpu.memory_space<vmem>>, vector<16xi32>,
    tpu.vector_store %arg6[%swap3A_537, %swap3A_538], %bitcast3A_535 {strides = array<i32>} : memref<26x128xi32, #tpu.memory_space<vmem>>, vector<16xi32>,
    %get3A_540 = arith.constant 7 : i32
    %get3A_541 = arith.index_cast %get3A_540 : i32 to index
    %get3A_542 = arith.constant 64 : index
    %get3A_543 = tpu.vector_load %arg5[%get3A_541, %get3A_542] {strides = array<i32>} : memref<26x128xf32, #tpu.memory_space<vmem>>, vector<16xf32>,
    %bitcast3A_544 = vector.bitcast %get3A_543 : vector<16xf32> to vector<16xi32>
    %swap3A_545 = arith.constant 7 : i32
    %swap3A_546 = arith.index_cast %swap3A_545 : i32 to index
    %swap3A_547 = arith.constant 64 : index
    %swap3A_548 = tpu.vector_load %arg6[%swap3A_546, %swap3A_547] {strides = array<i32>} : memref<26x128xi32, #tpu.memory_space<vmem>>, vector<16xi32>,
    tpu.vector_store %arg6[%swap3A_546, %swap3A_547], %bitcast3A_544 {strides = array<i32>} : memref<26x128xi32, #tpu.memory_space<vmem>>, vector<16xi32>,
    %get3A_549 = arith.constant 7 : i32
    %get3A_550 = arith.index_cast %get3A_549 : i32 to index
    %get3A_551 = arith.constant 80 : index
    %get3A_552 = tpu.vector_load %arg5[%get3A_550, %get3A_551] {strides = array<i32>} : memref<26x128xf32, #tpu.memory_space<vmem>>, vector<16xf32>,
    %bitcast3A_553 = vector.bitcast %get3A_552 : vector<16xf32> to vector<16xi32>
    %swap3A_554 = arith.constant 7 : i32
    %swap3A_555 = arith.index_cast %swap3A_554 : i32 to index
    %swap3A_556 = arith.constant 80 : index
    %swap3A_557 = tpu.vector_load %arg6[%swap3A_555, %swap3A_556] {strides = array<i32>} : memref<26x128xi32, #tpu.memory_space<vmem>>, vector<16xi32>,
    tpu.vector_store %arg6[%swap3A_555, %swap3A_556], %bitcast3A_553 {strides = array<i32>} : memref<26x128xi32, #tpu.memory_space<vmem>>, vector<16xi32>,
    %get3A_558 = arith.constant 7 : i32
    %get3A_559 = arith.index_cast %get3A_558 : i32 to index
    %get3A_560 = arith.constant 96 : index
    %get3A_561 = tpu.vector_load %arg5[%get3A_559, %get3A_560] {strides = array<i32>} : memref<26x128xf32, #tpu.memory_space<vmem>>, vector<16xf32>,
    %bitcast3A_562 = vector.bitcast %get3A_561 : vector<16xf32> to vector<16xi32>
    %swap3A_563 = arith.constant 7 : i32
    %swap3A_564 = arith.index_cast %swap3A_563 : i32 to index
    %swap3A_565 = arith.constant 96 : index
    %swap3A_566 = tpu.vector_load %arg6[%swap3A_564, %swap3A_565] {strides = array<i32>} : memref<26x128xi32, #tpu.memory_space<vmem>>, vector<16xi32>,
    tpu.vector_store %arg6[%swap3A_564, %swap3A_565], %bitcast3A_562 {strides = array<i32>} : memref<26x128xi32, #tpu.memory_space<vmem>>, vector<16xi32>,
    %get3A_567 = arith.constant 7 : i32
    %get3A_568 = arith.index_cast %get3A_567 : i32 to index
    %get3A_569 = arith.constant 112 : index
    %get3A_570 = tpu.vector_load %arg5[%get3A_568, %get3A_569] {strides = array<i32>} : memref<26x128xf32, #tpu.memory_space<vmem>>, vector<16xf32>,
    %bitcast3A_571 = vector.bitcast %get3A_570 : vector<16xf32> to vector<16xi32>
    %swap3A_572 = arith.constant 7 : i32
    %swap3A_573 = arith.index_cast %swap3A_572 : i32 to index
    %swap3A_574 = arith.constant 112 : index
    %swap3A_575 = tpu.vector_load %arg6[%swap3A_573, %swap3A_574] {strides = array<i32>} : memref<26x128xi32, #tpu.memory_space<vmem>>, vector<16xi32>,
    tpu.vector_store %arg6[%swap3A_573, %swap3A_574], %bitcast3A_571 {strides = array<i32>} : memref<26x128xi32, #tpu.memory_space<vmem>>, vector<16xi32>,
    %get3A_576 = arith.constant 8 : i32
    %get3A_577 = arith.index_cast %get3A_576 : i32 to index
    %get3A_578 = arith.constant 0 : index
    %get3A_579 = tpu.vector_load %arg5[%get3A_577, %get3A_578] {strides = array<i32>} : memref<26x128xf32, #tpu.memory_space<vmem>>, vector<16xf32>,
    %bitcast3A_580 = vector.bitcast %get3A_579 : vector<16xf32> to vector<16xi32>
    %swap3A_581 = arith.constant 8 : i32
    %swap3A_582 = arith.index_cast %swap3A_581 : i32 to index
    %swap3A_583 = arith.constant 0 : index
    %swap3A_584 = tpu.vector_load %arg6[%swap3A_582, %swap3A_583] {strides = array<i32>} : memref<26x128xi32, #tpu.memory_space<vmem>>, vector<16xi32>,
    tpu.vector_store %arg6[%swap3A_582, %swap3A_583], %bitcast3A_580 {strides = array<i32>} : memref<26x128xi32, #tpu.memory_space<vmem>>, vector<16xi32>,
    %get3A_585 = arith.constant 8 : i32
    %get3A_586 = arith.index_cast %get3A_585 : i32 to index
    %get3A_587 = arith.constant 16 : index
    %get3A_588 = tpu.vector_load %arg5[%get3A_586, %get3A_587] {strides = array<i32>} : memref<26x128xf32, #tpu.memory_space<vmem>>, vector<16xf32>,
    %bitcast3A_589 = vector.bitcast %get3A_588 : vector<16xf32> to vector<16xi32>
    %swap3A_590 = arith.constant 8 : i32
    %swap3A_591 = arith.index_cast %swap3A_590 : i32 to index
    %swap3A_592 = arith.constant 16 : index
    %swap3A_593 = tpu.vector_load %arg6[%swap3A_591, %swap3A_592] {strides = array<i32>} : memref<26x128xi32, #tpu.memory_space<vmem>>, vector<16xi32>,
    tpu.vector_store %arg6[%swap3A_591, %swap3A_592], %bitcast3A_589 {strides = array<i32>} : memref<26x128xi32, #tpu.memory_space<vmem>>, vector<16xi32>,
    %get3A_594 = arith.constant 8 : i32
    %get3A_595 = arith.index_cast %get3A_594 : i32 to index
    %get3A_596 = arith.constant 32 : index
    %get3A_597 = tpu.vector_load %arg5[%get3A_595, %get3A_596] {strides = array<i32>} : memref<26x128xf32, #tpu.memory_space<vmem>>, vector<16xf32>,
    %bitcast3A_598 = vector.bitcast %get3A_597 : vector<16xf32> to vector<16xi32>
    %swap3A_599 = arith.constant 8 : i32
    %swap3A_600 = arith.index_cast %swap3A_599 : i32 to index
    %swap3A_601 = arith.constant 32 : index
    %swap3A_602 = tpu.vector_load %arg6[%swap3A_600, %swap3A_601] {strides = array<i32>} : memref<26x128xi32, #tpu.memory_space<vmem>>, vector<16xi32>,
    tpu.vector_store %arg6[%swap3A_600, %swap3A_601], %bitcast3A_598 {strides = array<i32>} : memref<26x128xi32, #tpu.memory_space<vmem>>, vector<16xi32>,
    %get3A_603 = arith.constant 8 : i32
    %get3A_604 = arith.index_cast %get3A_603 : i32 to index
    %get3A_605 = arith.constant 48 : index
    %get3A_606 = tpu.vector_load %arg5[%get3A_604, %get3A_605] {strides = array<i32>} : memref<26x128xf32, #tpu.memory_space<vmem>>, vector<16xf32>,
    %bitcast3A_607 = vector.bitcast %get3A_606 : vector<16xf32> to vector<16xi32>
    %swap3A_608 = arith.constant 8 : i32
    %swap3A_609 = arith.index_cast %swap3A_608 : i32 to index
    %swap3A_610 = arith.constant 48 : index
    %swap3A_611 = tpu.vector_load %arg6[%swap3A_609, %swap3A_610] {strides = array<i32>} : memref<26x128xi32, #tpu.memory_space<vmem>>, vector<16xi32>,
    tpu.vector_store %arg6[%swap3A_609, %swap3A_610], %bitcast3A_607 {strides = array<i32>} : memref<26x128xi32, #tpu.memory_space<vmem>>, vector<16xi32>,
    %get3A_612 = arith.constant 8 : i32
    %get3A_613 = arith.index_cast %get3A_612 : i32 to index
    %get3A_614 = arith.constant 64 : index
    %get3A_615 = tpu.vector_load %arg5[%get3A_613, %get3A_614] {strides = array<i32>} : memref<26x128xf32, #tpu.memory_space<vmem>>, vector<16xf32>,
    %bitcast3A_616 = vector.bitcast %get3A_615 : vector<16xf32> to vector<16xi32>
    %swap3A_617 = arith.constant 8 : i32
    %swap3A_618 = arith.index_cast %swap3A_617 : i32 to index
    %swap3A_619 = arith.constant 64 : index
    %swap3A_620 = tpu.vector_load %arg6[%swap3A_618, %swap3A_619] {strides = array<i32>} : memref<26x128xi32, #tpu.memory_space<vmem>>, vector<16xi32>,
    tpu.vector_store %arg6[%swap3A_618, %swap3A_619], %bitcast3A_616 {strides = array<i32>} : memref<26x128xi32, #tpu.memory_space<vmem>>, vector<16xi32>,
    %get3A_621 = arith.constant 8 : i32
    %get3A_622 = arith.index_cast %get3A_621 : i32 to index
    %get3A_623 = arith.constant 80 : index
    %get3A_624 = tpu.vector_load %arg5[%get3A_622, %get3A_623] {strides = array<i32>} : memref<26x128xf32, #tpu.memory_space<vmem>>, vector<16xf32>,
    %bitcast3A_625 = vector.bitcast %get3A_624 : vector<16xf32> to vector<16xi32>
    %swap3A_626 = arith.constant 8 : i32
    %swap3A_627 = arith.index_cast %swap3A_626 : i32 to index
    %swap3A_628 = arith.constant 80 : index
    %swap3A_629 = tpu.vector_load %arg6[%swap3A_627, %swap3A_628] {strides = array<i32>} : memref<26x128xi32, #tpu.memory_space<vmem>>, vector<16xi32>,
    tpu.vector_store %arg6[%swap3A_627, %swap3A_628], %bitcast3A_625 {strides = array<i32>} : memref<26x128xi32, #tpu.memory_space<vmem>>, vector<16xi32>,
    %get3A_630 = arith.constant 8 : i32
    %get3A_631 = arith.index_cast %get3A_630 : i32 to index
    %get3A_632 = arith.constant 96 : index
    %get3A_633 = tpu.vector_load %arg5[%get3A_631, %get3A_632] {strides = array<i32>} : memref<26x128xf32, #tpu.memory_space<vmem>>, vector<16xf32>,
    %bitcast3A_634 = vector.bitcast %get3A_633 : vector<16xf32> to vector<16xi32>
    %swap3A_635 = arith.constant 8 : i32
    %swap3A_636 = arith.index_cast %swap3A_635 : i32 to index
    %swap3A_637 = arith.constant 96 : index
    %swap3A_638 = tpu.vector_load %arg6[%swap3A_636, %swap3A_637] {strides = array<i32>} : memref<26x128xi32, #tpu.memory_space<vmem>>, vector<16xi32>,
    tpu.vector_store %arg6[%swap3A_636, %swap3A_637], %bitcast3A_634 {strides = array<i32>} : memref<26x128xi32, #tpu.memory_space<vmem>>, vector<16xi32>,
    %get3A_639 = arith.constant 8 : i32
    %get3A_640 = arith.index_cast %get3A_639 : i32 to index
    %get3A_641 = arith.constant 112 : index
    %get3A_642 = tpu.vector_load %arg5[%get3A_640, %get3A_641] {strides = array<i32>} : memref<26x128xf32, #tpu.memory_space<vmem>>, vector<16xf32>,
    %bitcast3A_643 = vector.bitcast %get3A_642 : vector<16xf32> to vector<16xi32>
    %swap3A_644 = arith.constant 8 : i32
    %swap3A_645 = arith.index_cast %swap3A_644 : i32 to index
    %swap3A_646 = arith.constant 112 : index
    %swap3A_647 = tpu.vector_load %arg6[%swap3A_645, %swap3A_646] {strides = array<i32>} : memref<26x128xi32, #tpu.memory_space<vmem>>, vector<16xi32>,
    tpu.vector_store %arg6[%swap3A_645, %swap3A_646], %bitcast3A_643 {strides = array<i32>} : memref<26x128xi32, #tpu.memory_space<vmem>>, vector<16xi32>,
    %get3A_648 = arith.constant 9 : i32
    %get3A_649 = arith.index_cast %get3A_648 : i32 to index
    %get3A_650 = arith.constant 0 : index
    %get3A_651 = tpu.vector_load %arg5[%get3A_649, %get3A_650] {strides = array<i32>} : memref<26x128xf32, #tpu.memory_space<vmem>>, vector<16xf32>,
    %bitcast3A_652 = vector.bitcast %get3A_651 : vector<16xf32> to vector<16xi32>
    %swap3A_653 = arith.constant 9 : i32
    %swap3A_654 = arith.index_cast %swap3A_653 : i32 to index
    %swap3A_655 = arith.constant 0 : index
    %swap3A_656 = tpu.vector_load %arg6[%swap3A_654, %swap3A_655] {strides = array<i32>} : memref<26x128xi32, #tpu.memory_space<vmem>>, vector<16xi32>,
    tpu.vector_store %arg6[%swap3A_654, %swap3A_655], %bitcast3A_652 {strides = array<i32>} : memref<26x128xi32, #tpu.memory_space<vmem>>, vector<16xi32>,
    %get3A_657 = arith.constant 9 : i32
    %get3A_658 = arith.index_cast %get3A_657 : i32 to index
    %get3A_659 = arith.constant 16 : index
    %get3A_660 = tpu.vector_load %arg5[%get3A_658, %get3A_659] {strides = array<i32>} : memref<26x128xf32, #tpu.memory_space<vmem>>, vector<16xf32>,
    %bitcast3A_661 = vector.bitcast %get3A_660 : vector<16xf32> to vector<16xi32>
    %swap3A_662 = arith.constant 9 : i32
    %swap3A_663 = arith.index_cast %swap3A_662 : i32 to index
    %swap3A_664 = arith.constant 16 : index
    %swap3A_665 = tpu.vector_load %arg6[%swap3A_663, %swap3A_664] {strides = array<i32>} : memref<26x128xi32, #tpu.memory_space<vmem>>, vector<16xi32>,
    tpu.vector_store %arg6[%swap3A_663, %swap3A_664], %bitcast3A_661 {strides = array<i32>} : memref<26x128xi32, #tpu.memory_space<vmem>>, vector<16xi32>,
    %get3A_666 = arith.constant 9 : i32
    %get3A_667 = arith.index_cast %get3A_666 : i32 to index
    %get3A_668 = arith.constant 32 : index
    %get3A_669 = tpu.vector_load %arg5[%get3A_667, %get3A_668] {strides = array<i32>} : memref<26x128xf32, #tpu.memory_space<vmem>>, vector<16xf32>,
    %bitcast3A_670 = vector.bitcast %get3A_669 : vector<16xf32> to vector<16xi32>
    %swap3A_671 = arith.constant 9 : i32
    %swap3A_672 = arith.index_cast %swap3A_671 : i32 to index
    %swap3A_673 = arith.constant 32 : index
    %swap3A_674 = tpu.vector_load %arg6[%swap3A_672, %swap3A_673] {strides = array<i32>} : memref<26x128xi32, #tpu.memory_space<vmem>>, vector<16xi32>,
    tpu.vector_store %arg6[%swap3A_672, %swap3A_673], %bitcast3A_670 {strides = array<i32>} : memref<26x128xi32, #tpu.memory_space<vmem>>, vector<16xi32>,
    %get3A_675 = arith.constant 9 : i32
    %get3A_676 = arith.index_cast %get3A_675 : i32 to index
    %get3A_677 = arith.constant 48 : index
    %get3A_678 = tpu.vector_load %arg5[%get3A_676, %get3A_677] {strides = array<i32>} : memref<26x128xf32, #tpu.memory_space<vmem>>, vector<16xf32>,
    %bitcast3A_679 = vector.bitcast %get3A_678 : vector<16xf32> to vector<16xi32>
    %swap3A_680 = arith.constant 9 : i32
    %swap3A_681 = arith.index_cast %swap3A_680 : i32 to index
    %swap3A_682 = arith.constant 48 : index
    %swap3A_683 = tpu.vector_load %arg6[%swap3A_681, %swap3A_682] {strides = array<i32>} : memref<26x128xi32, #tpu.memory_space<vmem>>, vector<16xi32>,
    tpu.vector_store %arg6[%swap3A_681, %swap3A_682], %bitcast3A_679 {strides = array<i32>} : memref<26x128xi32, #tpu.memory_space<vmem>>, vector<16xi32>,
    %get3A_684 = arith.constant 9 : i32
    %get3A_685 = arith.index_cast %get3A_684 : i32 to index
    %get3A_686 = arith.constant 64 : index
    %get3A_687 = tpu.vector_load %arg5[%get3A_685, %get3A_686] {strides = array<i32>} : memref<26x128xf32, #tpu.memory_space<vmem>>, vector<16xf32>,
    %bitcast3A_688 = vector.bitcast %get3A_687 : vector<16xf32> to vector<16xi32>
    %swap3A_689 = arith.constant 9 : i32
    %swap3A_690 = arith.index_cast %swap3A_689 : i32 to index
    %swap3A_691 = arith.constant 64 : index
    %swap3A_692 = tpu.vector_load %arg6[%swap3A_690, %swap3A_691] {strides = array<i32>} : memref<26x128xi32, #tpu.memory_space<vmem>>, vector<16xi32>,
    tpu.vector_store %arg6[%swap3A_690, %swap3A_691], %bitcast3A_688 {strides = array<i32>} : memref<26x128xi32, #tpu.memory_space<vmem>>, vector<16xi32>,
    %get3A_693 = arith.constant 9 : i32
    %get3A_694 = arith.index_cast %get3A_693 : i32 to index
    %get3A_695 = arith.constant 80 : index
    %get3A_696 = tpu.vector_load %arg5[%get3A_694, %get3A_695] {strides = array<i32>} : memref<26x128xf32, #tpu.memory_space<vmem>>, vector<16xf32>,
    %bitcast3A_697 = vector.bitcast %get3A_696 : vector<16xf32> to vector<16xi32>
    %swap3A_698 = arith.constant 9 : i32
    %swap3A_699 = arith.index_cast %swap3A_698 : i32 to index
    %swap3A_700 = arith.constant 80 : index
    %swap3A_701 = tpu.vector_load %arg6[%swap3A_699, %swap3A_700] {strides = array<i32>} : memref<26x128xi32, #tpu.memory_space<vmem>>, vector<16xi32>,
    tpu.vector_store %arg6[%swap3A_699, %swap3A_700], %bitcast3A_697 {strides = array<i32>} : memref<26x128xi32, #tpu.memory_space<vmem>>, vector<16xi32>,
    %get3A_702 = arith.constant 9 : i32
    %get3A_703 = arith.index_cast %get3A_702 : i32 to index
    %get3A_704 = arith.constant 96 : index
    %get3A_705 = tpu.vector_load %arg5[%get3A_703, %get3A_704] {strides = array<i32>} : memref<26x128xf32, #tpu.memory_space<vmem>>, vector<16xf32>,
    %bitcast3A_706 = vector.bitcast %get3A_705 : vector<16xf32> to vector<16xi32>
    %swap3A_707 = arith.constant 9 : i32
    %swap3A_708 = arith.index_cast %swap3A_707 : i32 to index
    %swap3A_709 = arith.constant 96 : index
    %swap3A_710 = tpu.vector_load %arg6[%swap3A_708, %swap3A_709] {strides = array<i32>} : memref<26x128xi32, #tpu.memory_space<vmem>>, vector<16xi32>,
    tpu.vector_store %arg6[%swap3A_708, %swap3A_709], %bitcast3A_706 {strides = array<i32>} : memref<26x128xi32, #tpu.memory_space<vmem>>, vector<16xi32>,
    %get3A_711 = arith.constant 9 : i32
    %get3A_712 = arith.index_cast %get3A_711 : i32 to index
    %get3A_713 = arith.constant 112 : index
    %get3A_714 = tpu.vector_load %arg5[%get3A_712, %get3A_713] {strides = array<i32>} : memref<26x128xf32, #tpu.memory_space<vmem>>, vector<16xf32>,
    %bitcast3A_715 = vector.bitcast %get3A_714 : vector<16xf32> to vector<16xi32>
    %swap3A_716 = arith.constant 9 : i32
    %swap3A_717 = arith.index_cast %swap3A_716 : i32 to index
    %swap3A_718 = arith.constant 112 : index
    %swap3A_719 = tpu.vector_load %arg6[%swap3A_717, %swap3A_718] {strides = array<i32>} : memref<26x128xi32, #tpu.memory_space<vmem>>, vector<16xi32>,
    tpu.vector_store %arg6[%swap3A_717, %swap3A_718], %bitcast3A_715 {strides = array<i32>} : memref<26x128xi32, #tpu.memory_space<vmem>>, vector<16xi32>,
    %get3A_720 = arith.constant 10 : i32
    %get3A_721 = arith.index_cast %get3A_720 : i32 to index
    %get3A_722 = arith.constant 0 : index
    %get3A_723 = tpu.vector_load %arg5[%get3A_721, %get3A_722] {strides = array<i32>} : memref<26x128xf32, #tpu.memory_space<vmem>>, vector<16xf32>,
    %bitcast3A_724 = vector.bitcast %get3A_723 : vector<16xf32> to vector<16xi32>
    %swap3A_725 = arith.constant 10 : i32
    %swap3A_726 = arith.index_cast %swap3A_725 : i32 to index
    %swap3A_727 = arith.constant 0 : index
    %swap3A_728 = tpu.vector_load %arg6[%swap3A_726, %swap3A_727] {strides = array<i32>} : memref<26x128xi32, #tpu.memory_space<vmem>>, vector<16xi32>,
    tpu.vector_store %arg6[%swap3A_726, %swap3A_727], %bitcast3A_724 {strides = array<i32>} : memref<26x128xi32, #tpu.memory_space<vmem>>, vector<16xi32>,
    %get3A_729 = arith.constant 10 : i32
    %get3A_730 = arith.index_cast %get3A_729 : i32 to index
    %get3A_731 = arith.constant 16 : index
    %get3A_732 = tpu.vector_load %arg5[%get3A_730, %get3A_731] {strides = array<i32>} : memref<26x128xf32, #tpu.memory_space<vmem>>, vector<16xf32>,
    %bitcast3A_733 = vector.bitcast %get3A_732 : vector<16xf32> to vector<16xi32>
    %swap3A_734 = arith.constant 10 : i32
    %swap3A_735 = arith.index_cast %swap3A_734 : i32 to index
    %swap3A_736 = arith.constant 16 : index
    %swap3A_737 = tpu.vector_load %arg6[%swap3A_735, %swap3A_736] {strides = array<i32>} : memref<26x128xi32, #tpu.memory_space<vmem>>, vector<16xi32>,
    tpu.vector_store %arg6[%swap3A_735, %swap3A_736], %bitcast3A_733 {strides = array<i32>} : memref<26x128xi32, #tpu.memory_space<vmem>>, vector<16xi32>,
    %get3A_738 = arith.constant 10 : i32
    %get3A_739 = arith.index_cast %get3A_738 : i32 to index
    %get3A_740 = arith.constant 32 : index
    %get3A_741 = tpu.vector_load %arg5[%get3A_739, %get3A_740] {strides = array<i32>} : memref<26x128xf32, #tpu.memory_space<vmem>>, vector<16xf32>,
    %bitcast3A_742 = vector.bitcast %get3A_741 : vector<16xf32> to vector<16xi32>
    %swap3A_743 = arith.constant 10 : i32
    %swap3A_744 = arith.index_cast %swap3A_743 : i32 to index
    %swap3A_745 = arith.constant 32 : index
    %swap3A_746 = tpu.vector_load %arg6[%swap3A_744, %swap3A_745] {strides = array<i32>} : memref<26x128xi32, #tpu.memory_space<vmem>>, vector<16xi32>,
    tpu.vector_store %arg6[%swap3A_744, %swap3A_745], %bitcast3A_742 {strides = array<i32>} : memref<26x128xi32, #tpu.memory_space<vmem>>, vector<16xi32>,
    %get3A_747 = arith.constant 10 : i32
    %get3A_748 = arith.index_cast %get3A_747 : i32 to index
    %get3A_749 = arith.constant 48 : index
    %get3A_750 = tpu.vector_load %arg5[%get3A_748, %get3A_749] {strides = array<i32>} : memref<26x128xf32, #tpu.memory_space<vmem>>, vector<16xf32>,
    %bitcast3A_751 = vector.bitcast %get3A_750 : vector<16xf32> to vector<16xi32>
    %swap3A_752 = arith.constant 10 : i32
    %swap3A_753 = arith.index_cast %swap3A_752 : i32 to index
    %swap3A_754 = arith.constant 48 : index
    %swap3A_755 = tpu.vector_load %arg6[%swap3A_753, %swap3A_754] {strides = array<i32>} : memref<26x128xi32, #tpu.memory_space<vmem>>, vector<16xi32>,
    tpu.vector_store %arg6[%swap3A_753, %swap3A_754], %bitcast3A_751 {strides = array<i32>} : memref<26x128xi32, #tpu.memory_space<vmem>>, vector<16xi32>,
    %get3A_756 = arith.constant 10 : i32
    %get3A_757 = arith.index_cast %get3A_756 : i32 to index
    %get3A_758 = arith.constant 64 : index
    %get3A_759 = tpu.vector_load %arg5[%get3A_757, %get3A_758] {strides = array<i32>} : memref<26x128xf32, #tpu.memory_space<vmem>>, vector<16xf32>,
    %bitcast3A_760 = vector.bitcast %get3A_759 : vector<16xf32> to vector<16xi32>
    %swap3A_761 = arith.constant 10 : i32
    %swap3A_762 = arith.index_cast %swap3A_761 : i32 to index
    %swap3A_763 = arith.constant 64 : index
    %swap3A_764 = tpu.vector_load %arg6[%swap3A_762, %swap3A_763] {strides = array<i32>} : memref<26x128xi32, #tpu.memory_space<vmem>>, vector<16xi32>,
    tpu.vector_store %arg6[%swap3A_762, %swap3A_763], %bitcast3A_760 {strides = array<i32>} : memref<26x128xi32, #tpu.memory_space<vmem>>, vector<16xi32>,
    %get3A_765 = arith.constant 10 : i32
    %get3A_766 = arith.index_cast %get3A_765 : i32 to index
    %get3A_767 = arith.constant 80 : index
    %get3A_768 = tpu.vector_load %arg5[%get3A_766, %get3A_767] {strides = array<i32>} : memref<26x128xf32, #tpu.memory_space<vmem>>, vector<16xf32>,
    %bitcast3A_769 = vector.bitcast %get3A_768 : vector<16xf32> to vector<16xi32>
    %swap3A_770 = arith.constant 10 : i32
    %swap3A_771 = arith.index_cast %swap3A_770 : i32 to index
    %swap3A_772 = arith.constant 80 : index
    %swap3A_773 = tpu.vector_load %arg6[%swap3A_771, %swap3A_772] {strides = array<i32>} : memref<26x128xi32, #tpu.memory_space<vmem>>, vector<16xi32>,
    tpu.vector_store %arg6[%swap3A_771, %swap3A_772], %bitcast3A_769 {strides = array<i32>} : memref<26x128xi32, #tpu.memory_space<vmem>>, vector<16xi32>,
    %get3A_774 = arith.constant 10 : i32
    %get3A_775 = arith.index_cast %get3A_774 : i32 to index
    %get3A_776 = arith.constant 96 : index
    %get3A_777 = tpu.vector_load %arg5[%get3A_775, %get3A_776] {strides = array<i32>} : memref<26x128xf32, #tpu.memory_space<vmem>>, vector<16xf32>,
    %bitcast3A_778 = vector.bitcast %get3A_777 : vector<16xf32> to vector<16xi32>
    %swap3A_779 = arith.constant 10 : i32
    %swap3A_780 = arith.index_cast %swap3A_779 : i32 to index
    %swap3A_781 = arith.constant 96 : index
    %swap3A_782 = tpu.vector_load %arg6[%swap3A_780, %swap3A_781] {strides = array<i32>} : memref<26x128xi32, #tpu.memory_space<vmem>>, vector<16xi32>,
    tpu.vector_store %arg6[%swap3A_780, %swap3A_781], %bitcast3A_778 {strides = array<i32>} : memref<26x128xi32, #tpu.memory_space<vmem>>, vector<16xi32>,
    %get3A_783 = arith.constant 10 : i32
    %get3A_784 = arith.index_cast %get3A_783 : i32 to index
    %get3A_785 = arith.constant 112 : index
    %get3A_786 = tpu.vector_load %arg5[%get3A_784, %get3A_785] {strides = array<i32>} : memref<26x128xf32, #tpu.memory_space<vmem>>, vector<16xf32>,
    %bitcast3A_787 = vector.bitcast %get3A_786 : vector<16xf32> to vector<16xi32>
    %swap3A_788 = arith.constant 10 : i32
    %swap3A_789 = arith.index_cast %swap3A_788 : i32 to index
    %swap3A_790 = arith.constant 112 : index
    %swap3A_791 = tpu.vector_load %arg6[%swap3A_789, %swap3A_790] {strides = array<i32>} : memref<26x128xi32, #tpu.memory_space<vmem>>, vector<16xi32>,
    tpu.vector_store %arg6[%swap3A_789, %swap3A_790], %bitcast3A_787 {strides = array<i32>} : memref<26x128xi32, #tpu.memory_space<vmem>>, vector<16xi32>,
    %get3A_792 = arith.constant 11 : i32
    %get3A_793 = arith.index_cast %get3A_792 : i32 to index
    %get3A_794 = arith.constant 0 : index
    %get3A_795 = tpu.vector_load %arg5[%get3A_793, %get3A_794] {strides = array<i32>} : memref<26x128xf32, #tpu.memory_space<vmem>>, vector<16xf32>,
    %bitcast3A_796 = vector.bitcast %get3A_795 : vector<16xf32> to vector<16xi32>
    %swap3A_797 = arith.constant 11 : i32
    %swap3A_798 = arith.index_cast %swap3A_797 : i32 to index
    %swap3A_799 = arith.constant 0 : index
    %swap3A_800 = tpu.vector_load %arg6[%swap3A_798, %swap3A_799] {strides = array<i32>} : memref<26x128xi32, #tpu.memory_space<vmem>>, vector<16xi32>,
    tpu.vector_store %arg6[%swap3A_798, %swap3A_799], %bitcast3A_796 {strides = array<i32>} : memref<26x128xi32, #tpu.memory_space<vmem>>, vector<16xi32>,
    %get3A_801 = arith.constant 11 : i32
    %get3A_802 = arith.index_cast %get3A_801 : i32 to index
    %get3A_803 = arith.constant 16 : index
    %get3A_804 = tpu.vector_load %arg5[%get3A_802, %get3A_803] {strides = array<i32>} : memref<26x128xf32, #tpu.memory_space<vmem>>, vector<16xf32>,
    %bitcast3A_805 = vector.bitcast %get3A_804 : vector<16xf32> to vector<16xi32>
    %swap3A_806 = arith.constant 11 : i32
    %swap3A_807 = arith.index_cast %swap3A_806 : i32 to index
    %swap3A_808 = arith.constant 16 : index
    %swap3A_809 = tpu.vector_load %arg6[%swap3A_807, %swap3A_808] {strides = array<i32>} : memref<26x128xi32, #tpu.memory_space<vmem>>, vector<16xi32>,
    tpu.vector_store %arg6[%swap3A_807, %swap3A_808], %bitcast3A_805 {strides = array<i32>} : memref<26x128xi32, #tpu.memory_space<vmem>>, vector<16xi32>,
    %get3A_810 = arith.constant 11 : i32
    %get3A_811 = arith.index_cast %get3A_810 : i32 to index
    %get3A_812 = arith.constant 32 : index
    %get3A_813 = tpu.vector_load %arg5[%get3A_811, %get3A_812] {strides = array<i32>} : memref<26x128xf32, #tpu.memory_space<vmem>>, vector<16xf32>,
    %bitcast3A_814 = vector.bitcast %get3A_813 : vector<16xf32> to vector<16xi32>
    %swap3A_815 = arith.constant 11 : i32
    %swap3A_816 = arith.index_cast %swap3A_815 : i32 to index
    %swap3A_817 = arith.constant 32 : index
    %swap3A_818 = tpu.vector_load %arg6[%swap3A_816, %swap3A_817] {strides = array<i32>} : memref<26x128xi32, #tpu.memory_space<vmem>>, vector<16xi32>,
    tpu.vector_store %arg6[%swap3A_816, %swap3A_817], %bitcast3A_814 {strides = array<i32>} : memref<26x128xi32, #tpu.memory_space<vmem>>, vector<16xi32>,
    %get3A_819 = arith.constant 11 : i32
    %get3A_820 = arith.index_cast %get3A_819 : i32 to index
    %get3A_821 = arith.constant 48 : index
    %get3A_822 = tpu.vector_load %arg5[%get3A_820, %get3A_821] {strides = array<i32>} : memref<26x128xf32, #tpu.memory_space<vmem>>, vector<16xf32>,
    %bitcast3A_823 = vector.bitcast %get3A_822 : vector<16xf32> to vector<16xi32>
    %swap3A_824 = arith.constant 11 : i32
    %swap3A_825 = arith.index_cast %swap3A_824 : i32 to index
    %swap3A_826 = arith.constant 48 : index
    %swap3A_827 = tpu.vector_load %arg6[%swap3A_825, %swap3A_826] {strides = array<i32>} : memref<26x128xi32, #tpu.memory_space<vmem>>, vector<16xi32>,
    tpu.vector_store %arg6[%swap3A_825, %swap3A_826], %bitcast3A_823 {strides = array<i32>} : memref<26x128xi32, #tpu.memory_space<vmem>>, vector<16xi32>,
    %get3A_828 = arith.constant 11 : i32
    %get3A_829 = arith.index_cast %get3A_828 : i32 to index
    %get3A_830 = arith.constant 64 : index
    %get3A_831 = tpu.vector_load %arg5[%get3A_829, %get3A_830] {strides = array<i32>} : memref<26x128xf32, #tpu.memory_space<vmem>>, vector<16xf32>,
    %bitcast3A_832 = vector.bitcast %get3A_831 : vector<16xf32> to vector<16xi32>
    %swap3A_833 = arith.constant 11 : i32
    %swap3A_834 = arith.index_cast %swap3A_833 : i32 to index
    %swap3A_835 = arith.constant 64 : index
    %swap3A_836 = tpu.vector_load %arg6[%swap3A_834, %swap3A_835] {strides = array<i32>} : memref<26x128xi32, #tpu.memory_space<vmem>>, vector<16xi32>,
    tpu.vector_store %arg6[%swap3A_834, %swap3A_835], %bitcast3A_832 {strides = array<i32>} : memref<26x128xi32, #tpu.memory_space<vmem>>, vector<16xi32>,
    %get3A_837 = arith.constant 11 : i32
    %get3A_838 = arith.index_cast %get3A_837 : i32 to index
    %get3A_839 = arith.constant 80 : index
    %get3A_840 = tpu.vector_load %arg5[%get3A_838, %get3A_839] {strides = array<i32>} : memref<26x128xf32, #tpu.memory_space<vmem>>, vector<16xf32>,
    %bitcast3A_841 = vector.bitcast %get3A_840 : vector<16xf32> to vector<16xi32>
    %swap3A_842 = arith.constant 11 : i32
    %swap3A_843 = arith.index_cast %swap3A_842 : i32 to index
    %swap3A_844 = arith.constant 80 : index
    %swap3A_845 = tpu.vector_load %arg6[%swap3A_843, %swap3A_844] {strides = array<i32>} : memref<26x128xi32, #tpu.memory_space<vmem>>, vector<16xi32>,
    tpu.vector_store %arg6[%swap3A_843, %swap3A_844], %bitcast3A_841 {strides = array<i32>} : memref<26x128xi32, #tpu.memory_space<vmem>>, vector<16xi32>,
    %get3A_846 = arith.constant 11 : i32
    %get3A_847 = arith.index_cast %get3A_846 : i32 to index
    %get3A_848 = arith.constant 96 : index
    %get3A_849 = tpu.vector_load %arg5[%get3A_847, %get3A_848] {strides = array<i32>} : memref<26x128xf32, #tpu.memory_space<vmem>>, vector<16xf32>,
    %bitcast3A_850 = vector.bitcast %get3A_849 : vector<16xf32> to vector<16xi32>
    %swap3A_851 = arith.constant 11 : i32
    %swap3A_852 = arith.index_cast %swap3A_851 : i32 to index
    %swap3A_853 = arith.constant 96 : index
    %swap3A_854 = tpu.vector_load %arg6[%swap3A_852, %swap3A_853] {strides = array<i32>} : memref<26x128xi32, #tpu.memory_space<vmem>>, vector<16xi32>,
    tpu.vector_store %arg6[%swap3A_852, %swap3A_853], %bitcast3A_850 {strides = array<i32>} : memref<26x128xi32, #tpu.memory_space<vmem>>, vector<16xi32>,
    %get3A_855 = arith.constant 11 : i32
    %get3A_856 = arith.index_cast %get3A_855 : i32 to index
    %get3A_857 = arith.constant 112 : index
    %get3A_858 = tpu.vector_load %arg5[%get3A_856, %get3A_857] {strides = array<i32>} : memref<26x128xf32, #tpu.memory_space<vmem>>, vector<16xf32>,
    %bitcast3A_859 = vector.bitcast %get3A_858 : vector<16xf32> to vector<16xi32>
    %swap3A_860 = arith.constant 11 : i32
    %swap3A_861 = arith.index_cast %swap3A_860 : i32 to index
    %swap3A_862 = arith.constant 112 : index
    %swap3A_863 = tpu.vector_load %arg6[%swap3A_861, %swap3A_862] {strides = array<i32>} : memref<26x128xi32, #tpu.memory_space<vmem>>, vector<16xi32>,
    tpu.vector_store %arg6[%swap3A_861, %swap3A_862], %bitcast3A_859 {strides = array<i32>} : memref<26x128xi32, #tpu.memory_space<vmem>>, vector<16xi32>,
    %get3A_864 = arith.constant 12 : i32
    %get3A_865 = arith.index_cast %get3A_864 : i32 to index
    %get3A_866 = arith.constant 0 : index
    %get3A_867 = tpu.vector_load %arg5[%get3A_865, %get3A_866] {strides = array<i32>} : memref<26x128xf32, #tpu.memory_space<vmem>>, vector<16xf32>,
    %bitcast3A_868 = vector.bitcast %get3A_867 : vector<16xf32> to vector<16xi32>
    %swap3A_869 = arith.constant 12 : i32
    %swap3A_870 = arith.index_cast %swap3A_869 : i32 to index
    %swap3A_871 = arith.constant 0 : index
    %swap3A_872 = tpu.vector_load %arg6[%swap3A_870, %swap3A_871] {strides = array<i32>} : memref<26x128xi32, #tpu.memory_space<vmem>>, vector<16xi32>,
    tpu.vector_store %arg6[%swap3A_870, %swap3A_871], %bitcast3A_868 {strides = array<i32>} : memref<26x128xi32, #tpu.memory_space<vmem>>, vector<16xi32>,
    %get3A_873 = arith.constant 12 : i32
    %get3A_874 = arith.index_cast %get3A_873 : i32 to index
    %get3A_875 = arith.constant 16 : index
    %get3A_876 = tpu.vector_load %arg5[%get3A_874, %get3A_875] {strides = array<i32>} : memref<26x128xf32, #tpu.memory_space<vmem>>, vector<16xf32>,
    %bitcast3A_877 = vector.bitcast %get3A_876 : vector<16xf32> to vector<16xi32>
    %swap3A_878 = arith.constant 12 : i32
    %swap3A_879 = arith.index_cast %swap3A_878 : i32 to index
    %swap3A_880 = arith.constant 16 : index
    %swap3A_881 = tpu.vector_load %arg6[%swap3A_879, %swap3A_880] {strides = array<i32>} : memref<26x128xi32, #tpu.memory_space<vmem>>, vector<16xi32>,
    tpu.vector_store %arg6[%swap3A_879, %swap3A_880], %bitcast3A_877 {strides = array<i32>} : memref<26x128xi32, #tpu.memory_space<vmem>>, vector<16xi32>,
    %get3A_882 = arith.constant 12 : i32
    %get3A_883 = arith.index_cast %get3A_882 : i32 to index
    %get3A_884 = arith.constant 32 : index
    %get3A_885 = tpu.vector_load %arg5[%get3A_883, %get3A_884] {strides = array<i32>} : memref<26x128xf32, #tpu.memory_space<vmem>>, vector<16xf32>,
    %bitcast3A_886 = vector.bitcast %get3A_885 : vector<16xf32> to vector<16xi32>
    %swap3A_887 = arith.constant 12 : i32
    %swap3A_888 = arith.index_cast %swap3A_887 : i32 to index
    %swap3A_889 = arith.constant 32 : index
    %swap3A_890 = tpu.vector_load %arg6[%swap3A_888, %swap3A_889] {strides = array<i32>} : memref<26x128xi32, #tpu.memory_space<vmem>>, vector<16xi32>,
    tpu.vector_store %arg6[%swap3A_888, %swap3A_889], %bitcast3A_886 {strides = array<i32>} : memref<26x128xi32, #tpu.memory_space<vmem>>, vector<16xi32>,
    %get3A_891 = arith.constant 12 : i32
    %get3A_892 = arith.index_cast %get3A_891 : i32 to index
    %get3A_893 = arith.constant 48 : index
    %get3A_894 = tpu.vector_load %arg5[%get3A_892, %get3A_893] {strides = array<i32>} : memref<26x128xf32, #tpu.memory_space<vmem>>, vector<16xf32>,
    %bitcast3A_895 = vector.bitcast %get3A_894 : vector<16xf32> to vector<16xi32>
    %swap3A_896 = arith.constant 12 : i32
    %swap3A_897 = arith.index_cast %swap3A_896 : i32 to index
    %swap3A_898 = arith.constant 48 : index
    %swap3A_899 = tpu.vector_load %arg6[%swap3A_897, %swap3A_898] {strides = array<i32>} : memref<26x128xi32, #tpu.memory_space<vmem>>, vector<16xi32>,
    tpu.vector_store %arg6[%swap3A_897, %swap3A_898], %bitcast3A_895 {strides = array<i32>} : memref<26x128xi32, #tpu.memory_space<vmem>>, vector<16xi32>,
    %get3A_900 = arith.constant 12 : i32
    %get3A_901 = arith.index_cast %get3A_900 : i32 to index
    %get3A_902 = arith.constant 64 : index
    %get3A_903 = tpu.vector_load %arg5[%get3A_901, %get3A_902] {strides = array<i32>} : memref<26x128xf32, #tpu.memory_space<vmem>>, vector<16xf32>,
    %bitcast3A_904 = vector.bitcast %get3A_903 : vector<16xf32> to vector<16xi32>
    %swap3A_905 = arith.constant 12 : i32
    %swap3A_906 = arith.index_cast %swap3A_905 : i32 to index
    %swap3A_907 = arith.constant 64 : index
    %swap3A_908 = tpu.vector_load %arg6[%swap3A_906, %swap3A_907] {strides = array<i32>} : memref<26x128xi32, #tpu.memory_space<vmem>>, vector<16xi32>,
    tpu.vector_store %arg6[%swap3A_906, %swap3A_907], %bitcast3A_904 {strides = array<i32>} : memref<26x128xi32, #tpu.memory_space<vmem>>, vector<16xi32>,
    %get3A_909 = arith.constant 12 : i32
    %get3A_910 = arith.index_cast %get3A_909 : i32 to index
    %get3A_911 = arith.constant 80 : index
    %get3A_912 = tpu.vector_load %arg5[%get3A_910, %get3A_911] {strides = array<i32>} : memref<26x128xf32, #tpu.memory_space<vmem>>, vector<16xf32>,
    %bitcast3A_913 = vector.bitcast %get3A_912 : vector<16xf32> to vector<16xi32>
    %swap3A_914 = arith.constant 12 : i32
    %swap3A_915 = arith.index_cast %swap3A_914 : i32 to index
    %swap3A_916 = arith.constant 80 : index
    %swap3A_917 = tpu.vector_load %arg6[%swap3A_915, %swap3A_916] {strides = array<i32>} : memref<26x128xi32, #tpu.memory_space<vmem>>, vector<16xi32>,
    tpu.vector_store %arg6[%swap3A_915, %swap3A_916], %bitcast3A_913 {strides = array<i32>} : memref<26x128xi32, #tpu.memory_space<vmem>>, vector<16xi32>,
    %get3A_918 = arith.constant 12 : i32
    %get3A_919 = arith.index_cast %get3A_918 : i32 to index
    %get3A_920 = arith.constant 96 : index
    %get3A_921 = tpu.vector_load %arg5[%get3A_919, %get3A_920] {strides = array<i32>} : memref<26x128xf32, #tpu.memory_space<vmem>>, vector<16xf32>,
    %bitcast3A_922 = vector.bitcast %get3A_921 : vector<16xf32> to vector<16xi32>
    %swap3A_923 = arith.constant 12 : i32
    %swap3A_924 = arith.index_cast %swap3A_923 : i32 to index
    %swap3A_925 = arith.constant 96 : index
    %swap3A_926 = tpu.vector_load %arg6[%swap3A_924, %swap3A_925] {strides = array<i32>} : memref<26x128xi32, #tpu.memory_space<vmem>>, vector<16xi32>,
    tpu.vector_store %arg6[%swap3A_924, %swap3A_925], %bitcast3A_922 {strides = array<i32>} : memref<26x128xi32, #tpu.memory_space<vmem>>, vector<16xi32>,
    %get3A_927 = arith.constant 12 : i32
    %get3A_928 = arith.index_cast %get3A_927 : i32 to index
    %get3A_929 = arith.constant 112 : index
    %get3A_930 = tpu.vector_load %arg5[%get3A_928, %get3A_929] {strides = array<i32>} : memref<26x128xf32, #tpu.memory_space<vmem>>, vector<16xf32>,
    %bitcast3A_931 = vector.bitcast %get3A_930 : vector<16xf32> to vector<16xi32>
    %swap3A_932 = arith.constant 12 : i32
    %swap3A_933 = arith.index_cast %swap3A_932 : i32 to index
    %swap3A_934 = arith.constant 112 : index
    %swap3A_935 = tpu.vector_load %arg6[%swap3A_933, %swap3A_934] {strides = array<i32>} : memref<26x128xi32, #tpu.memory_space<vmem>>, vector<16xi32>,
    tpu.vector_store %arg6[%swap3A_933, %swap3A_934], %bitcast3A_931 {strides = array<i32>} : memref<26x128xi32, #tpu.memory_space<vmem>>, vector<16xi32>,
    %get3A_936 = arith.constant 13 : i32
    %get3A_937 = arith.index_cast %get3A_936 : i32 to index
    %get3A_938 = arith.constant 0 : index
    %get3A_939 = tpu.vector_load %arg5[%get3A_937, %get3A_938] {strides = array<i32>} : memref<26x128xf32, #tpu.memory_space<vmem>>, vector<16xf32>,
    %bitcast3A_940 = vector.bitcast %get3A_939 : vector<16xf32> to vector<16xi32>
    %swap3A_941 = arith.constant 13 : i32
    %swap3A_942 = arith.index_cast %swap3A_941 : i32 to index
    %swap3A_943 = arith.constant 0 : index
    %swap3A_944 = tpu.vector_load %arg6[%swap3A_942, %swap3A_943] {strides = array<i32>} : memref<26x128xi32, #tpu.memory_space<vmem>>, vector<16xi32>,
    tpu.vector_store %arg6[%swap3A_942, %swap3A_943], %bitcast3A_940 {strides = array<i32>} : memref<26x128xi32, #tpu.memory_space<vmem>>, vector<16xi32>,
    %get3A_945 = arith.constant 13 : i32
    %get3A_946 = arith.index_cast %get3A_945 : i32 to index
    %get3A_947 = arith.constant 16 : index
    %get3A_948 = tpu.vector_load %arg5[%get3A_946, %get3A_947] {strides = array<i32>} : memref<26x128xf32, #tpu.memory_space<vmem>>, vector<16xf32>,
    %bitcast3A_949 = vector.bitcast %get3A_948 : vector<16xf32> to vector<16xi32>
    %swap3A_950 = arith.constant 13 : i32
    %swap3A_951 = arith.index_cast %swap3A_950 : i32 to index
    %swap3A_952 = arith.constant 16 : index
    %swap3A_953 = tpu.vector_load %arg6[%swap3A_951, %swap3A_952] {strides = array<i32>} : memref<26x128xi32, #tpu.memory_space<vmem>>, vector<16xi32>,
    tpu.vector_store %arg6[%swap3A_951, %swap3A_952], %bitcast3A_949 {strides = array<i32>} : memref<26x128xi32, #tpu.memory_space<vmem>>, vector<16xi32>,
    %get3A_954 = arith.constant 13 : i32
    %get3A_955 = arith.index_cast %get3A_954 : i32 to index
    %get3A_956 = arith.constant 32 : index
    %get3A_957 = tpu.vector_load %arg5[%get3A_955, %get3A_956] {strides = array<i32>} : memref<26x128xf32, #tpu.memory_space<vmem>>, vector<16xf32>,
    %bitcast3A_958 = vector.bitcast %get3A_957 : vector<16xf32> to vector<16xi32>
    %swap3A_959 = arith.constant 13 : i32
    %swap3A_960 = arith.index_cast %swap3A_959 : i32 to index
    %swap3A_961 = arith.constant 32 : index
    %swap3A_962 = tpu.vector_load %arg6[%swap3A_960, %swap3A_961] {strides = array<i32>} : memref<26x128xi32, #tpu.memory_space<vmem>>, vector<16xi32>,
    tpu.vector_store %arg6[%swap3A_960, %swap3A_961], %bitcast3A_958 {strides = array<i32>} : memref<26x128xi32, #tpu.memory_space<vmem>>, vector<16xi32>,
    %get3A_963 = arith.constant 13 : i32
    %get3A_964 = arith.index_cast %get3A_963 : i32 to index
    %get3A_965 = arith.constant 48 : index
    %get3A_966 = tpu.vector_load %arg5[%get3A_964, %get3A_965] {strides = array<i32>} : memref<26x128xf32, #tpu.memory_space<vmem>>, vector<16xf32>,
    %bitcast3A_967 = vector.bitcast %get3A_966 : vector<16xf32> to vector<16xi32>
    %swap3A_968 = arith.constant 13 : i32
    %swap3A_969 = arith.index_cast %swap3A_968 : i32 to index
    %swap3A_970 = arith.constant 48 : index
    %swap3A_971 = tpu.vector_load %arg6[%swap3A_969, %swap3A_970] {strides = array<i32>} : memref<26x128xi32, #tpu.memory_space<vmem>>, vector<16xi32>,
    tpu.vector_store %arg6[%swap3A_969, %swap3A_970], %bitcast3A_967 {strides = array<i32>} : memref<26x128xi32, #tpu.memory_space<vmem>>, vector<16xi32>,
    %get3A_972 = arith.constant 13 : i32
    %get3A_973 = arith.index_cast %get3A_972 : i32 to index
    %get3A_974 = arith.constant 64 : index
    %get3A_975 = tpu.vector_load %arg5[%get3A_973, %get3A_974] {strides = array<i32>} : memref<26x128xf32, #tpu.memory_space<vmem>>, vector<16xf32>,
    %bitcast3A_976 = vector.bitcast %get3A_975 : vector<16xf32> to vector<16xi32>
    %swap3A_977 = arith.constant 13 : i32
    %swap3A_978 = arith.index_cast %swap3A_977 : i32 to index
    %swap3A_979 = arith.constant 64 : index
    %swap3A_980 = tpu.vector_load %arg6[%swap3A_978, %swap3A_979] {strides = array<i32>} : memref<26x128xi32, #tpu.memory_space<vmem>>, vector<16xi32>,
    tpu.vector_store %arg6[%swap3A_978, %swap3A_979], %bitcast3A_976 {strides = array<i32>} : memref<26x128xi32, #tpu.memory_space<vmem>>, vector<16xi32>,
    %get3A_981 = arith.constant 13 : i32
    %get3A_982 = arith.index_cast %get3A_981 : i32 to index
    %get3A_983 = arith.constant 80 : index
    %get3A_984 = tpu.vector_load %arg5[%get3A_982, %get3A_983] {strides = array<i32>} : memref<26x128xf32, #tpu.memory_space<vmem>>, vector<16xf32>,
    %bitcast3A_985 = vector.bitcast %get3A_984 : vector<16xf32> to vector<16xi32>
    %swap3A_986 = arith.constant 13 : i32
    %swap3A_987 = arith.index_cast %swap3A_986 : i32 to index
    %swap3A_988 = arith.constant 80 : index
    %swap3A_989 = tpu.vector_load %arg6[%swap3A_987, %swap3A_988] {strides = array<i32>} : memref<26x128xi32, #tpu.memory_space<vmem>>, vector<16xi32>,
    tpu.vector_store %arg6[%swap3A_987, %swap3A_988], %bitcast3A_985 {strides = array<i32>} : memref<26x128xi32, #tpu.memory_space<vmem>>, vector<16xi32>,
    %get3A_990 = arith.constant 13 : i32
    %get3A_991 = arith.index_cast %get3A_990 : i32 to index
    %get3A_992 = arith.constant 96 : index
    %get3A_993 = tpu.vector_load %arg5[%get3A_991, %get3A_992] {strides = array<i32>} : memref<26x128xf32, #tpu.memory_space<vmem>>, vector<16xf32>,
    %bitcast3A_994 = vector.bitcast %get3A_993 : vector<16xf32> to vector<16xi32>
    %swap3A_995 = arith.constant 13 : i32
    %swap3A_996 = arith.index_cast %swap3A_995 : i32 to index
    %swap3A_997 = arith.constant 96 : index
    %swap3A_998 = tpu.vector_load %arg6[%swap3A_996, %swap3A_997] {strides = array<i32>} : memref<26x128xi32, #tpu.memory_space<vmem>>, vector<16xi32>,
    tpu.vector_store %arg6[%swap3A_996, %swap3A_997], %bitcast3A_994 {strides = array<i32>} : memref<26x128xi32, #tpu.memory_space<vmem>>, vector<16xi32>,
    %get3A_999 = arith.constant 13 : i32
    %get3A_1000 = arith.index_cast %get3A_999 : i32 to index
    %get3A_1001 = arith.constant 112 : index
    %get3A_1002 = tpu.vector_load %arg5[%get3A_1000, %get3A_1001] {strides = array<i32>} : memref<26x128xf32, #tpu.memory_space<vmem>>, vector<16xf32>,
    %bitcast3A_1003 = vector.bitcast %get3A_1002 : vector<16xf32> to vector<16xi32>
    %swap3A_1004 = arith.constant 13 : i32
    %swap3A_1005 = arith.index_cast %swap3A_1004 : i32 to index
    %swap3A_1006 = arith.constant 112 : index
    %swap3A_1007 = tpu.vector_load %arg6[%swap3A_1005, %swap3A_1006] {strides = array<i32>} : memref<26x128xi32, #tpu.memory_space<vmem>>, vector<16xi32>,
    tpu.vector_store %arg6[%swap3A_1005, %swap3A_1006], %bitcast3A_1003 {strides = array<i32>} : memref<26x128xi32, #tpu.memory_space<vmem>>, vector<16xi32>,
    %get3A_1008 = arith.constant 14 : i32
    %get3A_1009 = arith.index_cast %get3A_1008 : i32 to index
    %get3A_1010 = arith.constant 0 : index
    %get3A_1011 = tpu.vector_load %arg5[%get3A_1009, %get3A_1010] {strides = array<i32>} : memref<26x128xf32, #tpu.memory_space<vmem>>, vector<16xf32>,
    %bitcast3A_1012 = vector.bitcast %get3A_1011 : vector<16xf32> to vector<16xi32>
    %swap3A_1013 = arith.constant 14 : i32
    %swap3A_1014 = arith.index_cast %swap3A_1013 : i32 to index
    %swap3A_1015 = arith.constant 0 : index
    %swap3A_1016 = tpu.vector_load %arg6[%swap3A_1014, %swap3A_1015] {strides = array<i32>} : memref<26x128xi32, #tpu.memory_space<vmem>>, vector<16xi32>,
    tpu.vector_store %arg6[%swap3A_1014, %swap3A_1015], %bitcast3A_1012 {strides = array<i32>} : memref<26x128xi32, #tpu.memory_space<vmem>>, vector<16xi32>,
    %get3A_1017 = arith.constant 14 : i32
    %get3A_1018 = arith.index_cast %get3A_1017 : i32 to index
    %get3A_1019 = arith.constant 16 : index
    %get3A_1020 = tpu.vector_load %arg5[%get3A_1018, %get3A_1019] {strides = array<i32>} : memref<26x128xf32, #tpu.memory_space<vmem>>, vector<16xf32>,
    %bitcast3A_1021 = vector.bitcast %get3A_1020 : vector<16xf32> to vector<16xi32>
    %swap3A_1022 = arith.constant 14 : i32
    %swap3A_1023 = arith.index_cast %swap3A_1022 : i32 to index
    %swap3A_1024 = arith.constant 16 : index
    %swap3A_1025 = tpu.vector_load %arg6[%swap3A_1023, %swap3A_1024] {strides = array<i32>} : memref<26x128xi32, #tpu.memory_space<vmem>>, vector<16xi32>,
    tpu.vector_store %arg6[%swap3A_1023, %swap3A_1024], %bitcast3A_1021 {strides = array<i32>} : memref<26x128xi32, #tpu.memory_space<vmem>>, vector<16xi32>,
    %get3A_1026 = arith.constant 14 : i32
    %get3A_1027 = arith.index_cast %get3A_1026 : i32 to index
    %get3A_1028 = arith.constant 32 : index
    %get3A_1029 = tpu.vector_load %arg5[%get3A_1027, %get3A_1028] {strides = array<i32>} : memref<26x128xf32, #tpu.memory_space<vmem>>, vector<16xf32>,
    %bitcast3A_1030 = vector.bitcast %get3A_1029 : vector<16xf32> to vector<16xi32>
    %swap3A_1031 = arith.constant 14 : i32
    %swap3A_1032 = arith.index_cast %swap3A_1031 : i32 to index
    %swap3A_1033 = arith.constant 32 : index
    %swap3A_1034 = tpu.vector_load %arg6[%swap3A_1032, %swap3A_1033] {strides = array<i32>} : memref<26x128xi32, #tpu.memory_space<vmem>>, vector<16xi32>,
    tpu.vector_store %arg6[%swap3A_1032, %swap3A_1033], %bitcast3A_1030 {strides = array<i32>} : memref<26x128xi32, #tpu.memory_space<vmem>>, vector<16xi32>,
    %get3A_1035 = arith.constant 14 : i32
    %get3A_1036 = arith.index_cast %get3A_1035 : i32 to index
    %get3A_1037 = arith.constant 48 : index
    %get3A_1038 = tpu.vector_load %arg5[%get3A_1036, %get3A_1037] {strides = array<i32>} : memref<26x128xf32, #tpu.memory_space<vmem>>, vector<16xf32>,
    %bitcast3A_1039 = vector.bitcast %get3A_1038 : vector<16xf32> to vector<16xi32>
    %swap3A_1040 = arith.constant 14 : i32
    %swap3A_1041 = arith.index_cast %swap3A_1040 : i32 to index
    %swap3A_1042 = arith.constant 48 : index
    %swap3A_1043 = tpu.vector_load %arg6[%swap3A_1041, %swap3A_1042] {strides = array<i32>} : memref<26x128xi32, #tpu.memory_space<vmem>>, vector<16xi32>,
    tpu.vector_store %arg6[%swap3A_1041, %swap3A_1042], %bitcast3A_1039 {strides = array<i32>} : memref<26x128xi32, #tpu.memory_space<vmem>>, vector<16xi32>,
    %get3A_1044 = arith.constant 14 : i32
    %get3A_1045 = arith.index_cast %get3A_1044 : i32 to index
    %get3A_1046 = arith.constant 64 : index
    %get3A_1047 = tpu.vector_load %arg5[%get3A_1045, %get3A_1046] {strides = array<i32>} : memref<26x128xf32, #tpu.memory_space<vmem>>, vector<16xf32>,
    %bitcast3A_1048 = vector.bitcast %get3A_1047 : vector<16xf32> to vector<16xi32>
    %swap3A_1049 = arith.constant 14 : i32
    %swap3A_1050 = arith.index_cast %swap3A_1049 : i32 to index
    %swap3A_1051 = arith.constant 64 : index
    %swap3A_1052 = tpu.vector_load %arg6[%swap3A_1050, %swap3A_1051] {strides = array<i32>} : memref<26x128xi32, #tpu.memory_space<vmem>>, vector<16xi32>,
    tpu.vector_store %arg6[%swap3A_1050, %swap3A_1051], %bitcast3A_1048 {strides = array<i32>} : memref<26x128xi32, #tpu.memory_space<vmem>>, vector<16xi32>,
    %get3A_1053 = arith.constant 14 : i32
    %get3A_1054 = arith.index_cast %get3A_1053 : i32 to index
    %get3A_1055 = arith.constant 80 : index
    %get3A_1056 = tpu.vector_load %arg5[%get3A_1054, %get3A_1055] {strides = array<i32>} : memref<26x128xf32, #tpu.memory_space<vmem>>, vector<16xf32>,
    %bitcast3A_1057 = vector.bitcast %get3A_1056 : vector<16xf32> to vector<16xi32>
    %swap3A_1058 = arith.constant 14 : i32
    %swap3A_1059 = arith.index_cast %swap3A_1058 : i32 to index
    %swap3A_1060 = arith.constant 80 : index
    %swap3A_1061 = tpu.vector_load %arg6[%swap3A_1059, %swap3A_1060] {strides = array<i32>} : memref<26x128xi32, #tpu.memory_space<vmem>>, vector<16xi32>,
    tpu.vector_store %arg6[%swap3A_1059, %swap3A_1060], %bitcast3A_1057 {strides = array<i32>} : memref<26x128xi32, #tpu.memory_space<vmem>>, vector<16xi32>,
    %get3A_1062 = arith.constant 14 : i32
    %get3A_1063 = arith.index_cast %get3A_1062 : i32 to index
    %get3A_1064 = arith.constant 96 : index
    %get3A_1065 = tpu.vector_load %arg5[%get3A_1063, %get3A_1064] {strides = array<i32>} : memref<26x128xf32, #tpu.memory_space<vmem>>, vector<16xf32>,
    %bitcast3A_1066 = vector.bitcast %get3A_1065 : vector<16xf32> to vector<16xi32>
    %swap3A_1067 = arith.constant 14 : i32
    %swap3A_1068 = arith.index_cast %swap3A_1067 : i32 to index
    %swap3A_1069 = arith.constant 96 : index
    %swap3A_1070 = tpu.vector_load %arg6[%swap3A_1068, %swap3A_1069] {strides = array<i32>} : memref<26x128xi32, #tpu.memory_space<vmem>>, vector<16xi32>,
    tpu.vector_store %arg6[%swap3A_1068, %swap3A_1069], %bitcast3A_1066 {strides = array<i32>} : memref<26x128xi32, #tpu.memory_space<vmem>>, vector<16xi32>,
    %get3A_1071 = arith.constant 14 : i32
    %get3A_1072 = arith.index_cast %get3A_1071 : i32 to index
    %get3A_1073 = arith.constant 112 : index
    %get3A_1074 = tpu.vector_load %arg5[%get3A_1072, %get3A_1073] {strides = array<i32>} : memref<26x128xf32, #tpu.memory_space<vmem>>, vector<16xf32>,
    %bitcast3A_1075 = vector.bitcast %get3A_1074 : vector<16xf32> to vector<16xi32>
    %swap3A_1076 = arith.constant 14 : i32
    %swap3A_1077 = arith.index_cast %swap3A_1076 : i32 to index
    %swap3A_1078 = arith.constant 112 : index
    %swap3A_1079 = tpu.vector_load %arg6[%swap3A_1077, %swap3A_1078] {strides = array<i32>} : memref<26x128xi32, #tpu.memory_space<vmem>>, vector<16xi32>,
    tpu.vector_store %arg6[%swap3A_1077, %swap3A_1078], %bitcast3A_1075 {strides = array<i32>} : memref<26x128xi32, #tpu.memory_space<vmem>>, vector<16xi32>,
    %get3A_1080 = arith.constant 15 : i32
    %get3A_1081 = arith.index_cast %get3A_1080 : i32 to index
    %get3A_1082 = arith.constant 0 : index
    %get3A_1083 = tpu.vector_load %arg5[%get3A_1081, %get3A_1082] {strides = array<i32>} : memref<26x128xf32, #tpu.memory_space<vmem>>, vector<16xf32>,
    %bitcast3A_1084 = vector.bitcast %get3A_1083 : vector<16xf32> to vector<16xi32>
    %swap3A_1085 = arith.constant 15 : i32
    %swap3A_1086 = arith.index_cast %swap3A_1085 : i32 to index
    %swap3A_1087 = arith.constant 0 : index
    %swap3A_1088 = tpu.vector_load %arg6[%swap3A_1086, %swap3A_1087] {strides = array<i32>} : memref<26x128xi32, #tpu.memory_space<vmem>>, vector<16xi32>,
    tpu.vector_store %arg6[%swap3A_1086, %swap3A_1087], %bitcast3A_1084 {strides = array<i32>} : memref<26x128xi32, #tpu.memory_space<vmem>>, vector<16xi32>,
    %get3A_1089 = arith.constant 15 : i32
    %get3A_1090 = arith.index_cast %get3A_1089 : i32 to index
    %get3A_1091 = arith.constant 16 : index
    %get3A_1092 = tpu.vector_load %arg5[%get3A_1090, %get3A_1091] {strides = array<i32>} : memref<26x128xf32, #tpu.memory_space<vmem>>, vector<16xf32>,
    %bitcast3A_1093 = vector.bitcast %get3A_1092 : vector<16xf32> to vector<16xi32>
    %swap3A_1094 = arith.constant 15 : i32
    %swap3A_1095 = arith.index_cast %swap3A_1094 : i32 to index
    %swap3A_1096 = arith.constant 16 : index
    %swap3A_1097 = tpu.vector_load %arg6[%swap3A_1095, %swap3A_1096] {strides = array<i32>} : memref<26x128xi32, #tpu.memory_space<vmem>>, vector<16xi32>,
    tpu.vector_store %arg6[%swap3A_1095, %swap3A_1096], %bitcast3A_1093 {strides = array<i32>} : memref<26x128xi32, #tpu.memory_space<vmem>>, vector<16xi32>,
    %get3A_1098 = arith.constant 15 : i32
    %get3A_1099 = arith.index_cast %get3A_1098 : i32 to index
    %get3A_1100 = arith.constant 32 : index
    %get3A_1101 = tpu.vector_load %arg5[%get3A_1099, %get3A_1100] {strides = array<i32>} : memref<26x128xf32, #tpu.memory_space<vmem>>, vector<16xf32>,
    %bitcast3A_1102 = vector.bitcast %get3A_1101 : vector<16xf32> to vector<16xi32>
    %swap3A_1103 = arith.constant 15 : i32
    %swap3A_1104 = arith.index_cast %swap3A_1103 : i32 to index
    %swap3A_1105 = arith.constant 32 : index
    %swap3A_1106 = tpu.vector_load %arg6[%swap3A_1104, %swap3A_1105] {strides = array<i32>} : memref<26x128xi32, #tpu.memory_space<vmem>>, vector<16xi32>,
    tpu.vector_store %arg6[%swap3A_1104, %swap3A_1105], %bitcast3A_1102 {strides = array<i32>} : memref<26x128xi32, #tpu.memory_space<vmem>>, vector<16xi32>,
    %get3A_1107 = arith.constant 15 : i32
    %get3A_1108 = arith.index_cast %get3A_1107 : i32 to index
    %get3A_1109 = arith.constant 48 : index
    %get3A_1110 = tpu.vector_load %arg5[%get3A_1108, %get3A_1109] {strides = array<i32>} : memref<26x128xf32, #tpu.memory_space<vmem>>, vector<16xf32>,
    %bitcast3A_1111 = vector.bitcast %get3A_1110 : vector<16xf32> to vector<16xi32>
    %swap3A_1112 = arith.constant 15 : i32
    %swap3A_1113 = arith.index_cast %swap3A_1112 : i32 to index
    %swap3A_1114 = arith.constant 48 : index
    %swap3A_1115 = tpu.vector_load %arg6[%swap3A_1113, %swap3A_1114] {strides = array<i32>} : memref<26x128xi32, #tpu.memory_space<vmem>>, vector<16xi32>,
    tpu.vector_store %arg6[%swap3A_1113, %swap3A_1114], %bitcast3A_1111 {strides = array<i32>} : memref<26x128xi32, #tpu.memory_space<vmem>>, vector<16xi32>,
    %get3A_1116 = arith.constant 15 : i32
    %get3A_1117 = arith.index_cast %get3A_1116 : i32 to index
    %get3A_1118 = arith.constant 64 : index
    %get3A_1119 = tpu.vector_load %arg5[%get3A_1117, %get3A_1118] {strides = array<i32>} : memref<26x128xf32, #tpu.memory_space<vmem>>, vector<16xf32>,
    %bitcast3A_1120 = vector.bitcast %get3A_1119 : vector<16xf32> to vector<16xi32>
    %swap3A_1121 = arith.constant 15 : i32
    %swap3A_1122 = arith.index_cast %swap3A_1121 : i32 to index
    %swap3A_1123 = arith.constant 64 : index
    %swap3A_1124 = tpu.vector_load %arg6[%swap3A_1122, %swap3A_1123] {strides = array<i32>} : memref<26x128xi32, #tpu.memory_space<vmem>>, vector<16xi32>,
    tpu.vector_store %arg6[%swap3A_1122, %swap3A_1123], %bitcast3A_1120 {strides = array<i32>} : memref<26x128xi32, #tpu.memory_space<vmem>>, vector<16xi32>,
    %get3A_1125 = arith.constant 15 : i32
    %get3A_1126 = arith.index_cast %get3A_1125 : i32 to index
    %get3A_1127 = arith.constant 80 : index
    %get3A_1128 = tpu.vector_load %arg5[%get3A_1126, %get3A_1127] {strides = array<i32>} : memref<26x128xf32, #tpu.memory_space<vmem>>, vector<16xf32>,
    %bitcast3A_1129 = vector.bitcast %get3A_1128 : vector<16xf32> to vector<16xi32>
    %swap3A_1130 = arith.constant 15 : i32
    %swap3A_1131 = arith.index_cast %swap3A_1130 : i32 to index
    %swap3A_1132 = arith.constant 80 : index
    %swap3A_1133 = tpu.vector_load %arg6[%swap3A_1131, %swap3A_1132] {strides = array<i32>} : memref<26x128xi32, #tpu.memory_space<vmem>>, vector<16xi32>,
    tpu.vector_store %arg6[%swap3A_1131, %swap3A_1132], %bitcast3A_1129 {strides = array<i32>} : memref<26x128xi32, #tpu.memory_space<vmem>>, vector<16xi32>,
    %get3A_1134 = arith.constant 15 : i32
    %get3A_1135 = arith.index_cast %get3A_1134 : i32 to index
    %get3A_1136 = arith.constant 96 : index
    %get3A_1137 = tpu.vector_load %arg5[%get3A_1135, %get3A_1136] {strides = array<i32>} : memref<26x128xf32, #tpu.memory_space<vmem>>, vector<16xf32>,
    %bitcast3A_1138 = vector.bitcast %get3A_1137 : vector<16xf32> to vector<16xi32>
    %swap3A_1139 = arith.constant 15 : i32
    %swap3A_1140 = arith.index_cast %swap3A_1139 : i32 to index
    %swap3A_1141 = arith.constant 96 : index
    %swap3A_1142 = tpu.vector_load %arg6[%swap3A_1140, %swap3A_1141] {strides = array<i32>} : memref<26x128xi32, #tpu.memory_space<vmem>>, vector<16xi32>,
    tpu.vector_store %arg6[%swap3A_1140, %swap3A_1141], %bitcast3A_1138 {strides = array<i32>} : memref<26x128xi32, #tpu.memory_space<vmem>>, vector<16xi32>,
    %get3A_1143 = arith.constant 15 : i32
    %get3A_1144 = arith.index_cast %get3A_1143 : i32 to index
    %get3A_1145 = arith.constant 112 : index
    %get3A_1146 = tpu.vector_load %arg5[%get3A_1144, %get3A_1145] {strides = array<i32>} : memref<26x128xf32, #tpu.memory_space<vmem>>, vector<16xf32>,
    %bitcast3A_1147 = vector.bitcast %get3A_1146 : vector<16xf32> to vector<16xi32>
    %swap3A_1148 = arith.constant 15 : i32
    %swap3A_1149 = arith.index_cast %swap3A_1148 : i32 to index
    %swap3A_1150 = arith.constant 112 : index
    %swap3A_1151 = tpu.vector_load %arg6[%swap3A_1149, %swap3A_1150] {strides = array<i32>} : memref<26x128xi32, #tpu.memory_space<vmem>>, vector<16xi32>,
    tpu.vector_store %arg6[%swap3A_1149, %swap3A_1150], %bitcast3A_1147 {strides = array<i32>} : memref<26x128xi32, #tpu.memory_space<vmem>>, vector<16xi32>,
    %get3A_1152 = arith.constant 16 : i32
    %get3A_1153 = arith.index_cast %get3A_1152 : i32 to index
    %get3A_1154 = arith.constant 0 : index
    %get3A_1155 = tpu.vector_load %arg5[%get3A_1153, %get3A_1154] {strides = array<i32>} : memref<26x128xf32, #tpu.memory_space<vmem>>, vector<16xf32>,
    %bitcast3A_1156 = vector.bitcast %get3A_1155 : vector<16xf32> to vector<16xi32>
    %swap3A_1157 = arith.constant 16 : i32
    %swap3A_1158 = arith.index_cast %swap3A_1157 : i32 to index
    %swap3A_1159 = arith.constant 0 : index
    %swap3A_1160 = tpu.vector_load %arg6[%swap3A_1158, %swap3A_1159] {strides = array<i32>} : memref<26x128xi32, #tpu.memory_space<vmem>>, vector<16xi32>,
    tpu.vector_store %arg6[%swap3A_1158, %swap3A_1159], %bitcast3A_1156 {strides = array<i32>} : memref<26x128xi32, #tpu.memory_space<vmem>>, vector<16xi32>,
    %get3A_1161 = arith.constant 16 : i32
    %get3A_1162 = arith.index_cast %get3A_1161 : i32 to index
    %get3A_1163 = arith.constant 16 : index
    %get3A_1164 = tpu.vector_load %arg5[%get3A_1162, %get3A_1163] {strides = array<i32>} : memref<26x128xf32, #tpu.memory_space<vmem>>, vector<16xf32>,
    %bitcast3A_1165 = vector.bitcast %get3A_1164 : vector<16xf32> to vector<16xi32>
    %swap3A_1166 = arith.constant 16 : i32
    %swap3A_1167 = arith.index_cast %swap3A_1166 : i32 to index
    %swap3A_1168 = arith.constant 16 : index
    %swap3A_1169 = tpu.vector_load %arg6[%swap3A_1167, %swap3A_1168] {strides = array<i32>} : memref<26x128xi32, #tpu.memory_space<vmem>>, vector<16xi32>,
    tpu.vector_store %arg6[%swap3A_1167, %swap3A_1168], %bitcast3A_1165 {strides = array<i32>} : memref<26x128xi32, #tpu.memory_space<vmem>>, vector<16xi32>,
    %get3A_1170 = arith.constant 16 : i32
    %get3A_1171 = arith.index_cast %get3A_1170 : i32 to index
    %get3A_1172 = arith.constant 32 : index
    %get3A_1173 = tpu.vector_load %arg5[%get3A_1171, %get3A_1172] {strides = array<i32>} : memref<26x128xf32, #tpu.memory_space<vmem>>, vector<16xf32>,
    %bitcast3A_1174 = vector.bitcast %get3A_1173 : vector<16xf32> to vector<16xi32>
    %swap3A_1175 = arith.constant 16 : i32
    %swap3A_1176 = arith.index_cast %swap3A_1175 : i32 to index
    %swap3A_1177 = arith.constant 32 : index
    %swap3A_1178 = tpu.vector_load %arg6[%swap3A_1176, %swap3A_1177] {strides = array<i32>} : memref<26x128xi32, #tpu.memory_space<vmem>>, vector<16xi32>,
    tpu.vector_store %arg6[%swap3A_1176, %swap3A_1177], %bitcast3A_1174 {strides = array<i32>} : memref<26x128xi32, #tpu.memory_space<vmem>>, vector<16xi32>,
    %get3A_1179 = arith.constant 16 : i32
    %get3A_1180 = arith.index_cast %get3A_1179 : i32 to index
    %get3A_1181 = arith.constant 48 : index
    %get3A_1182 = tpu.vector_load %arg5[%get3A_1180, %get3A_1181] {strides = array<i32>} : memref<26x128xf32, #tpu.memory_space<vmem>>, vector<16xf32>,
    %bitcast3A_1183 = vector.bitcast %get3A_1182 : vector<16xf32> to vector<16xi32>
    %swap3A_1184 = arith.constant 16 : i32
    %swap3A_1185 = arith.index_cast %swap3A_1184 : i32 to index
    %swap3A_1186 = arith.constant 48 : index
    %swap3A_1187 = tpu.vector_load %arg6[%swap3A_1185, %swap3A_1186] {strides = array<i32>} : memref<26x128xi32, #tpu.memory_space<vmem>>, vector<16xi32>,
    tpu.vector_store %arg6[%swap3A_1185, %swap3A_1186], %bitcast3A_1183 {strides = array<i32>} : memref<26x128xi32, #tpu.memory_space<vmem>>, vector<16xi32>,
    %get3A_1188 = arith.constant 16 : i32
    %get3A_1189 = arith.index_cast %get3A_1188 : i32 to index
    %get3A_1190 = arith.constant 64 : index
    %get3A_1191 = tpu.vector_load %arg5[%get3A_1189, %get3A_1190] {strides = array<i32>} : memref<26x128xf32, #tpu.memory_space<vmem>>, vector<16xf32>,
    %bitcast3A_1192 = vector.bitcast %get3A_1191 : vector<16xf32> to vector<16xi32>
    %swap3A_1193 = arith.constant 16 : i32
    %swap3A_1194 = arith.index_cast %swap3A_1193 : i32 to index
    %swap3A_1195 = arith.constant 64 : index
    %swap3A_1196 = tpu.vector_load %arg6[%swap3A_1194, %swap3A_1195] {strides = array<i32>} : memref<26x128xi32, #tpu.memory_space<vmem>>, vector<16xi32>,
    tpu.vector_store %arg6[%swap3A_1194, %swap3A_1195], %bitcast3A_1192 {strides = array<i32>} : memref<26x128xi32, #tpu.memory_space<vmem>>, vector<16xi32>,
    %get3A_1197 = arith.constant 16 : i32
    %get3A_1198 = arith.index_cast %get3A_1197 : i32 to index
    %get3A_1199 = arith.constant 80 : index
    %get3A_1200 = tpu.vector_load %arg5[%get3A_1198, %get3A_1199] {strides = array<i32>} : memref<26x128xf32, #tpu.memory_space<vmem>>, vector<16xf32>,
    %bitcast3A_1201 = vector.bitcast %get3A_1200 : vector<16xf32> to vector<16xi32>
    %swap3A_1202 = arith.constant 16 : i32
    %swap3A_1203 = arith.index_cast %swap3A_1202 : i32 to index
    %swap3A_1204 = arith.constant 80 : index
    %swap3A_1205 = tpu.vector_load %arg6[%swap3A_1203, %swap3A_1204] {strides = array<i32>} : memref<26x128xi32, #tpu.memory_space<vmem>>, vector<16xi32>,
    tpu.vector_store %arg6[%swap3A_1203, %swap3A_1204], %bitcast3A_1201 {strides = array<i32>} : memref<26x128xi32, #tpu.memory_space<vmem>>, vector<16xi32>,
    %get3A_1206 = arith.constant 16 : i32
    %get3A_1207 = arith.index_cast %get3A_1206 : i32 to index
    %get3A_1208 = arith.constant 96 : index
    %get3A_1209 = tpu.vector_load %arg5[%get3A_1207, %get3A_1208] {strides = array<i32>} : memref<26x128xf32, #tpu.memory_space<vmem>>, vector<16xf32>,
    %bitcast3A_1210 = vector.bitcast %get3A_1209 : vector<16xf32> to vector<16xi32>
    %swap3A_1211 = arith.constant 16 : i32
    %swap3A_1212 = arith.index_cast %swap3A_1211 : i32 to index
    %swap3A_1213 = arith.constant 96 : index
    %swap3A_1214 = tpu.vector_load %arg6[%swap3A_1212, %swap3A_1213] {strides = array<i32>} : memref<26x128xi32, #tpu.memory_space<vmem>>, vector<16xi32>,
    tpu.vector_store %arg6[%swap3A_1212, %swap3A_1213], %bitcast3A_1210 {strides = array<i32>} : memref<26x128xi32, #tpu.memory_space<vmem>>, vector<16xi32>,
    %get3A_1215 = arith.constant 16 : i32
    %get3A_1216 = arith.index_cast %get3A_1215 : i32 to index
    %get3A_1217 = arith.constant 112 : index
    %get3A_1218 = tpu.vector_load %arg5[%get3A_1216, %get3A_1217] {strides = array<i32>} : memref<26x128xf32, #tpu.memory_space<vmem>>, vector<16xf32>,
    %bitcast3A_1219 = vector.bitcast %get3A_1218 : vector<16xf32> to vector<16xi32>
    %swap3A_1220 = arith.constant 16 : i32
    %swap3A_1221 = arith.index_cast %swap3A_1220 : i32 to index
    %swap3A_1222 = arith.constant 112 : index
    %swap3A_1223 = tpu.vector_load %arg6[%swap3A_1221, %swap3A_1222] {strides = array<i32>} : memref<26x128xi32, #tpu.memory_space<vmem>>, vector<16xi32>,
    tpu.vector_store %arg6[%swap3A_1221, %swap3A_1222], %bitcast3A_1219 {strides = array<i32>} : memref<26x128xi32, #tpu.memory_space<vmem>>, vector<16xi32>,
    %get3A_1224 = arith.constant 17 : i32
    %get3A_1225 = arith.index_cast %get3A_1224 : i32 to index
    %get3A_1226 = arith.constant 0 : index
    %get3A_1227 = tpu.vector_load %arg5[%get3A_1225, %get3A_1226] {strides = array<i32>} : memref<26x128xf32, #tpu.memory_space<vmem>>, vector<16xf32>,
    %bitcast3A_1228 = vector.bitcast %get3A_1227 : vector<16xf32> to vector<16xi32>
    %swap3A_1229 = arith.constant 17 : i32
    %swap3A_1230 = arith.index_cast %swap3A_1229 : i32 to index
    %swap3A_1231 = arith.constant 0 : index
    %swap3A_1232 = tpu.vector_load %arg6[%swap3A_1230, %swap3A_1231] {strides = array<i32>} : memref<26x128xi32, #tpu.memory_space<vmem>>, vector<16xi32>,
    tpu.vector_store %arg6[%swap3A_1230, %swap3A_1231], %bitcast3A_1228 {strides = array<i32>} : memref<26x128xi32, #tpu.memory_space<vmem>>, vector<16xi32>,
    %get3A_1233 = arith.constant 17 : i32
    %get3A_1234 = arith.index_cast %get3A_1233 : i32 to index
    %get3A_1235 = arith.constant 16 : index
    %get3A_1236 = tpu.vector_load %arg5[%get3A_1234, %get3A_1235] {strides = array<i32>} : memref<26x128xf32, #tpu.memory_space<vmem>>, vector<16xf32>,
    %bitcast3A_1237 = vector.bitcast %get3A_1236 : vector<16xf32> to vector<16xi32>
    %swap3A_1238 = arith.constant 17 : i32
    %swap3A_1239 = arith.index_cast %swap3A_1238 : i32 to index
    %swap3A_1240 = arith.constant 16 : index
    %swap3A_1241 = tpu.vector_load %arg6[%swap3A_1239, %swap3A_1240] {strides = array<i32>} : memref<26x128xi32, #tpu.memory_space<vmem>>, vector<16xi32>,
    tpu.vector_store %arg6[%swap3A_1239, %swap3A_1240], %bitcast3A_1237 {strides = array<i32>} : memref<26x128xi32, #tpu.memory_space<vmem>>, vector<16xi32>,
    %get3A_1242 = arith.constant 17 : i32
    %get3A_1243 = arith.index_cast %get3A_1242 : i32 to index
    %get3A_1244 = arith.constant 32 : index
    %get3A_1245 = tpu.vector_load %arg5[%get3A_1243, %get3A_1244] {strides = array<i32>} : memref<26x128xf32, #tpu.memory_space<vmem>>, vector<16xf32>,
    %bitcast3A_1246 = vector.bitcast %get3A_1245 : vector<16xf32> to vector<16xi32>
    %swap3A_1247 = arith.constant 17 : i32
    %swap3A_1248 = arith.index_cast %swap3A_1247 : i32 to index
    %swap3A_1249 = arith.constant 32 : index
    %swap3A_1250 = tpu.vector_load %arg6[%swap3A_1248, %swap3A_1249] {strides = array<i32>} : memref<26x128xi32, #tpu.memory_space<vmem>>, vector<16xi32>,
    tpu.vector_store %arg6[%swap3A_1248, %swap3A_1249], %bitcast3A_1246 {strides = array<i32>} : memref<26x128xi32, #tpu.memory_space<vmem>>, vector<16xi32>,
    %get3A_1251 = arith.constant 17 : i32
    %get3A_1252 = arith.index_cast %get3A_1251 : i32 to index
    %get3A_1253 = arith.constant 48 : index
    %get3A_1254 = tpu.vector_load %arg5[%get3A_1252, %get3A_1253] {strides = array<i32>} : memref<26x128xf32, #tpu.memory_space<vmem>>, vector<16xf32>,
    %bitcast3A_1255 = vector.bitcast %get3A_1254 : vector<16xf32> to vector<16xi32>
    %swap3A_1256 = arith.constant 17 : i32
    %swap3A_1257 = arith.index_cast %swap3A_1256 : i32 to index
    %swap3A_1258 = arith.constant 48 : index
    %swap3A_1259 = tpu.vector_load %arg6[%swap3A_1257, %swap3A_1258] {strides = array<i32>} : memref<26x128xi32, #tpu.memory_space<vmem>>, vector<16xi32>,
    tpu.vector_store %arg6[%swap3A_1257, %swap3A_1258], %bitcast3A_1255 {strides = array<i32>} : memref<26x128xi32, #tpu.memory_space<vmem>>, vector<16xi32>,
    %get3A_1260 = arith.constant 17 : i32
    %get3A_1261 = arith.index_cast %get3A_1260 : i32 to index
    %get3A_1262 = arith.constant 64 : index
    %get3A_1263 = tpu.vector_load %arg5[%get3A_1261, %get3A_1262] {strides = array<i32>} : memref<26x128xf32, #tpu.memory_space<vmem>>, vector<16xf32>,
    %bitcast3A_1264 = vector.bitcast %get3A_1263 : vector<16xf32> to vector<16xi32>
    %swap3A_1265 = arith.constant 17 : i32
    %swap3A_1266 = arith.index_cast %swap3A_1265 : i32 to index
    %swap3A_1267 = arith.constant 64 : index
    %swap3A_1268 = tpu.vector_load %arg6[%swap3A_1266, %swap3A_1267] {strides = array<i32>} : memref<26x128xi32, #tpu.memory_space<vmem>>, vector<16xi32>,
    tpu.vector_store %arg6[%swap3A_1266, %swap3A_1267], %bitcast3A_1264 {strides = array<i32>} : memref<26x128xi32, #tpu.memory_space<vmem>>, vector<16xi32>,
    %get3A_1269 = arith.constant 17 : i32
    %get3A_1270 = arith.index_cast %get3A_1269 : i32 to index
    %get3A_1271 = arith.constant 80 : index
    %get3A_1272 = tpu.vector_load %arg5[%get3A_1270, %get3A_1271] {strides = array<i32>} : memref<26x128xf32, #tpu.memory_space<vmem>>, vector<16xf32>,
    %bitcast3A_1273 = vector.bitcast %get3A_1272 : vector<16xf32> to vector<16xi32>
    %swap3A_1274 = arith.constant 17 : i32
    %swap3A_1275 = arith.index_cast %swap3A_1274 : i32 to index
    %swap3A_1276 = arith.constant 80 : index
    %swap3A_1277 = tpu.vector_load %arg6[%swap3A_1275, %swap3A_1276] {strides = array<i32>} : memref<26x128xi32, #tpu.memory_space<vmem>>, vector<16xi32>,
    tpu.vector_store %arg6[%swap3A_1275, %swap3A_1276], %bitcast3A_1273 {strides = array<i32>} : memref<26x128xi32, #tpu.memory_space<vmem>>, vector<16xi32>,
    %get3A_1278 = arith.constant 17 : i32
    %get3A_1279 = arith.index_cast %get3A_1278 : i32 to index
    %get3A_1280 = arith.constant 96 : index
    %get3A_1281 = tpu.vector_load %arg5[%get3A_1279, %get3A_1280] {strides = array<i32>} : memref<26x128xf32, #tpu.memory_space<vmem>>, vector<16xf32>,
    %bitcast3A_1282 = vector.bitcast %get3A_1281 : vector<16xf32> to vector<16xi32>
    %swap3A_1283 = arith.constant 17 : i32
    %swap3A_1284 = arith.index_cast %swap3A_1283 : i32 to index
    %swap3A_1285 = arith.constant 96 : index
    %swap3A_1286 = tpu.vector_load %arg6[%swap3A_1284, %swap3A_1285] {strides = array<i32>} : memref<26x128xi32, #tpu.memory_space<vmem>>, vector<16xi32>,
    tpu.vector_store %arg6[%swap3A_1284, %swap3A_1285], %bitcast3A_1282 {strides = array<i32>} : memref<26x128xi32, #tpu.memory_space<vmem>>, vector<16xi32>,
    %get3A_1287 = arith.constant 17 : i32
    %get3A_1288 = arith.index_cast %get3A_1287 : i32 to index
    %get3A_1289 = arith.constant 112 : index
    %get3A_1290 = tpu.vector_load %arg5[%get3A_1288, %get3A_1289] {strides = array<i32>} : memref<26x128xf32, #tpu.memory_space<vmem>>, vector<16xf32>,
    %bitcast3A_1291 = vector.bitcast %get3A_1290 : vector<16xf32> to vector<16xi32>
    %swap3A_1292 = arith.constant 17 : i32
    %swap3A_1293 = arith.index_cast %swap3A_1292 : i32 to index
    %swap3A_1294 = arith.constant 112 : index
    %swap3A_1295 = tpu.vector_load %arg6[%swap3A_1293, %swap3A_1294] {strides = array<i32>} : memref<26x128xi32, #tpu.memory_space<vmem>>, vector<16xi32>,
    tpu.vector_store %arg6[%swap3A_1293, %swap3A_1294], %bitcast3A_1291 {strides = array<i32>} : memref<26x128xi32, #tpu.memory_space<vmem>>, vector<16xi32>,
    %get3A_1296 = arith.constant 18 : i32
    %get3A_1297 = arith.index_cast %get3A_1296 : i32 to index
    %get3A_1298 = arith.constant 0 : index
    %get3A_1299 = tpu.vector_load %arg5[%get3A_1297, %get3A_1298] {strides = array<i32>} : memref<26x128xf32, #tpu.memory_space<vmem>>, vector<16xf32>,
    %bitcast3A_1300 = vector.bitcast %get3A_1299 : vector<16xf32> to vector<16xi32>
    %swap3A_1301 = arith.constant 18 : i32
    %swap3A_1302 = arith.index_cast %swap3A_1301 : i32 to index
    %swap3A_1303 = arith.constant 0 : index
    %swap3A_1304 = tpu.vector_load %arg6[%swap3A_1302, %swap3A_1303] {strides = array<i32>} : memref<26x128xi32, #tpu.memory_space<vmem>>, vector<16xi32>,
    tpu.vector_store %arg6[%swap3A_1302, %swap3A_1303], %bitcast3A_1300 {strides = array<i32>} : memref<26x128xi32, #tpu.memory_space<vmem>>, vector<16xi32>,
    %get3A_1305 = arith.constant 18 : i32
    %get3A_1306 = arith.index_cast %get3A_1305 : i32 to index
    %get3A_1307 = arith.constant 16 : index
    %get3A_1308 = tpu.vector_load %arg5[%get3A_1306, %get3A_1307] {strides = array<i32>} : memref<26x128xf32, #tpu.memory_space<vmem>>, vector<16xf32>,
    %bitcast3A_1309 = vector.bitcast %get3A_1308 : vector<16xf32> to vector<16xi32>
    %swap3A_1310 = arith.constant 18 : i32
    %swap3A_1311 = arith.index_cast %swap3A_1310 : i32 to index
    %swap3A_1312 = arith.constant 16 : index
    %swap3A_1313 = tpu.vector_load %arg6[%swap3A_1311, %swap3A_1312] {strides = array<i32>} : memref<26x128xi32, #tpu.memory_space<vmem>>, vector<16xi32>,
    tpu.vector_store %arg6[%swap3A_1311, %swap3A_1312], %bitcast3A_1309 {strides = array<i32>} : memref<26x128xi32, #tpu.memory_space<vmem>>, vector<16xi32>,
    %get3A_1314 = arith.constant 18 : i32
    %get3A_1315 = arith.index_cast %get3A_1314 : i32 to index
    %get3A_1316 = arith.constant 32 : index
    %get3A_1317 = tpu.vector_load %arg5[%get3A_1315, %get3A_1316] {strides = array<i32>} : memref<26x128xf32, #tpu.memory_space<vmem>>, vector<16xf32>,
    %bitcast3A_1318 = vector.bitcast %get3A_1317 : vector<16xf32> to vector<16xi32>
    %swap3A_1319 = arith.constant 18 : i32
    %swap3A_1320 = arith.index_cast %swap3A_1319 : i32 to index
    %swap3A_1321 = arith.constant 32 : index
    %swap3A_1322 = tpu.vector_load %arg6[%swap3A_1320, %swap3A_1321] {strides = array<i32>} : memref<26x128xi32, #tpu.memory_space<vmem>>, vector<16xi32>,
    tpu.vector_store %arg6[%swap3A_1320, %swap3A_1321], %bitcast3A_1318 {strides = array<i32>} : memref<26x128xi32, #tpu.memory_space<vmem>>, vector<16xi32>,
    %get3A_1323 = arith.constant 18 : i32
    %get3A_1324 = arith.index_cast %get3A_1323 : i32 to index
    %get3A_1325 = arith.constant 48 : index
    %get3A_1326 = tpu.vector_load %arg5[%get3A_1324, %get3A_1325] {strides = array<i32>} : memref<26x128xf32, #tpu.memory_space<vmem>>, vector<16xf32>,
    %bitcast3A_1327 = vector.bitcast %get3A_1326 : vector<16xf32> to vector<16xi32>
    %swap3A_1328 = arith.constant 18 : i32
    %swap3A_1329 = arith.index_cast %swap3A_1328 : i32 to index
    %swap3A_1330 = arith.constant 48 : index
    %swap3A_1331 = tpu.vector_load %arg6[%swap3A_1329, %swap3A_1330] {strides = array<i32>} : memref<26x128xi32, #tpu.memory_space<vmem>>, vector<16xi32>,
    tpu.vector_store %arg6[%swap3A_1329, %swap3A_1330], %bitcast3A_1327 {strides = array<i32>} : memref<26x128xi32, #tpu.memory_space<vmem>>, vector<16xi32>,
    %get3A_1332 = arith.constant 18 : i32
    %get3A_1333 = arith.index_cast %get3A_1332 : i32 to index
    %get3A_1334 = arith.constant 64 : index
    %get3A_1335 = tpu.vector_load %arg5[%get3A_1333, %get3A_1334] {strides = array<i32>} : memref<26x128xf32, #tpu.memory_space<vmem>>, vector<16xf32>,
    %bitcast3A_1336 = vector.bitcast %get3A_1335 : vector<16xf32> to vector<16xi32>
    %swap3A_1337 = arith.constant 18 : i32
    %swap3A_1338 = arith.index_cast %swap3A_1337 : i32 to index
    %swap3A_1339 = arith.constant 64 : index
    %swap3A_1340 = tpu.vector_load %arg6[%swap3A_1338, %swap3A_1339] {strides = array<i32>} : memref<26x128xi32, #tpu.memory_space<vmem>>, vector<16xi32>,
    tpu.vector_store %arg6[%swap3A_1338, %swap3A_1339], %bitcast3A_1336 {strides = array<i32>} : memref<26x128xi32, #tpu.memory_space<vmem>>, vector<16xi32>,
    %get3A_1341 = arith.constant 18 : i32
    %get3A_1342 = arith.index_cast %get3A_1341 : i32 to index
    %get3A_1343 = arith.constant 80 : index
    %get3A_1344 = tpu.vector_load %arg5[%get3A_1342, %get3A_1343] {strides = array<i32>} : memref<26x128xf32, #tpu.memory_space<vmem>>, vector<16xf32>,
    %bitcast3A_1345 = vector.bitcast %get3A_1344 : vector<16xf32> to vector<16xi32>
    %swap3A_1346 = arith.constant 18 : i32
    %swap3A_1347 = arith.index_cast %swap3A_1346 : i32 to index
    %swap3A_1348 = arith.constant 80 : index
    %swap3A_1349 = tpu.vector_load %arg6[%swap3A_1347, %swap3A_1348] {strides = array<i32>} : memref<26x128xi32, #tpu.memory_space<vmem>>, vector<16xi32>,
    tpu.vector_store %arg6[%swap3A_1347, %swap3A_1348], %bitcast3A_1345 {strides = array<i32>} : memref<26x128xi32, #tpu.memory_space<vmem>>, vector<16xi32>,
    %get3A_1350 = arith.constant 18 : i32
    %get3A_1351 = arith.index_cast %get3A_1350 : i32 to index
    %get3A_1352 = arith.constant 96 : index
    %get3A_1353 = tpu.vector_load %arg5[%get3A_1351, %get3A_1352] {strides = array<i32>} : memref<26x128xf32, #tpu.memory_space<vmem>>, vector<16xf32>,
    %bitcast3A_1354 = vector.bitcast %get3A_1353 : vector<16xf32> to vector<16xi32>
    %swap3A_1355 = arith.constant 18 : i32
    %swap3A_1356 = arith.index_cast %swap3A_1355 : i32 to index
    %swap3A_1357 = arith.constant 96 : index
    %swap3A_1358 = tpu.vector_load %arg6[%swap3A_1356, %swap3A_1357] {strides = array<i32>} : memref<26x128xi32, #tpu.memory_space<vmem>>, vector<16xi32>,
    tpu.vector_store %arg6[%swap3A_1356, %swap3A_1357], %bitcast3A_1354 {strides = array<i32>} : memref<26x128xi32, #tpu.memory_space<vmem>>, vector<16xi32>,
    %get3A_1359 = arith.constant 18 : i32
    %get3A_1360 = arith.index_cast %get3A_1359 : i32 to index
    %get3A_1361 = arith.constant 112 : index
    %get3A_1362 = tpu.vector_load %arg5[%get3A_1360, %get3A_1361] {strides = array<i32>} : memref<26x128xf32, #tpu.memory_space<vmem>>, vector<16xf32>,
    %bitcast3A_1363 = vector.bitcast %get3A_1362 : vector<16xf32> to vector<16xi32>
    %swap3A_1364 = arith.constant 18 : i32
    %swap3A_1365 = arith.index_cast %swap3A_1364 : i32 to index
    %swap3A_1366 = arith.constant 112 : index
    %swap3A_1367 = tpu.vector_load %arg6[%swap3A_1365, %swap3A_1366] {strides = array<i32>} : memref<26x128xi32, #tpu.memory_space<vmem>>, vector<16xi32>,
    tpu.vector_store %arg6[%swap3A_1365, %swap3A_1366], %bitcast3A_1363 {strides = array<i32>} : memref<26x128xi32, #tpu.memory_space<vmem>>, vector<16xi32>,
    %get3A_1368 = arith.constant 19 : i32
    %get3A_1369 = arith.index_cast %get3A_1368 : i32 to index
    %get3A_1370 = arith.constant 0 : index
    %get3A_1371 = tpu.vector_load %arg5[%get3A_1369, %get3A_1370] {strides = array<i32>} : memref<26x128xf32, #tpu.memory_space<vmem>>, vector<16xf32>,
    %bitcast3A_1372 = vector.bitcast %get3A_1371 : vector<16xf32> to vector<16xi32>
    %swap3A_1373 = arith.constant 19 : i32
    %swap3A_1374 = arith.index_cast %swap3A_1373 : i32 to index
    %swap3A_1375 = arith.constant 0 : index
    %swap3A_1376 = tpu.vector_load %arg6[%swap3A_1374, %swap3A_1375] {strides = array<i32>} : memref<26x128xi32, #tpu.memory_space<vmem>>, vector<16xi32>,
    tpu.vector_store %arg6[%swap3A_1374, %swap3A_1375], %bitcast3A_1372 {strides = array<i32>} : memref<26x128xi32, #tpu.memory_space<vmem>>, vector<16xi32>,
    %get3A_1377 = arith.constant 19 : i32
    %get3A_1378 = arith.index_cast %get3A_1377 : i32 to index
    %get3A_1379 = arith.constant 16 : index
    %get3A_1380 = tpu.vector_load %arg5[%get3A_1378, %get3A_1379] {strides = array<i32>} : memref<26x128xf32, #tpu.memory_space<vmem>>, vector<16xf32>,
    %bitcast3A_1381 = vector.bitcast %get3A_1380 : vector<16xf32> to vector<16xi32>
    %swap3A_1382 = arith.constant 19 : i32
    %swap3A_1383 = arith.index_cast %swap3A_1382 : i32 to index
    %swap3A_1384 = arith.constant 16 : index
    %swap3A_1385 = tpu.vector_load %arg6[%swap3A_1383, %swap3A_1384] {strides = array<i32>} : memref<26x128xi32, #tpu.memory_space<vmem>>, vector<16xi32>,
    tpu.vector_store %arg6[%swap3A_1383, %swap3A_1384], %bitcast3A_1381 {strides = array<i32>} : memref<26x128xi32, #tpu.memory_space<vmem>>, vector<16xi32>,
    %get3A_1386 = arith.constant 19 : i32
    %get3A_1387 = arith.index_cast %get3A_1386 : i32 to index
    %get3A_1388 = arith.constant 32 : index
    %get3A_1389 = tpu.vector_load %arg5[%get3A_1387, %get3A_1388] {strides = array<i32>} : memref<26x128xf32, #tpu.memory_space<vmem>>, vector<16xf32>,
    %bitcast3A_1390 = vector.bitcast %get3A_1389 : vector<16xf32> to vector<16xi32>
    %swap3A_1391 = arith.constant 19 : i32
    %swap3A_1392 = arith.index_cast %swap3A_1391 : i32 to index
    %swap3A_1393 = arith.constant 32 : index
    %swap3A_1394 = tpu.vector_load %arg6[%swap3A_1392, %swap3A_1393] {strides = array<i32>} : memref<26x128xi32, #tpu.memory_space<vmem>>, vector<16xi32>,
    tpu.vector_store %arg6[%swap3A_1392, %swap3A_1393], %bitcast3A_1390 {strides = array<i32>} : memref<26x128xi32, #tpu.memory_space<vmem>>, vector<16xi32>,
    %get3A_1395 = arith.constant 19 : i32
    %get3A_1396 = arith.index_cast %get3A_1395 : i32 to index
    %get3A_1397 = arith.constant 48 : index
    %get3A_1398 = tpu.vector_load %arg5[%get3A_1396, %get3A_1397] {strides = array<i32>} : memref<26x128xf32, #tpu.memory_space<vmem>>, vector<16xf32>,
    %bitcast3A_1399 = vector.bitcast %get3A_1398 : vector<16xf32> to vector<16xi32>
    %swap3A_1400 = arith.constant 19 : i32
    %swap3A_1401 = arith.index_cast %swap3A_1400 : i32 to index
    %swap3A_1402 = arith.constant 48 : index
    %swap3A_1403 = tpu.vector_load %arg6[%swap3A_1401, %swap3A_1402] {strides = array<i32>} : memref<26x128xi32, #tpu.memory_space<vmem>>, vector<16xi32>,
    tpu.vector_store %arg6[%swap3A_1401, %swap3A_1402], %bitcast3A_1399 {strides = array<i32>} : memref<26x128xi32, #tpu.memory_space<vmem>>, vector<16xi32>,
    %get3A_1404 = arith.constant 19 : i32
    %get3A_1405 = arith.index_cast %get3A_1404 : i32 to index
    %get3A_1406 = arith.constant 64 : index
    %get3A_1407 = tpu.vector_load %arg5[%get3A_1405, %get3A_1406] {strides = array<i32>} : memref<26x128xf32, #tpu.memory_space<vmem>>, vector<16xf32>,
    %bitcast3A_1408 = vector.bitcast %get3A_1407 : vector<16xf32> to vector<16xi32>
    %swap3A_1409 = arith.constant 19 : i32
    %swap3A_1410 = arith.index_cast %swap3A_1409 : i32 to index
    %swap3A_1411 = arith.constant 64 : index
    %swap3A_1412 = tpu.vector_load %arg6[%swap3A_1410, %swap3A_1411] {strides = array<i32>} : memref<26x128xi32, #tpu.memory_space<vmem>>, vector<16xi32>,
    tpu.vector_store %arg6[%swap3A_1410, %swap3A_1411], %bitcast3A_1408 {strides = array<i32>} : memref<26x128xi32, #tpu.memory_space<vmem>>, vector<16xi32>,
    %get3A_1413 = arith.constant 19 : i32
    %get3A_1414 = arith.index_cast %get3A_1413 : i32 to index
    %get3A_1415 = arith.constant 80 : index
    %get3A_1416 = tpu.vector_load %arg5[%get3A_1414, %get3A_1415] {strides = array<i32>} : memref<26x128xf32, #tpu.memory_space<vmem>>, vector<16xf32>,
    %bitcast3A_1417 = vector.bitcast %get3A_1416 : vector<16xf32> to vector<16xi32>
    %swap3A_1418 = arith.constant 19 : i32
    %swap3A_1419 = arith.index_cast %swap3A_1418 : i32 to index
    %swap3A_1420 = arith.constant 80 : index
    %swap3A_1421 = tpu.vector_load %arg6[%swap3A_1419, %swap3A_1420] {strides = array<i32>} : memref<26x128xi32, #tpu.memory_space<vmem>>, vector<16xi32>,
    tpu.vector_store %arg6[%swap3A_1419, %swap3A_1420], %bitcast3A_1417 {strides = array<i32>} : memref<26x128xi32, #tpu.memory_space<vmem>>, vector<16xi32>,
    %get3A_1422 = arith.constant 19 : i32
    %get3A_1423 = arith.index_cast %get3A_1422 : i32 to index
    %get3A_1424 = arith.constant 96 : index
    %get3A_1425 = tpu.vector_load %arg5[%get3A_1423, %get3A_1424] {strides = array<i32>} : memref<26x128xf32, #tpu.memory_space<vmem>>, vector<16xf32>,
    %bitcast3A_1426 = vector.bitcast %get3A_1425 : vector<16xf32> to vector<16xi32>
    %swap3A_1427 = arith.constant 19 : i32
    %swap3A_1428 = arith.index_cast %swap3A_1427 : i32 to index
    %swap3A_1429 = arith.constant 96 : index
    %swap3A_1430 = tpu.vector_load %arg6[%swap3A_1428, %swap3A_1429] {strides = array<i32>} : memref<26x128xi32, #tpu.memory_space<vmem>>, vector<16xi32>,
    tpu.vector_store %arg6[%swap3A_1428, %swap3A_1429], %bitcast3A_1426 {strides = array<i32>} : memref<26x128xi32, #tpu.memory_space<vmem>>, vector<16xi32>,
    %get3A_1431 = arith.constant 19 : i32
    %get3A_1432 = arith.index_cast %get3A_1431 : i32 to index
    %get3A_1433 = arith.constant 112 : index
    %get3A_1434 = tpu.vector_load %arg5[%get3A_1432, %get3A_1433] {strides = array<i32>} : memref<26x128xf32, #tpu.memory_space<vmem>>, vector<16xf32>,
    %bitcast3A_1435 = vector.bitcast %get3A_1434 : vector<16xf32> to vector<16xi32>
    %swap3A_1436 = arith.constant 19 : i32
    %swap3A_1437 = arith.index_cast %swap3A_1436 : i32 to index
    %swap3A_1438 = arith.constant 112 : index
    %swap3A_1439 = tpu.vector_load %arg6[%swap3A_1437, %swap3A_1438] {strides = array<i32>} : memref<26x128xi32, #tpu.memory_space<vmem>>, vector<16xi32>,
    tpu.vector_store %arg6[%swap3A_1437, %swap3A_1438], %bitcast3A_1435 {strides = array<i32>} : memref<26x128xi32, #tpu.memory_space<vmem>>, vector<16xi32>,
    %get3A_1440 = arith.constant 20 : i32
    %get3A_1441 = arith.index_cast %get3A_1440 : i32 to index
    %get3A_1442 = arith.constant 0 : index
    %get3A_1443 = tpu.vector_load %arg5[%get3A_1441, %get3A_1442] {strides = array<i32>} : memref<26x128xf32, #tpu.memory_space<vmem>>, vector<16xf32>,
    %bitcast3A_1444 = vector.bitcast %get3A_1443 : vector<16xf32> to vector<16xi32>
    %swap3A_1445 = arith.constant 20 : i32
    %swap3A_1446 = arith.index_cast %swap3A_1445 : i32 to index
    %swap3A_1447 = arith.constant 0 : index
    %swap3A_1448 = tpu.vector_load %arg6[%swap3A_1446, %swap3A_1447] {strides = array<i32>} : memref<26x128xi32, #tpu.memory_space<vmem>>, vector<16xi32>,
    tpu.vector_store %arg6[%swap3A_1446, %swap3A_1447], %bitcast3A_1444 {strides = array<i32>} : memref<26x128xi32, #tpu.memory_space<vmem>>, vector<16xi32>,
    %get3A_1449 = arith.constant 20 : i32
    %get3A_1450 = arith.index_cast %get3A_1449 : i32 to index
    %get3A_1451 = arith.constant 16 : index
    %get3A_1452 = tpu.vector_load %arg5[%get3A_1450, %get3A_1451] {strides = array<i32>} : memref<26x128xf32, #tpu.memory_space<vmem>>, vector<16xf32>,
    %bitcast3A_1453 = vector.bitcast %get3A_1452 : vector<16xf32> to vector<16xi32>
    %swap3A_1454 = arith.constant 20 : i32
    %swap3A_1455 = arith.index_cast %swap3A_1454 : i32 to index
    %swap3A_1456 = arith.constant 16 : index
    %swap3A_1457 = tpu.vector_load %arg6[%swap3A_1455, %swap3A_1456] {strides = array<i32>} : memref<26x128xi32, #tpu.memory_space<vmem>>, vector<16xi32>,
    tpu.vector_store %arg6[%swap3A_1455, %swap3A_1456], %bitcast3A_1453 {strides = array<i32>} : memref<26x128xi32, #tpu.memory_space<vmem>>, vector<16xi32>,
    %get3A_1458 = arith.constant 20 : i32
    %get3A_1459 = arith.index_cast %get3A_1458 : i32 to index
    %get3A_1460 = arith.constant 32 : index
    %get3A_1461 = tpu.vector_load %arg5[%get3A_1459, %get3A_1460] {strides = array<i32>} : memref<26x128xf32, #tpu.memory_space<vmem>>, vector<16xf32>,
    %bitcast3A_1462 = vector.bitcast %get3A_1461 : vector<16xf32> to vector<16xi32>
    %swap3A_1463 = arith.constant 20 : i32
    %swap3A_1464 = arith.index_cast %swap3A_1463 : i32 to index
    %swap3A_1465 = arith.constant 32 : index
    %swap3A_1466 = tpu.vector_load %arg6[%swap3A_1464, %swap3A_1465] {strides = array<i32>} : memref<26x128xi32, #tpu.memory_space<vmem>>, vector<16xi32>,
    tpu.vector_store %arg6[%swap3A_1464, %swap3A_1465], %bitcast3A_1462 {strides = array<i32>} : memref<26x128xi32, #tpu.memory_space<vmem>>, vector<16xi32>,
    %get3A_1467 = arith.constant 20 : i32
    %get3A_1468 = arith.index_cast %get3A_1467 : i32 to index
    %get3A_1469 = arith.constant 48 : index
    %get3A_1470 = tpu.vector_load %arg5[%get3A_1468, %get3A_1469] {strides = array<i32>} : memref<26x128xf32, #tpu.memory_space<vmem>>, vector<16xf32>,
    %bitcast3A_1471 = vector.bitcast %get3A_1470 : vector<16xf32> to vector<16xi32>
    %swap3A_1472 = arith.constant 20 : i32
    %swap3A_1473 = arith.index_cast %swap3A_1472 : i32 to index
    %swap3A_1474 = arith.constant 48 : index
    %swap3A_1475 = tpu.vector_load %arg6[%swap3A_1473, %swap3A_1474] {strides = array<i32>} : memref<26x128xi32, #tpu.memory_space<vmem>>, vector<16xi32>,
    tpu.vector_store %arg6[%swap3A_1473, %swap3A_1474], %bitcast3A_1471 {strides = array<i32>} : memref<26x128xi32, #tpu.memory_space<vmem>>, vector<16xi32>,
    %get3A_1476 = arith.constant 20 : i32
    %get3A_1477 = arith.index_cast %get3A_1476 : i32 to index
    %get3A_1478 = arith.constant 64 : index
    %get3A_1479 = tpu.vector_load %arg5[%get3A_1477, %get3A_1478] {strides = array<i32>} : memref<26x128xf32, #tpu.memory_space<vmem>>, vector<16xf32>,
    %bitcast3A_1480 = vector.bitcast %get3A_1479 : vector<16xf32> to vector<16xi32>
    %swap3A_1481 = arith.constant 20 : i32
    %swap3A_1482 = arith.index_cast %swap3A_1481 : i32 to index
    %swap3A_1483 = arith.constant 64 : index
    %swap3A_1484 = tpu.vector_load %arg6[%swap3A_1482, %swap3A_1483] {strides = array<i32>} : memref<26x128xi32, #tpu.memory_space<vmem>>, vector<16xi32>,
    tpu.vector_store %arg6[%swap3A_1482, %swap3A_1483], %bitcast3A_1480 {strides = array<i32>} : memref<26x128xi32, #tpu.memory_space<vmem>>, vector<16xi32>,
    %get3A_1485 = arith.constant 20 : i32
    %get3A_1486 = arith.index_cast %get3A_1485 : i32 to index
    %get3A_1487 = arith.constant 80 : index
    %get3A_1488 = tpu.vector_load %arg5[%get3A_1486, %get3A_1487] {strides = array<i32>} : memref<26x128xf32, #tpu.memory_space<vmem>>, vector<16xf32>,
    %bitcast3A_1489 = vector.bitcast %get3A_1488 : vector<16xf32> to vector<16xi32>
    %swap3A_1490 = arith.constant 20 : i32
    %swap3A_1491 = arith.index_cast %swap3A_1490 : i32 to index
    %swap3A_1492 = arith.constant 80 : index
    %swap3A_1493 = tpu.vector_load %arg6[%swap3A_1491, %swap3A_1492] {strides = array<i32>} : memref<26x128xi32, #tpu.memory_space<vmem>>, vector<16xi32>,
    tpu.vector_store %arg6[%swap3A_1491, %swap3A_1492], %bitcast3A_1489 {strides = array<i32>} : memref<26x128xi32, #tpu.memory_space<vmem>>, vector<16xi32>,
    %get3A_1494 = arith.constant 20 : i32
    %get3A_1495 = arith.index_cast %get3A_1494 : i32 to index
    %get3A_1496 = arith.constant 96 : index
    %get3A_1497 = tpu.vector_load %arg5[%get3A_1495, %get3A_1496] {strides = array<i32>} : memref<26x128xf32, #tpu.memory_space<vmem>>, vector<16xf32>,
    %bitcast3A_1498 = vector.bitcast %get3A_1497 : vector<16xf32> to vector<16xi32>
    %swap3A_1499 = arith.constant 20 : i32
    %swap3A_1500 = arith.index_cast %swap3A_1499 : i32 to index
    %swap3A_1501 = arith.constant 96 : index
    %swap3A_1502 = tpu.vector_load %arg6[%swap3A_1500, %swap3A_1501] {strides = array<i32>} : memref<26x128xi32, #tpu.memory_space<vmem>>, vector<16xi32>,
    tpu.vector_store %arg6[%swap3A_1500, %swap3A_1501], %bitcast3A_1498 {strides = array<i32>} : memref<26x128xi32, #tpu.memory_space<vmem>>, vector<16xi32>,
    %get3A_1503 = arith.constant 20 : i32
    %get3A_1504 = arith.index_cast %get3A_1503 : i32 to index
    %get3A_1505 = arith.constant 112 : index
    %get3A_1506 = tpu.vector_load %arg5[%get3A_1504, %get3A_1505] {strides = array<i32>} : memref<26x128xf32, #tpu.memory_space<vmem>>, vector<16xf32>,
    %bitcast3A_1507 = vector.bitcast %get3A_1506 : vector<16xf32> to vector<16xi32>
    %swap3A_1508 = arith.constant 20 : i32
    %swap3A_1509 = arith.index_cast %swap3A_1508 : i32 to index
    %swap3A_1510 = arith.constant 112 : index
    %swap3A_1511 = tpu.vector_load %arg6[%swap3A_1509, %swap3A_1510] {strides = array<i32>} : memref<26x128xi32, #tpu.memory_space<vmem>>, vector<16xi32>,
    tpu.vector_store %arg6[%swap3A_1509, %swap3A_1510], %bitcast3A_1507 {strides = array<i32>} : memref<26x128xi32, #tpu.memory_space<vmem>>, vector<16xi32>,
    %get3A_1512 = arith.constant 21 : i32
    %get3A_1513 = arith.index_cast %get3A_1512 : i32 to index
    %get3A_1514 = arith.constant 0 : index
    %get3A_1515 = tpu.vector_load %arg5[%get3A_1513, %get3A_1514] {strides = array<i32>} : memref<26x128xf32, #tpu.memory_space<vmem>>, vector<16xf32>,
    %bitcast3A_1516 = vector.bitcast %get3A_1515 : vector<16xf32> to vector<16xi32>
    %swap3A_1517 = arith.constant 21 : i32
    %swap3A_1518 = arith.index_cast %swap3A_1517 : i32 to index
    %swap3A_1519 = arith.constant 0 : index
    %swap3A_1520 = tpu.vector_load %arg6[%swap3A_1518, %swap3A_1519] {strides = array<i32>} : memref<26x128xi32, #tpu.memory_space<vmem>>, vector<16xi32>,
    tpu.vector_store %arg6[%swap3A_1518, %swap3A_1519], %bitcast3A_1516 {strides = array<i32>} : memref<26x128xi32, #tpu.memory_space<vmem>>, vector<16xi32>,
    %get3A_1521 = arith.constant 21 : i32
    %get3A_1522 = arith.index_cast %get3A_1521 : i32 to index
    %get3A_1523 = arith.constant 16 : index
    %get3A_1524 = tpu.vector_load %arg5[%get3A_1522, %get3A_1523] {strides = array<i32>} : memref<26x128xf32, #tpu.memory_space<vmem>>, vector<16xf32>,
    %bitcast3A_1525 = vector.bitcast %get3A_1524 : vector<16xf32> to vector<16xi32>
    %swap3A_1526 = arith.constant 21 : i32
    %swap3A_1527 = arith.index_cast %swap3A_1526 : i32 to index
    %swap3A_1528 = arith.constant 16 : index
    %swap3A_1529 = tpu.vector_load %arg6[%swap3A_1527, %swap3A_1528] {strides = array<i32>} : memref<26x128xi32, #tpu.memory_space<vmem>>, vector<16xi32>,
    tpu.vector_store %arg6[%swap3A_1527, %swap3A_1528], %bitcast3A_1525 {strides = array<i32>} : memref<26x128xi32, #tpu.memory_space<vmem>>, vector<16xi32>,
    %get3A_1530 = arith.constant 21 : i32
    %get3A_1531 = arith.index_cast %get3A_1530 : i32 to index
    %get3A_1532 = arith.constant 32 : index
    %get3A_1533 = tpu.vector_load %arg5[%get3A_1531, %get3A_1532] {strides = array<i32>} : memref<26x128xf32, #tpu.memory_space<vmem>>, vector<16xf32>,
    %bitcast3A_1534 = vector.bitcast %get3A_1533 : vector<16xf32> to vector<16xi32>
    %swap3A_1535 = arith.constant 21 : i32
    %swap3A_1536 = arith.index_cast %swap3A_1535 : i32 to index
    %swap3A_1537 = arith.constant 32 : index
    %swap3A_1538 = tpu.vector_load %arg6[%swap3A_1536, %swap3A_1537] {strides = array<i32>} : memref<26x128xi32, #tpu.memory_space<vmem>>, vector<16xi32>,
    tpu.vector_store %arg6[%swap3A_1536, %swap3A_1537], %bitcast3A_1534 {strides = array<i32>} : memref<26x128xi32, #tpu.memory_space<vmem>>, vector<16xi32>,
    %get3A_1539 = arith.constant 21 : i32
    %get3A_1540 = arith.index_cast %get3A_1539 : i32 to index
    %get3A_1541 = arith.constant 48 : index
    %get3A_1542 = tpu.vector_load %arg5[%get3A_1540, %get3A_1541] {strides = array<i32>} : memref<26x128xf32, #tpu.memory_space<vmem>>, vector<16xf32>,
    %bitcast3A_1543 = vector.bitcast %get3A_1542 : vector<16xf32> to vector<16xi32>
    %swap3A_1544 = arith.constant 21 : i32
    %swap3A_1545 = arith.index_cast %swap3A_1544 : i32 to index
    %swap3A_1546 = arith.constant 48 : index
    %swap3A_1547 = tpu.vector_load %arg6[%swap3A_1545, %swap3A_1546] {strides = array<i32>} : memref<26x128xi32, #tpu.memory_space<vmem>>, vector<16xi32>,
    tpu.vector_store %arg6[%swap3A_1545, %swap3A_1546], %bitcast3A_1543 {strides = array<i32>} : memref<26x128xi32, #tpu.memory_space<vmem>>, vector<16xi32>,
    %get3A_1548 = arith.constant 21 : i32
    %get3A_1549 = arith.index_cast %get3A_1548 : i32 to index
    %get3A_1550 = arith.constant 64 : index
    %get3A_1551 = tpu.vector_load %arg5[%get3A_1549, %get3A_1550] {strides = array<i32>} : memref<26x128xf32, #tpu.memory_space<vmem>>, vector<16xf32>,
    %bitcast3A_1552 = vector.bitcast %get3A_1551 : vector<16xf32> to vector<16xi32>
    %swap3A_1553 = arith.constant 21 : i32
    %swap3A_1554 = arith.index_cast %swap3A_1553 : i32 to index
    %swap3A_1555 = arith.constant 64 : index
    %swap3A_1556 = tpu.vector_load %arg6[%swap3A_1554, %swap3A_1555] {strides = array<i32>} : memref<26x128xi32, #tpu.memory_space<vmem>>, vector<16xi32>,
    tpu.vector_store %arg6[%swap3A_1554, %swap3A_1555], %bitcast3A_1552 {strides = array<i32>} : memref<26x128xi32, #tpu.memory_space<vmem>>, vector<16xi32>,
    %get3A_1557 = arith.constant 21 : i32
    %get3A_1558 = arith.index_cast %get3A_1557 : i32 to index
    %get3A_1559 = arith.constant 80 : index
    %get3A_1560 = tpu.vector_load %arg5[%get3A_1558, %get3A_1559] {strides = array<i32>} : memref<26x128xf32, #tpu.memory_space<vmem>>, vector<16xf32>,
    %bitcast3A_1561 = vector.bitcast %get3A_1560 : vector<16xf32> to vector<16xi32>
    %swap3A_1562 = arith.constant 21 : i32
    %swap3A_1563 = arith.index_cast %swap3A_1562 : i32 to index
    %swap3A_1564 = arith.constant 80 : index
    %swap3A_1565 = tpu.vector_load %arg6[%swap3A_1563, %swap3A_1564] {strides = array<i32>} : memref<26x128xi32, #tpu.memory_space<vmem>>, vector<16xi32>,
    tpu.vector_store %arg6[%swap3A_1563, %swap3A_1564], %bitcast3A_1561 {strides = array<i32>} : memref<26x128xi32, #tpu.memory_space<vmem>>, vector<16xi32>,
    %get3A_1566 = arith.constant 21 : i32
    %get3A_1567 = arith.index_cast %get3A_1566 : i32 to index
    %get3A_1568 = arith.constant 96 : index
    %get3A_1569 = tpu.vector_load %arg5[%get3A_1567, %get3A_1568] {strides = array<i32>} : memref<26x128xf32, #tpu.memory_space<vmem>>, vector<16xf32>,
    %bitcast3A_1570 = vector.bitcast %get3A_1569 : vector<16xf32> to vector<16xi32>
    %swap3A_1571 = arith.constant 21 : i32
    %swap3A_1572 = arith.index_cast %swap3A_1571 : i32 to index
    %swap3A_1573 = arith.constant 96 : index
    %swap3A_1574 = tpu.vector_load %arg6[%swap3A_1572, %swap3A_1573] {strides = array<i32>} : memref<26x128xi32, #tpu.memory_space<vmem>>, vector<16xi32>,
    tpu.vector_store %arg6[%swap3A_1572, %swap3A_1573], %bitcast3A_1570 {strides = array<i32>} : memref<26x128xi32, #tpu.memory_space<vmem>>, vector<16xi32>,
    %get3A_1575 = arith.constant 21 : i32
    %get3A_1576 = arith.index_cast %get3A_1575 : i32 to index
    %get3A_1577 = arith.constant 112 : index
    %get3A_1578 = tpu.vector_load %arg5[%get3A_1576, %get3A_1577] {strides = array<i32>} : memref<26x128xf32, #tpu.memory_space<vmem>>, vector<16xf32>,
    %bitcast3A_1579 = vector.bitcast %get3A_1578 : vector<16xf32> to vector<16xi32>
    %swap3A_1580 = arith.constant 21 : i32
    %swap3A_1581 = arith.index_cast %swap3A_1580 : i32 to index
    %swap3A_1582 = arith.constant 112 : index
    %swap3A_1583 = tpu.vector_load %arg6[%swap3A_1581, %swap3A_1582] {strides = array<i32>} : memref<26x128xi32, #tpu.memory_space<vmem>>, vector<16xi32>,
    tpu.vector_store %arg6[%swap3A_1581, %swap3A_1582], %bitcast3A_1579 {strides = array<i32>} : memref<26x128xi32, #tpu.memory_space<vmem>>, vector<16xi32>,
    %get3A_1584 = arith.constant 22 : i32
    %get3A_1585 = arith.index_cast %get3A_1584 : i32 to index
    %get3A_1586 = arith.constant 0 : index
    %get3A_1587 = tpu.vector_load %arg5[%get3A_1585, %get3A_1586] {strides = array<i32>} : memref<26x128xf32, #tpu.memory_space<vmem>>, vector<16xf32>,
    %bitcast3A_1588 = vector.bitcast %get3A_1587 : vector<16xf32> to vector<16xi32>
    %swap3A_1589 = arith.constant 22 : i32
    %swap3A_1590 = arith.index_cast %swap3A_1589 : i32 to index
    %swap3A_1591 = arith.constant 0 : index
    %swap3A_1592 = tpu.vector_load %arg6[%swap3A_1590, %swap3A_1591] {strides = array<i32>} : memref<26x128xi32, #tpu.memory_space<vmem>>, vector<16xi32>,
    tpu.vector_store %arg6[%swap3A_1590, %swap3A_1591], %bitcast3A_1588 {strides = array<i32>} : memref<26x128xi32, #tpu.memory_space<vmem>>, vector<16xi32>,
    %get3A_1593 = arith.constant 22 : i32
    %get3A_1594 = arith.index_cast %get3A_1593 : i32 to index
    %get3A_1595 = arith.constant 16 : index
    %get3A_1596 = tpu.vector_load %arg5[%get3A_1594, %get3A_1595] {strides = array<i32>} : memref<26x128xf32, #tpu.memory_space<vmem>>, vector<16xf32>,
    %bitcast3A_1597 = vector.bitcast %get3A_1596 : vector<16xf32> to vector<16xi32>
    %swap3A_1598 = arith.constant 22 : i32
    %swap3A_1599 = arith.index_cast %swap3A_1598 : i32 to index
    %swap3A_1600 = arith.constant 16 : index
    %swap3A_1601 = tpu.vector_load %arg6[%swap3A_1599, %swap3A_1600] {strides = array<i32>} : memref<26x128xi32, #tpu.memory_space<vmem>>, vector<16xi32>,
    tpu.vector_store %arg6[%swap3A_1599, %swap3A_1600], %bitcast3A_1597 {strides = array<i32>} : memref<26x128xi32, #tpu.memory_space<vmem>>, vector<16xi32>,
    %get3A_1602 = arith.constant 22 : i32
    %get3A_1603 = arith.index_cast %get3A_1602 : i32 to index
    %get3A_1604 = arith.constant 32 : index
    %get3A_1605 = tpu.vector_load %arg5[%get3A_1603, %get3A_1604] {strides = array<i32>} : memref<26x128xf32, #tpu.memory_space<vmem>>, vector<16xf32>,
    %bitcast3A_1606 = vector.bitcast %get3A_1605 : vector<16xf32> to vector<16xi32>
    %swap3A_1607 = arith.constant 22 : i32
    %swap3A_1608 = arith.index_cast %swap3A_1607 : i32 to index
    %swap3A_1609 = arith.constant 32 : index
    %swap3A_1610 = tpu.vector_load %arg6[%swap3A_1608, %swap3A_1609] {strides = array<i32>} : memref<26x128xi32, #tpu.memory_space<vmem>>, vector<16xi32>,
    tpu.vector_store %arg6[%swap3A_1608, %swap3A_1609], %bitcast3A_1606 {strides = array<i32>} : memref<26x128xi32, #tpu.memory_space<vmem>>, vector<16xi32>,
    %get3A_1611 = arith.constant 22 : i32
    %get3A_1612 = arith.index_cast %get3A_1611 : i32 to index
    %get3A_1613 = arith.constant 48 : index
    %get3A_1614 = tpu.vector_load %arg5[%get3A_1612, %get3A_1613] {strides = array<i32>} : memref<26x128xf32, #tpu.memory_space<vmem>>, vector<16xf32>,
    %bitcast3A_1615 = vector.bitcast %get3A_1614 : vector<16xf32> to vector<16xi32>
    %swap3A_1616 = arith.constant 22 : i32
    %swap3A_1617 = arith.index_cast %swap3A_1616 : i32 to index
    %swap3A_1618 = arith.constant 48 : index
    %swap3A_1619 = tpu.vector_load %arg6[%swap3A_1617, %swap3A_1618] {strides = array<i32>} : memref<26x128xi32, #tpu.memory_space<vmem>>, vector<16xi32>,
    tpu.vector_store %arg6[%swap3A_1617, %swap3A_1618], %bitcast3A_1615 {strides = array<i32>} : memref<26x128xi32, #tpu.memory_space<vmem>>, vector<16xi32>,
    %get3A_1620 = arith.constant 22 : i32
    %get3A_1621 = arith.index_cast %get3A_1620 : i32 to index
    %get3A_1622 = arith.constant 64 : index
    %get3A_1623 = tpu.vector_load %arg5[%get3A_1621, %get3A_1622] {strides = array<i32>} : memref<26x128xf32, #tpu.memory_space<vmem>>, vector<16xf32>,
    %bitcast3A_1624 = vector.bitcast %get3A_1623 : vector<16xf32> to vector<16xi32>
    %swap3A_1625 = arith.constant 22 : i32
    %swap3A_1626 = arith.index_cast %swap3A_1625 : i32 to index
    %swap3A_1627 = arith.constant 64 : index
    %swap3A_1628 = tpu.vector_load %arg6[%swap3A_1626, %swap3A_1627] {strides = array<i32>} : memref<26x128xi32, #tpu.memory_space<vmem>>, vector<16xi32>,
    tpu.vector_store %arg6[%swap3A_1626, %swap3A_1627], %bitcast3A_1624 {strides = array<i32>} : memref<26x128xi32, #tpu.memory_space<vmem>>, vector<16xi32>,
    %get3A_1629 = arith.constant 22 : i32
    %get3A_1630 = arith.index_cast %get3A_1629 : i32 to index
    %get3A_1631 = arith.constant 80 : index
    %get3A_1632 = tpu.vector_load %arg5[%get3A_1630, %get3A_1631] {strides = array<i32>} : memref<26x128xf32, #tpu.memory_space<vmem>>, vector<16xf32>,
    %bitcast3A_1633 = vector.bitcast %get3A_1632 : vector<16xf32> to vector<16xi32>
    %swap3A_1634 = arith.constant 22 : i32
    %swap3A_1635 = arith.index_cast %swap3A_1634 : i32 to index
    %swap3A_1636 = arith.constant 80 : index
    %swap3A_1637 = tpu.vector_load %arg6[%swap3A_1635, %swap3A_1636] {strides = array<i32>} : memref<26x128xi32, #tpu.memory_space<vmem>>, vector<16xi32>,
    tpu.vector_store %arg6[%swap3A_1635, %swap3A_1636], %bitcast3A_1633 {strides = array<i32>} : memref<26x128xi32, #tpu.memory_space<vmem>>, vector<16xi32>,
    %get3A_1638 = arith.constant 22 : i32
    %get3A_1639 = arith.index_cast %get3A_1638 : i32 to index
    %get3A_1640 = arith.constant 96 : index
    %get3A_1641 = tpu.vector_load %arg5[%get3A_1639, %get3A_1640] {strides = array<i32>} : memref<26x128xf32, #tpu.memory_space<vmem>>, vector<16xf32>,
    %bitcast3A_1642 = vector.bitcast %get3A_1641 : vector<16xf32> to vector<16xi32>
    %swap3A_1643 = arith.constant 22 : i32
    %swap3A_1644 = arith.index_cast %swap3A_1643 : i32 to index
    %swap3A_1645 = arith.constant 96 : index
    %swap3A_1646 = tpu.vector_load %arg6[%swap3A_1644, %swap3A_1645] {strides = array<i32>} : memref<26x128xi32, #tpu.memory_space<vmem>>, vector<16xi32>,
    tpu.vector_store %arg6[%swap3A_1644, %swap3A_1645], %bitcast3A_1642 {strides = array<i32>} : memref<26x128xi32, #tpu.memory_space<vmem>>, vector<16xi32>,
    %get3A_1647 = arith.constant 22 : i32
    %get3A_1648 = arith.index_cast %get3A_1647 : i32 to index
    %get3A_1649 = arith.constant 112 : index
    %get3A_1650 = tpu.vector_load %arg5[%get3A_1648, %get3A_1649] {strides = array<i32>} : memref<26x128xf32, #tpu.memory_space<vmem>>, vector<16xf32>,
    %bitcast3A_1651 = vector.bitcast %get3A_1650 : vector<16xf32> to vector<16xi32>
    %swap3A_1652 = arith.constant 22 : i32
    %swap3A_1653 = arith.index_cast %swap3A_1652 : i32 to index
    %swap3A_1654 = arith.constant 112 : index
    %swap3A_1655 = tpu.vector_load %arg6[%swap3A_1653, %swap3A_1654] {strides = array<i32>} : memref<26x128xi32, #tpu.memory_space<vmem>>, vector<16xi32>,
    tpu.vector_store %arg6[%swap3A_1653, %swap3A_1654], %bitcast3A_1651 {strides = array<i32>} : memref<26x128xi32, #tpu.memory_space<vmem>>, vector<16xi32>,
    %get3A_1656 = arith.constant 23 : i32
    %get3A_1657 = arith.index_cast %get3A_1656 : i32 to index
    %get3A_1658 = arith.constant 0 : index
    %get3A_1659 = tpu.vector_load %arg5[%get3A_1657, %get3A_1658] {strides = array<i32>} : memref<26x128xf32, #tpu.memory_space<vmem>>, vector<16xf32>,
    %bitcast3A_1660 = vector.bitcast %get3A_1659 : vector<16xf32> to vector<16xi32>
    %swap3A_1661 = arith.constant 23 : i32
    %swap3A_1662 = arith.index_cast %swap3A_1661 : i32 to index
    %swap3A_1663 = arith.constant 0 : index
    %swap3A_1664 = tpu.vector_load %arg6[%swap3A_1662, %swap3A_1663] {strides = array<i32>} : memref<26x128xi32, #tpu.memory_space<vmem>>, vector<16xi32>,
    tpu.vector_store %arg6[%swap3A_1662, %swap3A_1663], %bitcast3A_1660 {strides = array<i32>} : memref<26x128xi32, #tpu.memory_space<vmem>>, vector<16xi32>,
    %get3A_1665 = arith.constant 23 : i32
    %get3A_1666 = arith.index_cast %get3A_1665 : i32 to index
    %get3A_1667 = arith.constant 16 : index
    %get3A_1668 = tpu.vector_load %arg5[%get3A_1666, %get3A_1667] {strides = array<i32>} : memref<26x128xf32, #tpu.memory_space<vmem>>, vector<16xf32>,
    %bitcast3A_1669 = vector.bitcast %get3A_1668 : vector<16xf32> to vector<16xi32>
    %swap3A_1670 = arith.constant 23 : i32
    %swap3A_1671 = arith.index_cast %swap3A_1670 : i32 to index
    %swap3A_1672 = arith.constant 16 : index
    %swap3A_1673 = tpu.vector_load %arg6[%swap3A_1671, %swap3A_1672] {strides = array<i32>} : memref<26x128xi32, #tpu.memory_space<vmem>>, vector<16xi32>,
    tpu.vector_store %arg6[%swap3A_1671, %swap3A_1672], %bitcast3A_1669 {strides = array<i32>} : memref<26x128xi32, #tpu.memory_space<vmem>>, vector<16xi32>,
    %get3A_1674 = arith.constant 23 : i32
    %get3A_1675 = arith.index_cast %get3A_1674 : i32 to index
    %get3A_1676 = arith.constant 32 : index
    %get3A_1677 = tpu.vector_load %arg5[%get3A_1675, %get3A_1676] {strides = array<i32>} : memref<26x128xf32, #tpu.memory_space<vmem>>, vector<16xf32>,
    %bitcast3A_1678 = vector.bitcast %get3A_1677 : vector<16xf32> to vector<16xi32>
    %swap3A_1679 = arith.constant 23 : i32
    %swap3A_1680 = arith.index_cast %swap3A_1679 : i32 to index
    %swap3A_1681 = arith.constant 32 : index
    %swap3A_1682 = tpu.vector_load %arg6[%swap3A_1680, %swap3A_1681] {strides = array<i32>} : memref<26x128xi32, #tpu.memory_space<vmem>>, vector<16xi32>,
    tpu.vector_store %arg6[%swap3A_1680, %swap3A_1681], %bitcast3A_1678 {strides = array<i32>} : memref<26x128xi32, #tpu.memory_space<vmem>>, vector<16xi32>,
    %get3A_1683 = arith.constant 23 : i32
    %get3A_1684 = arith.index_cast %get3A_1683 : i32 to index
    %get3A_1685 = arith.constant 48 : index
    %get3A_1686 = tpu.vector_load %arg5[%get3A_1684, %get3A_1685] {strides = array<i32>} : memref<26x128xf32, #tpu.memory_space<vmem>>, vector<16xf32>,
    %bitcast3A_1687 = vector.bitcast %get3A_1686 : vector<16xf32> to vector<16xi32>
    %swap3A_1688 = arith.constant 23 : i32
    %swap3A_1689 = arith.index_cast %swap3A_1688 : i32 to index
    %swap3A_1690 = arith.constant 48 : index
    %swap3A_1691 = tpu.vector_load %arg6[%swap3A_1689, %swap3A_1690] {strides = array<i32>} : memref<26x128xi32, #tpu.memory_space<vmem>>, vector<16xi32>,
    tpu.vector_store %arg6[%swap3A_1689, %swap3A_1690], %bitcast3A_1687 {strides = array<i32>} : memref<26x128xi32, #tpu.memory_space<vmem>>, vector<16xi32>,
    %get3A_1692 = arith.constant 23 : i32
    %get3A_1693 = arith.index_cast %get3A_1692 : i32 to index
    %get3A_1694 = arith.constant 64 : index
    %get3A_1695 = tpu.vector_load %arg5[%get3A_1693, %get3A_1694] {strides = array<i32>} : memref<26x128xf32, #tpu.memory_space<vmem>>, vector<16xf32>,
    %bitcast3A_1696 = vector.bitcast %get3A_1695 : vector<16xf32> to vector<16xi32>
    %swap3A_1697 = arith.constant 23 : i32
    %swap3A_1698 = arith.index_cast %swap3A_1697 : i32 to index
    %swap3A_1699 = arith.constant 64 : index
    %swap3A_1700 = tpu.vector_load %arg6[%swap3A_1698, %swap3A_1699] {strides = array<i32>} : memref<26x128xi32, #tpu.memory_space<vmem>>, vector<16xi32>,
    tpu.vector_store %arg6[%swap3A_1698, %swap3A_1699], %bitcast3A_1696 {strides = array<i32>} : memref<26x128xi32, #tpu.memory_space<vmem>>, vector<16xi32>,
    %get3A_1701 = arith.constant 23 : i32
    %get3A_1702 = arith.index_cast %get3A_1701 : i32 to index
    %get3A_1703 = arith.constant 80 : index
    %get3A_1704 = tpu.vector_load %arg5[%get3A_1702, %get3A_1703] {strides = array<i32>} : memref<26x128xf32, #tpu.memory_space<vmem>>, vector<16xf32>,
    %bitcast3A_1705 = vector.bitcast %get3A_1704 : vector<16xf32> to vector<16xi32>
    %swap3A_1706 = arith.constant 23 : i32
    %swap3A_1707 = arith.index_cast %swap3A_1706 : i32 to index
    %swap3A_1708 = arith.constant 80 : index
    %swap3A_1709 = tpu.vector_load %arg6[%swap3A_1707, %swap3A_1708] {strides = array<i32>} : memref<26x128xi32, #tpu.memory_space<vmem>>, vector<16xi32>,
    tpu.vector_store %arg6[%swap3A_1707, %swap3A_1708], %bitcast3A_1705 {strides = array<i32>} : memref<26x128xi32, #tpu.memory_space<vmem>>, vector<16xi32>,
    %get3A_1710 = arith.constant 23 : i32
    %get3A_1711 = arith.index_cast %get3A_1710 : i32 to index
    %get3A_1712 = arith.constant 96 : index
    %get3A_1713 = tpu.vector_load %arg5[%get3A_1711, %get3A_1712] {strides = array<i32>} : memref<26x128xf32, #tpu.memory_space<vmem>>, vector<16xf32>,
    %bitcast3A_1714 = vector.bitcast %get3A_1713 : vector<16xf32> to vector<16xi32>
    %swap3A_1715 = arith.constant 23 : i32
    %swap3A_1716 = arith.index_cast %swap3A_1715 : i32 to index
    %swap3A_1717 = arith.constant 96 : index
    %swap3A_1718 = tpu.vector_load %arg6[%swap3A_1716, %swap3A_1717] {strides = array<i32>} : memref<26x128xi32, #tpu.memory_space<vmem>>, vector<16xi32>,
    tpu.vector_store %arg6[%swap3A_1716, %swap3A_1717], %bitcast3A_1714 {strides = array<i32>} : memref<26x128xi32, #tpu.memory_space<vmem>>, vector<16xi32>,
    %get3A_1719 = arith.constant 23 : i32
    %get3A_1720 = arith.index_cast %get3A_1719 : i32 to index
    %get3A_1721 = arith.constant 112 : index
    %get3A_1722 = tpu.vector_load %arg5[%get3A_1720, %get3A_1721] {strides = array<i32>} : memref<26x128xf32, #tpu.memory_space<vmem>>, vector<16xf32>,
    %bitcast3A_1723 = vector.bitcast %get3A_1722 : vector<16xf32> to vector<16xi32>
    %swap3A_1724 = arith.constant 23 : i32
    %swap3A_1725 = arith.index_cast %swap3A_1724 : i32 to index
    %swap3A_1726 = arith.constant 112 : index
    %swap3A_1727 = tpu.vector_load %arg6[%swap3A_1725, %swap3A_1726] {strides = array<i32>} : memref<26x128xi32, #tpu.memory_space<vmem>>, vector<16xi32>,
    tpu.vector_store %arg6[%swap3A_1725, %swap3A_1726], %bitcast3A_1723 {strides = array<i32>} : memref<26x128xi32, #tpu.memory_space<vmem>>, vector<16xi32>,
    %get3A_1728 = arith.constant 24 : i32
    %get3A_1729 = arith.index_cast %get3A_1728 : i32 to index
    %get3A_1730 = arith.constant 0 : index
    %get3A_1731 = tpu.vector_load %arg5[%get3A_1729, %get3A_1730] {strides = array<i32>} : memref<26x128xf32, #tpu.memory_space<vmem>>, vector<16xf32>,
    %bitcast3A_1732 = vector.bitcast %get3A_1731 : vector<16xf32> to vector<16xi32>
    %swap3A_1733 = arith.constant 24 : i32
    %swap3A_1734 = arith.index_cast %swap3A_1733 : i32 to index
    %swap3A_1735 = arith.constant 0 : index
    %swap3A_1736 = tpu.vector_load %arg6[%swap3A_1734, %swap3A_1735] {strides = array<i32>} : memref<26x128xi32, #tpu.memory_space<vmem>>, vector<16xi32>,
    tpu.vector_store %arg6[%swap3A_1734, %swap3A_1735], %bitcast3A_1732 {strides = array<i32>} : memref<26x128xi32, #tpu.memory_space<vmem>>, vector<16xi32>,
    %get3A_1737 = arith.constant 24 : i32
    %get3A_1738 = arith.index_cast %get3A_1737 : i32 to index
    %get3A_1739 = arith.constant 16 : index
    %get3A_1740 = tpu.vector_load %arg5[%get3A_1738, %get3A_1739] {strides = array<i32>} : memref<26x128xf32, #tpu.memory_space<vmem>>, vector<16xf32>,
    %bitcast3A_1741 = vector.bitcast %get3A_1740 : vector<16xf32> to vector<16xi32>
    %swap3A_1742 = arith.constant 24 : i32
    %swap3A_1743 = arith.index_cast %swap3A_1742 : i32 to index
    %swap3A_1744 = arith.constant 16 : index
    %swap3A_1745 = tpu.vector_load %arg6[%swap3A_1743, %swap3A_1744] {strides = array<i32>} : memref<26x128xi32, #tpu.memory_space<vmem>>, vector<16xi32>,
    tpu.vector_store %arg6[%swap3A_1743, %swap3A_1744], %bitcast3A_1741 {strides = array<i32>} : memref<26x128xi32, #tpu.memory_space<vmem>>, vector<16xi32>,
    %get3A_1746 = arith.constant 24 : i32
    %get3A_1747 = arith.index_cast %get3A_1746 : i32 to index
    %get3A_1748 = arith.constant 32 : index
    %get3A_1749 = tpu.vector_load %arg5[%get3A_1747, %get3A_1748] {strides = array<i32>} : memref<26x128xf32, #tpu.memory_space<vmem>>, vector<16xf32>,
    %bitcast3A_1750 = vector.bitcast %get3A_1749 : vector<16xf32> to vector<16xi32>
    %swap3A_1751 = arith.constant 24 : i32
    %swap3A_1752 = arith.index_cast %swap3A_1751 : i32 to index
    %swap3A_1753 = arith.constant 32 : index
    %swap3A_1754 = tpu.vector_load %arg6[%swap3A_1752, %swap3A_1753] {strides = array<i32>} : memref<26x128xi32, #tpu.memory_space<vmem>>, vector<16xi32>,
    tpu.vector_store %arg6[%swap3A_1752, %swap3A_1753], %bitcast3A_1750 {strides = array<i32>} : memref<26x128xi32, #tpu.memory_space<vmem>>, vector<16xi32>,
    %get3A_1755 = arith.constant 24 : i32
    %get3A_1756 = arith.index_cast %get3A_1755 : i32 to index
    %get3A_1757 = arith.constant 48 : index
    %get3A_1758 = tpu.vector_load %arg5[%get3A_1756, %get3A_1757] {strides = array<i32>} : memref<26x128xf32, #tpu.memory_space<vmem>>, vector<16xf32>,
    %bitcast3A_1759 = vector.bitcast %get3A_1758 : vector<16xf32> to vector<16xi32>
    %swap3A_1760 = arith.constant 24 : i32
    %swap3A_1761 = arith.index_cast %swap3A_1760 : i32 to index
    %swap3A_1762 = arith.constant 48 : index
    %swap3A_1763 = tpu.vector_load %arg6[%swap3A_1761, %swap3A_1762] {strides = array<i32>} : memref<26x128xi32, #tpu.memory_space<vmem>>, vector<16xi32>,
    tpu.vector_store %arg6[%swap3A_1761, %swap3A_1762], %bitcast3A_1759 {strides = array<i32>} : memref<26x128xi32, #tpu.memory_space<vmem>>, vector<16xi32>,
    %get3A_1764 = arith.constant 24 : i32
    %get3A_1765 = arith.index_cast %get3A_1764 : i32 to index
    %get3A_1766 = arith.constant 64 : index
    %get3A_1767 = tpu.vector_load %arg5[%get3A_1765, %get3A_1766] {strides = array<i32>} : memref<26x128xf32, #tpu.memory_space<vmem>>, vector<16xf32>,
    %bitcast3A_1768 = vector.bitcast %get3A_1767 : vector<16xf32> to vector<16xi32>
    %swap3A_1769 = arith.constant 24 : i32
    %swap3A_1770 = arith.index_cast %swap3A_1769 : i32 to index
    %swap3A_1771 = arith.constant 64 : index
    %swap3A_1772 = tpu.vector_load %arg6[%swap3A_1770, %swap3A_1771] {strides = array<i32>} : memref<26x128xi32, #tpu.memory_space<vmem>>, vector<16xi32>,
    tpu.vector_store %arg6[%swap3A_1770, %swap3A_1771], %bitcast3A_1768 {strides = array<i32>} : memref<26x128xi32, #tpu.memory_space<vmem>>, vector<16xi32>,
    %get3A_1773 = arith.constant 24 : i32
    %get3A_1774 = arith.index_cast %get3A_1773 : i32 to index
    %get3A_1775 = arith.constant 80 : index
    %get3A_1776 = tpu.vector_load %arg5[%get3A_1774, %get3A_1775] {strides = array<i32>} : memref<26x128xf32, #tpu.memory_space<vmem>>, vector<16xf32>,
    %bitcast3A_1777 = vector.bitcast %get3A_1776 : vector<16xf32> to vector<16xi32>
    %swap3A_1778 = arith.constant 24 : i32
    %swap3A_1779 = arith.index_cast %swap3A_1778 : i32 to index
    %swap3A_1780 = arith.constant 80 : index
    %swap3A_1781 = tpu.vector_load %arg6[%swap3A_1779, %swap3A_1780] {strides = array<i32>} : memref<26x128xi32, #tpu.memory_space<vmem>>, vector<16xi32>,
    tpu.vector_store %arg6[%swap3A_1779, %swap3A_1780], %bitcast3A_1777 {strides = array<i32>} : memref<26x128xi32, #tpu.memory_space<vmem>>, vector<16xi32>,
    %get3A_1782 = arith.constant 24 : i32
    %get3A_1783 = arith.index_cast %get3A_1782 : i32 to index
    %get3A_1784 = arith.constant 96 : index
    %get3A_1785 = tpu.vector_load %arg5[%get3A_1783, %get3A_1784] {strides = array<i32>} : memref<26x128xf32, #tpu.memory_space<vmem>>, vector<16xf32>,
    %bitcast3A_1786 = vector.bitcast %get3A_1785 : vector<16xf32> to vector<16xi32>
    %swap3A_1787 = arith.constant 24 : i32
    %swap3A_1788 = arith.index_cast %swap3A_1787 : i32 to index
    %swap3A_1789 = arith.constant 96 : index
    %swap3A_1790 = tpu.vector_load %arg6[%swap3A_1788, %swap3A_1789] {strides = array<i32>} : memref<26x128xi32, #tpu.memory_space<vmem>>, vector<16xi32>,
    tpu.vector_store %arg6[%swap3A_1788, %swap3A_1789], %bitcast3A_1786 {strides = array<i32>} : memref<26x128xi32, #tpu.memory_space<vmem>>, vector<16xi32>,
    %get3A_1791 = arith.constant 24 : i32
    %get3A_1792 = arith.index_cast %get3A_1791 : i32 to index
    %get3A_1793 = arith.constant 112 : index
    %get3A_1794 = tpu.vector_load %arg5[%get3A_1792, %get3A_1793] {strides = array<i32>} : memref<26x128xf32, #tpu.memory_space<vmem>>, vector<16xf32>,
    %bitcast3A_1795 = vector.bitcast %get3A_1794 : vector<16xf32> to vector<16xi32>
    %swap3A_1796 = arith.constant 24 : i32
    %swap3A_1797 = arith.index_cast %swap3A_1796 : i32 to index
    %swap3A_1798 = arith.constant 112 : index
    %swap3A_1799 = tpu.vector_load %arg6[%swap3A_1797, %swap3A_1798] {strides = array<i32>} : memref<26x128xi32, #tpu.memory_space<vmem>>, vector<16xi32>,
    tpu.vector_store %arg6[%swap3A_1797, %swap3A_1798], %bitcast3A_1795 {strides = array<i32>} : memref<26x128xi32, #tpu.memory_space<vmem>>, vector<16xi32>,
    %get3A_1800 = arith.constant 25 : i32
    %get3A_1801 = arith.index_cast %get3A_1800 : i32 to index
    %get3A_1802 = arith.constant 0 : index
    %get3A_1803 = tpu.vector_load %arg5[%get3A_1801, %get3A_1802] {strides = array<i32>} : memref<26x128xf32, #tpu.memory_space<vmem>>, vector<16xf32>,
    %bitcast3A_1804 = vector.bitcast %get3A_1803 : vector<16xf32> to vector<16xi32>
    %swap3A_1805 = arith.constant 25 : i32
    %swap3A_1806 = arith.index_cast %swap3A_1805 : i32 to index
    %swap3A_1807 = arith.constant 0 : index
    %swap3A_1808 = tpu.vector_load %arg6[%swap3A_1806, %swap3A_1807] {strides = array<i32>} : memref<26x128xi32, #tpu.memory_space<vmem>>, vector<16xi32>,
    tpu.vector_store %arg6[%swap3A_1806, %swap3A_1807], %bitcast3A_1804 {strides = array<i32>} : memref<26x128xi32, #tpu.memory_space<vmem>>, vector<16xi32>,
    %get3A_1809 = arith.constant 25 : i32
    %get3A_1810 = arith.index_cast %get3A_1809 : i32 to index
    %get3A_1811 = arith.constant 16 : index
    %get3A_1812 = tpu.vector_load %arg5[%get3A_1810, %get3A_1811] {strides = array<i32>} : memref<26x128xf32, #tpu.memory_space<vmem>>, vector<16xf32>,
    %bitcast3A_1813 = vector.bitcast %get3A_1812 : vector<16xf32> to vector<16xi32>
    %swap3A_1814 = arith.constant 25 : i32
    %swap3A_1815 = arith.index_cast %swap3A_1814 : i32 to index
    %swap3A_1816 = arith.constant 16 : index
    %swap3A_1817 = tpu.vector_load %arg6[%swap3A_1815, %swap3A_1816] {strides = array<i32>} : memref<26x128xi32, #tpu.memory_space<vmem>>, vector<16xi32>,
    tpu.vector_store %arg6[%swap3A_1815, %swap3A_1816], %bitcast3A_1813 {strides = array<i32>} : memref<26x128xi32, #tpu.memory_space<vmem>>, vector<16xi32>,
    %get3A_1818 = arith.constant 25 : i32
    %get3A_1819 = arith.index_cast %get3A_1818 : i32 to index
    %get3A_1820 = arith.constant 32 : index
    %get3A_1821 = tpu.vector_load %arg5[%get3A_1819, %get3A_1820] {strides = array<i32>} : memref<26x128xf32, #tpu.memory_space<vmem>>, vector<16xf32>,
    %bitcast3A_1822 = vector.bitcast %get3A_1821 : vector<16xf32> to vector<16xi32>
    %swap3A_1823 = arith.constant 25 : i32
    %swap3A_1824 = arith.index_cast %swap3A_1823 : i32 to index
    %swap3A_1825 = arith.constant 32 : index
    %swap3A_1826 = tpu.vector_load %arg6[%swap3A_1824, %swap3A_1825] {strides = array<i32>} : memref<26x128xi32, #tpu.memory_space<vmem>>, vector<16xi32>,
    tpu.vector_store %arg6[%swap3A_1824, %swap3A_1825], %bitcast3A_1822 {strides = array<i32>} : memref<26x128xi32, #tpu.memory_space<vmem>>, vector<16xi32>,
    %get3A_1827 = arith.constant 25 : i32
    %get3A_1828 = arith.index_cast %get3A_1827 : i32 to index
    %get3A_1829 = arith.constant 48 : index
    %get3A_1830 = tpu.vector_load %arg5[%get3A_1828, %get3A_1829] {strides = array<i32>} : memref<26x128xf32, #tpu.memory_space<vmem>>, vector<16xf32>,
    %bitcast3A_1831 = vector.bitcast %get3A_1830 : vector<16xf32> to vector<16xi32>
    %swap3A_1832 = arith.constant 25 : i32
    %swap3A_1833 = arith.index_cast %swap3A_1832 : i32 to index
    %swap3A_1834 = arith.constant 48 : index
    %swap3A_1835 = tpu.vector_load %arg6[%swap3A_1833, %swap3A_1834] {strides = array<i32>} : memref<26x128xi32, #tpu.memory_space<vmem>>, vector<16xi32>,
    tpu.vector_store %arg6[%swap3A_1833, %swap3A_1834], %bitcast3A_1831 {strides = array<i32>} : memref<26x128xi32, #tpu.memory_space<vmem>>, vector<16xi32>,
    %get3A_1836 = arith.constant 25 : i32
    %get3A_1837 = arith.index_cast %get3A_1836 : i32 to index
    %get3A_1838 = arith.constant 64 : index
    %get3A_1839 = tpu.vector_load %arg5[%get3A_1837, %get3A_1838] {strides = array<i32>} : memref<26x128xf32, #tpu.memory_space<vmem>>, vector<16xf32>,
    %bitcast3A_1840 = vector.bitcast %get3A_1839 : vector<16xf32> to vector<16xi32>
    %swap3A_1841 = arith.constant 25 : i32
    %swap3A_1842 = arith.index_cast %swap3A_1841 : i32 to index
    %swap3A_1843 = arith.constant 64 : index
    %swap3A_1844 = tpu.vector_load %arg6[%swap3A_1842, %swap3A_1843] {strides = array<i32>} : memref<26x128xi32, #tpu.memory_space<vmem>>, vector<16xi32>,
    tpu.vector_store %arg6[%swap3A_1842, %swap3A_1843], %bitcast3A_1840 {strides = array<i32>} : memref<26x128xi32, #tpu.memory_space<vmem>>, vector<16xi32>,
    %get3A_1845 = arith.constant 25 : i32
    %get3A_1846 = arith.index_cast %get3A_1845 : i32 to index
    %get3A_1847 = arith.constant 80 : index
    %get3A_1848 = tpu.vector_load %arg5[%get3A_1846, %get3A_1847] {strides = array<i32>} : memref<26x128xf32, #tpu.memory_space<vmem>>, vector<16xf32>,
    %bitcast3A_1849 = vector.bitcast %get3A_1848 : vector<16xf32> to vector<16xi32>
    %swap3A_1850 = arith.constant 25 : i32
    %swap3A_1851 = arith.index_cast %swap3A_1850 : i32 to index
    %swap3A_1852 = arith.constant 80 : index
    %swap3A_1853 = tpu.vector_load %arg6[%swap3A_1851, %swap3A_1852] {strides = array<i32>} : memref<26x128xi32, #tpu.memory_space<vmem>>, vector<16xi32>,
    tpu.vector_store %arg6[%swap3A_1851, %swap3A_1852], %bitcast3A_1849 {strides = array<i32>} : memref<26x128xi32, #tpu.memory_space<vmem>>, vector<16xi32>,
    %get3A_1854 = arith.constant 25 : i32
    %get3A_1855 = arith.index_cast %get3A_1854 : i32 to index
    %get3A_1856 = arith.constant 96 : index
    %get3A_1857 = tpu.vector_load %arg5[%get3A_1855, %get3A_1856] {strides = array<i32>} : memref<26x128xf32, #tpu.memory_space<vmem>>, vector<16xf32>,
    %bitcast3A_1858 = vector.bitcast %get3A_1857 : vector<16xf32> to vector<16xi32>
    %swap3A_1859 = arith.constant 25 : i32
    %swap3A_1860 = arith.index_cast %swap3A_1859 : i32 to index
    %swap3A_1861 = arith.constant 96 : index
    %swap3A_1862 = tpu.vector_load %arg6[%swap3A_1860, %swap3A_1861] {strides = array<i32>} : memref<26x128xi32, #tpu.memory_space<vmem>>, vector<16xi32>,
    tpu.vector_store %arg6[%swap3A_1860, %swap3A_1861], %bitcast3A_1858 {strides = array<i32>} : memref<26x128xi32, #tpu.memory_space<vmem>>, vector<16xi32>,
    %get3A_1863 = arith.constant 25 : i32
    %get3A_1864 = arith.index_cast %get3A_1863 : i32 to index
    %get3A_1865 = arith.constant 112 : index
    %get3A_1866 = tpu.vector_load %arg5[%get3A_1864, %get3A_1865] {strides = array<i32>} : memref<26x128xf32, #tpu.memory_space<vmem>>, vector<16xf32>,
    %bitcast3A_1867 = vector.bitcast %get3A_1866 : vector<16xf32> to vector<16xi32>
    %swap3A_1868 = arith.constant 25 : i32
    %swap3A_1869 = arith.index_cast %swap3A_1868 : i32 to index
    %swap3A_1870 = arith.constant 112 : index
    %swap3A_1871 = tpu.vector_load %arg6[%swap3A_1869, %swap3A_1870] {strides = array<i32>} : memref<26x128xi32, #tpu.memory_space<vmem>>, vector<16xi32>,
    tpu.vector_store %arg6[%swap3A_1869, %swap3A_1870], %bitcast3A_1867 {strides = array<i32>} : memref<26x128xi32, #tpu.memory_space<vmem>>, vector<16xi32>,
    %iota3A = tpu.iota {dimensions = array<i32: 0>} : vector<16xi32>
    %add3A_1872 = arith.constant 0 : i32
    %add3A_1873 = vector.broadcast %add3A_1872 : i32 to vector<16xi32>
    %add3A_1874 = arith.addi %add3A_1873, %iota3A : vector<16xi32>
    %shift_right_logical3A = arith.constant 3 : i32
    %shift_right_logical3A_1875 = vector.broadcast %shift_right_logical3A : i32 to vector<16xi32>
    %shift_right_logical3A_1876 = arith.shrui %add3A_1874, %shift_right_logical3A_1875 : vector<16xi32>
    %add3A_1877 = arith.constant 16 : i32
    %add3A_1878 = vector.broadcast %add3A_1877 : i32 to vector<16xi32>
    %add3A_1879 = arith.addi %add3A_1878, %iota3A : vector<16xi32>
    %shift_right_logical3A_1880 = arith.constant 3 : i32
    %shift_right_logical3A_1881 = vector.broadcast %shift_right_logical3A_1880 : i32 to vector<16xi32>
    %shift_right_logical3A_1882 = arith.shrui %add3A_1879, %shift_right_logical3A_1881 : vector<16xi32>
    %add3A_1883 = arith.constant 0 : i32
    %add3A_1884 = vector.broadcast %add3A_1883 : i32 to vector<16xi32>
    %add3A_1885 = arith.addi %add3A_1884, %iota3A : vector<16xi32>
    %and3A = arith.constant 7 : i32
    %and3A_1886 = vector.broadcast %and3A : i32 to vector<16xi32>
    %and3A_1887 = arith.andi %add3A_1885, %and3A_1886 : vector<16xi32>
    %add3A_1888 = arith.constant 16 : i32
    %add3A_1889 = vector.broadcast %add3A_1888 : i32 to vector<16xi32>
    %add3A_1890 = arith.addi %add3A_1889, %iota3A : vector<16xi32>
    %and3A_1891 = arith.constant 7 : i32
    %and3A_1892 = vector.broadcast %and3A_1891 : i32 to vector<16xi32>
    %and3A_1893 = arith.andi %add3A_1890, %and3A_1892 : vector<16xi32>
    %shift_right_logical3A_1894 = arith.constant 0 : i32
    %shift_right_logical3A_1895 = arith.constant 2 : i32
    %shift_right_logical3A_1896 = arith.shrui %shift_right_logical3A_1894, %shift_right_logical3A_1895 : i32
    %rem3A = arith.constant 0 : i32
    %rem3A_1897 = arith.constant 4 : i32
    %rem3A_1898 = arith.remsi %rem3A, %rem3A_1897 : i32
    %mul3A_1899 = arith.constant 32 : i32
    %mul3A_1900 = arith.muli %rem3A_1898, %mul3A_1899 : i32
    %multiple_of3A = tpu.assume_multiple %mul3A_1900, 32 : i32
    %dma_start3A = tpu.memref_slice %arg6[%shift_right_logical3A_1896, %multiple_of3A] : memref<26x128xi32, #tpu.memory_space<vmem>> -> memref<1x32xi32, #tpu.memory_space<vmem>>
    %dma_start3A_1901 = tpu.memref_squeeze %dma_start3A : memref<1x32xi32, #tpu.memory_space<vmem>> -> memref<32xi32, #tpu.memory_space<vmem>>
    %dma_start3A_1902 = arith.constant 0 : i32
    %dma_start3A_1903 = arith.constant 0 : i32
    %dma_start3A_1904 = arith.constant 0 : i32
    %dma_start3A_1905 = tpu.memref_slice %arg2[%dma_start3A_1902, %dma_start3A_1903, %dma_start3A_1904] : memref<100000x26x32xf32, #tpu.memory_space<hbm>> -> memref<100000x26x32xf32, #tpu.memory_space<hbm>>
    tpu.enqueue_indirect_dma source(%dma_start3A_1905 : memref<100000x26x32xf32, #tpu.memory_space<hbm>>) target(%arg7 : memref<32x26x32xf32, #tpu.memory_space<vmem>>) offsets(%dma_start3A_1901 : memref<32xi32, #tpu.memory_space<vmem>>) semaphore(%arg11 : memref<!tpu.dma_semaphore, #tpu.memory_space<semaphore_mem>>)
    %scan3A = arith.constant 0 : i32
    %scan3A_1906 = arith.constant 52 : i32
    %scan3A_1907 = arith.addi %scan3A, %scan3A_1906 : i32
    %scan3A_1908 = arith.constant 1 : i32
    scf.for %scan3A_1955 = %scan3A to %scan3A_1907 step %scan3A_1908  : i32 {
      %mul3A_1956 = arith.constant 1 : i32
      %mul3A_1957 = arith.muli %scan3A_1955, %mul3A_1956 : i32
      %add3A_1958 = arith.constant 0 : i32
      %add3A_1959 = arith.addi %add3A_1958, %mul3A_1957 : i32
      %mul3A_1960 = arith.constant 2 : i32
      %mul3A_1961 = arith.muli %add3A_1959, %mul3A_1960 : i32
      %add3A_1962 = arith.constant 1 : i32
      %add3A_1963 = arith.addi %mul3A_1961, %add3A_1962 : i32
      %shift_right_logical3A_1964 = arith.constant 2 : i32
      %shift_right_logical3A_1965 = arith.shrui %add3A_1963, %shift_right_logical3A_1964 : i32
      %rem3A_1966 = arith.constant 4 : i32
      %rem3A_1967 = arith.remsi %add3A_1963, %rem3A_1966 : i32
      %mul3A_1968 = arith.constant 32 : i32
      %mul3A_1969 = arith.muli %rem3A_1967, %mul3A_1968 : i32
      %multiple_of3A_1970 = tpu.assume_multiple %mul3A_1969, 32 : i32
      %dma_start3A_1971 = tpu.memref_slice %arg6[%shift_right_logical3A_1965, %multiple_of3A_1970] : memref<26x128xi32, #tpu.memory_space<vmem>> -> memref<1x32xi32, #tpu.memory_space<vmem>>
      %dma_start3A_1972 = tpu.memref_squeeze %dma_start3A_1971 : memref<1x32xi32, #tpu.memory_space<vmem>> -> memref<32xi32, #tpu.memory_space<vmem>>
      %dma_start3A_1973 = arith.constant 0 : i32
      %dma_start3A_1974 = arith.constant 0 : i32
      %dma_start3A_1975 = arith.constant 0 : i32
      %dma_start3A_1976 = tpu.memref_slice %arg2[%dma_start3A_1973, %dma_start3A_1974, %dma_start3A_1975] : memref<100000x26x32xf32, #tpu.memory_space<hbm>> -> memref<100000x26x32xf32, #tpu.memory_space<hbm>>
      tpu.enqueue_indirect_dma source(%dma_start3A_1976 : memref<100000x26x32xf32, #tpu.memory_space<hbm>>) target(%arg8 : memref<32x26x32xf32, #tpu.memory_space<vmem>>) offsets(%dma_start3A_1972 : memref<32xi32, #tpu.memory_space<vmem>>) semaphore(%arg12 : memref<!tpu.dma_semaphore, #tpu.memory_space<semaphore_mem>>)
      %dma_wait3A_1977 = arith.constant 0 : i32
      %dma_wait3A_1978 = arith.constant 0 : i32
      %dma_wait3A_1979 = arith.constant 0 : i32
      %dma_wait3A_1980 = tpu.memref_slice %arg2[%dma_wait3A_1977, %dma_wait3A_1978, %dma_wait3A_1979] : memref<100000x26x32xf32, #tpu.memory_space<hbm>> -> memref<32x26x32xf32, #tpu.memory_space<hbm>>
      %dma_wait3A_1981 = arith.constant 0 : i32
      %dma_wait3A_1982 = arith.constant 0 : i32
      %dma_wait3A_1983 = arith.constant 0 : i32
      %dma_wait3A_1984 = tpu.memref_slice %arg2[%dma_wait3A_1981, %dma_wait3A_1982, %dma_wait3A_1983] : memref<100000x26x32xf32, #tpu.memory_space<hbm>> -> memref<32x26x32xf32, #tpu.memory_space<hbm>>
      tpu.wait_dma2 semaphore(%arg11 : memref<!tpu.dma_semaphore, #tpu.memory_space<semaphore_mem>>) src(%dma_wait3A_1984 : memref<32x26x32xf32, #tpu.memory_space<hbm>>) dst(%arg7 : memref<32x26x32xf32, #tpu.memory_space<vmem>>)
      %gt3A = arith.constant 0 : i32
      %gt3A_1985 = arith.cmpi sgt, %add3A_1959, %gt3A : i32
      %convert_element_type3A = arith.extui %gt3A_1985 : i1 to i32
      %cond3A = arith.constant 0 : i32
      %cond3A_1986 = arith.cmpi ne, %convert_element_type3A, %cond3A : i32
      scf.if %cond3A_1986 {
        %dma_wait3A_2070 = arith.constant 0 : i32
        %dma_wait3A_2071 = arith.constant 0 : i32
        %dma_wait3A_2072 = arith.constant 0 : i32
        %dma_wait3A_2073 = arith.constant 0 : i32
        %dma_wait3A_2074 = arith.constant 0 : i32
        %dma_wait3A_2075 = tpu.memref_slice %arg9[%dma_wait3A_2071, %dma_wait3A_2072, %dma_wait3A_2073, %dma_wait3A_2074] : memref<26x4x8x33xf32, #tpu.memory_space<vmem>> -> memref<26x4x8x32xf32, #tpu.memory_space<vmem>>
        %dma_wait3A_2076 = arith.constant 0 : i32
        %dma_wait3A_2077 = arith.constant 0 : i32
        %dma_wait3A_2078 = arith.constant 0 : i32
        %dma_wait3A_2079 = arith.constant 0 : i32
        %dma_wait3A_2080 = tpu.memref_slice %arg4[%dma_wait3A_2070, %dma_wait3A_2076, %dma_wait3A_2077, %add3A, %dma_wait3A_2078, %dma_wait3A_2079] : memref<26x26x4x32x8x128xf32, #tpu.memory_space<hbm>> -> memref<1x26x4x1x8x32xf32, #tpu.memory_space<hbm>>
        %dma_wait3A_2081 = tpu.memref_squeeze %dma_wait3A_2080 : memref<1x26x4x1x8x32xf32, #tpu.memory_space<hbm>> -> memref<26x4x8x32xf32, #tpu.memory_space<hbm>>
        %dma_wait3A_2082 = arith.constant 0 : i32
        %dma_wait3A_2083 = arith.constant 0 : i32
        %dma_wait3A_2084 = arith.constant 0 : i32
        %dma_wait3A_2085 = arith.constant 0 : i32
        %dma_wait3A_2086 = tpu.memref_slice %arg4[%dma_wait3A_2070, %dma_wait3A_2082, %dma_wait3A_2083, %add3A, %dma_wait3A_2084, %dma_wait3A_2085] : memref<26x26x4x32x8x128xf32, #tpu.memory_space<hbm>> -> memref<1x26x4x1x8x32xf32, #tpu.memory_space<hbm>>
        %dma_wait3A_2087 = tpu.memref_squeeze %dma_wait3A_2086 : memref<1x26x4x1x8x32xf32, #tpu.memory_space<hbm>> -> memref<26x4x8x32xf32, #tpu.memory_space<hbm>>
        %dma_wait3A_2088 = arith.constant 0 : i32
        %dma_wait3A_2089 = arith.constant 0 : i32
        %dma_wait3A_2090 = arith.constant 0 : i32
        %dma_wait3A_2091 = arith.constant 0 : i32
        %dma_wait3A_2092 = tpu.memref_slice %arg9[%dma_wait3A_2088, %dma_wait3A_2089, %dma_wait3A_2090, %dma_wait3A_2091] : memref<26x4x8x33xf32, #tpu.memory_space<vmem>> -> memref<26x4x8x32xf32, #tpu.memory_space<vmem>>
        tpu.wait_dma2 semaphore(%arg13 : memref<!tpu.dma_semaphore, #tpu.memory_space<semaphore_mem>>) src(%dma_wait3A_2092 : memref<26x4x8x32xf32, #tpu.memory_space<vmem>>) dst(%dma_wait3A_2087 : memref<26x4x8x32xf32, #tpu.memory_space<hbm>>)
      } else {
      }
      %scan3A_1987 = arith.constant 0 : i32
      %scan3A_1988 = arith.constant 26 : i32
      %scan3A_1989 = arith.addi %scan3A_1987, %scan3A_1988 : i32
      %scan3A_1990 = arith.constant 1 : i32
      scf.for %scan3A_2070 = %scan3A_1987 to %scan3A_1989 step %scan3A_1990  : i32 {
        %mul3A_2071 = arith.constant 1 : i32
        %mul3A_2072 = arith.muli %scan3A_2070, %mul3A_2071 : i32
        %add3A_2073 = arith.constant 0 : i32
        %add3A_2074 = arith.addi %add3A_2073, %mul3A_2072 : i32
        %broadcast_in_dim3A = vector.broadcast %add3A_2074 : i32 to vector<16xi32>
        %get3A_2075 = arith.constant 0 : i32
        %get3A_2076 = arith.index_cast %get3A_2075 : i32 to index
        %get3A_2077 = arith.index_cast %add3A_2074 : i32 to index
        %get3A_2078 = arith.constant 0 : index
        %get3A_2079 = tpu.vector_load %arg7[%get3A_2076, %get3A_2077, %get3A_2078] {strides = array<i32>} : memref<32x26x32xf32, #tpu.memory_space<vmem>>, vector<16xf32>,
        %get3A_2080 = arith.constant 1 : i32
        %get3A_2081 = arith.index_cast %get3A_2080 : i32 to index
        %get3A_2082 = arith.index_cast %add3A_2074 : i32 to index
        %get3A_2083 = arith.constant 0 : index
        %get3A_2084 = tpu.vector_load %arg7[%get3A_2081, %get3A_2082, %get3A_2083] {strides = array<i32>} : memref<32x26x32xf32, #tpu.memory_space<vmem>>, vector<16xf32>,
        %get3A_2085 = arith.constant 2 : i32
        %get3A_2086 = arith.index_cast %get3A_2085 : i32 to index
        %get3A_2087 = arith.index_cast %add3A_2074 : i32 to index
        %get3A_2088 = arith.constant 0 : index
        %get3A_2089 = tpu.vector_load %arg7[%get3A_2086, %get3A_2087, %get3A_2088] {strides = array<i32>} : memref<32x26x32xf32, #tpu.memory_space<vmem>>, vector<16xf32>,
        %get3A_2090 = arith.constant 3 : i32
        %get3A_2091 = arith.index_cast %get3A_2090 : i32 to index
        %get3A_2092 = arith.index_cast %add3A_2074 : i32 to index
        %get3A_2093 = arith.constant 0 : index
        %get3A_2094 = tpu.vector_load %arg7[%get3A_2091, %get3A_2092, %get3A_2093] {strides = array<i32>} : memref<32x26x32xf32, #tpu.memory_space<vmem>>, vector<16xf32>,
        %get3A_2095 = arith.constant 4 : i32
        %get3A_2096 = arith.index_cast %get3A_2095 : i32 to index
        %get3A_2097 = arith.index_cast %add3A_2074 : i32 to index
        %get3A_2098 = arith.constant 0 : index
        %get3A_2099 = tpu.vector_load %arg7[%get3A_2096, %get3A_2097, %get3A_2098] {strides = array<i32>} : memref<32x26x32xf32, #tpu.memory_space<vmem>>, vector<16xf32>,
        %get3A_2100 = arith.constant 5 : i32
        %get3A_2101 = arith.index_cast %get3A_2100 : i32 to index
        %get3A_2102 = arith.index_cast %add3A_2074 : i32 to index
        %get3A_2103 = arith.constant 0 : index
        %get3A_2104 = tpu.vector_load %arg7[%get3A_2101, %get3A_2102, %get3A_2103] {strides = array<i32>} : memref<32x26x32xf32, #tpu.memory_space<vmem>>, vector<16xf32>,
        %get3A_2105 = arith.constant 6 : i32
        %get3A_2106 = arith.index_cast %get3A_2105 : i32 to index
        %get3A_2107 = arith.index_cast %add3A_2074 : i32 to index
        %get3A_2108 = arith.constant 0 : index
        %get3A_2109 = tpu.vector_load %arg7[%get3A_2106, %get3A_2107, %get3A_2108] {strides = array<i32>} : memref<32x26x32xf32, #tpu.memory_space<vmem>>, vector<16xf32>,
        %get3A_2110 = arith.constant 7 : i32
        %get3A_2111 = arith.index_cast %get3A_2110 : i32 to index
        %get3A_2112 = arith.index_cast %add3A_2074 : i32 to index
        %get3A_2113 = arith.constant 0 : index
        %get3A_2114 = tpu.vector_load %arg7[%get3A_2111, %get3A_2112, %get3A_2113] {strides = array<i32>} : memref<32x26x32xf32, #tpu.memory_space<vmem>>, vector<16xf32>,
        %broadcast_in_dim3A_2115 = arith.constant 0 : i32
        %broadcast_in_dim3A_2116 = vector.broadcast %broadcast_in_dim3A_2115 : i32 to vector<16xi32>
        tpu.vector_store_idx %arg9[%broadcast_in_dim3A, %shift_right_logical3A_1876, %and3A_1887, %broadcast_in_dim3A_2116], %get3A_2079 : memref<26x4x8x33xf32, #tpu.memory_space<vmem>>[vector<16xi32>, vector<16xi32>, vector<16xi32>, vector<16xi32>], vector<16xf32>,
        %broadcast_in_dim3A_2117 = arith.constant 1 : i32
        %broadcast_in_dim3A_2118 = vector.broadcast %broadcast_in_dim3A_2117 : i32 to vector<16xi32>
        tpu.vector_store_idx %arg9[%broadcast_in_dim3A, %shift_right_logical3A_1876, %and3A_1887, %broadcast_in_dim3A_2118], %get3A_2084 : memref<26x4x8x33xf32, #tpu.memory_space<vmem>>[vector<16xi32>, vector<16xi32>, vector<16xi32>, vector<16xi32>], vector<16xf32>,
        %broadcast_in_dim3A_2119 = arith.constant 2 : i32
        %broadcast_in_dim3A_2120 = vector.broadcast %broadcast_in_dim3A_2119 : i32 to vector<16xi32>
        tpu.vector_store_idx %arg9[%broadcast_in_dim3A, %shift_right_logical3A_1876, %and3A_1887, %broadcast_in_dim3A_2120], %get3A_2089 : memref<26x4x8x33xf32, #tpu.memory_space<vmem>>[vector<16xi32>, vector<16xi32>, vector<16xi32>, vector<16xi32>], vector<16xf32>,
        %broadcast_in_dim3A_2121 = arith.constant 3 : i32
        %broadcast_in_dim3A_2122 = vector.broadcast %broadcast_in_dim3A_2121 : i32 to vector<16xi32>
        tpu.vector_store_idx %arg9[%broadcast_in_dim3A, %shift_right_logical3A_1876, %and3A_1887, %broadcast_in_dim3A_2122], %get3A_2094 : memref<26x4x8x33xf32, #tpu.memory_space<vmem>>[vector<16xi32>, vector<16xi32>, vector<16xi32>, vector<16xi32>], vector<16xf32>,
        %broadcast_in_dim3A_2123 = arith.constant 4 : i32
        %broadcast_in_dim3A_2124 = vector.broadcast %broadcast_in_dim3A_2123 : i32 to vector<16xi32>
        tpu.vector_store_idx %arg9[%broadcast_in_dim3A, %shift_right_logical3A_1876, %and3A_1887, %broadcast_in_dim3A_2124], %get3A_2099 : memref<26x4x8x33xf32, #tpu.memory_space<vmem>>[vector<16xi32>, vector<16xi32>, vector<16xi32>, vector<16xi32>], vector<16xf32>,
        %broadcast_in_dim3A_2125 = arith.constant 5 : i32
        %broadcast_in_dim3A_2126 = vector.broadcast %broadcast_in_dim3A_2125 : i32 to vector<16xi32>
        tpu.vector_store_idx %arg9[%broadcast_in_dim3A, %shift_right_logical3A_1876, %and3A_1887, %broadcast_in_dim3A_2126], %get3A_2104 : memref<26x4x8x33xf32, #tpu.memory_space<vmem>>[vector<16xi32>, vector<16xi32>, vector<16xi32>, vector<16xi32>], vector<16xf32>,
        %broadcast_in_dim3A_2127 = arith.constant 6 : i32
        %broadcast_in_dim3A_2128 = vector.broadcast %broadcast_in_dim3A_2127 : i32 to vector<16xi32>
        tpu.vector_store_idx %arg9[%broadcast_in_dim3A, %shift_right_logical3A_1876, %and3A_1887, %broadcast_in_dim3A_2128], %get3A_2109 : memref<26x4x8x33xf32, #tpu.memory_space<vmem>>[vector<16xi32>, vector<16xi32>, vector<16xi32>, vector<16xi32>], vector<16xf32>,
        %broadcast_in_dim3A_2129 = arith.constant 7 : i32
        %broadcast_in_dim3A_2130 = vector.broadcast %broadcast_in_dim3A_2129 : i32 to vector<16xi32>
        tpu.vector_store_idx %arg9[%broadcast_in_dim3A, %shift_right_logical3A_1876, %and3A_1887, %broadcast_in_dim3A_2130], %get3A_2114 : memref<26x4x8x33xf32, #tpu.memory_space<vmem>>[vector<16xi32>, vector<16xi32>, vector<16xi32>, vector<16xi32>], vector<16xf32>,
        %get3A_2131 = arith.constant 8 : i32
        %get3A_2132 = arith.index_cast %get3A_2131 : i32 to index
        %get3A_2133 = arith.index_cast %add3A_2074 : i32 to index
        %get3A_2134 = arith.constant 0 : index
        %get3A_2135 = tpu.vector_load %arg7[%get3A_2132, %get3A_2133, %get3A_2134] {strides = array<i32>} : memref<32x26x32xf32, #tpu.memory_space<vmem>>, vector<16xf32>,
        %get3A_2136 = arith.constant 9 : i32
        %get3A_2137 = arith.index_cast %get3A_2136 : i32 to index
        %get3A_2138 = arith.index_cast %add3A_2074 : i32 to index
        %get3A_2139 = arith.constant 0 : index
        %get3A_2140 = tpu.vector_load %arg7[%get3A_2137, %get3A_2138, %get3A_2139] {strides = array<i32>} : memref<32x26x32xf32, #tpu.memory_space<vmem>>, vector<16xf32>,
        %get3A_2141 = arith.constant 10 : i32
        %get3A_2142 = arith.index_cast %get3A_2141 : i32 to index
        %get3A_2143 = arith.index_cast %add3A_2074 : i32 to index
        %get3A_2144 = arith.constant 0 : index
        %get3A_2145 = tpu.vector_load %arg7[%get3A_2142, %get3A_2143, %get3A_2144] {strides = array<i32>} : memref<32x26x32xf32, #tpu.memory_space<vmem>>, vector<16xf32>,
        %get3A_2146 = arith.constant 11 : i32
        %get3A_2147 = arith.index_cast %get3A_2146 : i32 to index
        %get3A_2148 = arith.index_cast %add3A_2074 : i32 to index
        %get3A_2149 = arith.constant 0 : index
        %get3A_2150 = tpu.vector_load %arg7[%get3A_2147, %get3A_2148, %get3A_2149] {strides = array<i32>} : memref<32x26x32xf32, #tpu.memory_space<vmem>>, vector<16xf32>,
        %get3A_2151 = arith.constant 12 : i32
        %get3A_2152 = arith.index_cast %get3A_2151 : i32 to index
        %get3A_2153 = arith.index_cast %add3A_2074 : i32 to index
        %get3A_2154 = arith.constant 0 : index
        %get3A_2155 = tpu.vector_load %arg7[%get3A_2152, %get3A_2153, %get3A_2154] {strides = array<i32>} : memref<32x26x32xf32, #tpu.memory_space<vmem>>, vector<16xf32>,
        %get3A_2156 = arith.constant 13 : i32
        %get3A_2157 = arith.index_cast %get3A_2156 : i32 to index
        %get3A_2158 = arith.index_cast %add3A_2074 : i32 to index
        %get3A_2159 = arith.constant 0 : index
        %get3A_2160 = tpu.vector_load %arg7[%get3A_2157, %get3A_2158, %get3A_2159] {strides = array<i32>} : memref<32x26x32xf32, #tpu.memory_space<vmem>>, vector<16xf32>,
        %get3A_2161 = arith.constant 14 : i32
        %get3A_2162 = arith.index_cast %get3A_2161 : i32 to index
        %get3A_2163 = arith.index_cast %add3A_2074 : i32 to index
        %get3A_2164 = arith.constant 0 : index
        %get3A_2165 = tpu.vector_load %arg7[%get3A_2162, %get3A_2163, %get3A_2164] {strides = array<i32>} : memref<32x26x32xf32, #tpu.memory_space<vmem>>, vector<16xf32>,
        %get3A_2166 = arith.constant 15 : i32
        %get3A_2167 = arith.index_cast %get3A_2166 : i32 to index
        %get3A_2168 = arith.index_cast %add3A_2074 : i32 to index
        %get3A_2169 = arith.constant 0 : index
        %get3A_2170 = tpu.vector_load %arg7[%get3A_2167, %get3A_2168, %get3A_2169] {strides = array<i32>} : memref<32x26x32xf32, #tpu.memory_space<vmem>>, vector<16xf32>,
        %broadcast_in_dim3A_2171 = arith.constant 8 : i32
        %broadcast_in_dim3A_2172 = vector.broadcast %broadcast_in_dim3A_2171 : i32 to vector<16xi32>
        tpu.vector_store_idx %arg9[%broadcast_in_dim3A, %shift_right_logical3A_1876, %and3A_1887, %broadcast_in_dim3A_2172], %get3A_2135 : memref<26x4x8x33xf32, #tpu.memory_space<vmem>>[vector<16xi32>, vector<16xi32>, vector<16xi32>, vector<16xi32>], vector<16xf32>,
        %broadcast_in_dim3A_2173 = arith.constant 9 : i32
        %broadcast_in_dim3A_2174 = vector.broadcast %broadcast_in_dim3A_2173 : i32 to vector<16xi32>
        tpu.vector_store_idx %arg9[%broadcast_in_dim3A, %shift_right_logical3A_1876, %and3A_1887, %broadcast_in_dim3A_2174], %get3A_2140 : memref<26x4x8x33xf32, #tpu.memory_space<vmem>>[vector<16xi32>, vector<16xi32>, vector<16xi32>, vector<16xi32>], vector<16xf32>,
        %broadcast_in_dim3A_2175 = arith.constant 10 : i32
        %broadcast_in_dim3A_2176 = vector.broadcast %broadcast_in_dim3A_2175 : i32 to vector<16xi32>
        tpu.vector_store_idx %arg9[%broadcast_in_dim3A, %shift_right_logical3A_1876, %and3A_1887, %broadcast_in_dim3A_2176], %get3A_2145 : memref<26x4x8x33xf32, #tpu.memory_space<vmem>>[vector<16xi32>, vector<16xi32>, vector<16xi32>, vector<16xi32>], vector<16xf32>,
        %broadcast_in_dim3A_2177 = arith.constant 11 : i32
        %broadcast_in_dim3A_2178 = vector.broadcast %broadcast_in_dim3A_2177 : i32 to vector<16xi32>
        tpu.vector_store_idx %arg9[%broadcast_in_dim3A, %shift_right_logical3A_1876, %and3A_1887, %broadcast_in_dim3A_2178], %get3A_2150 : memref<26x4x8x33xf32, #tpu.memory_space<vmem>>[vector<16xi32>, vector<16xi32>, vector<16xi32>, vector<16xi32>], vector<16xf32>,
        %broadcast_in_dim3A_2179 = arith.constant 12 : i32
        %broadcast_in_dim3A_2180 = vector.broadcast %broadcast_in_dim3A_2179 : i32 to vector<16xi32>
        tpu.vector_store_idx %arg9[%broadcast_in_dim3A, %shift_right_logical3A_1876, %and3A_1887, %broadcast_in_dim3A_2180], %get3A_2155 : memref<26x4x8x33xf32, #tpu.memory_space<vmem>>[vector<16xi32>, vector<16xi32>, vector<16xi32>, vector<16xi32>], vector<16xf32>,
        %broadcast_in_dim3A_2181 = arith.constant 13 : i32
        %broadcast_in_dim3A_2182 = vector.broadcast %broadcast_in_dim3A_2181 : i32 to vector<16xi32>
        tpu.vector_store_idx %arg9[%broadcast_in_dim3A, %shift_right_logical3A_1876, %and3A_1887, %broadcast_in_dim3A_2182], %get3A_2160 : memref<26x4x8x33xf32, #tpu.memory_space<vmem>>[vector<16xi32>, vector<16xi32>, vector<16xi32>, vector<16xi32>], vector<16xf32>,
        %broadcast_in_dim3A_2183 = arith.constant 14 : i32
        %broadcast_in_dim3A_2184 = vector.broadcast %broadcast_in_dim3A_2183 : i32 to vector<16xi32>
        tpu.vector_store_idx %arg9[%broadcast_in_dim3A, %shift_right_logical3A_1876, %and3A_1887, %broadcast_in_dim3A_2184], %get3A_2165 : memref<26x4x8x33xf32, #tpu.memory_space<vmem>>[vector<16xi32>, vector<16xi32>, vector<16xi32>, vector<16xi32>], vector<16xf32>,
        %broadcast_in_dim3A_2185 = arith.constant 15 : i32
        %broadcast_in_dim3A_2186 = vector.broadcast %broadcast_in_dim3A_2185 : i32 to vector<16xi32>
        tpu.vector_store_idx %arg9[%broadcast_in_dim3A, %shift_right_logical3A_1876, %and3A_1887, %broadcast_in_dim3A_2186], %get3A_2170 : memref<26x4x8x33xf32, #tpu.memory_space<vmem>>[vector<16xi32>, vector<16xi32>, vector<16xi32>, vector<16xi32>], vector<16xf32>,
        %get3A_2187 = arith.constant 16 : i32
        %get3A_2188 = arith.index_cast %get3A_2187 : i32 to index
        %get3A_2189 = arith.index_cast %add3A_2074 : i32 to index
        %get3A_2190 = arith.constant 0 : index
        %get3A_2191 = tpu.vector_load %arg7[%get3A_2188, %get3A_2189, %get3A_2190] {strides = array<i32>} : memref<32x26x32xf32, #tpu.memory_space<vmem>>, vector<16xf32>,
        %get3A_2192 = arith.constant 17 : i32
        %get3A_2193 = arith.index_cast %get3A_2192 : i32 to index
        %get3A_2194 = arith.index_cast %add3A_2074 : i32 to index
        %get3A_2195 = arith.constant 0 : index
        %get3A_2196 = tpu.vector_load %arg7[%get3A_2193, %get3A_2194, %get3A_2195] {strides = array<i32>} : memref<32x26x32xf32, #tpu.memory_space<vmem>>, vector<16xf32>,
        %get3A_2197 = arith.constant 18 : i32
        %get3A_2198 = arith.index_cast %get3A_2197 : i32 to index
        %get3A_2199 = arith.index_cast %add3A_2074 : i32 to index
        %get3A_2200 = arith.constant 0 : index
        %get3A_2201 = tpu.vector_load %arg7[%get3A_2198, %get3A_2199, %get3A_2200] {strides = array<i32>} : memref<32x26x32xf32, #tpu.memory_space<vmem>>, vector<16xf32>,
        %get3A_2202 = arith.constant 19 : i32
        %get3A_2203 = arith.index_cast %get3A_2202 : i32 to index
        %get3A_2204 = arith.index_cast %add3A_2074 : i32 to index
        %get3A_2205 = arith.constant 0 : index
        %get3A_2206 = tpu.vector_load %arg7[%get3A_2203, %get3A_2204, %get3A_2205] {strides = array<i32>} : memref<32x26x32xf32, #tpu.memory_space<vmem>>, vector<16xf32>,
        %get3A_2207 = arith.constant 20 : i32
        %get3A_2208 = arith.index_cast %get3A_2207 : i32 to index
        %get3A_2209 = arith.index_cast %add3A_2074 : i32 to index
        %get3A_2210 = arith.constant 0 : index
        %get3A_2211 = tpu.vector_load %arg7[%get3A_2208, %get3A_2209, %get3A_2210] {strides = array<i32>} : memref<32x26x32xf32, #tpu.memory_space<vmem>>, vector<16xf32>,
        %get3A_2212 = arith.constant 21 : i32
        %get3A_2213 = arith.index_cast %get3A_2212 : i32 to index
        %get3A_2214 = arith.index_cast %add3A_2074 : i32 to index
        %get3A_2215 = arith.constant 0 : index
        %get3A_2216 = tpu.vector_load %arg7[%get3A_2213, %get3A_2214, %get3A_2215] {strides = array<i32>} : memref<32x26x32xf32, #tpu.memory_space<vmem>>, vector<16xf32>,
        %get3A_2217 = arith.constant 22 : i32
        %get3A_2218 = arith.index_cast %get3A_2217 : i32 to index
        %get3A_2219 = arith.index_cast %add3A_2074 : i32 to index
        %get3A_2220 = arith.constant 0 : index
        %get3A_2221 = tpu.vector_load %arg7[%get3A_2218, %get3A_2219, %get3A_2220] {strides = array<i32>} : memref<32x26x32xf32, #tpu.memory_space<vmem>>, vector<16xf32>,
        %get3A_2222 = arith.constant 23 : i32
        %get3A_2223 = arith.index_cast %get3A_2222 : i32 to index
        %get3A_2224 = arith.index_cast %add3A_2074 : i32 to index
        %get3A_2225 = arith.constant 0 : index
        %get3A_2226 = tpu.vector_load %arg7[%get3A_2223, %get3A_2224, %get3A_2225] {strides = array<i32>} : memref<32x26x32xf32, #tpu.memory_space<vmem>>, vector<16xf32>,
        %broadcast_in_dim3A_2227 = arith.constant 16 : i32
        %broadcast_in_dim3A_2228 = vector.broadcast %broadcast_in_dim3A_2227 : i32 to vector<16xi32>
        tpu.vector_store_idx %arg9[%broadcast_in_dim3A, %shift_right_logical3A_1876, %and3A_1887, %broadcast_in_dim3A_2228], %get3A_2191 : memref<26x4x8x33xf32, #tpu.memory_space<vmem>>[vector<16xi32>, vector<16xi32>, vector<16xi32>, vector<16xi32>], vector<16xf32>,
        %broadcast_in_dim3A_2229 = arith.constant 17 : i32
        %broadcast_in_dim3A_2230 = vector.broadcast %broadcast_in_dim3A_2229 : i32 to vector<16xi32>
        tpu.vector_store_idx %arg9[%broadcast_in_dim3A, %shift_right_logical3A_1876, %and3A_1887, %broadcast_in_dim3A_2230], %get3A_2196 : memref<26x4x8x33xf32, #tpu.memory_space<vmem>>[vector<16xi32>, vector<16xi32>, vector<16xi32>, vector<16xi32>], vector<16xf32>,
        %broadcast_in_dim3A_2231 = arith.constant 18 : i32
        %broadcast_in_dim3A_2232 = vector.broadcast %broadcast_in_dim3A_2231 : i32 to vector<16xi32>
        tpu.vector_store_idx %arg9[%broadcast_in_dim3A, %shift_right_logical3A_1876, %and3A_1887, %broadcast_in_dim3A_2232], %get3A_2201 : memref<26x4x8x33xf32, #tpu.memory_space<vmem>>[vector<16xi32>, vector<16xi32>, vector<16xi32>, vector<16xi32>], vector<16xf32>,
        %broadcast_in_dim3A_2233 = arith.constant 19 : i32
        %broadcast_in_dim3A_2234 = vector.broadcast %broadcast_in_dim3A_2233 : i32 to vector<16xi32>
        tpu.vector_store_idx %arg9[%broadcast_in_dim3A, %shift_right_logical3A_1876, %and3A_1887, %broadcast_in_dim3A_2234], %get3A_2206 : memref<26x4x8x33xf32, #tpu.memory_space<vmem>>[vector<16xi32>, vector<16xi32>, vector<16xi32>, vector<16xi32>], vector<16xf32>,
        %broadcast_in_dim3A_2235 = arith.constant 20 : i32
        %broadcast_in_dim3A_2236 = vector.broadcast %broadcast_in_dim3A_2235 : i32 to vector<16xi32>
        tpu.vector_store_idx %arg9[%broadcast_in_dim3A, %shift_right_logical3A_1876, %and3A_1887, %broadcast_in_dim3A_2236], %get3A_2211 : memref<26x4x8x33xf32, #tpu.memory_space<vmem>>[vector<16xi32>, vector<16xi32>, vector<16xi32>, vector<16xi32>], vector<16xf32>,
        %broadcast_in_dim3A_2237 = arith.constant 21 : i32
        %broadcast_in_dim3A_2238 = vector.broadcast %broadcast_in_dim3A_2237 : i32 to vector<16xi32>
        tpu.vector_store_idx %arg9[%broadcast_in_dim3A, %shift_right_logical3A_1876, %and3A_1887, %broadcast_in_dim3A_2238], %get3A_2216 : memref<26x4x8x33xf32, #tpu.memory_space<vmem>>[vector<16xi32>, vector<16xi32>, vector<16xi32>, vector<16xi32>], vector<16xf32>,
        %broadcast_in_dim3A_2239 = arith.constant 22 : i32
        %broadcast_in_dim3A_2240 = vector.broadcast %broadcast_in_dim3A_2239 : i32 to vector<16xi32>
        tpu.vector_store_idx %arg9[%broadcast_in_dim3A, %shift_right_logical3A_1876, %and3A_1887, %broadcast_in_dim3A_2240], %get3A_2221 : memref<26x4x8x33xf32, #tpu.memory_space<vmem>>[vector<16xi32>, vector<16xi32>, vector<16xi32>, vector<16xi32>], vector<16xf32>,
        %broadcast_in_dim3A_2241 = arith.constant 23 : i32
        %broadcast_in_dim3A_2242 = vector.broadcast %broadcast_in_dim3A_2241 : i32 to vector<16xi32>
        tpu.vector_store_idx %arg9[%broadcast_in_dim3A, %shift_right_logical3A_1876, %and3A_1887, %broadcast_in_dim3A_2242], %get3A_2226 : memref<26x4x8x33xf32, #tpu.memory_space<vmem>>[vector<16xi32>, vector<16xi32>, vector<16xi32>, vector<16xi32>], vector<16xf32>,
        %get3A_2243 = arith.constant 24 : i32
        %get3A_2244 = arith.index_cast %get3A_2243 : i32 to index
        %get3A_2245 = arith.index_cast %add3A_2074 : i32 to index
        %get3A_2246 = arith.constant 0 : index
        %get3A_2247 = tpu.vector_load %arg7[%get3A_2244, %get3A_2245, %get3A_2246] {strides = array<i32>} : memref<32x26x32xf32, #tpu.memory_space<vmem>>, vector<16xf32>,
        %get3A_2248 = arith.constant 25 : i32
        %get3A_2249 = arith.index_cast %get3A_2248 : i32 to index
        %get3A_2250 = arith.index_cast %add3A_2074 : i32 to index
        %get3A_2251 = arith.constant 0 : index
        %get3A_2252 = tpu.vector_load %arg7[%get3A_2249, %get3A_2250, %get3A_2251] {strides = array<i32>} : memref<32x26x32xf32, #tpu.memory_space<vmem>>, vector<16xf32>,
        %get3A_2253 = arith.constant 26 : i32
        %get3A_2254 = arith.index_cast %get3A_2253 : i32 to index
        %get3A_2255 = arith.index_cast %add3A_2074 : i32 to index
        %get3A_2256 = arith.constant 0 : index
        %get3A_2257 = tpu.vector_load %arg7[%get3A_2254, %get3A_2255, %get3A_2256] {strides = array<i32>} : memref<32x26x32xf32, #tpu.memory_space<vmem>>, vector<16xf32>,
        %get3A_2258 = arith.constant 27 : i32
        %get3A_2259 = arith.index_cast %get3A_2258 : i32 to index
        %get3A_2260 = arith.index_cast %add3A_2074 : i32 to index
        %get3A_2261 = arith.constant 0 : index
        %get3A_2262 = tpu.vector_load %arg7[%get3A_2259, %get3A_2260, %get3A_2261] {strides = array<i32>} : memref<32x26x32xf32, #tpu.memory_space<vmem>>, vector<16xf32>,
        %get3A_2263 = arith.constant 28 : i32
        %get3A_2264 = arith.index_cast %get3A_2263 : i32 to index
        %get3A_2265 = arith.index_cast %add3A_2074 : i32 to index
        %get3A_2266 = arith.constant 0 : index
        %get3A_2267 = tpu.vector_load %arg7[%get3A_2264, %get3A_2265, %get3A_2266] {strides = array<i32>} : memref<32x26x32xf32, #tpu.memory_space<vmem>>, vector<16xf32>,
        %get3A_2268 = arith.constant 29 : i32
        %get3A_2269 = arith.index_cast %get3A_2268 : i32 to index
        %get3A_2270 = arith.index_cast %add3A_2074 : i32 to index
        %get3A_2271 = arith.constant 0 : index
        %get3A_2272 = tpu.vector_load %arg7[%get3A_2269, %get3A_2270, %get3A_2271] {strides = array<i32>} : memref<32x26x32xf32, #tpu.memory_space<vmem>>, vector<16xf32>,
        %get3A_2273 = arith.constant 30 : i32
        %get3A_2274 = arith.index_cast %get3A_2273 : i32 to index
        %get3A_2275 = arith.index_cast %add3A_2074 : i32 to index
        %get3A_2276 = arith.constant 0 : index
        %get3A_2277 = tpu.vector_load %arg7[%get3A_2274, %get3A_2275, %get3A_2276] {strides = array<i32>} : memref<32x26x32xf32, #tpu.memory_space<vmem>>, vector<16xf32>,
        %get3A_2278 = arith.constant 31 : i32
        %get3A_2279 = arith.index_cast %get3A_2278 : i32 to index
        %get3A_2280 = arith.index_cast %add3A_2074 : i32 to index
        %get3A_2281 = arith.constant 0 : index
        %get3A_2282 = tpu.vector_load %arg7[%get3A_2279, %get3A_2280, %get3A_2281] {strides = array<i32>} : memref<32x26x32xf32, #tpu.memory_space<vmem>>, vector<16xf32>,
        %broadcast_in_dim3A_2283 = arith.constant 24 : i32
        %broadcast_in_dim3A_2284 = vector.broadcast %broadcast_in_dim3A_2283 : i32 to vector<16xi32>
        tpu.vector_store_idx %arg9[%broadcast_in_dim3A, %shift_right_logical3A_1876, %and3A_1887, %broadcast_in_dim3A_2284], %get3A_2247 : memref<26x4x8x33xf32, #tpu.memory_space<vmem>>[vector<16xi32>, vector<16xi32>, vector<16xi32>, vector<16xi32>], vector<16xf32>,
        %broadcast_in_dim3A_2285 = arith.constant 25 : i32
        %broadcast_in_dim3A_2286 = vector.broadcast %broadcast_in_dim3A_2285 : i32 to vector<16xi32>
        tpu.vector_store_idx %arg9[%broadcast_in_dim3A, %shift_right_logical3A_1876, %and3A_1887, %broadcast_in_dim3A_2286], %get3A_2252 : memref<26x4x8x33xf32, #tpu.memory_space<vmem>>[vector<16xi32>, vector<16xi32>, vector<16xi32>, vector<16xi32>], vector<16xf32>,
        %broadcast_in_dim3A_2287 = arith.constant 26 : i32
        %broadcast_in_dim3A_2288 = vector.broadcast %broadcast_in_dim3A_2287 : i32 to vector<16xi32>
        tpu.vector_store_idx %arg9[%broadcast_in_dim3A, %shift_right_logical3A_1876, %and3A_1887, %broadcast_in_dim3A_2288], %get3A_2257 : memref<26x4x8x33xf32, #tpu.memory_space<vmem>>[vector<16xi32>, vector<16xi32>, vector<16xi32>, vector<16xi32>], vector<16xf32>,
        %broadcast_in_dim3A_2289 = arith.constant 27 : i32
        %broadcast_in_dim3A_2290 = vector.broadcast %broadcast_in_dim3A_2289 : i32 to vector<16xi32>
        tpu.vector_store_idx %arg9[%broadcast_in_dim3A, %shift_right_logical3A_1876, %and3A_1887, %broadcast_in_dim3A_2290], %get3A_2262 : memref<26x4x8x33xf32, #tpu.memory_space<vmem>>[vector<16xi32>, vector<16xi32>, vector<16xi32>, vector<16xi32>], vector<16xf32>,
        %broadcast_in_dim3A_2291 = arith.constant 28 : i32
        %broadcast_in_dim3A_2292 = vector.broadcast %broadcast_in_dim3A_2291 : i32 to vector<16xi32>
        tpu.vector_store_idx %arg9[%broadcast_in_dim3A, %shift_right_logical3A_1876, %and3A_1887, %broadcast_in_dim3A_2292], %get3A_2267 : memref<26x4x8x33xf32, #tpu.memory_space<vmem>>[vector<16xi32>, vector<16xi32>, vector<16xi32>, vector<16xi32>], vector<16xf32>,
        %broadcast_in_dim3A_2293 = arith.constant 29 : i32
        %broadcast_in_dim3A_2294 = vector.broadcast %broadcast_in_dim3A_2293 : i32 to vector<16xi32>
        tpu.vector_store_idx %arg9[%broadcast_in_dim3A, %shift_right_logical3A_1876, %and3A_1887, %broadcast_in_dim3A_2294], %get3A_2272 : memref<26x4x8x33xf32, #tpu.memory_space<vmem>>[vector<16xi32>, vector<16xi32>, vector<16xi32>, vector<16xi32>], vector<16xf32>,
        %broadcast_in_dim3A_2295 = arith.constant 30 : i32
        %broadcast_in_dim3A_2296 = vector.broadcast %broadcast_in_dim3A_2295 : i32 to vector<16xi32>
        tpu.vector_store_idx %arg9[%broadcast_in_dim3A, %shift_right_logical3A_1876, %and3A_1887, %broadcast_in_dim3A_2296], %get3A_2277 : memref<26x4x8x33xf32, #tpu.memory_space<vmem>>[vector<16xi32>, vector<16xi32>, vector<16xi32>, vector<16xi32>], vector<16xf32>,
        %broadcast_in_dim3A_2297 = arith.constant 31 : i32
        %broadcast_in_dim3A_2298 = vector.broadcast %broadcast_in_dim3A_2297 : i32 to vector<16xi32>
        tpu.vector_store_idx %arg9[%broadcast_in_dim3A, %shift_right_logical3A_1876, %and3A_1887, %broadcast_in_dim3A_2298], %get3A_2282 : memref<26x4x8x33xf32, #tpu.memory_space<vmem>>[vector<16xi32>, vector<16xi32>, vector<16xi32>, vector<16xi32>], vector<16xf32>,
        %get3A_2299 = arith.constant 0 : i32
        %get3A_2300 = arith.index_cast %get3A_2299 : i32 to index
        %get3A_2301 = arith.index_cast %add3A_2074 : i32 to index
        %get3A_2302 = arith.constant 16 : index
        %get3A_2303 = tpu.vector_load %arg7[%get3A_2300, %get3A_2301, %get3A_2302] {strides = array<i32>} : memref<32x26x32xf32, #tpu.memory_space<vmem>>, vector<16xf32>,
        %get3A_2304 = arith.constant 1 : i32
        %get3A_2305 = arith.index_cast %get3A_2304 : i32 to index
        %get3A_2306 = arith.index_cast %add3A_2074 : i32 to index
        %get3A_2307 = arith.constant 16 : index
        %get3A_2308 = tpu.vector_load %arg7[%get3A_2305, %get3A_2306, %get3A_2307] {strides = array<i32>} : memref<32x26x32xf32, #tpu.memory_space<vmem>>, vector<16xf32>,
        %get3A_2309 = arith.constant 2 : i32
        %get3A_2310 = arith.index_cast %get3A_2309 : i32 to index
        %get3A_2311 = arith.index_cast %add3A_2074 : i32 to index
        %get3A_2312 = arith.constant 16 : index
        %get3A_2313 = tpu.vector_load %arg7[%get3A_2310, %get3A_2311, %get3A_2312] {strides = array<i32>} : memref<32x26x32xf32, #tpu.memory_space<vmem>>, vector<16xf32>,
        %get3A_2314 = arith.constant 3 : i32
        %get3A_2315 = arith.index_cast %get3A_2314 : i32 to index
        %get3A_2316 = arith.index_cast %add3A_2074 : i32 to index
        %get3A_2317 = arith.constant 16 : index
        %get3A_2318 = tpu.vector_load %arg7[%get3A_2315, %get3A_2316, %get3A_2317] {strides = array<i32>} : memref<32x26x32xf32, #tpu.memory_space<vmem>>, vector<16xf32>,
        %get3A_2319 = arith.constant 4 : i32
        %get3A_2320 = arith.index_cast %get3A_2319 : i32 to index
        %get3A_2321 = arith.index_cast %add3A_2074 : i32 to index
        %get3A_2322 = arith.constant 16 : index
        %get3A_2323 = tpu.vector_load %arg7[%get3A_2320, %get3A_2321, %get3A_2322] {strides = array<i32>} : memref<32x26x32xf32, #tpu.memory_space<vmem>>, vector<16xf32>,
        %get3A_2324 = arith.constant 5 : i32
        %get3A_2325 = arith.index_cast %get3A_2324 : i32 to index
        %get3A_2326 = arith.index_cast %add3A_2074 : i32 to index
        %get3A_2327 = arith.constant 16 : index
        %get3A_2328 = tpu.vector_load %arg7[%get3A_2325, %get3A_2326, %get3A_2327] {strides = array<i32>} : memref<32x26x32xf32, #tpu.memory_space<vmem>>, vector<16xf32>,
        %get3A_2329 = arith.constant 6 : i32
        %get3A_2330 = arith.index_cast %get3A_2329 : i32 to index
        %get3A_2331 = arith.index_cast %add3A_2074 : i32 to index
        %get3A_2332 = arith.constant 16 : index
        %get3A_2333 = tpu.vector_load %arg7[%get3A_2330, %get3A_2331, %get3A_2332] {strides = array<i32>} : memref<32x26x32xf32, #tpu.memory_space<vmem>>, vector<16xf32>,
        %get3A_2334 = arith.constant 7 : i32
        %get3A_2335 = arith.index_cast %get3A_2334 : i32 to index
        %get3A_2336 = arith.index_cast %add3A_2074 : i32 to index
        %get3A_2337 = arith.constant 16 : index
        %get3A_2338 = tpu.vector_load %arg7[%get3A_2335, %get3A_2336, %get3A_2337] {strides = array<i32>} : memref<32x26x32xf32, #tpu.memory_space<vmem>>, vector<16xf32>,
        %broadcast_in_dim3A_2339 = arith.constant 0 : i32
        %broadcast_in_dim3A_2340 = vector.broadcast %broadcast_in_dim3A_2339 : i32 to vector<16xi32>
        tpu.vector_store_idx %arg9[%broadcast_in_dim3A, %shift_right_logical3A_1882, %and3A_1893, %broadcast_in_dim3A_2340], %get3A_2303 : memref<26x4x8x33xf32, #tpu.memory_space<vmem>>[vector<16xi32>, vector<16xi32>, vector<16xi32>, vector<16xi32>], vector<16xf32>,
        %broadcast_in_dim3A_2341 = arith.constant 1 : i32
        %broadcast_in_dim3A_2342 = vector.broadcast %broadcast_in_dim3A_2341 : i32 to vector<16xi32>
        tpu.vector_store_idx %arg9[%broadcast_in_dim3A, %shift_right_logical3A_1882, %and3A_1893, %broadcast_in_dim3A_2342], %get3A_2308 : memref<26x4x8x33xf32, #tpu.memory_space<vmem>>[vector<16xi32>, vector<16xi32>, vector<16xi32>, vector<16xi32>], vector<16xf32>,
        %broadcast_in_dim3A_2343 = arith.constant 2 : i32
        %broadcast_in_dim3A_2344 = vector.broadcast %broadcast_in_dim3A_2343 : i32 to vector<16xi32>
        tpu.vector_store_idx %arg9[%broadcast_in_dim3A, %shift_right_logical3A_1882, %and3A_1893, %broadcast_in_dim3A_2344], %get3A_2313 : memref<26x4x8x33xf32, #tpu.memory_space<vmem>>[vector<16xi32>, vector<16xi32>, vector<16xi32>, vector<16xi32>], vector<16xf32>,
        %broadcast_in_dim3A_2345 = arith.constant 3 : i32
        %broadcast_in_dim3A_2346 = vector.broadcast %broadcast_in_dim3A_2345 : i32 to vector<16xi32>
        tpu.vector_store_idx %arg9[%broadcast_in_dim3A, %shift_right_logical3A_1882, %and3A_1893, %broadcast_in_dim3A_2346], %get3A_2318 : memref<26x4x8x33xf32, #tpu.memory_space<vmem>>[vector<16xi32>, vector<16xi32>, vector<16xi32>, vector<16xi32>], vector<16xf32>,
        %broadcast_in_dim3A_2347 = arith.constant 4 : i32
        %broadcast_in_dim3A_2348 = vector.broadcast %broadcast_in_dim3A_2347 : i32 to vector<16xi32>
        tpu.vector_store_idx %arg9[%broadcast_in_dim3A, %shift_right_logical3A_1882, %and3A_1893, %broadcast_in_dim3A_2348], %get3A_2323 : memref<26x4x8x33xf32, #tpu.memory_space<vmem>>[vector<16xi32>, vector<16xi32>, vector<16xi32>, vector<16xi32>], vector<16xf32>,
        %broadcast_in_dim3A_2349 = arith.constant 5 : i32
        %broadcast_in_dim3A_2350 = vector.broadcast %broadcast_in_dim3A_2349 : i32 to vector<16xi32>
        tpu.vector_store_idx %arg9[%broadcast_in_dim3A, %shift_right_logical3A_1882, %and3A_1893, %broadcast_in_dim3A_2350], %get3A_2328 : memref<26x4x8x33xf32, #tpu.memory_space<vmem>>[vector<16xi32>, vector<16xi32>, vector<16xi32>, vector<16xi32>], vector<16xf32>,
        %broadcast_in_dim3A_2351 = arith.constant 6 : i32
        %broadcast_in_dim3A_2352 = vector.broadcast %broadcast_in_dim3A_2351 : i32 to vector<16xi32>
        tpu.vector_store_idx %arg9[%broadcast_in_dim3A, %shift_right_logical3A_1882, %and3A_1893, %broadcast_in_dim3A_2352], %get3A_2333 : memref<26x4x8x33xf32, #tpu.memory_space<vmem>>[vector<16xi32>, vector<16xi32>, vector<16xi32>, vector<16xi32>], vector<16xf32>,
        %broadcast_in_dim3A_2353 = arith.constant 7 : i32
        %broadcast_in_dim3A_2354 = vector.broadcast %broadcast_in_dim3A_2353 : i32 to vector<16xi32>
        tpu.vector_store_idx %arg9[%broadcast_in_dim3A, %shift_right_logical3A_1882, %and3A_1893, %broadcast_in_dim3A_2354], %get3A_2338 : memref<26x4x8x33xf32, #tpu.memory_space<vmem>>[vector<16xi32>, vector<16xi32>, vector<16xi32>, vector<16xi32>], vector<16xf32>,
        %get3A_2355 = arith.constant 8 : i32
        %get3A_2356 = arith.index_cast %get3A_2355 : i32 to index
        %get3A_2357 = arith.index_cast %add3A_2074 : i32 to index
        %get3A_2358 = arith.constant 16 : index
        %get3A_2359 = tpu.vector_load %arg7[%get3A_2356, %get3A_2357, %get3A_2358] {strides = array<i32>} : memref<32x26x32xf32, #tpu.memory_space<vmem>>, vector<16xf32>,
        %get3A_2360 = arith.constant 9 : i32
        %get3A_2361 = arith.index_cast %get3A_2360 : i32 to index
        %get3A_2362 = arith.index_cast %add3A_2074 : i32 to index
        %get3A_2363 = arith.constant 16 : index
        %get3A_2364 = tpu.vector_load %arg7[%get3A_2361, %get3A_2362, %get3A_2363] {strides = array<i32>} : memref<32x26x32xf32, #tpu.memory_space<vmem>>, vector<16xf32>,
        %get3A_2365 = arith.constant 10 : i32
        %get3A_2366 = arith.index_cast %get3A_2365 : i32 to index
        %get3A_2367 = arith.index_cast %add3A_2074 : i32 to index
        %get3A_2368 = arith.constant 16 : index
        %get3A_2369 = tpu.vector_load %arg7[%get3A_2366, %get3A_2367, %get3A_2368] {strides = array<i32>} : memref<32x26x32xf32, #tpu.memory_space<vmem>>, vector<16xf32>,
        %get3A_2370 = arith.constant 11 : i32
        %get3A_2371 = arith.index_cast %get3A_2370 : i32 to index
        %get3A_2372 = arith.index_cast %add3A_2074 : i32 to index
        %get3A_2373 = arith.constant 16 : index
        %get3A_2374 = tpu.vector_load %arg7[%get3A_2371, %get3A_2372, %get3A_2373] {strides = array<i32>} : memref<32x26x32xf32, #tpu.memory_space<vmem>>, vector<16xf32>,
        %get3A_2375 = arith.constant 12 : i32
        %get3A_2376 = arith.index_cast %get3A_2375 : i32 to index
        %get3A_2377 = arith.index_cast %add3A_2074 : i32 to index
        %get3A_2378 = arith.constant 16 : index
        %get3A_2379 = tpu.vector_load %arg7[%get3A_2376, %get3A_2377, %get3A_2378] {strides = array<i32>} : memref<32x26x32xf32, #tpu.memory_space<vmem>>, vector<16xf32>,
        %get3A_2380 = arith.constant 13 : i32
        %get3A_2381 = arith.index_cast %get3A_2380 : i32 to index
        %get3A_2382 = arith.index_cast %add3A_2074 : i32 to index
        %get3A_2383 = arith.constant 16 : index
        %get3A_2384 = tpu.vector_load %arg7[%get3A_2381, %get3A_2382, %get3A_2383] {strides = array<i32>} : memref<32x26x32xf32, #tpu.memory_space<vmem>>, vector<16xf32>,
        %get3A_2385 = arith.constant 14 : i32
        %get3A_2386 = arith.index_cast %get3A_2385 : i32 to index
        %get3A_2387 = arith.index_cast %add3A_2074 : i32 to index
        %get3A_2388 = arith.constant 16 : index
        %get3A_2389 = tpu.vector_load %arg7[%get3A_2386, %get3A_2387, %get3A_2388] {strides = array<i32>} : memref<32x26x32xf32, #tpu.memory_space<vmem>>, vector<16xf32>,
        %get3A_2390 = arith.constant 15 : i32
        %get3A_2391 = arith.index_cast %get3A_2390 : i32 to index
        %get3A_2392 = arith.index_cast %add3A_2074 : i32 to index
        %get3A_2393 = arith.constant 16 : index
        %get3A_2394 = tpu.vector_load %arg7[%get3A_2391, %get3A_2392, %get3A_2393] {strides = array<i32>} : memref<32x26x32xf32, #tpu.memory_space<vmem>>, vector<16xf32>,
        %broadcast_in_dim3A_2395 = arith.constant 8 : i32
        %broadcast_in_dim3A_2396 = vector.broadcast %broadcast_in_dim3A_2395 : i32 to vector<16xi32>
        tpu.vector_store_idx %arg9[%broadcast_in_dim3A, %shift_right_logical3A_1882, %and3A_1893, %broadcast_in_dim3A_2396], %get3A_2359 : memref<26x4x8x33xf32, #tpu.memory_space<vmem>>[vector<16xi32>, vector<16xi32>, vector<16xi32>, vector<16xi32>], vector<16xf32>,
        %broadcast_in_dim3A_2397 = arith.constant 9 : i32
        %broadcast_in_dim3A_2398 = vector.broadcast %broadcast_in_dim3A_2397 : i32 to vector<16xi32>
        tpu.vector_store_idx %arg9[%broadcast_in_dim3A, %shift_right_logical3A_1882, %and3A_1893, %broadcast_in_dim3A_2398], %get3A_2364 : memref<26x4x8x33xf32, #tpu.memory_space<vmem>>[vector<16xi32>, vector<16xi32>, vector<16xi32>, vector<16xi32>], vector<16xf32>,
        %broadcast_in_dim3A_2399 = arith.constant 10 : i32
        %broadcast_in_dim3A_2400 = vector.broadcast %broadcast_in_dim3A_2399 : i32 to vector<16xi32>
        tpu.vector_store_idx %arg9[%broadcast_in_dim3A, %shift_right_logical3A_1882, %and3A_1893, %broadcast_in_dim3A_2400], %get3A_2369 : memref<26x4x8x33xf32, #tpu.memory_space<vmem>>[vector<16xi32>, vector<16xi32>, vector<16xi32>, vector<16xi32>], vector<16xf32>,
        %broadcast_in_dim3A_2401 = arith.constant 11 : i32
        %broadcast_in_dim3A_2402 = vector.broadcast %broadcast_in_dim3A_2401 : i32 to vector<16xi32>
        tpu.vector_store_idx %arg9[%broadcast_in_dim3A, %shift_right_logical3A_1882, %and3A_1893, %broadcast_in_dim3A_2402], %get3A_2374 : memref<26x4x8x33xf32, #tpu.memory_space<vmem>>[vector<16xi32>, vector<16xi32>, vector<16xi32>, vector<16xi32>], vector<16xf32>,
        %broadcast_in_dim3A_2403 = arith.constant 12 : i32
        %broadcast_in_dim3A_2404 = vector.broadcast %broadcast_in_dim3A_2403 : i32 to vector<16xi32>
        tpu.vector_store_idx %arg9[%broadcast_in_dim3A, %shift_right_logical3A_1882, %and3A_1893, %broadcast_in_dim3A_2404], %get3A_2379 : memref<26x4x8x33xf32, #tpu.memory_space<vmem>>[vector<16xi32>, vector<16xi32>, vector<16xi32>, vector<16xi32>], vector<16xf32>,
        %broadcast_in_dim3A_2405 = arith.constant 13 : i32
        %broadcast_in_dim3A_2406 = vector.broadcast %broadcast_in_dim3A_2405 : i32 to vector<16xi32>
        tpu.vector_store_idx %arg9[%broadcast_in_dim3A, %shift_right_logical3A_1882, %and3A_1893, %broadcast_in_dim3A_2406], %get3A_2384 : memref<26x4x8x33xf32, #tpu.memory_space<vmem>>[vector<16xi32>, vector<16xi32>, vector<16xi32>, vector<16xi32>], vector<16xf32>,
        %broadcast_in_dim3A_2407 = arith.constant 14 : i32
        %broadcast_in_dim3A_2408 = vector.broadcast %broadcast_in_dim3A_2407 : i32 to vector<16xi32>
        tpu.vector_store_idx %arg9[%broadcast_in_dim3A, %shift_right_logical3A_1882, %and3A_1893, %broadcast_in_dim3A_2408], %get3A_2389 : memref<26x4x8x33xf32, #tpu.memory_space<vmem>>[vector<16xi32>, vector<16xi32>, vector<16xi32>, vector<16xi32>], vector<16xf32>,
        %broadcast_in_dim3A_2409 = arith.constant 15 : i32
        %broadcast_in_dim3A_2410 = vector.broadcast %broadcast_in_dim3A_2409 : i32 to vector<16xi32>
        tpu.vector_store_idx %arg9[%broadcast_in_dim3A, %shift_right_logical3A_1882, %and3A_1893, %broadcast_in_dim3A_2410], %get3A_2394 : memref<26x4x8x33xf32, #tpu.memory_space<vmem>>[vector<16xi32>, vector<16xi32>, vector<16xi32>, vector<16xi32>], vector<16xf32>,
        %get3A_2411 = arith.constant 16 : i32
        %get3A_2412 = arith.index_cast %get3A_2411 : i32 to index
        %get3A_2413 = arith.index_cast %add3A_2074 : i32 to index
        %get3A_2414 = arith.constant 16 : index
        %get3A_2415 = tpu.vector_load %arg7[%get3A_2412, %get3A_2413, %get3A_2414] {strides = array<i32>} : memref<32x26x32xf32, #tpu.memory_space<vmem>>, vector<16xf32>,
        %get3A_2416 = arith.constant 17 : i32
        %get3A_2417 = arith.index_cast %get3A_2416 : i32 to index
        %get3A_2418 = arith.index_cast %add3A_2074 : i32 to index
        %get3A_2419 = arith.constant 16 : index
        %get3A_2420 = tpu.vector_load %arg7[%get3A_2417, %get3A_2418, %get3A_2419] {strides = array<i32>} : memref<32x26x32xf32, #tpu.memory_space<vmem>>, vector<16xf32>,
        %get3A_2421 = arith.constant 18 : i32
        %get3A_2422 = arith.index_cast %get3A_2421 : i32 to index
        %get3A_2423 = arith.index_cast %add3A_2074 : i32 to index
        %get3A_2424 = arith.constant 16 : index
        %get3A_2425 = tpu.vector_load %arg7[%get3A_2422, %get3A_2423, %get3A_2424] {strides = array<i32>} : memref<32x26x32xf32, #tpu.memory_space<vmem>>, vector<16xf32>,
        %get3A_2426 = arith.constant 19 : i32
        %get3A_2427 = arith.index_cast %get3A_2426 : i32 to index
        %get3A_2428 = arith.index_cast %add3A_2074 : i32 to index
        %get3A_2429 = arith.constant 16 : index
        %get3A_2430 = tpu.vector_load %arg7[%get3A_2427, %get3A_2428, %get3A_2429] {strides = array<i32>} : memref<32x26x32xf32, #tpu.memory_space<vmem>>, vector<16xf32>,
        %get3A_2431 = arith.constant 20 : i32
        %get3A_2432 = arith.index_cast %get3A_2431 : i32 to index
        %get3A_2433 = arith.index_cast %add3A_2074 : i32 to index
        %get3A_2434 = arith.constant 16 : index
        %get3A_2435 = tpu.vector_load %arg7[%get3A_2432, %get3A_2433, %get3A_2434] {strides = array<i32>} : memref<32x26x32xf32, #tpu.memory_space<vmem>>, vector<16xf32>,
        %get3A_2436 = arith.constant 21 : i32
        %get3A_2437 = arith.index_cast %get3A_2436 : i32 to index
        %get3A_2438 = arith.index_cast %add3A_2074 : i32 to index
        %get3A_2439 = arith.constant 16 : index
        %get3A_2440 = tpu.vector_load %arg7[%get3A_2437, %get3A_2438, %get3A_2439] {strides = array<i32>} : memref<32x26x32xf32, #tpu.memory_space<vmem>>, vector<16xf32>,
        %get3A_2441 = arith.constant 22 : i32
        %get3A_2442 = arith.index_cast %get3A_2441 : i32 to index
        %get3A_2443 = arith.index_cast %add3A_2074 : i32 to index
        %get3A_2444 = arith.constant 16 : index
        %get3A_2445 = tpu.vector_load %arg7[%get3A_2442, %get3A_2443, %get3A_2444] {strides = array<i32>} : memref<32x26x32xf32, #tpu.memory_space<vmem>>, vector<16xf32>,
        %get3A_2446 = arith.constant 23 : i32
        %get3A_2447 = arith.index_cast %get3A_2446 : i32 to index
        %get3A_2448 = arith.index_cast %add3A_2074 : i32 to index
        %get3A_2449 = arith.constant 16 : index
        %get3A_2450 = tpu.vector_load %arg7[%get3A_2447, %get3A_2448, %get3A_2449] {strides = array<i32>} : memref<32x26x32xf32, #tpu.memory_space<vmem>>, vector<16xf32>,
        %broadcast_in_dim3A_2451 = arith.constant 16 : i32
        %broadcast_in_dim3A_2452 = vector.broadcast %broadcast_in_dim3A_2451 : i32 to vector<16xi32>
        tpu.vector_store_idx %arg9[%broadcast_in_dim3A, %shift_right_logical3A_1882, %and3A_1893, %broadcast_in_dim3A_2452], %get3A_2415 : memref<26x4x8x33xf32, #tpu.memory_space<vmem>>[vector<16xi32>, vector<16xi32>, vector<16xi32>, vector<16xi32>], vector<16xf32>,
        %broadcast_in_dim3A_2453 = arith.constant 17 : i32
        %broadcast_in_dim3A_2454 = vector.broadcast %broadcast_in_dim3A_2453 : i32 to vector<16xi32>
        tpu.vector_store_idx %arg9[%broadcast_in_dim3A, %shift_right_logical3A_1882, %and3A_1893, %broadcast_in_dim3A_2454], %get3A_2420 : memref<26x4x8x33xf32, #tpu.memory_space<vmem>>[vector<16xi32>, vector<16xi32>, vector<16xi32>, vector<16xi32>], vector<16xf32>,
        %broadcast_in_dim3A_2455 = arith.constant 18 : i32
        %broadcast_in_dim3A_2456 = vector.broadcast %broadcast_in_dim3A_2455 : i32 to vector<16xi32>
        tpu.vector_store_idx %arg9[%broadcast_in_dim3A, %shift_right_logical3A_1882, %and3A_1893, %broadcast_in_dim3A_2456], %get3A_2425 : memref<26x4x8x33xf32, #tpu.memory_space<vmem>>[vector<16xi32>, vector<16xi32>, vector<16xi32>, vector<16xi32>], vector<16xf32>,
        %broadcast_in_dim3A_2457 = arith.constant 19 : i32
        %broadcast_in_dim3A_2458 = vector.broadcast %broadcast_in_dim3A_2457 : i32 to vector<16xi32>
        tpu.vector_store_idx %arg9[%broadcast_in_dim3A, %shift_right_logical3A_1882, %and3A_1893, %broadcast_in_dim3A_2458], %get3A_2430 : memref<26x4x8x33xf32, #tpu.memory_space<vmem>>[vector<16xi32>, vector<16xi32>, vector<16xi32>, vector<16xi32>], vector<16xf32>,
        %broadcast_in_dim3A_2459 = arith.constant 20 : i32
        %broadcast_in_dim3A_2460 = vector.broadcast %broadcast_in_dim3A_2459 : i32 to vector<16xi32>
        tpu.vector_store_idx %arg9[%broadcast_in_dim3A, %shift_right_logical3A_1882, %and3A_1893, %broadcast_in_dim3A_2460], %get3A_2435 : memref<26x4x8x33xf32, #tpu.memory_space<vmem>>[vector<16xi32>, vector<16xi32>, vector<16xi32>, vector<16xi32>], vector<16xf32>,
        %broadcast_in_dim3A_2461 = arith.constant 21 : i32
        %broadcast_in_dim3A_2462 = vector.broadcast %broadcast_in_dim3A_2461 : i32 to vector<16xi32>
        tpu.vector_store_idx %arg9[%broadcast_in_dim3A, %shift_right_logical3A_1882, %and3A_1893, %broadcast_in_dim3A_2462], %get3A_2440 : memref<26x4x8x33xf32, #tpu.memory_space<vmem>>[vector<16xi32>, vector<16xi32>, vector<16xi32>, vector<16xi32>], vector<16xf32>,
        %broadcast_in_dim3A_2463 = arith.constant 22 : i32
        %broadcast_in_dim3A_2464 = vector.broadcast %broadcast_in_dim3A_2463 : i32 to vector<16xi32>
        tpu.vector_store_idx %arg9[%broadcast_in_dim3A, %shift_right_logical3A_1882, %and3A_1893, %broadcast_in_dim3A_2464], %get3A_2445 : memref<26x4x8x33xf32, #tpu.memory_space<vmem>>[vector<16xi32>, vector<16xi32>, vector<16xi32>, vector<16xi32>], vector<16xf32>,
        %broadcast_in_dim3A_2465 = arith.constant 23 : i32
        %broadcast_in_dim3A_2466 = vector.broadcast %broadcast_in_dim3A_2465 : i32 to vector<16xi32>
        tpu.vector_store_idx %arg9[%broadcast_in_dim3A, %shift_right_logical3A_1882, %and3A_1893, %broadcast_in_dim3A_2466], %get3A_2450 : memref<26x4x8x33xf32, #tpu.memory_space<vmem>>[vector<16xi32>, vector<16xi32>, vector<16xi32>, vector<16xi32>], vector<16xf32>,
        %get3A_2467 = arith.constant 24 : i32
        %get3A_2468 = arith.index_cast %get3A_2467 : i32 to index
        %get3A_2469 = arith.index_cast %add3A_2074 : i32 to index
        %get3A_2470 = arith.constant 16 : index
        %get3A_2471 = tpu.vector_load %arg7[%get3A_2468, %get3A_2469, %get3A_2470] {strides = array<i32>} : memref<32x26x32xf32, #tpu.memory_space<vmem>>, vector<16xf32>,
        %get3A_2472 = arith.constant 25 : i32
        %get3A_2473 = arith.index_cast %get3A_2472 : i32 to index
        %get3A_2474 = arith.index_cast %add3A_2074 : i32 to index
        %get3A_2475 = arith.constant 16 : index
        %get3A_2476 = tpu.vector_load %arg7[%get3A_2473, %get3A_2474, %get3A_2475] {strides = array<i32>} : memref<32x26x32xf32, #tpu.memory_space<vmem>>, vector<16xf32>,
        %get3A_2477 = arith.constant 26 : i32
        %get3A_2478 = arith.index_cast %get3A_2477 : i32 to index
        %get3A_2479 = arith.index_cast %add3A_2074 : i32 to index
        %get3A_2480 = arith.constant 16 : index
        %get3A_2481 = tpu.vector_load %arg7[%get3A_2478, %get3A_2479, %get3A_2480] {strides = array<i32>} : memref<32x26x32xf32, #tpu.memory_space<vmem>>, vector<16xf32>,
        %get3A_2482 = arith.constant 27 : i32
        %get3A_2483 = arith.index_cast %get3A_2482 : i32 to index
        %get3A_2484 = arith.index_cast %add3A_2074 : i32 to index
        %get3A_2485 = arith.constant 16 : index
        %get3A_2486 = tpu.vector_load %arg7[%get3A_2483, %get3A_2484, %get3A_2485] {strides = array<i32>} : memref<32x26x32xf32, #tpu.memory_space<vmem>>, vector<16xf32>,
        %get3A_2487 = arith.constant 28 : i32
        %get3A_2488 = arith.index_cast %get3A_2487 : i32 to index
        %get3A_2489 = arith.index_cast %add3A_2074 : i32 to index
        %get3A_2490 = arith.constant 16 : index
        %get3A_2491 = tpu.vector_load %arg7[%get3A_2488, %get3A_2489, %get3A_2490] {strides = array<i32>} : memref<32x26x32xf32, #tpu.memory_space<vmem>>, vector<16xf32>,
        %get3A_2492 = arith.constant 29 : i32
        %get3A_2493 = arith.index_cast %get3A_2492 : i32 to index
        %get3A_2494 = arith.index_cast %add3A_2074 : i32 to index
        %get3A_2495 = arith.constant 16 : index
        %get3A_2496 = tpu.vector_load %arg7[%get3A_2493, %get3A_2494, %get3A_2495] {strides = array<i32>} : memref<32x26x32xf32, #tpu.memory_space<vmem>>, vector<16xf32>,
        %get3A_2497 = arith.constant 30 : i32
        %get3A_2498 = arith.index_cast %get3A_2497 : i32 to index
        %get3A_2499 = arith.index_cast %add3A_2074 : i32 to index
        %get3A_2500 = arith.constant 16 : index
        %get3A_2501 = tpu.vector_load %arg7[%get3A_2498, %get3A_2499, %get3A_2500] {strides = array<i32>} : memref<32x26x32xf32, #tpu.memory_space<vmem>>, vector<16xf32>,
        %get3A_2502 = arith.constant 31 : i32
        %get3A_2503 = arith.index_cast %get3A_2502 : i32 to index
        %get3A_2504 = arith.index_cast %add3A_2074 : i32 to index
        %get3A_2505 = arith.constant 16 : index
        %get3A_2506 = tpu.vector_load %arg7[%get3A_2503, %get3A_2504, %get3A_2505] {strides = array<i32>} : memref<32x26x32xf32, #tpu.memory_space<vmem>>, vector<16xf32>,
        %broadcast_in_dim3A_2507 = arith.constant 24 : i32
        %broadcast_in_dim3A_2508 = vector.broadcast %broadcast_in_dim3A_2507 : i32 to vector<16xi32>
        tpu.vector_store_idx %arg9[%broadcast_in_dim3A, %shift_right_logical3A_1882, %and3A_1893, %broadcast_in_dim3A_2508], %get3A_2471 : memref<26x4x8x33xf32, #tpu.memory_space<vmem>>[vector<16xi32>, vector<16xi32>, vector<16xi32>, vector<16xi32>], vector<16xf32>,
        %broadcast_in_dim3A_2509 = arith.constant 25 : i32
        %broadcast_in_dim3A_2510 = vector.broadcast %broadcast_in_dim3A_2509 : i32 to vector<16xi32>
        tpu.vector_store_idx %arg9[%broadcast_in_dim3A, %shift_right_logical3A_1882, %and3A_1893, %broadcast_in_dim3A_2510], %get3A_2476 : memref<26x4x8x33xf32, #tpu.memory_space<vmem>>[vector<16xi32>, vector<16xi32>, vector<16xi32>, vector<16xi32>], vector<16xf32>,
        %broadcast_in_dim3A_2511 = arith.constant 26 : i32
        %broadcast_in_dim3A_2512 = vector.broadcast %broadcast_in_dim3A_2511 : i32 to vector<16xi32>
        tpu.vector_store_idx %arg9[%broadcast_in_dim3A, %shift_right_logical3A_1882, %and3A_1893, %broadcast_in_dim3A_2512], %get3A_2481 : memref<26x4x8x33xf32, #tpu.memory_space<vmem>>[vector<16xi32>, vector<16xi32>, vector<16xi32>, vector<16xi32>], vector<16xf32>,
        %broadcast_in_dim3A_2513 = arith.constant 27 : i32
        %broadcast_in_dim3A_2514 = vector.broadcast %broadcast_in_dim3A_2513 : i32 to vector<16xi32>
        tpu.vector_store_idx %arg9[%broadcast_in_dim3A, %shift_right_logical3A_1882, %and3A_1893, %broadcast_in_dim3A_2514], %get3A_2486 : memref<26x4x8x33xf32, #tpu.memory_space<vmem>>[vector<16xi32>, vector<16xi32>, vector<16xi32>, vector<16xi32>], vector<16xf32>,
        %broadcast_in_dim3A_2515 = arith.constant 28 : i32
        %broadcast_in_dim3A_2516 = vector.broadcast %broadcast_in_dim3A_2515 : i32 to vector<16xi32>
        tpu.vector_store_idx %arg9[%broadcast_in_dim3A, %shift_right_logical3A_1882, %and3A_1893, %broadcast_in_dim3A_2516], %get3A_2491 : memref<26x4x8x33xf32, #tpu.memory_space<vmem>>[vector<16xi32>, vector<16xi32>, vector<16xi32>, vector<16xi32>], vector<16xf32>,
        %broadcast_in_dim3A_2517 = arith.constant 29 : i32
        %broadcast_in_dim3A_2518 = vector.broadcast %broadcast_in_dim3A_2517 : i32 to vector<16xi32>
        tpu.vector_store_idx %arg9[%broadcast_in_dim3A, %shift_right_logical3A_1882, %and3A_1893, %broadcast_in_dim3A_2518], %get3A_2496 : memref<26x4x8x33xf32, #tpu.memory_space<vmem>>[vector<16xi32>, vector<16xi32>, vector<16xi32>, vector<16xi32>], vector<16xf32>,
        %broadcast_in_dim3A_2519 = arith.constant 30 : i32
        %broadcast_in_dim3A_2520 = vector.broadcast %broadcast_in_dim3A_2519 : i32 to vector<16xi32>
        tpu.vector_store_idx %arg9[%broadcast_in_dim3A, %shift_right_logical3A_1882, %and3A_1893, %broadcast_in_dim3A_2520], %get3A_2501 : memref<26x4x8x33xf32, #tpu.memory_space<vmem>>[vector<16xi32>, vector<16xi32>, vector<16xi32>, vector<16xi32>], vector<16xf32>,
        %broadcast_in_dim3A_2521 = arith.constant 31 : i32
        %broadcast_in_dim3A_2522 = vector.broadcast %broadcast_in_dim3A_2521 : i32 to vector<16xi32>
        tpu.vector_store_idx %arg9[%broadcast_in_dim3A, %shift_right_logical3A_1882, %and3A_1893, %broadcast_in_dim3A_2522], %get3A_2506 : memref<26x4x8x33xf32, #tpu.memory_space<vmem>>[vector<16xi32>, vector<16xi32>, vector<16xi32>, vector<16xi32>], vector<16xf32>,
      }
      %scan3A_1991 = arith.constant 26 : i32
      %shift_right_logical3A_1992 = arith.constant 2 : i32
      %shift_right_logical3A_1993 = arith.shrui %mul3A_1961, %shift_right_logical3A_1992 : i32
      %rem3A_1994 = arith.constant 4 : i32
      %rem3A_1995 = arith.remsi %mul3A_1961, %rem3A_1994 : i32
      %mul3A_1996 = arith.constant 32 : i32
      %mul3A_1997 = arith.muli %rem3A_1995, %mul3A_1996 : i32
      %multiple_of3A_1998 = tpu.assume_multiple %mul3A_1997, 32 : i32
      %dma_start3A_1999 = arith.constant 0 : i32
      %dma_start3A_2000 = arith.constant 0 : i32
      %dma_start3A_2001 = arith.constant 0 : i32
      %dma_start3A_2002 = arith.constant 0 : i32
      %dma_start3A_2003 = tpu.memref_slice %arg9[%dma_start3A_1999, %dma_start3A_2000, %dma_start3A_2001, %dma_start3A_2002] : memref<26x4x8x33xf32, #tpu.memory_space<vmem>> -> memref<26x4x8x32xf32, #tpu.memory_space<vmem>>
      %dma_start3A_2004 = arith.constant 0 : i32
      %dma_start3A_2005 = arith.constant 0 : i32
      %dma_start3A_2006 = arith.constant 0 : i32
      %dma_start3A_2007 = tpu.memref_slice %arg4[%shift_right_logical3A_1993, %dma_start3A_2004, %dma_start3A_2005, %add3A, %dma_start3A_2006, %multiple_of3A_1998] : memref<26x26x4x32x8x128xf32, #tpu.memory_space<hbm>> -> memref<1x26x4x1x8x32xf32, #tpu.memory_space<hbm>>
      %dma_start3A_2008 = tpu.memref_squeeze %dma_start3A_2007 : memref<1x26x4x1x8x32xf32, #tpu.memory_space<hbm>> -> memref<26x4x8x32xf32, #tpu.memory_space<hbm>>
      %dma_start3A_2009 = arith.constant 0 : i32
      %dma_start3A_2010 = arith.constant 0 : i32
      %dma_start3A_2011 = arith.constant 0 : i32
      %dma_start3A_2012 = tpu.memref_slice %arg4[%shift_right_logical3A_1993, %dma_start3A_2009, %dma_start3A_2010, %add3A, %dma_start3A_2011, %multiple_of3A_1998] : memref<26x26x4x32x8x128xf32, #tpu.memory_space<hbm>> -> memref<1x26x4x1x8x32xf32, #tpu.memory_space<hbm>>
      %dma_start3A_2013 = tpu.memref_squeeze %dma_start3A_2012 : memref<1x26x4x1x8x32xf32, #tpu.memory_space<hbm>> -> memref<26x4x8x32xf32, #tpu.memory_space<hbm>>
      %dma_start3A_2014 = arith.constant 0 : i32
      %dma_start3A_2015 = arith.constant 0 : i32
      %dma_start3A_2016 = arith.constant 0 : i32
      %dma_start3A_2017 = arith.constant 0 : i32
      %dma_start3A_2018 = tpu.memref_slice %arg9[%dma_start3A_2014, %dma_start3A_2015, %dma_start3A_2016, %dma_start3A_2017] : memref<26x4x8x33xf32, #tpu.memory_space<vmem>> -> memref<26x4x8x32xf32, #tpu.memory_space<vmem>>
      tpu.enqueue_dma source(%dma_start3A_2018 : memref<26x4x8x32xf32, #tpu.memory_space<vmem>>) target(%dma_start3A_2013 : memref<26x4x8x32xf32, #tpu.memory_space<hbm>>) target_semaphore(%arg13 : memref<!tpu.dma_semaphore, #tpu.memory_space<semaphore_mem>>)
      %lt3A = arith.constant 51 : i32
      %lt3A_2019 = arith.cmpi slt, %add3A_1959, %lt3A : i32
      %convert_element_type3A_2020 = arith.extui %lt3A_2019 : i1 to i32
      %cond3A_2021 = arith.constant 0 : i32
      %cond3A_2022 = arith.cmpi ne, %convert_element_type3A_2020, %cond3A_2021 : i32
      scf.if %cond3A_2022 {
        %add3A_2070 = arith.constant 2 : i32
        %add3A_2071 = arith.addi %mul3A_1961, %add3A_2070 : i32
        %shift_right_logical3A_2072 = arith.constant 2 : i32
        %shift_right_logical3A_2073 = arith.shrui %add3A_2071, %shift_right_logical3A_2072 : i32
        %rem3A_2074 = arith.constant 4 : i32
        %rem3A_2075 = arith.remsi %add3A_2071, %rem3A_2074 : i32
        %mul3A_2076 = arith.constant 32 : i32
        %mul3A_2077 = arith.muli %rem3A_2075, %mul3A_2076 : i32
        %multiple_of3A_2078 = tpu.assume_multiple %mul3A_2077, 32 : i32
        %dma_start3A_2079 = tpu.memref_slice %arg6[%shift_right_logical3A_2073, %multiple_of3A_2078] : memref<26x128xi32, #tpu.memory_space<vmem>> -> memref<1x32xi32, #tpu.memory_space<vmem>>
        %dma_start3A_2080 = tpu.memref_squeeze %dma_start3A_2079 : memref<1x32xi32, #tpu.memory_space<vmem>> -> memref<32xi32, #tpu.memory_space<vmem>>
        %dma_start3A_2081 = arith.constant 0 : i32
        %dma_start3A_2082 = arith.constant 0 : i32
        %dma_start3A_2083 = arith.constant 0 : i32
        %dma_start3A_2084 = tpu.memref_slice %arg2[%dma_start3A_2081, %dma_start3A_2082, %dma_start3A_2083] : memref<100000x26x32xf32, #tpu.memory_space<hbm>> -> memref<100000x26x32xf32, #tpu.memory_space<hbm>>
        tpu.enqueue_indirect_dma source(%dma_start3A_2084 : memref<100000x26x32xf32, #tpu.memory_space<hbm>>) target(%arg7 : memref<32x26x32xf32, #tpu.memory_space<vmem>>) offsets(%dma_start3A_2080 : memref<32xi32, #tpu.memory_space<vmem>>) semaphore(%arg11 : memref<!tpu.dma_semaphore, #tpu.memory_space<semaphore_mem>>)
      } else {
      }
      %dma_wait3A_2023 = arith.constant 0 : i32
      %dma_wait3A_2024 = arith.constant 0 : i32
      %dma_wait3A_2025 = arith.constant 0 : i32
      %dma_wait3A_2026 = tpu.memref_slice %arg2[%dma_wait3A_2023, %dma_wait3A_2024, %dma_wait3A_2025] : memref<100000x26x32xf32, #tpu.memory_space<hbm>> -> memref<32x26x32xf32, #tpu.memory_space<hbm>>
      %dma_wait3A_2027 = arith.constant 0 : i32
      %dma_wait3A_2028 = arith.constant 0 : i32
      %dma_wait3A_2029 = arith.constant 0 : i32
      %dma_wait3A_2030 = tpu.memref_slice %arg2[%dma_wait3A_2027, %dma_wait3A_2028, %dma_wait3A_2029] : memref<100000x26x32xf32, #tpu.memory_space<hbm>> -> memref<32x26x32xf32, #tpu.memory_space<hbm>>
      tpu.wait_dma2 semaphore(%arg12 : memref<!tpu.dma_semaphore, #tpu.memory_space<semaphore_mem>>) src(%dma_wait3A_2030 : memref<32x26x32xf32, #tpu.memory_space<hbm>>) dst(%arg8 : memref<32x26x32xf32, #tpu.memory_space<vmem>>)
      %gt3A_2031 = arith.constant 0 : i32
      %gt3A_2032 = arith.cmpi sgt, %add3A_1959, %gt3A_2031 : i32
      %convert_element_type3A_2033 = arith.extui %gt3A_2032 : i1 to i32
      %cond3A_2034 = arith.constant 0 : i32
      %cond3A_2035 = arith.cmpi ne, %convert_element_type3A_2033, %cond3A_2034 : i32
      scf.if %cond3A_2035 {
        %dma_wait3A_2070 = arith.constant 0 : i32
        %dma_wait3A_2071 = arith.constant 0 : i32
        %dma_wait3A_2072 = arith.constant 0 : i32
        %dma_wait3A_2073 = arith.constant 0 : i32
        %dma_wait3A_2074 = arith.constant 0 : i32
        %dma_wait3A_2075 = tpu.memref_slice %arg10[%dma_wait3A_2071, %dma_wait3A_2072, %dma_wait3A_2073, %dma_wait3A_2074] : memref<26x4x8x33xf32, #tpu.memory_space<vmem>> -> memref<26x4x8x32xf32, #tpu.memory_space<vmem>>
        %dma_wait3A_2076 = arith.constant 0 : i32
        %dma_wait3A_2077 = arith.constant 0 : i32
        %dma_wait3A_2078 = arith.constant 0 : i32
        %dma_wait3A_2079 = arith.constant 0 : i32
        %dma_wait3A_2080 = tpu.memref_slice %arg4[%dma_wait3A_2070, %dma_wait3A_2076, %dma_wait3A_2077, %add3A, %dma_wait3A_2078, %dma_wait3A_2079] : memref<26x26x4x32x8x128xf32, #tpu.memory_space<hbm>> -> memref<1x26x4x1x8x32xf32, #tpu.memory_space<hbm>>
        %dma_wait3A_2081 = tpu.memref_squeeze %dma_wait3A_2080 : memref<1x26x4x1x8x32xf32, #tpu.memory_space<hbm>> -> memref<26x4x8x32xf32, #tpu.memory_space<hbm>>
        %dma_wait3A_2082 = arith.constant 0 : i32
        %dma_wait3A_2083 = arith.constant 0 : i32
        %dma_wait3A_2084 = arith.constant 0 : i32
        %dma_wait3A_2085 = arith.constant 0 : i32
        %dma_wait3A_2086 = tpu.memref_slice %arg4[%dma_wait3A_2070, %dma_wait3A_2082, %dma_wait3A_2083, %add3A, %dma_wait3A_2084, %dma_wait3A_2085] : memref<26x26x4x32x8x128xf32, #tpu.memory_space<hbm>> -> memref<1x26x4x1x8x32xf32, #tpu.memory_space<hbm>>
        %dma_wait3A_2087 = tpu.memref_squeeze %dma_wait3A_2086 : memref<1x26x4x1x8x32xf32, #tpu.memory_space<hbm>> -> memref<26x4x8x32xf32, #tpu.memory_space<hbm>>
        %dma_wait3A_2088 = arith.constant 0 : i32
        %dma_wait3A_2089 = arith.constant 0 : i32
        %dma_wait3A_2090 = arith.constant 0 : i32
        %dma_wait3A_2091 = arith.constant 0 : i32
        %dma_wait3A_2092 = tpu.memref_slice %arg10[%dma_wait3A_2088, %dma_wait3A_2089, %dma_wait3A_2090, %dma_wait3A_2091] : memref<26x4x8x33xf32, #tpu.memory_space<vmem>> -> memref<26x4x8x32xf32, #tpu.memory_space<vmem>>
        tpu.wait_dma2 semaphore(%arg14 : memref<!tpu.dma_semaphore, #tpu.memory_space<semaphore_mem>>) src(%dma_wait3A_2092 : memref<26x4x8x32xf32, #tpu.memory_space<vmem>>) dst(%dma_wait3A_2087 : memref<26x4x8x32xf32, #tpu.memory_space<hbm>>)
      } else {
      }
      %scan3A_2036 = arith.constant 0 : i32
      %scan3A_2037 = arith.constant 26 : i32
      %scan3A_2038 = arith.addi %scan3A_2036, %scan3A_2037 : i32
      %scan3A_2039 = arith.constant 1 : i32
      scf.for %scan3A_2070 = %scan3A_2036 to %scan3A_2038 step %scan3A_2039  : i32 {
        %mul3A_2071 = arith.constant 1 : i32
        %mul3A_2072 = arith.muli %scan3A_2070, %mul3A_2071 : i32
        %add3A_2073 = arith.constant 0 : i32
        %add3A_2074 = arith.addi %add3A_2073, %mul3A_2072 : i32
        %broadcast_in_dim3A = vector.broadcast %add3A_2074 : i32 to vector<16xi32>
        %get3A_2075 = arith.constant 0 : i32
        %get3A_2076 = arith.index_cast %get3A_2075 : i32 to index
        %get3A_2077 = arith.index_cast %add3A_2074 : i32 to index
        %get3A_2078 = arith.constant 0 : index
        %get3A_2079 = tpu.vector_load %arg8[%get3A_2076, %get3A_2077, %get3A_2078] {strides = array<i32>} : memref<32x26x32xf32, #tpu.memory_space<vmem>>, vector<16xf32>,
        %get3A_2080 = arith.constant 1 : i32
        %get3A_2081 = arith.index_cast %get3A_2080 : i32 to index
        %get3A_2082 = arith.index_cast %add3A_2074 : i32 to index
        %get3A_2083 = arith.constant 0 : index
        %get3A_2084 = tpu.vector_load %arg8[%get3A_2081, %get3A_2082, %get3A_2083] {strides = array<i32>} : memref<32x26x32xf32, #tpu.memory_space<vmem>>, vector<16xf32>,
        %get3A_2085 = arith.constant 2 : i32
        %get3A_2086 = arith.index_cast %get3A_2085 : i32 to index
        %get3A_2087 = arith.index_cast %add3A_2074 : i32 to index
        %get3A_2088 = arith.constant 0 : index
        %get3A_2089 = tpu.vector_load %arg8[%get3A_2086, %get3A_2087, %get3A_2088] {strides = array<i32>} : memref<32x26x32xf32, #tpu.memory_space<vmem>>, vector<16xf32>,
        %get3A_2090 = arith.constant 3 : i32
        %get3A_2091 = arith.index_cast %get3A_2090 : i32 to index
        %get3A_2092 = arith.index_cast %add3A_2074 : i32 to index
        %get3A_2093 = arith.constant 0 : index
        %get3A_2094 = tpu.vector_load %arg8[%get3A_2091, %get3A_2092, %get3A_2093] {strides = array<i32>} : memref<32x26x32xf32, #tpu.memory_space<vmem>>, vector<16xf32>,
        %get3A_2095 = arith.constant 4 : i32
        %get3A_2096 = arith.index_cast %get3A_2095 : i32 to index
        %get3A_2097 = arith.index_cast %add3A_2074 : i32 to index
        %get3A_2098 = arith.constant 0 : index
        %get3A_2099 = tpu.vector_load %arg8[%get3A_2096, %get3A_2097, %get3A_2098] {strides = array<i32>} : memref<32x26x32xf32, #tpu.memory_space<vmem>>, vector<16xf32>,
        %get3A_2100 = arith.constant 5 : i32
        %get3A_2101 = arith.index_cast %get3A_2100 : i32 to index
        %get3A_2102 = arith.index_cast %add3A_2074 : i32 to index
        %get3A_2103 = arith.constant 0 : index
        %get3A_2104 = tpu.vector_load %arg8[%get3A_2101, %get3A_2102, %get3A_2103] {strides = array<i32>} : memref<32x26x32xf32, #tpu.memory_space<vmem>>, vector<16xf32>,
        %get3A_2105 = arith.constant 6 : i32
        %get3A_2106 = arith.index_cast %get3A_2105 : i32 to index
        %get3A_2107 = arith.index_cast %add3A_2074 : i32 to index
        %get3A_2108 = arith.constant 0 : index
        %get3A_2109 = tpu.vector_load %arg8[%get3A_2106, %get3A_2107, %get3A_2108] {strides = array<i32>} : memref<32x26x32xf32, #tpu.memory_space<vmem>>, vector<16xf32>,
        %get3A_2110 = arith.constant 7 : i32
        %get3A_2111 = arith.index_cast %get3A_2110 : i32 to index
        %get3A_2112 = arith.index_cast %add3A_2074 : i32 to index
        %get3A_2113 = arith.constant 0 : index
        %get3A_2114 = tpu.vector_load %arg8[%get3A_2111, %get3A_2112, %get3A_2113] {strides = array<i32>} : memref<32x26x32xf32, #tpu.memory_space<vmem>>, vector<16xf32>,
        %broadcast_in_dim3A_2115 = arith.constant 0 : i32
        %broadcast_in_dim3A_2116 = vector.broadcast %broadcast_in_dim3A_2115 : i32 to vector<16xi32>
        tpu.vector_store_idx %arg10[%broadcast_in_dim3A, %shift_right_logical3A_1876, %and3A_1887, %broadcast_in_dim3A_2116], %get3A_2079 : memref<26x4x8x33xf32, #tpu.memory_space<vmem>>[vector<16xi32>, vector<16xi32>, vector<16xi32>, vector<16xi32>], vector<16xf32>,
        %broadcast_in_dim3A_2117 = arith.constant 1 : i32
        %broadcast_in_dim3A_2118 = vector.broadcast %broadcast_in_dim3A_2117 : i32 to vector<16xi32>
        tpu.vector_store_idx %arg10[%broadcast_in_dim3A, %shift_right_logical3A_1876, %and3A_1887, %broadcast_in_dim3A_2118], %get3A_2084 : memref<26x4x8x33xf32, #tpu.memory_space<vmem>>[vector<16xi32>, vector<16xi32>, vector<16xi32>, vector<16xi32>], vector<16xf32>,
        %broadcast_in_dim3A_2119 = arith.constant 2 : i32
        %broadcast_in_dim3A_2120 = vector.broadcast %broadcast_in_dim3A_2119 : i32 to vector<16xi32>
        tpu.vector_store_idx %arg10[%broadcast_in_dim3A, %shift_right_logical3A_1876, %and3A_1887, %broadcast_in_dim3A_2120], %get3A_2089 : memref<26x4x8x33xf32, #tpu.memory_space<vmem>>[vector<16xi32>, vector<16xi32>, vector<16xi32>, vector<16xi32>], vector<16xf32>,
        %broadcast_in_dim3A_2121 = arith.constant 3 : i32
        %broadcast_in_dim3A_2122 = vector.broadcast %broadcast_in_dim3A_2121 : i32 to vector<16xi32>
        tpu.vector_store_idx %arg10[%broadcast_in_dim3A, %shift_right_logical3A_1876, %and3A_1887, %broadcast_in_dim3A_2122], %get3A_2094 : memref<26x4x8x33xf32, #tpu.memory_space<vmem>>[vector<16xi32>, vector<16xi32>, vector<16xi32>, vector<16xi32>], vector<16xf32>,
        %broadcast_in_dim3A_2123 = arith.constant 4 : i32
        %broadcast_in_dim3A_2124 = vector.broadcast %broadcast_in_dim3A_2123 : i32 to vector<16xi32>
        tpu.vector_store_idx %arg10[%broadcast_in_dim3A, %shift_right_logical3A_1876, %and3A_1887, %broadcast_in_dim3A_2124], %get3A_2099 : memref<26x4x8x33xf32, #tpu.memory_space<vmem>>[vector<16xi32>, vector<16xi32>, vector<16xi32>, vector<16xi32>], vector<16xf32>,
        %broadcast_in_dim3A_2125 = arith.constant 5 : i32
        %broadcast_in_dim3A_2126 = vector.broadcast %broadcast_in_dim3A_2125 : i32 to vector<16xi32>
        tpu.vector_store_idx %arg10[%broadcast_in_dim3A, %shift_right_logical3A_1876, %and3A_1887, %broadcast_in_dim3A_2126], %get3A_2104 : memref<26x4x8x33xf32, #tpu.memory_space<vmem>>[vector<16xi32>, vector<16xi32>, vector<16xi32>, vector<16xi32>], vector<16xf32>,
        %broadcast_in_dim3A_2127 = arith.constant 6 : i32
        %broadcast_in_dim3A_2128 = vector.broadcast %broadcast_in_dim3A_2127 : i32 to vector<16xi32>
        tpu.vector_store_idx %arg10[%broadcast_in_dim3A, %shift_right_logical3A_1876, %and3A_1887, %broadcast_in_dim3A_2128], %get3A_2109 : memref<26x4x8x33xf32, #tpu.memory_space<vmem>>[vector<16xi32>, vector<16xi32>, vector<16xi32>, vector<16xi32>], vector<16xf32>,
        %broadcast_in_dim3A_2129 = arith.constant 7 : i32
        %broadcast_in_dim3A_2130 = vector.broadcast %broadcast_in_dim3A_2129 : i32 to vector<16xi32>
        tpu.vector_store_idx %arg10[%broadcast_in_dim3A, %shift_right_logical3A_1876, %and3A_1887, %broadcast_in_dim3A_2130], %get3A_2114 : memref<26x4x8x33xf32, #tpu.memory_space<vmem>>[vector<16xi32>, vector<16xi32>, vector<16xi32>, vector<16xi32>], vector<16xf32>,
        %get3A_2131 = arith.constant 8 : i32
        %get3A_2132 = arith.index_cast %get3A_2131 : i32 to index
        %get3A_2133 = arith.index_cast %add3A_2074 : i32 to index
        %get3A_2134 = arith.constant 0 : index
        %get3A_2135 = tpu.vector_load %arg8[%get3A_2132, %get3A_2133, %get3A_2134] {strides = array<i32>} : memref<32x26x32xf32, #tpu.memory_space<vmem>>, vector<16xf32>,
        %get3A_2136 = arith.constant 9 : i32
        %get3A_2137 = arith.index_cast %get3A_2136 : i32 to index
        %get3A_2138 = arith.index_cast %add3A_2074 : i32 to index
        %get3A_2139 = arith.constant 0 : index
        %get3A_2140 = tpu.vector_load %arg8[%get3A_2137, %get3A_2138, %get3A_2139] {strides = array<i32>} : memref<32x26x32xf32, #tpu.memory_space<vmem>>, vector<16xf32>,
        %get3A_2141 = arith.constant 10 : i32
        %get3A_2142 = arith.index_cast %get3A_2141 : i32 to index
        %get3A_2143 = arith.index_cast %add3A_2074 : i32 to index
        %get3A_2144 = arith.constant 0 : index
        %get3A_2145 = tpu.vector_load %arg8[%get3A_2142, %get3A_2143, %get3A_2144] {strides = array<i32>} : memref<32x26x32xf32, #tpu.memory_space<vmem>>, vector<16xf32>,
        %get3A_2146 = arith.constant 11 : i32
        %get3A_2147 = arith.index_cast %get3A_2146 : i32 to index
        %get3A_2148 = arith.index_cast %add3A_2074 : i32 to index
        %get3A_2149 = arith.constant 0 : index
        %get3A_2150 = tpu.vector_load %arg8[%get3A_2147, %get3A_2148, %get3A_2149] {strides = array<i32>} : memref<32x26x32xf32, #tpu.memory_space<vmem>>, vector<16xf32>,
        %get3A_2151 = arith.constant 12 : i32
        %get3A_2152 = arith.index_cast %get3A_2151 : i32 to index
        %get3A_2153 = arith.index_cast %add3A_2074 : i32 to index
        %get3A_2154 = arith.constant 0 : index
        %get3A_2155 = tpu.vector_load %arg8[%get3A_2152, %get3A_2153, %get3A_2154] {strides = array<i32>} : memref<32x26x32xf32, #tpu.memory_space<vmem>>, vector<16xf32>,
        %get3A_2156 = arith.constant 13 : i32
        %get3A_2157 = arith.index_cast %get3A_2156 : i32 to index
        %get3A_2158 = arith.index_cast %add3A_2074 : i32 to index
        %get3A_2159 = arith.constant 0 : index
        %get3A_2160 = tpu.vector_load %arg8[%get3A_2157, %get3A_2158, %get3A_2159] {strides = array<i32>} : memref<32x26x32xf32, #tpu.memory_space<vmem>>, vector<16xf32>,
        %get3A_2161 = arith.constant 14 : i32
        %get3A_2162 = arith.index_cast %get3A_2161 : i32 to index
        %get3A_2163 = arith.index_cast %add3A_2074 : i32 to index
        %get3A_2164 = arith.constant 0 : index
        %get3A_2165 = tpu.vector_load %arg8[%get3A_2162, %get3A_2163, %get3A_2164] {strides = array<i32>} : memref<32x26x32xf32, #tpu.memory_space<vmem>>, vector<16xf32>,
        %get3A_2166 = arith.constant 15 : i32
        %get3A_2167 = arith.index_cast %get3A_2166 : i32 to index
        %get3A_2168 = arith.index_cast %add3A_2074 : i32 to index
        %get3A_2169 = arith.constant 0 : index
        %get3A_2170 = tpu.vector_load %arg8[%get3A_2167, %get3A_2168, %get3A_2169] {strides = array<i32>} : memref<32x26x32xf32, #tpu.memory_space<vmem>>, vector<16xf32>,
        %broadcast_in_dim3A_2171 = arith.constant 8 : i32
        %broadcast_in_dim3A_2172 = vector.broadcast %broadcast_in_dim3A_2171 : i32 to vector<16xi32>
        tpu.vector_store_idx %arg10[%broadcast_in_dim3A, %shift_right_logical3A_1876, %and3A_1887, %broadcast_in_dim3A_2172], %get3A_2135 : memref<26x4x8x33xf32, #tpu.memory_space<vmem>>[vector<16xi32>, vector<16xi32>, vector<16xi32>, vector<16xi32>], vector<16xf32>,
        %broadcast_in_dim3A_2173 = arith.constant 9 : i32
        %broadcast_in_dim3A_2174 = vector.broadcast %broadcast_in_dim3A_2173 : i32 to vector<16xi32>
        tpu.vector_store_idx %arg10[%broadcast_in_dim3A, %shift_right_logical3A_1876, %and3A_1887, %broadcast_in_dim3A_2174], %get3A_2140 : memref<26x4x8x33xf32, #tpu.memory_space<vmem>>[vector<16xi32>, vector<16xi32>, vector<16xi32>, vector<16xi32>], vector<16xf32>,
        %broadcast_in_dim3A_2175 = arith.constant 10 : i32
        %broadcast_in_dim3A_2176 = vector.broadcast %broadcast_in_dim3A_2175 : i32 to vector<16xi32>
        tpu.vector_store_idx %arg10[%broadcast_in_dim3A, %shift_right_logical3A_1876, %and3A_1887, %broadcast_in_dim3A_2176], %get3A_2145 : memref<26x4x8x33xf32, #tpu.memory_space<vmem>>[vector<16xi32>, vector<16xi32>, vector<16xi32>, vector<16xi32>], vector<16xf32>,
        %broadcast_in_dim3A_2177 = arith.constant 11 : i32
        %broadcast_in_dim3A_2178 = vector.broadcast %broadcast_in_dim3A_2177 : i32 to vector<16xi32>
        tpu.vector_store_idx %arg10[%broadcast_in_dim3A, %shift_right_logical3A_1876, %and3A_1887, %broadcast_in_dim3A_2178], %get3A_2150 : memref<26x4x8x33xf32, #tpu.memory_space<vmem>>[vector<16xi32>, vector<16xi32>, vector<16xi32>, vector<16xi32>], vector<16xf32>,
        %broadcast_in_dim3A_2179 = arith.constant 12 : i32
        %broadcast_in_dim3A_2180 = vector.broadcast %broadcast_in_dim3A_2179 : i32 to vector<16xi32>
        tpu.vector_store_idx %arg10[%broadcast_in_dim3A, %shift_right_logical3A_1876, %and3A_1887, %broadcast_in_dim3A_2180], %get3A_2155 : memref<26x4x8x33xf32, #tpu.memory_space<vmem>>[vector<16xi32>, vector<16xi32>, vector<16xi32>, vector<16xi32>], vector<16xf32>,
        %broadcast_in_dim3A_2181 = arith.constant 13 : i32
        %broadcast_in_dim3A_2182 = vector.broadcast %broadcast_in_dim3A_2181 : i32 to vector<16xi32>
        tpu.vector_store_idx %arg10[%broadcast_in_dim3A, %shift_right_logical3A_1876, %and3A_1887, %broadcast_in_dim3A_2182], %get3A_2160 : memref<26x4x8x33xf32, #tpu.memory_space<vmem>>[vector<16xi32>, vector<16xi32>, vector<16xi32>, vector<16xi32>], vector<16xf32>,
        %broadcast_in_dim3A_2183 = arith.constant 14 : i32
        %broadcast_in_dim3A_2184 = vector.broadcast %broadcast_in_dim3A_2183 : i32 to vector<16xi32>
        tpu.vector_store_idx %arg10[%broadcast_in_dim3A, %shift_right_logical3A_1876, %and3A_1887, %broadcast_in_dim3A_2184], %get3A_2165 : memref<26x4x8x33xf32, #tpu.memory_space<vmem>>[vector<16xi32>, vector<16xi32>, vector<16xi32>, vector<16xi32>], vector<16xf32>,
        %broadcast_in_dim3A_2185 = arith.constant 15 : i32
        %broadcast_in_dim3A_2186 = vector.broadcast %broadcast_in_dim3A_2185 : i32 to vector<16xi32>
        tpu.vector_store_idx %arg10[%broadcast_in_dim3A, %shift_right_logical3A_1876, %and3A_1887, %broadcast_in_dim3A_2186], %get3A_2170 : memref<26x4x8x33xf32, #tpu.memory_space<vmem>>[vector<16xi32>, vector<16xi32>, vector<16xi32>, vector<16xi32>], vector<16xf32>,
        %get3A_2187 = arith.constant 16 : i32
        %get3A_2188 = arith.index_cast %get3A_2187 : i32 to index
        %get3A_2189 = arith.index_cast %add3A_2074 : i32 to index
        %get3A_2190 = arith.constant 0 : index
        %get3A_2191 = tpu.vector_load %arg8[%get3A_2188, %get3A_2189, %get3A_2190] {strides = array<i32>} : memref<32x26x32xf32, #tpu.memory_space<vmem>>, vector<16xf32>,
        %get3A_2192 = arith.constant 17 : i32
        %get3A_2193 = arith.index_cast %get3A_2192 : i32 to index
        %get3A_2194 = arith.index_cast %add3A_2074 : i32 to index
        %get3A_2195 = arith.constant 0 : index
        %get3A_2196 = tpu.vector_load %arg8[%get3A_2193, %get3A_2194, %get3A_2195] {strides = array<i32>} : memref<32x26x32xf32, #tpu.memory_space<vmem>>, vector<16xf32>,
        %get3A_2197 = arith.constant 18 : i32
        %get3A_2198 = arith.index_cast %get3A_2197 : i32 to index
        %get3A_2199 = arith.index_cast %add3A_2074 : i32 to index
        %get3A_2200 = arith.constant 0 : index
        %get3A_2201 = tpu.vector_load %arg8[%get3A_2198, %get3A_2199, %get3A_2200] {strides = array<i32>} : memref<32x26x32xf32, #tpu.memory_space<vmem>>, vector<16xf32>,
        %get3A_2202 = arith.constant 19 : i32
        %get3A_2203 = arith.index_cast %get3A_2202 : i32 to index
        %get3A_2204 = arith.index_cast %add3A_2074 : i32 to index
        %get3A_2205 = arith.constant 0 : index
        %get3A_2206 = tpu.vector_load %arg8[%get3A_2203, %get3A_2204, %get3A_2205] {strides = array<i32>} : memref<32x26x32xf32, #tpu.memory_space<vmem>>, vector<16xf32>,
        %get3A_2207 = arith.constant 20 : i32
        %get3A_2208 = arith.index_cast %get3A_2207 : i32 to index
        %get3A_2209 = arith.index_cast %add3A_2074 : i32 to index
        %get3A_2210 = arith.constant 0 : index
        %get3A_2211 = tpu.vector_load %arg8[%get3A_2208, %get3A_2209, %get3A_2210] {strides = array<i32>} : memref<32x26x32xf32, #tpu.memory_space<vmem>>, vector<16xf32>,
        %get3A_2212 = arith.constant 21 : i32
        %get3A_2213 = arith.index_cast %get3A_2212 : i32 to index
        %get3A_2214 = arith.index_cast %add3A_2074 : i32 to index
        %get3A_2215 = arith.constant 0 : index
        %get3A_2216 = tpu.vector_load %arg8[%get3A_2213, %get3A_2214, %get3A_2215] {strides = array<i32>} : memref<32x26x32xf32, #tpu.memory_space<vmem>>, vector<16xf32>,
        %get3A_2217 = arith.constant 22 : i32
        %get3A_2218 = arith.index_cast %get3A_2217 : i32 to index
        %get3A_2219 = arith.index_cast %add3A_2074 : i32 to index
        %get3A_2220 = arith.constant 0 : index
        %get3A_2221 = tpu.vector_load %arg8[%get3A_2218, %get3A_2219, %get3A_2220] {strides = array<i32>} : memref<32x26x32xf32, #tpu.memory_space<vmem>>, vector<16xf32>,
        %get3A_2222 = arith.constant 23 : i32
        %get3A_2223 = arith.index_cast %get3A_2222 : i32 to index
        %get3A_2224 = arith.index_cast %add3A_2074 : i32 to index
        %get3A_2225 = arith.constant 0 : index
        %get3A_2226 = tpu.vector_load %arg8[%get3A_2223, %get3A_2224, %get3A_2225] {strides = array<i32>} : memref<32x26x32xf32, #tpu.memory_space<vmem>>, vector<16xf32>,
        %broadcast_in_dim3A_2227 = arith.constant 16 : i32
        %broadcast_in_dim3A_2228 = vector.broadcast %broadcast_in_dim3A_2227 : i32 to vector<16xi32>
        tpu.vector_store_idx %arg10[%broadcast_in_dim3A, %shift_right_logical3A_1876, %and3A_1887, %broadcast_in_dim3A_2228], %get3A_2191 : memref<26x4x8x33xf32, #tpu.memory_space<vmem>>[vector<16xi32>, vector<16xi32>, vector<16xi32>, vector<16xi32>], vector<16xf32>,
        %broadcast_in_dim3A_2229 = arith.constant 17 : i32
        %broadcast_in_dim3A_2230 = vector.broadcast %broadcast_in_dim3A_2229 : i32 to vector<16xi32>
        tpu.vector_store_idx %arg10[%broadcast_in_dim3A, %shift_right_logical3A_1876, %and3A_1887, %broadcast_in_dim3A_2230], %get3A_2196 : memref<26x4x8x33xf32, #tpu.memory_space<vmem>>[vector<16xi32>, vector<16xi32>, vector<16xi32>, vector<16xi32>], vector<16xf32>,
        %broadcast_in_dim3A_2231 = arith.constant 18 : i32
        %broadcast_in_dim3A_2232 = vector.broadcast %broadcast_in_dim3A_2231 : i32 to vector<16xi32>
        tpu.vector_store_idx %arg10[%broadcast_in_dim3A, %shift_right_logical3A_1876, %and3A_1887, %broadcast_in_dim3A_2232], %get3A_2201 : memref<26x4x8x33xf32, #tpu.memory_space<vmem>>[vector<16xi32>, vector<16xi32>, vector<16xi32>, vector<16xi32>], vector<16xf32>,
        %broadcast_in_dim3A_2233 = arith.constant 19 : i32
        %broadcast_in_dim3A_2234 = vector.broadcast %broadcast_in_dim3A_2233 : i32 to vector<16xi32>
        tpu.vector_store_idx %arg10[%broadcast_in_dim3A, %shift_right_logical3A_1876, %and3A_1887, %broadcast_in_dim3A_2234], %get3A_2206 : memref<26x4x8x33xf32, #tpu.memory_space<vmem>>[vector<16xi32>, vector<16xi32>, vector<16xi32>, vector<16xi32>], vector<16xf32>,
        %broadcast_in_dim3A_2235 = arith.constant 20 : i32
        %broadcast_in_dim3A_2236 = vector.broadcast %broadcast_in_dim3A_2235 : i32 to vector<16xi32>
        tpu.vector_store_idx %arg10[%broadcast_in_dim3A, %shift_right_logical3A_1876, %and3A_1887, %broadcast_in_dim3A_2236], %get3A_2211 : memref<26x4x8x33xf32, #tpu.memory_space<vmem>>[vector<16xi32>, vector<16xi32>, vector<16xi32>, vector<16xi32>], vector<16xf32>,
        %broadcast_in_dim3A_2237 = arith.constant 21 : i32
        %broadcast_in_dim3A_2238 = vector.broadcast %broadcast_in_dim3A_2237 : i32 to vector<16xi32>
        tpu.vector_store_idx %arg10[%broadcast_in_dim3A, %shift_right_logical3A_1876, %and3A_1887, %broadcast_in_dim3A_2238], %get3A_2216 : memref<26x4x8x33xf32, #tpu.memory_space<vmem>>[vector<16xi32>, vector<16xi32>, vector<16xi32>, vector<16xi32>], vector<16xf32>,
        %broadcast_in_dim3A_2239 = arith.constant 22 : i32
        %broadcast_in_dim3A_2240 = vector.broadcast %broadcast_in_dim3A_2239 : i32 to vector<16xi32>
        tpu.vector_store_idx %arg10[%broadcast_in_dim3A, %shift_right_logical3A_1876, %and3A_1887, %broadcast_in_dim3A_2240], %get3A_2221 : memref<26x4x8x33xf32, #tpu.memory_space<vmem>>[vector<16xi32>, vector<16xi32>, vector<16xi32>, vector<16xi32>], vector<16xf32>,
        %broadcast_in_dim3A_2241 = arith.constant 23 : i32
        %broadcast_in_dim3A_2242 = vector.broadcast %broadcast_in_dim3A_2241 : i32 to vector<16xi32>
        tpu.vector_store_idx %arg10[%broadcast_in_dim3A, %shift_right_logical3A_1876, %and3A_1887, %broadcast_in_dim3A_2242], %get3A_2226 : memref<26x4x8x33xf32, #tpu.memory_space<vmem>>[vector<16xi32>, vector<16xi32>, vector<16xi32>, vector<16xi32>], vector<16xf32>,
        %get3A_2243 = arith.constant 24 : i32
        %get3A_2244 = arith.index_cast %get3A_2243 : i32 to index
        %get3A_2245 = arith.index_cast %add3A_2074 : i32 to index
        %get3A_2246 = arith.constant 0 : index
        %get3A_2247 = tpu.vector_load %arg8[%get3A_2244, %get3A_2245, %get3A_2246] {strides = array<i32>} : memref<32x26x32xf32, #tpu.memory_space<vmem>>, vector<16xf32>,
        %get3A_2248 = arith.constant 25 : i32
        %get3A_2249 = arith.index_cast %get3A_2248 : i32 to index
        %get3A_2250 = arith.index_cast %add3A_2074 : i32 to index
        %get3A_2251 = arith.constant 0 : index
        %get3A_2252 = tpu.vector_load %arg8[%get3A_2249, %get3A_2250, %get3A_2251] {strides = array<i32>} : memref<32x26x32xf32, #tpu.memory_space<vmem>>, vector<16xf32>,
        %get3A_2253 = arith.constant 26 : i32
        %get3A_2254 = arith.index_cast %get3A_2253 : i32 to index
        %get3A_2255 = arith.index_cast %add3A_2074 : i32 to index
        %get3A_2256 = arith.constant 0 : index
        %get3A_2257 = tpu.vector_load %arg8[%get3A_2254, %get3A_2255, %get3A_2256] {strides = array<i32>} : memref<32x26x32xf32, #tpu.memory_space<vmem>>, vector<16xf32>,
        %get3A_2258 = arith.constant 27 : i32
        %get3A_2259 = arith.index_cast %get3A_2258 : i32 to index
        %get3A_2260 = arith.index_cast %add3A_2074 : i32 to index
        %get3A_2261 = arith.constant 0 : index
        %get3A_2262 = tpu.vector_load %arg8[%get3A_2259, %get3A_2260, %get3A_2261] {strides = array<i32>} : memref<32x26x32xf32, #tpu.memory_space<vmem>>, vector<16xf32>,
        %get3A_2263 = arith.constant 28 : i32
        %get3A_2264 = arith.index_cast %get3A_2263 : i32 to index
        %get3A_2265 = arith.index_cast %add3A_2074 : i32 to index
        %get3A_2266 = arith.constant 0 : index
        %get3A_2267 = tpu.vector_load %arg8[%get3A_2264, %get3A_2265, %get3A_2266] {strides = array<i32>} : memref<32x26x32xf32, #tpu.memory_space<vmem>>, vector<16xf32>,
        %get3A_2268 = arith.constant 29 : i32
        %get3A_2269 = arith.index_cast %get3A_2268 : i32 to index
        %get3A_2270 = arith.index_cast %add3A_2074 : i32 to index
        %get3A_2271 = arith.constant 0 : index
        %get3A_2272 = tpu.vector_load %arg8[%get3A_2269, %get3A_2270, %get3A_2271] {strides = array<i32>} : memref<32x26x32xf32, #tpu.memory_space<vmem>>, vector<16xf32>,
        %get3A_2273 = arith.constant 30 : i32
        %get3A_2274 = arith.index_cast %get3A_2273 : i32 to index
        %get3A_2275 = arith.index_cast %add3A_2074 : i32 to index
        %get3A_2276 = arith.constant 0 : index
        %get3A_2277 = tpu.vector_load %arg8[%get3A_2274, %get3A_2275, %get3A_2276] {strides = array<i32>} : memref<32x26x32xf32, #tpu.memory_space<vmem>>, vector<16xf32>,
        %get3A_2278 = arith.constant 31 : i32
        %get3A_2279 = arith.index_cast %get3A_2278 : i32 to index
        %get3A_2280 = arith.index_cast %add3A_2074 : i32 to index
        %get3A_2281 = arith.constant 0 : index
        %get3A_2282 = tpu.vector_load %arg8[%get3A_2279, %get3A_2280, %get3A_2281] {strides = array<i32>} : memref<32x26x32xf32, #tpu.memory_space<vmem>>, vector<16xf32>,
        %broadcast_in_dim3A_2283 = arith.constant 24 : i32
        %broadcast_in_dim3A_2284 = vector.broadcast %broadcast_in_dim3A_2283 : i32 to vector<16xi32>
        tpu.vector_store_idx %arg10[%broadcast_in_dim3A, %shift_right_logical3A_1876, %and3A_1887, %broadcast_in_dim3A_2284], %get3A_2247 : memref<26x4x8x33xf32, #tpu.memory_space<vmem>>[vector<16xi32>, vector<16xi32>, vector<16xi32>, vector<16xi32>], vector<16xf32>,
        %broadcast_in_dim3A_2285 = arith.constant 25 : i32
        %broadcast_in_dim3A_2286 = vector.broadcast %broadcast_in_dim3A_2285 : i32 to vector<16xi32>
        tpu.vector_store_idx %arg10[%broadcast_in_dim3A, %shift_right_logical3A_1876, %and3A_1887, %broadcast_in_dim3A_2286], %get3A_2252 : memref<26x4x8x33xf32, #tpu.memory_space<vmem>>[vector<16xi32>, vector<16xi32>, vector<16xi32>, vector<16xi32>], vector<16xf32>,
        %broadcast_in_dim3A_2287 = arith.constant 26 : i32
        %broadcast_in_dim3A_2288 = vector.broadcast %broadcast_in_dim3A_2287 : i32 to vector<16xi32>
        tpu.vector_store_idx %arg10[%broadcast_in_dim3A, %shift_right_logical3A_1876, %and3A_1887, %broadcast_in_dim3A_2288], %get3A_2257 : memref<26x4x8x33xf32, #tpu.memory_space<vmem>>[vector<16xi32>, vector<16xi32>, vector<16xi32>, vector<16xi32>], vector<16xf32>,
        %broadcast_in_dim3A_2289 = arith.constant 27 : i32
        %broadcast_in_dim3A_2290 = vector.broadcast %broadcast_in_dim3A_2289 : i32 to vector<16xi32>
        tpu.vector_store_idx %arg10[%broadcast_in_dim3A, %shift_right_logical3A_1876, %and3A_1887, %broadcast_in_dim3A_2290], %get3A_2262 : memref<26x4x8x33xf32, #tpu.memory_space<vmem>>[vector<16xi32>, vector<16xi32>, vector<16xi32>, vector<16xi32>], vector<16xf32>,
        %broadcast_in_dim3A_2291 = arith.constant 28 : i32
        %broadcast_in_dim3A_2292 = vector.broadcast %broadcast_in_dim3A_2291 : i32 to vector<16xi32>
        tpu.vector_store_idx %arg10[%broadcast_in_dim3A, %shift_right_logical3A_1876, %and3A_1887, %broadcast_in_dim3A_2292], %get3A_2267 : memref<26x4x8x33xf32, #tpu.memory_space<vmem>>[vector<16xi32>, vector<16xi32>, vector<16xi32>, vector<16xi32>], vector<16xf32>,
        %broadcast_in_dim3A_2293 = arith.constant 29 : i32
        %broadcast_in_dim3A_2294 = vector.broadcast %broadcast_in_dim3A_2293 : i32 to vector<16xi32>
        tpu.vector_store_idx %arg10[%broadcast_in_dim3A, %shift_right_logical3A_1876, %and3A_1887, %broadcast_in_dim3A_2294], %get3A_2272 : memref<26x4x8x33xf32, #tpu.memory_space<vmem>>[vector<16xi32>, vector<16xi32>, vector<16xi32>, vector<16xi32>], vector<16xf32>,
        %broadcast_in_dim3A_2295 = arith.constant 30 : i32
        %broadcast_in_dim3A_2296 = vector.broadcast %broadcast_in_dim3A_2295 : i32 to vector<16xi32>
        tpu.vector_store_idx %arg10[%broadcast_in_dim3A, %shift_right_logical3A_1876, %and3A_1887, %broadcast_in_dim3A_2296], %get3A_2277 : memref<26x4x8x33xf32, #tpu.memory_space<vmem>>[vector<16xi32>, vector<16xi32>, vector<16xi32>, vector<16xi32>], vector<16xf32>,
        %broadcast_in_dim3A_2297 = arith.constant 31 : i32
        %broadcast_in_dim3A_2298 = vector.broadcast %broadcast_in_dim3A_2297 : i32 to vector<16xi32>
        tpu.vector_store_idx %arg10[%broadcast_in_dim3A, %shift_right_logical3A_1876, %and3A_1887, %broadcast_in_dim3A_2298], %get3A_2282 : memref<26x4x8x33xf32, #tpu.memory_space<vmem>>[vector<16xi32>, vector<16xi32>, vector<16xi32>, vector<16xi32>], vector<16xf32>,
        %get3A_2299 = arith.constant 0 : i32
        %get3A_2300 = arith.index_cast %get3A_2299 : i32 to index
        %get3A_2301 = arith.index_cast %add3A_2074 : i32 to index
        %get3A_2302 = arith.constant 16 : index
        %get3A_2303 = tpu.vector_load %arg8[%get3A_2300, %get3A_2301, %get3A_2302] {strides = array<i32>} : memref<32x26x32xf32, #tpu.memory_space<vmem>>, vector<16xf32>,
        %get3A_2304 = arith.constant 1 : i32
        %get3A_2305 = arith.index_cast %get3A_2304 : i32 to index
        %get3A_2306 = arith.index_cast %add3A_2074 : i32 to index
        %get3A_2307 = arith.constant 16 : index
        %get3A_2308 = tpu.vector_load %arg8[%get3A_2305, %get3A_2306, %get3A_2307] {strides = array<i32>} : memref<32x26x32xf32, #tpu.memory_space<vmem>>, vector<16xf32>,
        %get3A_2309 = arith.constant 2 : i32
        %get3A_2310 = arith.index_cast %get3A_2309 : i32 to index
        %get3A_2311 = arith.index_cast %add3A_2074 : i32 to index
        %get3A_2312 = arith.constant 16 : index
        %get3A_2313 = tpu.vector_load %arg8[%get3A_2310, %get3A_2311, %get3A_2312] {strides = array<i32>} : memref<32x26x32xf32, #tpu.memory_space<vmem>>, vector<16xf32>,
        %get3A_2314 = arith.constant 3 : i32
        %get3A_2315 = arith.index_cast %get3A_2314 : i32 to index
        %get3A_2316 = arith.index_cast %add3A_2074 : i32 to index
        %get3A_2317 = arith.constant 16 : index
        %get3A_2318 = tpu.vector_load %arg8[%get3A_2315, %get3A_2316, %get3A_2317] {strides = array<i32>} : memref<32x26x32xf32, #tpu.memory_space<vmem>>, vector<16xf32>,
        %get3A_2319 = arith.constant 4 : i32
        %get3A_2320 = arith.index_cast %get3A_2319 : i32 to index
        %get3A_2321 = arith.index_cast %add3A_2074 : i32 to index
        %get3A_2322 = arith.constant 16 : index
        %get3A_2323 = tpu.vector_load %arg8[%get3A_2320, %get3A_2321, %get3A_2322] {strides = array<i32>} : memref<32x26x32xf32, #tpu.memory_space<vmem>>, vector<16xf32>,
        %get3A_2324 = arith.constant 5 : i32
        %get3A_2325 = arith.index_cast %get3A_2324 : i32 to index
        %get3A_2326 = arith.index_cast %add3A_2074 : i32 to index
        %get3A_2327 = arith.constant 16 : index
        %get3A_2328 = tpu.vector_load %arg8[%get3A_2325, %get3A_2326, %get3A_2327] {strides = array<i32>} : memref<32x26x32xf32, #tpu.memory_space<vmem>>, vector<16xf32>,
        %get3A_2329 = arith.constant 6 : i32
        %get3A_2330 = arith.index_cast %get3A_2329 : i32 to index
        %get3A_2331 = arith.index_cast %add3A_2074 : i32 to index
        %get3A_2332 = arith.constant 16 : index
        %get3A_2333 = tpu.vector_load %arg8[%get3A_2330, %get3A_2331, %get3A_2332] {strides = array<i32>} : memref<32x26x32xf32, #tpu.memory_space<vmem>>, vector<16xf32>,
        %get3A_2334 = arith.constant 7 : i32
        %get3A_2335 = arith.index_cast %get3A_2334 : i32 to index
        %get3A_2336 = arith.index_cast %add3A_2074 : i32 to index
        %get3A_2337 = arith.constant 16 : index
        %get3A_2338 = tpu.vector_load %arg8[%get3A_2335, %get3A_2336, %get3A_2337] {strides = array<i32>} : memref<32x26x32xf32, #tpu.memory_space<vmem>>, vector<16xf32>,
        %broadcast_in_dim3A_2339 = arith.constant 0 : i32
        %broadcast_in_dim3A_2340 = vector.broadcast %broadcast_in_dim3A_2339 : i32 to vector<16xi32>
        tpu.vector_store_idx %arg10[%broadcast_in_dim3A, %shift_right_logical3A_1882, %and3A_1893, %broadcast_in_dim3A_2340], %get3A_2303 : memref<26x4x8x33xf32, #tpu.memory_space<vmem>>[vector<16xi32>, vector<16xi32>, vector<16xi32>, vector<16xi32>], vector<16xf32>,
        %broadcast_in_dim3A_2341 = arith.constant 1 : i32
        %broadcast_in_dim3A_2342 = vector.broadcast %broadcast_in_dim3A_2341 : i32 to vector<16xi32>
        tpu.vector_store_idx %arg10[%broadcast_in_dim3A, %shift_right_logical3A_1882, %and3A_1893, %broadcast_in_dim3A_2342], %get3A_2308 : memref<26x4x8x33xf32, #tpu.memory_space<vmem>>[vector<16xi32>, vector<16xi32>, vector<16xi32>, vector<16xi32>], vector<16xf32>,
        %broadcast_in_dim3A_2343 = arith.constant 2 : i32
        %broadcast_in_dim3A_2344 = vector.broadcast %broadcast_in_dim3A_2343 : i32 to vector<16xi32>
        tpu.vector_store_idx %arg10[%broadcast_in_dim3A, %shift_right_logical3A_1882, %and3A_1893, %broadcast_in_dim3A_2344], %get3A_2313 : memref<26x4x8x33xf32, #tpu.memory_space<vmem>>[vector<16xi32>, vector<16xi32>, vector<16xi32>, vector<16xi32>], vector<16xf32>,
        %broadcast_in_dim3A_2345 = arith.constant 3 : i32
        %broadcast_in_dim3A_2346 = vector.broadcast %broadcast_in_dim3A_2345 : i32 to vector<16xi32>
        tpu.vector_store_idx %arg10[%broadcast_in_dim3A, %shift_right_logical3A_1882, %and3A_1893, %broadcast_in_dim3A_2346], %get3A_2318 : memref<26x4x8x33xf32, #tpu.memory_space<vmem>>[vector<16xi32>, vector<16xi32>, vector<16xi32>, vector<16xi32>], vector<16xf32>,
        %broadcast_in_dim3A_2347 = arith.constant 4 : i32
        %broadcast_in_dim3A_2348 = vector.broadcast %broadcast_in_dim3A_2347 : i32 to vector<16xi32>
        tpu.vector_store_idx %arg10[%broadcast_in_dim3A, %shift_right_logical3A_1882, %and3A_1893, %broadcast_in_dim3A_2348], %get3A_2323 : memref<26x4x8x33xf32, #tpu.memory_space<vmem>>[vector<16xi32>, vector<16xi32>, vector<16xi32>, vector<16xi32>], vector<16xf32>,
        %broadcast_in_dim3A_2349 = arith.constant 5 : i32
        %broadcast_in_dim3A_2350 = vector.broadcast %broadcast_in_dim3A_2349 : i32 to vector<16xi32>
        tpu.vector_store_idx %arg10[%broadcast_in_dim3A, %shift_right_logical3A_1882, %and3A_1893, %broadcast_in_dim3A_2350], %get3A_2328 : memref<26x4x8x33xf32, #tpu.memory_space<vmem>>[vector<16xi32>, vector<16xi32>, vector<16xi32>, vector<16xi32>], vector<16xf32>,
        %broadcast_in_dim3A_2351 = arith.constant 6 : i32
        %broadcast_in_dim3A_2352 = vector.broadcast %broadcast_in_dim3A_2351 : i32 to vector<16xi32>
        tpu.vector_store_idx %arg10[%broadcast_in_dim3A, %shift_right_logical3A_1882, %and3A_1893, %broadcast_in_dim3A_2352], %get3A_2333 : memref<26x4x8x33xf32, #tpu.memory_space<vmem>>[vector<16xi32>, vector<16xi32>, vector<16xi32>, vector<16xi32>], vector<16xf32>,
        %broadcast_in_dim3A_2353 = arith.constant 7 : i32
        %broadcast_in_dim3A_2354 = vector.broadcast %broadcast_in_dim3A_2353 : i32 to vector<16xi32>
        tpu.vector_store_idx %arg10[%broadcast_in_dim3A, %shift_right_logical3A_1882, %and3A_1893, %broadcast_in_dim3A_2354], %get3A_2338 : memref<26x4x8x33xf32, #tpu.memory_space<vmem>>[vector<16xi32>, vector<16xi32>, vector<16xi32>, vector<16xi32>], vector<16xf32>,
        %get3A_2355 = arith.constant 8 : i32
        %get3A_2356 = arith.index_cast %get3A_2355 : i32 to index
        %get3A_2357 = arith.index_cast %add3A_2074 : i32 to index
        %get3A_2358 = arith.constant 16 : index
        %get3A_2359 = tpu.vector_load %arg8[%get3A_2356, %get3A_2357, %get3A_2358] {strides = array<i32>} : memref<32x26x32xf32, #tpu.memory_space<vmem>>, vector<16xf32>,
        %get3A_2360 = arith.constant 9 : i32
        %get3A_2361 = arith.index_cast %get3A_2360 : i32 to index
        %get3A_2362 = arith.index_cast %add3A_2074 : i32 to index
        %get3A_2363 = arith.constant 16 : index
        %get3A_2364 = tpu.vector_load %arg8[%get3A_2361, %get3A_2362, %get3A_2363] {strides = array<i32>} : memref<32x26x32xf32, #tpu.memory_space<vmem>>, vector<16xf32>,
        %get3A_2365 = arith.constant 10 : i32
        %get3A_2366 = arith.index_cast %get3A_2365 : i32 to index
        %get3A_2367 = arith.index_cast %add3A_2074 : i32 to index
        %get3A_2368 = arith.constant 16 : index
        %get3A_2369 = tpu.vector_load %arg8[%get3A_2366, %get3A_2367, %get3A_2368] {strides = array<i32>} : memref<32x26x32xf32, #tpu.memory_space<vmem>>, vector<16xf32>,
        %get3A_2370 = arith.constant 11 : i32
        %get3A_2371 = arith.index_cast %get3A_2370 : i32 to index
        %get3A_2372 = arith.index_cast %add3A_2074 : i32 to index
        %get3A_2373 = arith.constant 16 : index
        %get3A_2374 = tpu.vector_load %arg8[%get3A_2371, %get3A_2372, %get3A_2373] {strides = array<i32>} : memref<32x26x32xf32, #tpu.memory_space<vmem>>, vector<16xf32>,
        %get3A_2375 = arith.constant 12 : i32
        %get3A_2376 = arith.index_cast %get3A_2375 : i32 to index
        %get3A_2377 = arith.index_cast %add3A_2074 : i32 to index
        %get3A_2378 = arith.constant 16 : index
        %get3A_2379 = tpu.vector_load %arg8[%get3A_2376, %get3A_2377, %get3A_2378] {strides = array<i32>} : memref<32x26x32xf32, #tpu.memory_space<vmem>>, vector<16xf32>,
        %get3A_2380 = arith.constant 13 : i32
        %get3A_2381 = arith.index_cast %get3A_2380 : i32 to index
        %get3A_2382 = arith.index_cast %add3A_2074 : i32 to index
        %get3A_2383 = arith.constant 16 : index
        %get3A_2384 = tpu.vector_load %arg8[%get3A_2381, %get3A_2382, %get3A_2383] {strides = array<i32>} : memref<32x26x32xf32, #tpu.memory_space<vmem>>, vector<16xf32>,
        %get3A_2385 = arith.constant 14 : i32
        %get3A_2386 = arith.index_cast %get3A_2385 : i32 to index
        %get3A_2387 = arith.index_cast %add3A_2074 : i32 to index
        %get3A_2388 = arith.constant 16 : index
        %get3A_2389 = tpu.vector_load %arg8[%get3A_2386, %get3A_2387, %get3A_2388] {strides = array<i32>} : memref<32x26x32xf32, #tpu.memory_space<vmem>>, vector<16xf32>,
        %get3A_2390 = arith.constant 15 : i32
        %get3A_2391 = arith.index_cast %get3A_2390 : i32 to index
        %get3A_2392 = arith.index_cast %add3A_2074 : i32 to index
        %get3A_2393 = arith.constant 16 : index
        %get3A_2394 = tpu.vector_load %arg8[%get3A_2391, %get3A_2392, %get3A_2393] {strides = array<i32>} : memref<32x26x32xf32, #tpu.memory_space<vmem>>, vector<16xf32>,
        %broadcast_in_dim3A_2395 = arith.constant 8 : i32
        %broadcast_in_dim3A_2396 = vector.broadcast %broadcast_in_dim3A_2395 : i32 to vector<16xi32>
        tpu.vector_store_idx %arg10[%broadcast_in_dim3A, %shift_right_logical3A_1882, %and3A_1893, %broadcast_in_dim3A_2396], %get3A_2359 : memref<26x4x8x33xf32, #tpu.memory_space<vmem>>[vector<16xi32>, vector<16xi32>, vector<16xi32>, vector<16xi32>], vector<16xf32>,
        %broadcast_in_dim3A_2397 = arith.constant 9 : i32
        %broadcast_in_dim3A_2398 = vector.broadcast %broadcast_in_dim3A_2397 : i32 to vector<16xi32>
        tpu.vector_store_idx %arg10[%broadcast_in_dim3A, %shift_right_logical3A_1882, %and3A_1893, %broadcast_in_dim3A_2398], %get3A_2364 : memref<26x4x8x33xf32, #tpu.memory_space<vmem>>[vector<16xi32>, vector<16xi32>, vector<16xi32>, vector<16xi32>], vector<16xf32>,
        %broadcast_in_dim3A_2399 = arith.constant 10 : i32
        %broadcast_in_dim3A_2400 = vector.broadcast %broadcast_in_dim3A_2399 : i32 to vector<16xi32>
        tpu.vector_store_idx %arg10[%broadcast_in_dim3A, %shift_right_logical3A_1882, %and3A_1893, %broadcast_in_dim3A_2400], %get3A_2369 : memref<26x4x8x33xf32, #tpu.memory_space<vmem>>[vector<16xi32>, vector<16xi32>, vector<16xi32>, vector<16xi32>], vector<16xf32>,
        %broadcast_in_dim3A_2401 = arith.constant 11 : i32
        %broadcast_in_dim3A_2402 = vector.broadcast %broadcast_in_dim3A_2401 : i32 to vector<16xi32>
        tpu.vector_store_idx %arg10[%broadcast_in_dim3A, %shift_right_logical3A_1882, %and3A_1893, %broadcast_in_dim3A_2402], %get3A_2374 : memref<26x4x8x33xf32, #tpu.memory_space<vmem>>[vector<16xi32>, vector<16xi32>, vector<16xi32>, vector<16xi32>], vector<16xf32>,
        %broadcast_in_dim3A_2403 = arith.constant 12 : i32
        %broadcast_in_dim3A_2404 = vector.broadcast %broadcast_in_dim3A_2403 : i32 to vector<16xi32>
        tpu.vector_store_idx %arg10[%broadcast_in_dim3A, %shift_right_logical3A_1882, %and3A_1893, %broadcast_in_dim3A_2404], %get3A_2379 : memref<26x4x8x33xf32, #tpu.memory_space<vmem>>[vector<16xi32>, vector<16xi32>, vector<16xi32>, vector<16xi32>], vector<16xf32>,
        %broadcast_in_dim3A_2405 = arith.constant 13 : i32
        %broadcast_in_dim3A_2406 = vector.broadcast %broadcast_in_dim3A_2405 : i32 to vector<16xi32>
        tpu.vector_store_idx %arg10[%broadcast_in_dim3A, %shift_right_logical3A_1882, %and3A_1893, %broadcast_in_dim3A_2406], %get3A_2384 : memref<26x4x8x33xf32, #tpu.memory_space<vmem>>[vector<16xi32>, vector<16xi32>, vector<16xi32>, vector<16xi32>], vector<16xf32>,
        %broadcast_in_dim3A_2407 = arith.constant 14 : i32
        %broadcast_in_dim3A_2408 = vector.broadcast %broadcast_in_dim3A_2407 : i32 to vector<16xi32>
        tpu.vector_store_idx %arg10[%broadcast_in_dim3A, %shift_right_logical3A_1882, %and3A_1893, %broadcast_in_dim3A_2408], %get3A_2389 : memref<26x4x8x33xf32, #tpu.memory_space<vmem>>[vector<16xi32>, vector<16xi32>, vector<16xi32>, vector<16xi32>], vector<16xf32>,
        %broadcast_in_dim3A_2409 = arith.constant 15 : i32
        %broadcast_in_dim3A_2410 = vector.broadcast %broadcast_in_dim3A_2409 : i32 to vector<16xi32>
        tpu.vector_store_idx %arg10[%broadcast_in_dim3A, %shift_right_logical3A_1882, %and3A_1893, %broadcast_in_dim3A_2410], %get3A_2394 : memref<26x4x8x33xf32, #tpu.memory_space<vmem>>[vector<16xi32>, vector<16xi32>, vector<16xi32>, vector<16xi32>], vector<16xf32>,
        %get3A_2411 = arith.constant 16 : i32
        %get3A_2412 = arith.index_cast %get3A_2411 : i32 to index
        %get3A_2413 = arith.index_cast %add3A_2074 : i32 to index
        %get3A_2414 = arith.constant 16 : index
        %get3A_2415 = tpu.vector_load %arg8[%get3A_2412, %get3A_2413, %get3A_2414] {strides = array<i32>} : memref<32x26x32xf32, #tpu.memory_space<vmem>>, vector<16xf32>,
        %get3A_2416 = arith.constant 17 : i32
        %get3A_2417 = arith.index_cast %get3A_2416 : i32 to index
        %get3A_2418 = arith.index_cast %add3A_2074 : i32 to index
        %get3A_2419 = arith.constant 16 : index
        %get3A_2420 = tpu.vector_load %arg8[%get3A_2417, %get3A_2418, %get3A_2419] {strides = array<i32>} : memref<32x26x32xf32, #tpu.memory_space<vmem>>, vector<16xf32>,
        %get3A_2421 = arith.constant 18 : i32
        %get3A_2422 = arith.index_cast %get3A_2421 : i32 to index
        %get3A_2423 = arith.index_cast %add3A_2074 : i32 to index
        %get3A_2424 = arith.constant 16 : index
        %get3A_2425 = tpu.vector_load %arg8[%get3A_2422, %get3A_2423, %get3A_2424] {strides = array<i32>} : memref<32x26x32xf32, #tpu.memory_space<vmem>>, vector<16xf32>,
        %get3A_2426 = arith.constant 19 : i32
        %get3A_2427 = arith.index_cast %get3A_2426 : i32 to index
        %get3A_2428 = arith.index_cast %add3A_2074 : i32 to index
        %get3A_2429 = arith.constant 16 : index
        %get3A_2430 = tpu.vector_load %arg8[%get3A_2427, %get3A_2428, %get3A_2429] {strides = array<i32>} : memref<32x26x32xf32, #tpu.memory_space<vmem>>, vector<16xf32>,
        %get3A_2431 = arith.constant 20 : i32
        %get3A_2432 = arith.index_cast %get3A_2431 : i32 to index
        %get3A_2433 = arith.index_cast %add3A_2074 : i32 to index
        %get3A_2434 = arith.constant 16 : index
        %get3A_2435 = tpu.vector_load %arg8[%get3A_2432, %get3A_2433, %get3A_2434] {strides = array<i32>} : memref<32x26x32xf32, #tpu.memory_space<vmem>>, vector<16xf32>,
        %get3A_2436 = arith.constant 21 : i32
        %get3A_2437 = arith.index_cast %get3A_2436 : i32 to index
        %get3A_2438 = arith.index_cast %add3A_2074 : i32 to index
        %get3A_2439 = arith.constant 16 : index
        %get3A_2440 = tpu.vector_load %arg8[%get3A_2437, %get3A_2438, %get3A_2439] {strides = array<i32>} : memref<32x26x32xf32, #tpu.memory_space<vmem>>, vector<16xf32>,
        %get3A_2441 = arith.constant 22 : i32
        %get3A_2442 = arith.index_cast %get3A_2441 : i32 to index
        %get3A_2443 = arith.index_cast %add3A_2074 : i32 to index
        %get3A_2444 = arith.constant 16 : index
        %get3A_2445 = tpu.vector_load %arg8[%get3A_2442, %get3A_2443, %get3A_2444] {strides = array<i32>} : memref<32x26x32xf32, #tpu.memory_space<vmem>>, vector<16xf32>,
        %get3A_2446 = arith.constant 23 : i32
        %get3A_2447 = arith.index_cast %get3A_2446 : i32 to index
        %get3A_2448 = arith.index_cast %add3A_2074 : i32 to index
        %get3A_2449 = arith.constant 16 : index
        %get3A_2450 = tpu.vector_load %arg8[%get3A_2447, %get3A_2448, %get3A_2449] {strides = array<i32>} : memref<32x26x32xf32, #tpu.memory_space<vmem>>, vector<16xf32>,
        %broadcast_in_dim3A_2451 = arith.constant 16 : i32
        %broadcast_in_dim3A_2452 = vector.broadcast %broadcast_in_dim3A_2451 : i32 to vector<16xi32>
        tpu.vector_store_idx %arg10[%broadcast_in_dim3A, %shift_right_logical3A_1882, %and3A_1893, %broadcast_in_dim3A_2452], %get3A_2415 : memref<26x4x8x33xf32, #tpu.memory_space<vmem>>[vector<16xi32>, vector<16xi32>, vector<16xi32>, vector<16xi32>], vector<16xf32>,
        %broadcast_in_dim3A_2453 = arith.constant 17 : i32
        %broadcast_in_dim3A_2454 = vector.broadcast %broadcast_in_dim3A_2453 : i32 to vector<16xi32>
        tpu.vector_store_idx %arg10[%broadcast_in_dim3A, %shift_right_logical3A_1882, %and3A_1893, %broadcast_in_dim3A_2454], %get3A_2420 : memref<26x4x8x33xf32, #tpu.memory_space<vmem>>[vector<16xi32>, vector<16xi32>, vector<16xi32>, vector<16xi32>], vector<16xf32>,
        %broadcast_in_dim3A_2455 = arith.constant 18 : i32
        %broadcast_in_dim3A_2456 = vector.broadcast %broadcast_in_dim3A_2455 : i32 to vector<16xi32>
        tpu.vector_store_idx %arg10[%broadcast_in_dim3A, %shift_right_logical3A_1882, %and3A_1893, %broadcast_in_dim3A_2456], %get3A_2425 : memref<26x4x8x33xf32, #tpu.memory_space<vmem>>[vector<16xi32>, vector<16xi32>, vector<16xi32>, vector<16xi32>], vector<16xf32>,
        %broadcast_in_dim3A_2457 = arith.constant 19 : i32
        %broadcast_in_dim3A_2458 = vector.broadcast %broadcast_in_dim3A_2457 : i32 to vector<16xi32>
        tpu.vector_store_idx %arg10[%broadcast_in_dim3A, %shift_right_logical3A_1882, %and3A_1893, %broadcast_in_dim3A_2458], %get3A_2430 : memref<26x4x8x33xf32, #tpu.memory_space<vmem>>[vector<16xi32>, vector<16xi32>, vector<16xi32>, vector<16xi32>], vector<16xf32>,
        %broadcast_in_dim3A_2459 = arith.constant 20 : i32
        %broadcast_in_dim3A_2460 = vector.broadcast %broadcast_in_dim3A_2459 : i32 to vector<16xi32>
        tpu.vector_store_idx %arg10[%broadcast_in_dim3A, %shift_right_logical3A_1882, %and3A_1893, %broadcast_in_dim3A_2460], %get3A_2435 : memref<26x4x8x33xf32, #tpu.memory_space<vmem>>[vector<16xi32>, vector<16xi32>, vector<16xi32>, vector<16xi32>], vector<16xf32>,
        %broadcast_in_dim3A_2461 = arith.constant 21 : i32
        %broadcast_in_dim3A_2462 = vector.broadcast %broadcast_in_dim3A_2461 : i32 to vector<16xi32>
        tpu.vector_store_idx %arg10[%broadcast_in_dim3A, %shift_right_logical3A_1882, %and3A_1893, %broadcast_in_dim3A_2462], %get3A_2440 : memref<26x4x8x33xf32, #tpu.memory_space<vmem>>[vector<16xi32>, vector<16xi32>, vector<16xi32>, vector<16xi32>], vector<16xf32>,
        %broadcast_in_dim3A_2463 = arith.constant 22 : i32
        %broadcast_in_dim3A_2464 = vector.broadcast %broadcast_in_dim3A_2463 : i32 to vector<16xi32>
        tpu.vector_store_idx %arg10[%broadcast_in_dim3A, %shift_right_logical3A_1882, %and3A_1893, %broadcast_in_dim3A_2464], %get3A_2445 : memref<26x4x8x33xf32, #tpu.memory_space<vmem>>[vector<16xi32>, vector<16xi32>, vector<16xi32>, vector<16xi32>], vector<16xf32>,
        %broadcast_in_dim3A_2465 = arith.constant 23 : i32
        %broadcast_in_dim3A_2466 = vector.broadcast %broadcast_in_dim3A_2465 : i32 to vector<16xi32>
        tpu.vector_store_idx %arg10[%broadcast_in_dim3A, %shift_right_logical3A_1882, %and3A_1893, %broadcast_in_dim3A_2466], %get3A_2450 : memref<26x4x8x33xf32, #tpu.memory_space<vmem>>[vector<16xi32>, vector<16xi32>, vector<16xi32>, vector<16xi32>], vector<16xf32>,
        %get3A_2467 = arith.constant 24 : i32
        %get3A_2468 = arith.index_cast %get3A_2467 : i32 to index
        %get3A_2469 = arith.index_cast %add3A_2074 : i32 to index
        %get3A_2470 = arith.constant 16 : index
        %get3A_2471 = tpu.vector_load %arg8[%get3A_2468, %get3A_2469, %get3A_2470] {strides = array<i32>} : memref<32x26x32xf32, #tpu.memory_space<vmem>>, vector<16xf32>,
        %get3A_2472 = arith.constant 25 : i32
        %get3A_2473 = arith.index_cast %get3A_2472 : i32 to index
        %get3A_2474 = arith.index_cast %add3A_2074 : i32 to index
        %get3A_2475 = arith.constant 16 : index
        %get3A_2476 = tpu.vector_load %arg8[%get3A_2473, %get3A_2474, %get3A_2475] {strides = array<i32>} : memref<32x26x32xf32, #tpu.memory_space<vmem>>, vector<16xf32>,
        %get3A_2477 = arith.constant 26 : i32
        %get3A_2478 = arith.index_cast %get3A_2477 : i32 to index
        %get3A_2479 = arith.index_cast %add3A_2074 : i32 to index
        %get3A_2480 = arith.constant 16 : index
        %get3A_2481 = tpu.vector_load %arg8[%get3A_2478, %get3A_2479, %get3A_2480] {strides = array<i32>} : memref<32x26x32xf32, #tpu.memory_space<vmem>>, vector<16xf32>,
        %get3A_2482 = arith.constant 27 : i32
        %get3A_2483 = arith.index_cast %get3A_2482 : i32 to index
        %get3A_2484 = arith.index_cast %add3A_2074 : i32 to index
        %get3A_2485 = arith.constant 16 : index
        %get3A_2486 = tpu.vector_load %arg8[%get3A_2483, %get3A_2484, %get3A_2485] {strides = array<i32>} : memref<32x26x32xf32, #tpu.memory_space<vmem>>, vector<16xf32>,
        %get3A_2487 = arith.constant 28 : i32
        %get3A_2488 = arith.index_cast %get3A_2487 : i32 to index
        %get3A_2489 = arith.index_cast %add3A_2074 : i32 to index
        %get3A_2490 = arith.constant 16 : index
        %get3A_2491 = tpu.vector_load %arg8[%get3A_2488, %get3A_2489, %get3A_2490] {strides = array<i32>} : memref<32x26x32xf32, #tpu.memory_space<vmem>>, vector<16xf32>,
        %get3A_2492 = arith.constant 29 : i32
        %get3A_2493 = arith.index_cast %get3A_2492 : i32 to index
        %get3A_2494 = arith.index_cast %add3A_2074 : i32 to index
        %get3A_2495 = arith.constant 16 : index
        %get3A_2496 = tpu.vector_load %arg8[%get3A_2493, %get3A_2494, %get3A_2495] {strides = array<i32>} : memref<32x26x32xf32, #tpu.memory_space<vmem>>, vector<16xf32>,
        %get3A_2497 = arith.constant 30 : i32
        %get3A_2498 = arith.index_cast %get3A_2497 : i32 to index
        %get3A_2499 = arith.index_cast %add3A_2074 : i32 to index
        %get3A_2500 = arith.constant 16 : index
        %get3A_2501 = tpu.vector_load %arg8[%get3A_2498, %get3A_2499, %get3A_2500] {strides = array<i32>} : memref<32x26x32xf32, #tpu.memory_space<vmem>>, vector<16xf32>,
        %get3A_2502 = arith.constant 31 : i32
        %get3A_2503 = arith.index_cast %get3A_2502 : i32 to index
        %get3A_2504 = arith.index_cast %add3A_2074 : i32 to index
        %get3A_2505 = arith.constant 16 : index
        %get3A_2506 = tpu.vector_load %arg8[%get3A_2503, %get3A_2504, %get3A_2505] {strides = array<i32>} : memref<32x26x32xf32, #tpu.memory_space<vmem>>, vector<16xf32>,
        %broadcast_in_dim3A_2507 = arith.constant 24 : i32
        %broadcast_in_dim3A_2508 = vector.broadcast %broadcast_in_dim3A_2507 : i32 to vector<16xi32>
        tpu.vector_store_idx %arg10[%broadcast_in_dim3A, %shift_right_logical3A_1882, %and3A_1893, %broadcast_in_dim3A_2508], %get3A_2471 : memref<26x4x8x33xf32, #tpu.memory_space<vmem>>[vector<16xi32>, vector<16xi32>, vector<16xi32>, vector<16xi32>], vector<16xf32>,
        %broadcast_in_dim3A_2509 = arith.constant 25 : i32
        %broadcast_in_dim3A_2510 = vector.broadcast %broadcast_in_dim3A_2509 : i32 to vector<16xi32>
        tpu.vector_store_idx %arg10[%broadcast_in_dim3A, %shift_right_logical3A_1882, %and3A_1893, %broadcast_in_dim3A_2510], %get3A_2476 : memref<26x4x8x33xf32, #tpu.memory_space<vmem>>[vector<16xi32>, vector<16xi32>, vector<16xi32>, vector<16xi32>], vector<16xf32>,
        %broadcast_in_dim3A_2511 = arith.constant 26 : i32
        %broadcast_in_dim3A_2512 = vector.broadcast %broadcast_in_dim3A_2511 : i32 to vector<16xi32>
        tpu.vector_store_idx %arg10[%broadcast_in_dim3A, %shift_right_logical3A_1882, %and3A_1893, %broadcast_in_dim3A_2512], %get3A_2481 : memref<26x4x8x33xf32, #tpu.memory_space<vmem>>[vector<16xi32>, vector<16xi32>, vector<16xi32>, vector<16xi32>], vector<16xf32>,
        %broadcast_in_dim3A_2513 = arith.constant 27 : i32
        %broadcast_in_dim3A_2514 = vector.broadcast %broadcast_in_dim3A_2513 : i32 to vector<16xi32>
        tpu.vector_store_idx %arg10[%broadcast_in_dim3A, %shift_right_logical3A_1882, %and3A_1893, %broadcast_in_dim3A_2514], %get3A_2486 : memref<26x4x8x33xf32, #tpu.memory_space<vmem>>[vector<16xi32>, vector<16xi32>, vector<16xi32>, vector<16xi32>], vector<16xf32>,
        %broadcast_in_dim3A_2515 = arith.constant 28 : i32
        %broadcast_in_dim3A_2516 = vector.broadcast %broadcast_in_dim3A_2515 : i32 to vector<16xi32>
        tpu.vector_store_idx %arg10[%broadcast_in_dim3A, %shift_right_logical3A_1882, %and3A_1893, %broadcast_in_dim3A_2516], %get3A_2491 : memref<26x4x8x33xf32, #tpu.memory_space<vmem>>[vector<16xi32>, vector<16xi32>, vector<16xi32>, vector<16xi32>], vector<16xf32>,
        %broadcast_in_dim3A_2517 = arith.constant 29 : i32
        %broadcast_in_dim3A_2518 = vector.broadcast %broadcast_in_dim3A_2517 : i32 to vector<16xi32>
        tpu.vector_store_idx %arg10[%broadcast_in_dim3A, %shift_right_logical3A_1882, %and3A_1893, %broadcast_in_dim3A_2518], %get3A_2496 : memref<26x4x8x33xf32, #tpu.memory_space<vmem>>[vector<16xi32>, vector<16xi32>, vector<16xi32>, vector<16xi32>], vector<16xf32>,
        %broadcast_in_dim3A_2519 = arith.constant 30 : i32
        %broadcast_in_dim3A_2520 = vector.broadcast %broadcast_in_dim3A_2519 : i32 to vector<16xi32>
        tpu.vector_store_idx %arg10[%broadcast_in_dim3A, %shift_right_logical3A_1882, %and3A_1893, %broadcast_in_dim3A_2520], %get3A_2501 : memref<26x4x8x33xf32, #tpu.memory_space<vmem>>[vector<16xi32>, vector<16xi32>, vector<16xi32>, vector<16xi32>], vector<16xf32>,
        %broadcast_in_dim3A_2521 = arith.constant 31 : i32
        %broadcast_in_dim3A_2522 = vector.broadcast %broadcast_in_dim3A_2521 : i32 to vector<16xi32>
        tpu.vector_store_idx %arg10[%broadcast_in_dim3A, %shift_right_logical3A_1882, %and3A_1893, %broadcast_in_dim3A_2522], %get3A_2506 : memref<26x4x8x33xf32, #tpu.memory_space<vmem>>[vector<16xi32>, vector<16xi32>, vector<16xi32>, vector<16xi32>], vector<16xf32>,
      }
      %scan3A_2040 = arith.constant 26 : i32
      %add3A_2041 = arith.constant 1 : i32
      %add3A_2042 = arith.addi %mul3A_1961, %add3A_2041 : i32
      %shift_right_logical3A_2043 = arith.constant 2 : i32
      %shift_right_logical3A_2044 = arith.shrui %add3A_2042, %shift_right_logical3A_2043 : i32
      %rem3A_2045 = arith.constant 4 : i32
      %rem3A_2046 = arith.remsi %add3A_2042, %rem3A_2045 : i32
      %mul3A_2047 = arith.constant 32 : i32
      %mul3A_2048 = arith.muli %rem3A_2046, %mul3A_2047 : i32
      %multiple_of3A_2049 = tpu.assume_multiple %mul3A_2048, 32 : i32
      %dma_start3A_2050 = arith.constant 0 : i32
      %dma_start3A_2051 = arith.constant 0 : i32
      %dma_start3A_2052 = arith.constant 0 : i32
      %dma_start3A_2053 = arith.constant 0 : i32
      %dma_start3A_2054 = tpu.memref_slice %arg10[%dma_start3A_2050, %dma_start3A_2051, %dma_start3A_2052, %dma_start3A_2053] : memref<26x4x8x33xf32, #tpu.memory_space<vmem>> -> memref<26x4x8x32xf32, #tpu.memory_space<vmem>>
      %dma_start3A_2055 = arith.constant 0 : i32
      %dma_start3A_2056 = arith.constant 0 : i32
      %dma_start3A_2057 = arith.constant 0 : i32
      %dma_start3A_2058 = tpu.memref_slice %arg4[%shift_right_logical3A_2044, %dma_start3A_2055, %dma_start3A_2056, %add3A, %dma_start3A_2057, %multiple_of3A_2049] : memref<26x26x4x32x8x128xf32, #tpu.memory_space<hbm>> -> memref<1x26x4x1x8x32xf32, #tpu.memory_space<hbm>>
      %dma_start3A_2059 = tpu.memref_squeeze %dma_start3A_2058 : memref<1x26x4x1x8x32xf32, #tpu.memory_space<hbm>> -> memref<26x4x8x32xf32, #tpu.memory_space<hbm>>
      %dma_start3A_2060 = arith.constant 0 : i32
      %dma_start3A_2061 = arith.constant 0 : i32
      %dma_start3A_2062 = arith.constant 0 : i32
      %dma_start3A_2063 = tpu.memref_slice %arg4[%shift_right_logical3A_2044, %dma_start3A_2060, %dma_start3A_2061, %add3A, %dma_start3A_2062, %multiple_of3A_2049] : memref<26x26x4x32x8x128xf32, #tpu.memory_space<hbm>> -> memref<1x26x4x1x8x32xf32, #tpu.memory_space<hbm>>
      %dma_start3A_2064 = tpu.memref_squeeze %dma_start3A_2063 : memref<1x26x4x1x8x32xf32, #tpu.memory_space<hbm>> -> memref<26x4x8x32xf32, #tpu.memory_space<hbm>>
      %dma_start3A_2065 = arith.constant 0 : i32
      %dma_start3A_2066 = arith.constant 0 : i32
      %dma_start3A_2067 = arith.constant 0 : i32
      %dma_start3A_2068 = arith.constant 0 : i32
      %dma_start3A_2069 = tpu.memref_slice %arg10[%dma_start3A_2065, %dma_start3A_2066, %dma_start3A_2067, %dma_start3A_2068] : memref<26x4x8x33xf32, #tpu.memory_space<vmem>> -> memref<26x4x8x32xf32, #tpu.memory_space<vmem>>
      tpu.enqueue_dma source(%dma_start3A_2069 : memref<26x4x8x32xf32, #tpu.memory_space<vmem>>) target(%dma_start3A_2064 : memref<26x4x8x32xf32, #tpu.memory_space<hbm>>) target_semaphore(%arg14 : memref<!tpu.dma_semaphore, #tpu.memory_space<semaphore_mem>>)
    }
    %scan3A_1909 = arith.constant 52 : i32
    %dma_wait3A = arith.constant 0 : i32
    %dma_wait3A_1910 = arith.constant 0 : i32
    %dma_wait3A_1911 = arith.constant 0 : i32
    %dma_wait3A_1912 = arith.constant 0 : i32
    %dma_wait3A_1913 = arith.constant 0 : i32
    %dma_wait3A_1914 = tpu.memref_slice %arg9[%dma_wait3A_1910, %dma_wait3A_1911, %dma_wait3A_1912, %dma_wait3A_1913] : memref<26x4x8x33xf32, #tpu.memory_space<vmem>> -> memref<26x4x8x32xf32, #tpu.memory_space<vmem>>
    %dma_wait3A_1915 = arith.constant 0 : i32
    %dma_wait3A_1916 = arith.constant 0 : i32
    %dma_wait3A_1917 = arith.constant 0 : i32
    %dma_wait3A_1918 = arith.constant 0 : i32
    %dma_wait3A_1919 = tpu.memref_slice %arg4[%dma_wait3A, %dma_wait3A_1915, %dma_wait3A_1916, %add3A, %dma_wait3A_1917, %dma_wait3A_1918] : memref<26x26x4x32x8x128xf32, #tpu.memory_space<hbm>> -> memref<1x26x4x1x8x32xf32, #tpu.memory_space<hbm>>
    %dma_wait3A_1920 = tpu.memref_squeeze %dma_wait3A_1919 : memref<1x26x4x1x8x32xf32, #tpu.memory_space<hbm>> -> memref<26x4x8x32xf32, #tpu.memory_space<hbm>>
    %dma_wait3A_1921 = arith.constant 0 : i32
    %dma_wait3A_1922 = arith.constant 0 : i32
    %dma_wait3A_1923 = arith.constant 0 : i32
    %dma_wait3A_1924 = arith.constant 0 : i32
    %dma_wait3A_1925 = tpu.memref_slice %arg4[%dma_wait3A, %dma_wait3A_1921, %dma_wait3A_1922, %add3A, %dma_wait3A_1923, %dma_wait3A_1924] : memref<26x26x4x32x8x128xf32, #tpu.memory_space<hbm>> -> memref<1x26x4x1x8x32xf32, #tpu.memory_space<hbm>>
    %dma_wait3A_1926 = tpu.memref_squeeze %dma_wait3A_1925 : memref<1x26x4x1x8x32xf32, #tpu.memory_space<hbm>> -> memref<26x4x8x32xf32, #tpu.memory_space<hbm>>
    %dma_wait3A_1927 = arith.constant 0 : i32
    %dma_wait3A_1928 = arith.constant 0 : i32
    %dma_wait3A_1929 = arith.constant 0 : i32
    %dma_wait3A_1930 = arith.constant 0 : i32
    %dma_wait3A_1931 = tpu.memref_slice %arg9[%dma_wait3A_1927, %dma_wait3A_1928, %dma_wait3A_1929, %dma_wait3A_1930] : memref<26x4x8x33xf32, #tpu.memory_space<vmem>> -> memref<26x4x8x32xf32, #tpu.memory_space<vmem>>
    tpu.wait_dma2 semaphore(%arg13 : memref<!tpu.dma_semaphore, #tpu.memory_space<semaphore_mem>>) src(%dma_wait3A_1931 : memref<26x4x8x32xf32, #tpu.memory_space<vmem>>) dst(%dma_wait3A_1926 : memref<26x4x8x32xf32, #tpu.memory_space<hbm>>)
    %dma_wait3A_1932 = arith.constant 0 : i32
    %dma_wait3A_1933 = arith.constant 0 : i32
    %dma_wait3A_1934 = arith.constant 0 : i32
    %dma_wait3A_1935 = arith.constant 0 : i32
    %dma_wait3A_1936 = arith.constant 0 : i32
    %dma_wait3A_1937 = tpu.memref_slice %arg10[%dma_wait3A_1933, %dma_wait3A_1934, %dma_wait3A_1935, %dma_wait3A_1936] : memref<26x4x8x33xf32, #tpu.memory_space<vmem>> -> memref<26x4x8x32xf32, #tpu.memory_space<vmem>>
    %dma_wait3A_1938 = arith.constant 0 : i32
    %dma_wait3A_1939 = arith.constant 0 : i32
    %dma_wait3A_1940 = arith.constant 0 : i32
    %dma_wait3A_1941 = arith.constant 0 : i32
    %dma_wait3A_1942 = tpu.memref_slice %arg4[%dma_wait3A_1932, %dma_wait3A_1938, %dma_wait3A_1939, %add3A, %dma_wait3A_1940, %dma_wait3A_1941] : memref<26x26x4x32x8x128xf32, #tpu.memory_space<hbm>> -> memref<1x26x4x1x8x32xf32, #tpu.memory_space<hbm>>
    %dma_wait3A_1943 = tpu.memref_squeeze %dma_wait3A_1942 : memref<1x26x4x1x8x32xf32, #tpu.memory_space<hbm>> -> memref<26x4x8x32xf32, #tpu.memory_space<hbm>>
    %dma_wait3A_1944 = arith.constant 0 : i32
    %dma_wait3A_1945 = arith.constant 0 : i32
    %dma_wait3A_1946 = arith.constant 0 : i32
    %dma_wait3A_1947 = arith.constant 0 : i32
    %dma_wait3A_1948 = tpu.memref_slice %arg4[%dma_wait3A_1932, %dma_wait3A_1944, %dma_wait3A_1945, %add3A, %dma_wait3A_1946, %dma_wait3A_1947] : memref<26x26x4x32x8x128xf32, #tpu.memory_space<hbm>> -> memref<1x26x4x1x8x32xf32, #tpu.memory_space<hbm>>
    %dma_wait3A_1949 = tpu.memref_squeeze %dma_wait3A_1948 : memref<1x26x4x1x8x32xf32, #tpu.memory_space<hbm>> -> memref<26x4x8x32xf32, #tpu.memory_space<hbm>>
    %dma_wait3A_1950 = arith.constant 0 : i32
    %dma_wait3A_1951 = arith.constant 0 : i32
    %dma_wait3A_1952 = arith.constant 0 : i32
    %dma_wait3A_1953 = arith.constant 0 : i32
    %dma_wait3A_1954 = tpu.memref_slice %arg10[%dma_wait3A_1950, %dma_wait3A_1951, %dma_wait3A_1952, %dma_wait3A_1953] : memref<26x4x8x33xf32, #tpu.memory_space<vmem>> -> memref<26x4x8x32xf32, #tpu.memory_space<vmem>>
    tpu.wait_dma2 semaphore(%arg14 : memref<!tpu.dma_semaphore, #tpu.memory_space<semaphore_mem>>) src(%dma_wait3A_1954 : memref<26x4x8x32xf32, #tpu.memory_space<vmem>>) dst(%dma_wait3A_1949 : memref<26x4x8x32xf32, #tpu.memory_space<hbm>>)
    return
  }
}

</mosaic_0001>

<sc_bundles>
// kernel: kernel.3.cloned.1.call-start
scs
__scs_entry_jumppad:
0x0: {  	(pc) =	sbr.rel $0x88, $3  }
0x1: {  	(tag) =	ssettag $0x0;
	lr =	simm.s32 $0x1  }
0x2: {  	[smem:$0x3F9F] =	sst lr;
	_ =	strace $0xD0000000  }
0x3: {  	_ = 	snop  }
0x4: {  	_ = 	snop  }
0x5: {  	_ = 	snop  }
0x6: {  	_ = 	snop  }
0x7: {  	_ = 	snop  }
__scs_overlays_trampoline_lowered:
0x8: {  	[smem:$0x3FAE] =	sst s0  }
0x9: {  	[smem:$0x3FAF] =	sst s1  }
0xa: {  	[smem:$0x3FB0] =	sst s2  }
0xb: {  	[smem:$0x3FB1] =	sst s3  }
0xc: {  	[smem:$0x3FB2] =	sst s4  }
0xd: {  	[smem:$0x3FB3] =	sst s5  }
0xe: {  	[smem:$0x3FB4] =	sst s6  }
0xf: {  	[smem:$0x3FB5] =	sst s7  }
0x10: {  	[smem:$0x3FB6] =	sst s8  }
0x11: {  	[smem:$0x3FB7] =	sst s9;
	s0 =	simm.s32 @!p0 $0x0  }
0x12: {  	s1 =	sld [smem:$0x3F9D];
	s0 =	simm.s32 @p0 $0x1  }
0x13: {  	[smem:$0x3FB8] =	sst s0;
	s0 =	simm.s32 @!p1 $0x0  }
0x14: {  	s2 =	sld [smem:$0x3F9C];
	s0 =	simm.s32 @p1 $0x1  }
0x15: {  	[smem:$0x3FB9] =	sst s0;
	s0 =	simm.s32 @!p2 $0x0  }
0x16: {  	s3 =	sld [smem:$0x3FDB];
	s0 =	simm.s32 @p2 $0x1  }
0x17: {  	s4 =	simm.s32 $0x1BF5;
	[smem:$0x3FBB] =	sst s0  }
0x18: {  	s0 =	sld [smem:$0x3F9E];
	_ =	swait.ge [sflag:s4], $0x0  }
0x19: {  	s7 =	sld [smem:$0x3F9F]  }
0x1a: {  	s8 =	sadd.s32 $0xFFFFE003, lr  }
0x1b: {  	s9 =	sadd.s32 $0xFFFFFEF7, lr;
	s5 =	simm.s32 $0xFFFFFFFF;
	p2 =	slt.u32 s8, $0xFFFFF086  }
0x1c: {  	p1 =	slt.u32 s9, $0xF7A;
	s5 =	simm.s32 @!p2 $0x0  }
0x1d: {  	s5 =	simm.s32 @p1 $0x1;
	p0 =	seq.s32 s7, s2  }
0x1e: {  	s7 =	smul.u32 @!p0 $0xF7A, s2;
	p2 =	seq.s32 @!p0 s5, $0x0  }
0x1f: {  	s9 =	smul.u32 $0xF7A, s1;
	s8 =	simm.s32 @!p0 $0x1BF5;
	p2 =	por !p2, p0  }
0x20: {  	[sflag:s8] =	ssyncset.s32 @!p0 $0xFFFFF086;
	s6 =	sadd.s32 @!p0 s3, s7;
	s7 =	simm.s32 @!p0 $0x108  }
0x21: {  	s3 =	sadd.s32 s3, s9;
	s6 =	sadd.s32 @!p0 $0x88, s6;
	s7 =	simm.s32 @p2 $0x1082  }
0x22: {  	[simem:s7], [sflag:s8] =	dma.local @!p0 [hbm:s6], $0xF7A  }
0x23: {  	s9 =	sor.u32 $0xD0000000, s2;
	s6 =	simm.s32 $0x108;
	_ =	swait.ge @!p0 [sflag:s8], $0x0  }
0x24: {  	s3 =	sadd.s32 $0x88, s3;
	s6 =	simm.s32 @!p1 $0x1082;
	[sflag:s4] =	ssyncset.s32 $0xFFFFF086  }
0x25: {  	[simem:s6], [sflag:s4] =	dma.local [hbm:s3], $0xF7A  }
0x26: {  	[smem:$0x3F9F] =	sst s1;
	(tag) =	ssettag s2;
	_ =	strace s9  }
0x27: {  	s1 =	sld [smem:$0x3FAF]  }
0x28: {  	s2 =	sld [smem:$0x3FB0]  }
0x29: {  	s4 =	sld [smem:$0x3FB2]  }
0x2a: {  	p0 =	seq.s32 s5, $0x0;
	s5 =	sld [smem:$0x3FB3]  }
0x2b: {  	s6 =	sld [smem:$0x3FB4]  }
0x2c: {  	s7 =	sld [smem:$0x3FB5]  }
0x2d: {  	s3 =	simm.s32 $0x108;
	s8 =	sld [smem:$0x3FB6]  }
0x2e: {  	s3 =	simm.s32 @!p0 $0x1082;
	s9 =	sld [smem:$0x3FB7]  }
0x2f: {  	lr =	sadd.s32 s0, s3;
	s0 =	sld [smem:$0x3FAE]  }
0x30: {  	s3 =	sld [smem:$0x3FB1]  }
0x31: {  	[smem:$0x3FBA] =	sst s10  }
0x32: {  	s10 =	sld [smem:$0x3FB8];
	_ =	sdelay $0x3  }
0x33: {  	p0 =	seq.s32 s10, $0x1;
	s10 =	sld [smem:$0x3FBA];
	_ =	sdelay $0x3  }
0x34: {  	[smem:$0x3FBA] =	sst s10  }
0x35: {  	s10 =	sld [smem:$0x3FB9];
	_ =	sdelay $0x3  }
0x36: {  	p1 =	seq.s32 s10, $0x1;
	s10 =	sld [smem:$0x3FBA];
	_ =	sdelay $0x3  }
0x37: {  	[smem:$0x3FBA] =	sst s10  }
0x38: {  	s10 =	sld [smem:$0x3FBB]  }
0x39: {  	_ = 	snop;
	(pc) =	sbr.ind lr, $3  }
0x3a: {  	_ = 	snop  }
0x3b: {  	_ = 	snop  }
0x3c: {  	p2 =	seq.s32 s10, $0x1;
	s10 =	sld [smem:$0x3FBA]  }
0x3d: {  	_ =	shalt  }
0x3e: {  	_ =	shalt  }
0x3f: {  	_ =	shalt  }
0x40: {  	_ =	shalt  }
0x41: {  	_ =	shalt  }
0x42: {  	_ =	shalt  }
0x43: {  	_ =	shalt  }
0x44: {  	_ =	shalt  }
0x45: {  	_ =	shalt  }
0x46: {  	_ =	shalt  }
0x47: {  	_ =	shalt  }
0x48: {  	_ =	shalt  }
0x49: {  	_ =	shalt  }
0x4a: {  	_ =	shalt  }
0x4b: {  	_ =	shalt  }
0x4c: {  	_ =	shalt  }
0x4d: {  	_ =	shalt  }
0x4e: {  	_ =	shalt  }
0x4f: {  	_ =	shalt  }
0x50: {  	_ =	shalt  }
0x51: {  	_ =	shalt  }
0x52: {  	_ =	shalt  }
0x53: {  	_ =	shalt  }
0x54: {  	_ =	shalt  }
0x55: {  	_ =	shalt  }
0x56: {  	_ =	shalt  }
0x57: {  	_ =	shalt  }
0x58: {  	_ =	shalt  }
0x59: {  	_ =	shalt  }
0x5a: {  	_ =	shalt  }
0x5b: {  	_ =	shalt  }
0x5c: {  	_ =	shalt  }
0x5d: {  	_ =	shalt  }
0x5e: {  	_ =	shalt  }
0x5f: {  	_ =	shalt  }
0x60: {  	_ =	shalt  }
0x61: {  	_ =	shalt  }
0x62: {  	_ =	shalt  }
0x63: {  	_ =	shalt  }
0x64: {  	_ =	shalt  }
0x65: {  	_ =	shalt  }
0x66: {  	_ =	shalt  }
0x67: {  	_ =	shalt  }
0x68: {  	_ =	shalt  }
0x69: {  	_ =	shalt  }
0x6a: {  	_ =	shalt  }
0x6b: {  	_ =	shalt  }
0x6c: {  	_ =	shalt  }
0x6d: {  	_ =	shalt  }
0x6e: {  	_ =	shalt  }
0x6f: {  	_ =	shalt  }
0x70: {  	_ =	shalt  }
0x71: {  	_ =	shalt  }
0x72: {  	_ =	shalt  }
0x73: {  	_ =	shalt  }
0x74: {  	_ =	shalt  }
0x75: {  	_ =	shalt  }
0x76: {  	_ =	shalt  }
0x77: {  	_ =	shalt  }
0x78: {  	_ =	shalt  }
0x79: {  	_ =	shalt  }
0x7a: {  	_ =	shalt  }
0x7b: {  	_ =	shalt  }
0x7c: {  	_ =	shalt  }
0x7d: {  	_ =	shalt  }
0x7e: {  	_ =	shalt  }
0x7f: {  	_ =	shalt  }
0x80: {  	_ =	shalt  }
0x81: {  	_ =	shalt  }
0x82: {  	_ =	shalt  }
0x83: {  	_ =	shalt  }
0x84: {  	_ =	shalt  }
0x85: {  	_ =	shalt  }
0x86: {  	_ =	shalt  }
0x87: {  	_ =	shalt  }
.Lfunc_end0:
.L_simem_size_0:
called_computation_lowered:
.L_overlay_start_0:
0x88: {  	s2 =	sld [smem:$0x3FD9]  }
0x89: {  	s3 =	sld [smem:$0x3FFE];
	_ =	sdelay $0x1  }
0x8a: {  	s1 =	srdreg.scid  }
0x8b: {  	s0 =	sand.u32 $0x1, s1  }
0x8c: {  	s17 =	sshll.u32 s0, $0xA;
	s2 =	sadd.s32 s3, s2  }
0x8d: {  	s2 =	sadd.s32 s2, s17  }
0x8e: {  	[smem:$0x3FC6] =	sst s2  }
0x8f: {  	_ = 	snop  }
0x90: {  	s2 =	sld [smem:$0x3FD0];
	(tm) =	ssettm $0x1  }
0x91: {  	s18 =	sld [smem:$0x3FFB];
	_ =	sdelay $0x3  }
0x92: {  	_ =	strace s18  }
0x93: {  	s3 =	sld [smem:$0x3FFC];
	_ =	sdelay $0x3  }
0x94: {  	_ =	strace s3  }
0x95: {  	s3 =	sld [smem:$0x3FFD];
	_ =	sdelay $0x3  }
0x96: {  	_ =	strace s3  }
0x97: {  	_ =	strace $0x8FFFFFFF  }
0x98: {  	s19 =	sld [smem:$0x3FDB];
	_ =	sdelay $0x1  }
0x99: {  	s4 =	simm.s32 $_scs_section_size  }
0x9a: {  	s5 =	simm.s32 $_size__tile_overlayer_lowered;
	s6 =	simm.s32 $_tile_overlayer_lowered  }
0x9b: {  	s22 =	simm.s32 $0x1BFF;
	s21 =	sshll.u32 s6, $0x1;
	s3 =	sadd.s32 s4, s19  }
0x9c: {  	s7 =	simm.s32 $0x0;
	s20 =	sshll.u32 s5, $0x1;
	s5 =	sadd.s32 s21, s3  }
0x9d: {  	[timem:s7], [sflag:s22] =	dma.local [hbm:s5], s20  }
0x9e: {  	_ =	swait.ge [sflag:s22], s20  }
0x9f: {  	s4 =	ssub.s32 $0x0, s20;
	[sflag:s22] =	ssyncset.done $0x0  }
0xa0: {  	[sflag:s22] =	ssyncadd.s32 s4;
	_ =	sdelay $0x1  }
0xa1: {  	s23 =	simm.s32 $0x1B8B  }
0xa2: {  	_ =	swait.ge [sflag:s23], $0x1  }
0xa3: {  	[sflag:s23] =	ssyncset.done $0x0  }
0xa4: {  	s25 =	simm.s32 $0x1B8E;
	s24 =	sld [smem:$0x3FFE];
	[sflag:s23] =	ssyncadd.s32 $0xFFFFFFFF  }
0xa5: {  	s26 =	simm.s32 $execute0_lowered;
	[smem:$0x3FD2] =	sst s25  }
0xa6: {  	s5 =	sshll.u32 s26, $0x1;
	_ =	strace $0x80000046;
	[dreg:$0x1] =	wrdreg $0xFFFFFFFF  }
0xa7: {  	s28 =	simm.s32 $_size_execute0_lowered;
	s3 =	sadd.s32 s3, s5;
	[dreg:$0x0] =	wrdreg $0x0  }
0xa8: {  	s5 =	sshll.u32 s28, $0x1;
	[dreg:$0x2] =	wrdreg s3  }
0xa9: {  	[dreg:$0x3] =	wrdreg s5  }
0xaa: {  	[dreg:$0x4] =	wrdreg $0xC0  }
0xab: {  	_ =	task [dreg:s7], $0x5FFFF  }
0xac: {  	[dreg:$0x1] =	wrdreg $0xFFFFFFFF  }
0xad: {  	[dreg:$0x0] =	wrdreg $0x60  }
0xae: {  	[dreg:$0x2] =	wrdreg s24  }
0xaf: {  	[dreg:$0x3] =	wrdreg s2  }
0xb0: {  	[dreg:$0x4] =	wrdreg $0x9  }
0xb1: {  	_ =	task.clear_ibuf [dreg:s7], $0x5FFFF;
	_ =	strace $0x90000046  }
0xb2: {  	s29 =	simm.s32 $0x9;
	_ =	strace $0x80000048  }
0xb3: {  	_ =	swait.ge [sflag:s29], $0x1  }
0xb4: {  	[sflag:s29] =	ssyncadd.s32 $0xFFFFFFFF  }
0xb5: {  	_ =	strace $0x90000048  }
0xb6: {  	_ =	sfence  }
0xb7: {  	s30 =	sld [smem:$0x0];
	_ =	sdelay $0x2  }
0xb8: {  	s31 =	sshll.u32 s1, $0xD;
	s1 =	sshrl.u32 s1, $0x2  }
0xb9: {  	s3 =	sand.u32 $0x4000, s31;
	s1 =	sadd.s32 s1, s30  }
0xba: {  	s0 =	sor.u32 s3, s0;
	s1 =	sshll.u32 s1, $0x11  }
0xbb: {  	s0 =	sor.u32 s1, s0  }
0xbc: {  	s0 =	sadd.s32 $0x8F2B, s0  }
0xbd: {  	[sflag:s0] =	ssyncadd.remote.s32 $0x1  }
0xbe: {  	_ =	sfence.sel $0xFFFF  }
0xbf: {  	[dreg:$0x0] =	wrdreg $0xFFFFFFFF;
	(pc) =	sbr.abs _section_cstart, $3  }
0xc0: {  	[dreg:$0x1] =	wrdreg $0xFFFFFFFF  }
0xc1: {  	_ =	task.clear_ibuf [dreg:s7], $0x2FFFF;
	_ =	strace $0x9FFFFFFF  }
0xc2: {  	(tm) =	ssettm $0x7FFFFFFF  }
0xc3: {  	_ =	shalt  }
tec
execute0_lowered:
.L_overlay_start_1:
0x0: {  	(tag) =	ssettag $0x1  }
0x1: {  	v0 =	vlaneseq.u32  }
0x2: {  	v5 =	vmul.u32 $0x28, v0;
	_ =	sdelay $0x1  }
0x3: {  	v0 =	vor.u32 $0x5, v5  }
0x4: {  	[tilespmem:$0x1FC60] =	vst v0;
	v0 =	vor.u32 $0x6, v5  }
0x5: {  	[tilespmem:$0x1FC70] =	vst v0;
	v0 =	vor.u32 $0x7, v5  }
0x6: {  	[tilespmem:$0x1FC80] =	vst v0;
	v0 =	vadd.s32 $0x8, v5  }
0x7: {  	[tilespmem:$0x1FC90] =	vst v0;
	v0 =	vadd.s32 $0x9, v5  }
0x8: {  	[tilespmem:$0x1FCA0] =	vst v0;
	v0 =	vadd.s32 $0xA, v5  }
0x9: {  	[tilespmem:$0x1FCB0] =	vst v0;
	v0 =	vadd.s32 $0xB, v5  }
0xa: {  	[tilespmem:$0x1FCC0] =	vst v0;
	v0 =	vadd.s32 $0xC, v5  }
0xb: {  	[tilespmem:$0x1FCD0] =	vst v0;
	v0 =	vadd.s32 $0xD, v5  }
0xc: {  	[tilespmem:$0x1FCE0] =	vst v0;
	v0 =	vadd.s32 $0xE, v5  }
0xd: {  	[tilespmem:$0x1FCF0] =	vst v0;
	v0 =	vadd.s32 $0xF, v5  }
0xe: {  	[tilespmem:$0x1FD00] =	vst v0;
	v0 =	vadd.s32 $0x10, v5  }
0xf: {  	[tilespmem:$0x1FD10] =	vst v0;
	v0 =	vadd.s32 $0x11, v5  }
0x10: {  	[tilespmem:$0x1FD20] =	vst v0;
	v0 =	vadd.s32 $0x12, v5  }
0x11: {  	[tilespmem:$0x1FD30] =	vst v0;
	v0 =	vadd.s32 $0x13, v5  }
0x12: {  	[tilespmem:$0x1FD40] =	vst v0;
	v0 =	vadd.s32 $0x14, v5  }
0x13: {  	[tilespmem:$0x1FD50] =	vst v0;
	v0 =	vadd.s32 $0x15, v5  }
0x14: {  	[tilespmem:$0x1FD60] =	vst v0;
	v0 =	vadd.s32 $0x16, v5  }
0x15: {  	[tilespmem:$0x1FD70] =	vst v0;
	v0 =	vadd.s32 $0x17, v5  }
0x16: {  	[tilespmem:$0x1FD80] =	vst v0;
	v0 =	vadd.s32 $0x18, v5  }
0x17: {  	[tilespmem:$0x1FD90] =	vst v0;
	v0 =	vadd.s32 $0x19, v5  }
0x18: {  	[tilespmem:$0x1FDA0] =	vst v0;
	v0 =	vadd.s32 $0x1A, v5  }
0x19: {  	[tilespmem:$0x1FDB0] =	vst v0;
	v0 =	vadd.s32 $0x1B, v5  }
0x1a: {  	[tilespmem:$0x1FDC0] =	vst v0;
	v0 =	vadd.s32 $0x1C, v5  }
0x1b: {  	[tilespmem:$0x1FDD0] =	vst v0;
	v0 =	vadd.s32 $0x1D, v5  }
0x1c: {  	[tilespmem:$0x1FDE0] =	vst v0;
	v0 =	vadd.s32 $0x1E, v5  }
0x1d: {  	[tilespmem:$0x1FDF0] =	vst v0;
	v0 =	vadd.s32 $0x1F, v5  }
0x1e: {  	[tilespmem:$0x1FE00] =	vst v0;
	v0 =	vadd.s32 $0x280, v5  }
0x1f: {  	[tilespmem:$0x1FE10] =	vst v0;
	v0 =	vadd.s32 $0x281, v5  }
0x20: {  	[tilespmem:$0x1FE20] =	vst v0;
	v0 =	vadd.s32 $0x282, v5  }
0x21: {  	[tilespmem:$0x1FE30] =	vst v0;
	v0 =	vadd.s32 $0x283, v5  }
0x22: {  	[tilespmem:$0x1FE40] =	vst v0;
	v0 =	vadd.s32 $0x284, v5  }
0x23: {  	[tilespmem:$0x1FE50] =	vst v0;
	v0 =	vadd.s32 $0x285, v5  }
0x24: {  	[tilespmem:$0x1FE60] =	vst v0;
	v0 =	vadd.s32 $0x286, v5  }
0x25: {  	s5 =	rddreg [dreg:$0x0];
	s3 =	simm.s32 $0x0;
	[tilespmem:$0x1FE70] =	vst v0;
	v0 =	vadd.s32 $0x287, v5  }
0x26: {  	[smem:$0x7FF] =	sst s3;
	[tilespmem:$0x1FE80] =	vst v0;
	v0 =	vadd.s32 $0x288, v5  }
0x27: {  	s1 =	rddreg [dreg:$0x1];
	_ =	strace $0x80000047;
	[tilespmem:$0x1FE90] =	vst v0;
	v0 =	vadd.s32 $0x289, v5  }
0x28: {  	[tilespmem:$0x1FEA0] =	vst v0;
	v0 =	vadd.s32 $0x28A, v5  }
0x29: {  	[tilespmem:$0x1FEB0] =	vst v0;
	v0 =	vadd.s32 $0x28B, v5  }
0x2a: {  	[tilespmem:$0x1FEC0] =	vst v0;
	v0 =	vadd.s32 $0x28C, v5  }
0x2b: {  	[tilespmem:$0x1FED0] =	vst v0;
	v0 =	vadd.s32 $0x28D, v5  }
0x2c: {  	[tilespmem:$0x1FEE0] =	vst v0;
	v0 =	vadd.s32 $0x28E, v5  }
0x2d: {  	[tilespmem:$0x1FEF0] =	vst v0;
	v0 =	vadd.s32 $0x28F, v5  }
0x2e: {  	[tilespmem:$0x1FF00] =	vst v0;
	v0 =	vadd.s32 $0x290, v5  }
0x2f: {  	[tilespmem:$0x1FF10] =	vst v0;
	v0 =	vadd.s32 $0x291, v5  }
0x30: {  	[tilespmem:$0x1FF20] =	vst v0;
	v0 =	vadd.s32 $0x292, v5  }
0x31: {  	[tilespmem:$0x1FF30] =	vst v0;
	v0 =	vadd.s32 $0x293, v5  }
0x32: {  	[tilespmem:$0x1FF40] =	vst v0;
	v0 =	vadd.s32 $0x294, v5  }
0x33: {  	[tilespmem:$0x1FF50] =	vst v0;
	v0 =	vadd.s32 $0x295, v5  }
0x34: {  	s4 =	srdreg.scid;
	[tilespmem:$0x1FF60] =	vst v0;
	v0 =	vadd.s32 $0x296, v5  }
0x35: {  	s2 =	stileid.u32;
	s9 =	simm.s32 $0x1000;
	s10 =	simm.s32 $0x5;
	[tilespmem:$0x1FF70] =	vst v0;
	v0 =	vadd.s32 $0x297, v5  }
0x36: {  	s11 =	simm.s32 $0x20;
	s12 =	simm.s32 $0xD00;
	s13 =	simm.s32 $0x1A00;
	[tilespmem:$0x1FF80] =	vst v0;
	v0 =	vadd.s32 $0x298, v5  }
0x37: {  	s14 =	simm.s32 $0x8200;
	s15 =	simm.s32 $0x1;
	s16 =	simm.s32 $0xEA00;
	[tilespmem:$0x1FF90] =	vst v0;
	v0 =	vadd.s32 $0x299, v5  }
0x38: {  	s17 =	simm.s32 $0x2;
	s18 =	simm.s32 $0x4;
	s19 =	simm.s32 $0x16C00;
	[tilespmem:$0x1FFA0] =	vst v0;
	v0 =	vadd.s32 $0x29A, v5  }
0x39: {  	s20 =	simm.s32 $0x3;
	s4 =	sand.u32 $0x1, s4;
	s6 =	sshll.u32 s2, $0x1;
	[tilespmem:$0x1FFB0] =	vst v0;
	v0 =	vadd.s32 $0x29B, v5  }
0x3a: {  	s21 =	simm.s32 $0x0;
	s6 =	sor.u32 s4, s6;
	s8 =	ssub.s32 $0x2, s4;
	[tilespmem:$0x1FFC0] =	vst v0;
	v0 =	vadd.s32 $0x29C, v5  }
0x3b: {  	s4 =	sadd.s32 $0x30D4600, s5;
	s7 =	sshll.u32 s6, $0x4;
	s31 =	sshrl.u32 s8, $0x1;
	[tilespmem:$0x1FFD0] =	vst v0;
	v0 =	vadd.s32 $0x29D, v5  }
0x3c: {  	v7 =	vor.u32 $0x1, v5;
	v9 =	vor.u32 $0x2, v5;
	s6 =	sshll.u32 s6, $0xA;
	s5 =	sadd.s32 s7, s5;
	s7 =	ssub.s32 s8, s31;
	[tilespmem:$0x1FFE0] =	vst v0;
	v0 =	vadd.s32 $0x29E, v5  }
0x3d: {  	v11 =	vor.u32 $0x3, v5;
	v13 =	vor.u32 $0x4, v5;
	v3 =	vadd.s32 $0x29F, v5;
	s8 =	simm.s32 $0x80;
	s5 =	sadd.s32 $0x600, s5;
	s7 =	smax.u32 s7, $0x1;
	[tilespmem:$0x1FFF0] =	vst v0  }
.LBB2_1:
0x3e: {  	[tilespmem:s3], [sflag:$0x5] =	stream.strided.gather [hbm4b:s5+s8], $0xD00, s9, s8, $0x38;
	[tilespmem:$0x1EE00] =	vst v63  }
0x3f: {  	_ =	swait.ge [sflag:s10], $0xD00  }
0x40: {  	[sflag:s10] =	ssyncset.done $0x0  }
0x41: {  	[sflag:s10] =	ssyncadd.s32 $0xFFFFF300  }
0x42: {  	v1 =	vld [tilespmem:$0x0]  }
0x43: {  	v2 =	vld [tilespmem:$0x10]  }
0x44: {  	v4 =	vld [tilespmem:$0x20]  }
0x45: {  	v6 =	vld [tilespmem:$0x30]  }
0x46: {  	v0 =	vld [tilespmem:$0x40]  }
0x47: {  	v8 =	vld [tilespmem:$0xCD0];
	[tilespmem:$0xD00] =	vst v1  }
0x48: {  	[tilespmem:$0xD10] =	vst v2;
	v2 =	vld [tilespmem:$0x60]  }
0x49: {  	v1 =	vld [tilespmem:$0x50];
	[tilespmem:$0xD20] =	vst v4  }
0x4a: {  	v4 =	vld [tilespmem:$0x70];
	[tilespmem:$0xD30] =	vst v6  }
0x4b: {  	v6 =	vld [tilespmem:$0x80];
	[tilespmem:$0xD40] =	vst v0  }
0x4c: {  	v0 =	vld [tilespmem:$0x90];
	[tilespmem:$0x19D0] =	vst v8  }
0x4d: {  	[tilespmem:$0xD60] =	vst v2;
	v2 =	vld [tilespmem:$0xB0]  }
0x4e: {  	[tilespmem:$0xD50] =	vst v1;
	v1 =	vld [tilespmem:$0xA0]  }
0x4f: {  	[tilespmem:$0xD70] =	vst v4;
	v4 =	vld [tilespmem:$0xC0]  }
0x50: {  	[tilespmem:$0xD80] =	vst v6;
	v6 =	vld [tilespmem:$0xD0]  }
0x51: {  	[tilespmem:$0xD90] =	vst v0;
	v0 =	vld [tilespmem:$0xE0]  }
0x52: {  	[tilespmem:$0xDB0] =	vst v2;
	v2 =	vld [tilespmem:$0x100]  }
0x53: {  	[tilespmem:$0xDA0] =	vst v1;
	v1 =	vld [tilespmem:$0xF0]  }
0x54: {  	[tilespmem:$0xDC0] =	vst v4;
	v4 =	vld [tilespmem:$0x110]  }
0x55: {  	[tilespmem:$0xDD0] =	vst v6;
	v6 =	vld [tilespmem:$0x120]  }
0x56: {  	[tilespmem:$0xDE0] =	vst v0;
	v0 =	vld [tilespmem:$0x130]  }
0x57: {  	[tilespmem:$0xE00] =	vst v2;
	v2 =	vld [tilespmem:$0x150]  }
0x58: {  	[tilespmem:$0xDF0] =	vst v1;
	v1 =	vld [tilespmem:$0x140]  }
0x59: {  	[tilespmem:$0xE10] =	vst v4;
	v4 =	vld [tilespmem:$0x160]  }
0x5a: {  	[tilespmem:$0xE20] =	vst v6;
	v6 =	vld [tilespmem:$0x170]  }
0x5b: {  	[tilespmem:$0xE30] =	vst v0;
	v0 =	vld [tilespmem:$0x180]  }
0x5c: {  	[tilespmem:$0xE50] =	vst v2;
	v2 =	vld [tilespmem:$0x1A0]  }
0x5d: {  	[tilespmem:$0xE40] =	vst v1;
	v1 =	vld [tilespmem:$0x190]  }
0x5e: {  	[tilespmem:$0xE60] =	vst v4;
	v4 =	vld [tilespmem:$0x1B0]  }
0x5f: {  	[tilespmem:$0xE70] =	vst v6;
	v6 =	vld [tilespmem:$0x1C0]  }
0x60: {  	[tilespmem:$0xE80] =	vst v0;
	v0 =	vld [tilespmem:$0x1D0]  }
0x61: {  	[tilespmem:$0xEA0] =	vst v2;
	v2 =	vld [tilespmem:$0x1F0]  }
0x62: {  	[tilespmem:$0xE90] =	vst v1;
	v1 =	vld [tilespmem:$0x1E0]  }
0x63: {  	[tilespmem:$0xEB0] =	vst v4;
	v4 =	vld [tilespmem:$0x200]  }
0x64: {  	[tilespmem:$0xEC0] =	vst v6;
	v6 =	vld [tilespmem:$0x210]  }
0x65: {  	[tilespmem:$0xED0] =	vst v0;
	v0 =	vld [tilespmem:$0x220]  }
0x66: {  	[tilespmem:$0xEF0] =	vst v2;
	v2 =	vld [tilespmem:$0x240]  }
0x67: {  	[tilespmem:$0xEE0] =	vst v1;
	v1 =	vld [tilespmem:$0x230]  }
0x68: {  	[tilespmem:$0xF00] =	vst v4;
	v4 =	vld [tilespmem:$0x250]  }
0x69: {  	[tilespmem:$0xF10] =	vst v6;
	v6 =	vld [tilespmem:$0x260]  }
0x6a: {  	[tilespmem:$0xF20] =	vst v0;
	v0 =	vld [tilespmem:$0x270]  }
0x6b: {  	[tilespmem:$0xF40] =	vst v2;
	v2 =	vld [tilespmem:$0x290]  }
0x6c: {  	[tilespmem:$0xF30] =	vst v1;
	v1 =	vld [tilespmem:$0x280]  }
0x6d: {  	[tilespmem:$0xF50] =	vst v4;
	v4 =	vld [tilespmem:$0x2A0]  }
0x6e: {  	[tilespmem:$0xF60] =	vst v6;
	v6 =	vld [tilespmem:$0x2B0]  }
0x6f: {  	[tilespmem:$0xF70] =	vst v0;
	v0 =	vld [tilespmem:$0x2C0]  }
0x70: {  	[tilespmem:$0xF90] =	vst v2;
	v2 =	vld [tilespmem:$0x2E0]  }
0x71: {  	[tilespmem:$0xF80] =	vst v1;
	v1 =	vld [tilespmem:$0x2D0]  }
0x72: {  	[tilespmem:$0xFA0] =	vst v4;
	v4 =	vld [tilespmem:$0x2F0]  }
0x73: {  	[tilespmem:$0xFB0] =	vst v6;
	v6 =	vld [tilespmem:$0x300]  }
0x74: {  	[tilespmem:$0xFC0] =	vst v0;
	v0 =	vld [tilespmem:$0x310]  }
0x75: {  	[tilespmem:$0xFE0] =	vst v2;
	v2 =	vld [tilespmem:$0x330]  }
0x76: {  	[tilespmem:$0xFD0] =	vst v1;
	v1 =	vld [tilespmem:$0x320]  }
0x77: {  	[tilespmem:$0xFF0] =	vst v4;
	v4 =	vld [tilespmem:$0x340]  }
0x78: {  	[tilespmem:$0x1000] =	vst v6;
	v6 =	vld [tilespmem:$0x350]  }
0x79: {  	[tilespmem:$0x1010] =	vst v0;
	v0 =	vld [tilespmem:$0x360]  }
0x7a: {  	[tilespmem:$0x1030] =	vst v2;
	v2 =	vld [tilespmem:$0x380]  }
0x7b: {  	[tilespmem:$0x1020] =	vst v1;
	v1 =	vld [tilespmem:$0x370]  }
0x7c: {  	[tilespmem:$0x1040] =	vst v4;
	v4 =	vld [tilespmem:$0x390]  }
0x7d: {  	[tilespmem:$0x1050] =	vst v6;
	v6 =	vld [tilespmem:$0x3A0]  }
0x7e: {  	[tilespmem:$0x1060] =	vst v0;
	v0 =	vld [tilespmem:$0x3B0]  }
0x7f: {  	[tilespmem:$0x1080] =	vst v2;
	v2 =	vld [tilespmem:$0x3D0]  }
0x80: {  	[tilespmem:$0x1070] =	vst v1;
	v1 =	vld [tilespmem:$0x3C0]  }
0x81: {  	[tilespmem:$0x1090] =	vst v4;
	v4 =	vld [tilespmem:$0x3E0]  }
0x82: {  	[tilespmem:$0x10A0] =	vst v6;
	v6 =	vld [tilespmem:$0x3F0]  }
0x83: {  	[tilespmem:$0x10B0] =	vst v0;
	v0 =	vld [tilespmem:$0x400]  }
0x84: {  	[tilespmem:$0x10D0] =	vst v2;
	v2 =	vld [tilespmem:$0x420]  }
0x85: {  	[tilespmem:$0x10C0] =	vst v1;
	v1 =	vld [tilespmem:$0x410]  }
0x86: {  	[tilespmem:$0x10E0] =	vst v4;
	v4 =	vld [tilespmem:$0x430]  }
0x87: {  	[tilespmem:$0x10F0] =	vst v6;
	v6 =	vld [tilespmem:$0x440]  }
0x88: {  	[tilespmem:$0x1100] =	vst v0;
	v0 =	vld [tilespmem:$0x450]  }
0x89: {  	[tilespmem:$0x1120] =	vst v2;
	v2 =	vld [tilespmem:$0x470]  }
0x8a: {  	[tilespmem:$0x1110] =	vst v1;
	v1 =	vld [tilespmem:$0x460]  }
0x8b: {  	[tilespmem:$0x1130] =	vst v4;
	v4 =	vld [tilespmem:$0x480]  }
0x8c: {  	[tilespmem:$0x1140] =	vst v6;
	v6 =	vld [tilespmem:$0x490]  }
0x8d: {  	[tilespmem:$0x1150] =	vst v0;
	v0 =	vld [tilespmem:$0x4A0]  }
0x8e: {  	[tilespmem:$0x1170] =	vst v2;
	v2 =	vld [tilespmem:$0x4C0]  }
0x8f: {  	[tilespmem:$0x1160] =	vst v1;
	v1 =	vld [tilespmem:$0x4B0]  }
0x90: {  	[tilespmem:$0x1180] =	vst v4;
	v4 =	vld [tilespmem:$0x4D0]  }
0x91: {  	[tilespmem:$0x1190] =	vst v6;
	v6 =	vld [tilespmem:$0x4E0]  }
0x92: {  	[tilespmem:$0x11A0] =	vst v0;
	v0 =	vld [tilespmem:$0x4F0]  }
0x93: {  	[tilespmem:$0x11C0] =	vst v2;
	v2 =	vld [tilespmem:$0x510]  }
0x94: {  	[tilespmem:$0x11B0] =	vst v1;
	v1 =	vld [tilespmem:$0x500]  }
0x95: {  	[tilespmem:$0x11D0] =	vst v4;
	v4 =	vld [tilespmem:$0x520]  }
0x96: {  	[tilespmem:$0x11E0] =	vst v6;
	v6 =	vld [tilespmem:$0x530]  }
0x97: {  	[tilespmem:$0x11F0] =	vst v0;
	v0 =	vld [tilespmem:$0x540]  }
0x98: {  	[tilespmem:$0x1210] =	vst v2;
	v2 =	vld [tilespmem:$0x560]  }
0x99: {  	[tilespmem:$0x1200] =	vst v1;
	v1 =	vld [tilespmem:$0x550]  }
0x9a: {  	[tilespmem:$0x1220] =	vst v4;
	v4 =	vld [tilespmem:$0x570]  }
0x9b: {  	[tilespmem:$0x1230] =	vst v6;
	v6 =	vld [tilespmem:$0x580]  }
0x9c: {  	[tilespmem:$0x1240] =	vst v0;
	v0 =	vld [tilespmem:$0x590]  }
0x9d: {  	[tilespmem:$0x1260] =	vst v2;
	v2 =	vld [tilespmem:$0x5B0]  }
0x9e: {  	[tilespmem:$0x1250] =	vst v1;
	v1 =	vld [tilespmem:$0x5A0]  }
0x9f: {  	[tilespmem:$0x1270] =	vst v4;
	v4 =	vld [tilespmem:$0x5C0]  }
0xa0: {  	[tilespmem:$0x1280] =	vst v6;
	v6 =	vld [tilespmem:$0x5D0]  }
0xa1: {  	[tilespmem:$0x1290] =	vst v0;
	v0 =	vld [tilespmem:$0x5E0]  }
0xa2: {  	[tilespmem:$0x12B0] =	vst v2;
	v2 =	vld [tilespmem:$0x600]  }
0xa3: {  	[tilespmem:$0x12A0] =	vst v1;
	v1 =	vld [tilespmem:$0x5F0]  }
0xa4: {  	[tilespmem:$0x12C0] =	vst v4;
	v4 =	vld [tilespmem:$0x610]  }
0xa5: {  	[tilespmem:$0x12D0] =	vst v6;
	v6 =	vld [tilespmem:$0x620]  }
0xa6: {  	[tilespmem:$0x12E0] =	vst v0;
	v0 =	vld [tilespmem:$0x630]  }
0xa7: {  	[tilespmem:$0x1300] =	vst v2;
	v2 =	vld [tilespmem:$0x650]  }
0xa8: {  	[tilespmem:$0x12F0] =	vst v1;
	v1 =	vld [tilespmem:$0x640]  }
0xa9: {  	[tilespmem:$0x1310] =	vst v4;
	v4 =	vld [tilespmem:$0x660]  }
0xaa: {  	[tilespmem:$0x1320] =	vst v6;
	v6 =	vld [tilespmem:$0x670]  }
0xab: {  	[tilespmem:$0x1330] =	vst v0;
	v0 =	vld [tilespmem:$0x680]  }
0xac: {  	[tilespmem:$0x1350] =	vst v2;
	v2 =	vld [tilespmem:$0x6A0]  }
0xad: {  	[tilespmem:$0x1340] =	vst v1;
	v1 =	vld [tilespmem:$0x690]  }
0xae: {  	[tilespmem:$0x1360] =	vst v4;
	v4 =	vld [tilespmem:$0x6B0]  }
0xaf: {  	[tilespmem:$0x1370] =	vst v6;
	v6 =	vld [tilespmem:$0x6C0]  }
0xb0: {  	[tilespmem:$0x1380] =	vst v0;
	v0 =	vld [tilespmem:$0x6D0]  }
0xb1: {  	[tilespmem:$0x13A0] =	vst v2;
	v2 =	vld [tilespmem:$0x6F0]  }
0xb2: {  	[tilespmem:$0x1390] =	vst v1;
	v1 =	vld [tilespmem:$0x6E0]  }
0xb3: {  	[tilespmem:$0x13B0] =	vst v4;
	v4 =	vld [tilespmem:$0x700]  }
0xb4: {  	[tilespmem:$0x13C0] =	vst v6;
	v6 =	vld [tilespmem:$0x710]  }
0xb5: {  	[tilespmem:$0x13D0] =	vst v0;
	v0 =	vld [tilespmem:$0x720]  }
0xb6: {  	[tilespmem:$0x13F0] =	vst v2;
	v2 =	vld [tilespmem:$0x740]  }
0xb7: {  	[tilespmem:$0x13E0] =	vst v1;
	v1 =	vld [tilespmem:$0x730]  }
0xb8: {  	[tilespmem:$0x1400] =	vst v4;
	v4 =	vld [tilespmem:$0x750]  }
0xb9: {  	[tilespmem:$0x1410] =	vst v6;
	v6 =	vld [tilespmem:$0x760]  }
0xba: {  	[tilespmem:$0x1420] =	vst v0;
	v0 =	vld [tilespmem:$0x770]  }
0xbb: {  	[tilespmem:$0x1440] =	vst v2;
	v2 =	vld [tilespmem:$0x790]  }
0xbc: {  	[tilespmem:$0x1430] =	vst v1;
	v1 =	vld [tilespmem:$0x780]  }
0xbd: {  	[tilespmem:$0x1450] =	vst v4;
	v4 =	vld [tilespmem:$0x7A0]  }
0xbe: {  	[tilespmem:$0x1460] =	vst v6;
	v6 =	vld [tilespmem:$0x7B0]  }
0xbf: {  	[tilespmem:$0x1470] =	vst v0;
	v0 =	vld [tilespmem:$0x7C0]  }
0xc0: {  	[tilespmem:$0x1490] =	vst v2;
	v2 =	vld [tilespmem:$0x7E0]  }
0xc1: {  	[tilespmem:$0x1480] =	vst v1;
	v1 =	vld [tilespmem:$0x7D0]  }
0xc2: {  	[tilespmem:$0x14A0] =	vst v4;
	v4 =	vld [tilespmem:$0x7F0]  }
0xc3: {  	[tilespmem:$0x14B0] =	vst v6;
	v6 =	vld [tilespmem:$0x800]  }
0xc4: {  	[tilespmem:$0x14C0] =	vst v0;
	v0 =	vld [tilespmem:$0x810]  }
0xc5: {  	[tilespmem:$0x14E0] =	vst v2;
	v2 =	vld [tilespmem:$0x830]  }
0xc6: {  	[tilespmem:$0x14D0] =	vst v1;
	v1 =	vld [tilespmem:$0x820]  }
0xc7: {  	[tilespmem:$0x14F0] =	vst v4;
	v4 =	vld [tilespmem:$0x840]  }
0xc8: {  	[tilespmem:$0x1500] =	vst v6;
	v6 =	vld [tilespmem:$0x850]  }
0xc9: {  	[tilespmem:$0x1510] =	vst v0;
	v0 =	vld [tilespmem:$0x860]  }
0xca: {  	[tilespmem:$0x1530] =	vst v2;
	v2 =	vld [tilespmem:$0x880]  }
0xcb: {  	[tilespmem:$0x1520] =	vst v1;
	v1 =	vld [tilespmem:$0x870]  }
0xcc: {  	[tilespmem:$0x1540] =	vst v4;
	v4 =	vld [tilespmem:$0x890]  }
0xcd: {  	[tilespmem:$0x1550] =	vst v6;
	v6 =	vld [tilespmem:$0x8A0]  }
0xce: {  	[tilespmem:$0x1560] =	vst v0;
	v0 =	vld [tilespmem:$0x8B0]  }
0xcf: {  	[tilespmem:$0x1580] =	vst v2;
	v2 =	vld [tilespmem:$0x8D0]  }
0xd0: {  	[tilespmem:$0x1570] =	vst v1;
	v1 =	vld [tilespmem:$0x8C0]  }
0xd1: {  	[tilespmem:$0x1590] =	vst v4;
	v4 =	vld [tilespmem:$0x8E0]  }
0xd2: {  	[tilespmem:$0x15A0] =	vst v6;
	v6 =	vld [tilespmem:$0x8F0]  }
0xd3: {  	[tilespmem:$0x15B0] =	vst v0;
	v0 =	vld [tilespmem:$0x900]  }
0xd4: {  	[tilespmem:$0x15D0] =	vst v2;
	v2 =	vld [tilespmem:$0x920]  }
0xd5: {  	[tilespmem:$0x15C0] =	vst v1;
	v1 =	vld [tilespmem:$0x910]  }
0xd6: {  	[tilespmem:$0x15E0] =	vst v4;
	v4 =	vld [tilespmem:$0x930]  }
0xd7: {  	[tilespmem:$0x15F0] =	vst v6;
	v6 =	vld [tilespmem:$0x940]  }
0xd8: {  	[tilespmem:$0x1600] =	vst v0;
	v0 =	vld [tilespmem:$0x950]  }
0xd9: {  	[tilespmem:$0x1620] =	vst v2;
	v2 =	vld [tilespmem:$0x970]  }
0xda: {  	[tilespmem:$0x1610] =	vst v1;
	v1 =	vld [tilespmem:$0x960]  }
0xdb: {  	[tilespmem:$0x1630] =	vst v4;
	v4 =	vld [tilespmem:$0x980]  }
0xdc: {  	[tilespmem:$0x1640] =	vst v6;
	v6 =	vld [tilespmem:$0x990]  }
0xdd: {  	[tilespmem:$0x1650] =	vst v0;
	v0 =	vld [tilespmem:$0x9A0]  }
0xde: {  	[tilespmem:$0x1670] =	vst v2;
	v2 =	vld [tilespmem:$0x9C0]  }
0xdf: {  	[tilespmem:$0x1660] =	vst v1;
	v1 =	vld [tilespmem:$0x9B0]  }
0xe0: {  	[tilespmem:$0x1680] =	vst v4;
	v4 =	vld [tilespmem:$0x9D0]  }
0xe1: {  	[tilespmem:$0x1690] =	vst v6;
	v6 =	vld [tilespmem:$0x9E0]  }
0xe2: {  	[tilespmem:$0x16A0] =	vst v0;
	v0 =	vld [tilespmem:$0x9F0]  }
0xe3: {  	[tilespmem:$0x16C0] =	vst v2;
	v2 =	vld [tilespmem:$0xA10]  }
0xe4: {  	[tilespmem:$0x16B0] =	vst v1;
	v1 =	vld [tilespmem:$0xA00]  }
0xe5: {  	[tilespmem:$0x16D0] =	vst v4;
	v4 =	vld [tilespmem:$0xA20]  }
0xe6: {  	[tilespmem:$0x16E0] =	vst v6;
	v6 =	vld [tilespmem:$0xA30]  }
0xe7: {  	[tilespmem:$0x16F0] =	vst v0;
	v0 =	vld [tilespmem:$0xA40]  }
0xe8: {  	[tilespmem:$0x1710] =	vst v2;
	v2 =	vld [tilespmem:$0xA60]  }
0xe9: {  	[tilespmem:$0x1700] =	vst v1;
	v1 =	vld [tilespmem:$0xA50]  }
0xea: {  	[tilespmem:$0x1720] =	vst v4;
	v4 =	vld [tilespmem:$0xA70]  }
0xeb: {  	[tilespmem:$0x1730] =	vst v6;
	v6 =	vld [tilespmem:$0xA80]  }
0xec: {  	[tilespmem:$0x1740] =	vst v0;
	v0 =	vld [tilespmem:$0xA90]  }
0xed: {  	[tilespmem:$0x1760] =	vst v2;
	v2 =	vld [tilespmem:$0xAB0]  }
0xee: {  	[tilespmem:$0x1750] =	vst v1;
	v1 =	vld [tilespmem:$0xAA0]  }
0xef: {  	[tilespmem:$0x1770] =	vst v4;
	v4 =	vld [tilespmem:$0xAC0]  }
0xf0: {  	[tilespmem:$0x1780] =	vst v6;
	v6 =	vld [tilespmem:$0xAD0]  }
0xf1: {  	[tilespmem:$0x1790] =	vst v0;
	v0 =	vld [tilespmem:$0xAE0]  }
0xf2: {  	[tilespmem:$0x17B0] =	vst v2;
	v2 =	vld [tilespmem:$0xB00]  }
0xf3: {  	[tilespmem:$0x17A0] =	vst v1;
	v1 =	vld [tilespmem:$0xAF0]  }
0xf4: {  	[tilespmem:$0x17C0] =	vst v4;
	v4 =	vld [tilespmem:$0xB10]  }
0xf5: {  	[tilespmem:$0x17D0] =	vst v6;
	v6 =	vld [tilespmem:$0xB20]  }
0xf6: {  	[tilespmem:$0x17E0] =	vst v0;
	v0 =	vld [tilespmem:$0xB30]  }
0xf7: {  	[tilespmem:$0x1800] =	vst v2;
	v2 =	vld [tilespmem:$0xB50]  }
0xf8: {  	[tilespmem:$0x17F0] =	vst v1;
	v1 =	vld [tilespmem:$0xB40]  }
0xf9: {  	[tilespmem:$0x1810] =	vst v4;
	v4 =	vld [tilespmem:$0xB60]  }
0xfa: {  	[tilespmem:$0x1820] =	vst v6;
	v6 =	vld [tilespmem:$0xB70]  }
0xfb: {  	[tilespmem:$0x1830] =	vst v0;
	v0 =	vld [tilespmem:$0xB80]  }
0xfc: {  	[tilespmem:$0x1850] =	vst v2;
	v2 =	vld [tilespmem:$0xBA0]  }
0xfd: {  	[tilespmem:$0x1840] =	vst v1;
	v1 =	vld [tilespmem:$0xB90]  }
0xfe: {  	[tilespmem:$0x1860] =	vst v4;
	v4 =	vld [tilespmem:$0xBB0]  }
0xff: {  	[tilespmem:$0x1870] =	vst v6;
	v6 =	vld [tilespmem:$0xBC0]  }
0x100: {  	[tilespmem:$0x1880] =	vst v0;
	v0 =	vld [tilespmem:$0xBD0]  }
0x101: {  	[tilespmem:$0x18A0] =	vst v2;
	v2 =	vld [tilespmem:$0xBF0]  }
0x102: {  	[tilespmem:$0x1890] =	vst v1;
	v1 =	vld [tilespmem:$0xBE0]  }
0x103: {  	[tilespmem:$0x18B0] =	vst v4;
	v4 =	vld [tilespmem:$0xC00]  }
0x104: {  	[tilespmem:$0x18C0] =	vst v6;
	v6 =	vld [tilespmem:$0xC10]  }
0x105: {  	[tilespmem:$0x18D0] =	vst v0;
	v0 =	vld [tilespmem:$0xC20]  }
0x106: {  	[tilespmem:$0x18F0] =	vst v2;
	v2 =	vld [tilespmem:$0xC40]  }
0x107: {  	[tilespmem:$0x18E0] =	vst v1;
	v1 =	vld [tilespmem:$0xC30]  }
0x108: {  	[tilespmem:$0x1900] =	vst v4;
	v4 =	vld [tilespmem:$0xC50]  }
0x109: {  	[tilespmem:$0x1910] =	vst v6;
	v6 =	vld [tilespmem:$0xC60]  }
0x10a: {  	[tilespmem:$0x1920] =	vst v0;
	v0 =	vld [tilespmem:$0xC70]  }
0x10b: {  	[tilespmem:$0x1940] =	vst v2;
	v2 =	vld [tilespmem:$0xC90]  }
0x10c: {  	[tilespmem:$0x1930] =	vst v1;
	v1 =	vld [tilespmem:$0xC80]  }
0x10d: {  	[tilespmem:$0x1950] =	vst v4;
	v4 =	vld [tilespmem:$0xCA0]  }
0x10e: {  	[tilespmem:$0x1960] =	vst v6;
	v6 =	vld [tilespmem:$0xCB0]  }
0x10f: {  	[tilespmem:$0x1970] =	vst v0;
	v0 =	vld [tilespmem:$0xCC0]  }
0x110: {  	[tilespmem:$0x1990] =	vst v2;
	v2 =	vld [tilespmem:$0xCE0]  }
0x111: {  	[tilespmem:$0x1980] =	vst v1;
	v1 =	vld [tilespmem:$0xCF0]  }
0x112: {  	[tilespmem:$0x19A0] =	vst v4  }
0x113: {  	[tilespmem:$0x19B0] =	vst v6  }
0x114: {  	[tilespmem:$0x19C0] =	vst v0  }
0x115: {  	[tilespmem:$0x19E0] =	vst v2  }
0x116: {  	s22 =	simm.s32 $0x0;
	[tilespmem:$0x19F0] =	vst v1  }
0x117: {  	[tilespmem:s13], [sflag:$0x1] =	stream.indirect.gather [hbm4b:s4+s11], $0x340, s12, s11, $0xb8;
	[tilespmem:$0x1EE00] =	vst v63  }
.LBB2_2:
0x118: {  	s24 =	sshll.u32 s22, $0x6  }
0x119: {  	s26 =	sand.u32 $0x40, s24  }
0x11a: {  	s24 =	sand.u32 $0x3FFFFF80, s24;
	s23 =	sor.u32 $0x20, s26  }
0x11b: {  	s24 =	sor.u32 s23, s24  }
0x11c: {  	s24 =	sadd.s32 $0xD00, s24  }
0x11d: {  	[tilespmem:s14], [sflag:$0x2] =	stream.indirect.gather [hbm4b:s4+s11], $0x340, s24, s11, $0xb8;
	[tilespmem:$0x1EE00] =	vst v63  }
0x11e: {  	_ =	swait.ge [sflag:s15], $0x6800  }
0x11f: {  	p0 =	seq.s32 s22, $0x0;
	[sflag:s15] =	ssyncset.done $0x0  }
0x120: {  	s28 =	simm.s32 @!p0 $0x3;
	[sflag:s15] =	ssyncadd.s32 $0xFFFF9800  }
0x121: {  	_ =	swait.ge @!p0 [sflag:s28], $0x6800  }
0x122: {  	v33 =	vld [tilespmem:$0x1FD40]  }
0x123: {  	v34 =	vld [tilespmem:$0x1FD50]  }
0x124: {  	v35 =	vld [tilespmem:$0x1FD60]  }
0x125: {  	v36 =	vld [tilespmem:$0x1FD70]  }
0x126: {  	v37 =	vld [tilespmem:$0x1FD80]  }
0x127: {  	v38 =	vld [tilespmem:$0x1FD90]  }
0x128: {  	v39 =	vld [tilespmem:$0x1FDA0]  }
0x129: {  	v40 =	vld [tilespmem:$0x1FDB0]  }
0x12a: {  	v41 =	vld [tilespmem:$0x1FDC0]  }
0x12b: {  	v42 =	vld [tilespmem:$0x1FDD0]  }
0x12c: {  	v43 =	vld [tilespmem:$0x1FDE0]  }
0x12d: {  	v44 =	vld [tilespmem:$0x1FDF0]  }
0x12e: {  	v45 =	vld [tilespmem:$0x1FE00]  }
0x12f: {  	v46 =	vld [tilespmem:$0x1FE10]  }
0x130: {  	v47 =	vld [tilespmem:$0x1FE20]  }
0x131: {  	v48 =	vld [tilespmem:$0x1FE30]  }
0x132: {  	v49 =	vld [tilespmem:$0x1FE40]  }
0x133: {  	v50 =	vld [tilespmem:$0x1FE50]  }
0x134: {  	v51 =	vld [tilespmem:$0x1FE60]  }
0x135: {  	v52 =	vld [tilespmem:$0x1FE70]  }
0x136: {  	v53 =	vld [tilespmem:$0x1FE80]  }
0x137: {  	v54 =	vld [tilespmem:$0x1FE90]  }
0x138: {  	v55 =	vld [tilespmem:$0x1FEA0]  }
0x139: {  	v56 =	vld [tilespmem:$0x1FEB0]  }
0x13a: {  	v57 =	vld [tilespmem:$0x1FEC0]  }
0x13b: {  	v58 =	vld [tilespmem:$0x1FED0]  }
0x13c: {  	v59 =	vld [tilespmem:$0x1FEE0]  }
0x13d: {  	v60 =	vld [tilespmem:$0x1FEF0]  }
0x13e: {  	v61 =	vld [tilespmem:$0x1FF00]  }
0x13f: {  	v62 =	vld [tilespmem:$0x1FF10]  }
0x140: {  	v63 =	vld [tilespmem:$0x1FF20]  }
0x141: {  	v19 =	vld [tilespmem:$0x1FF30]  }
0x142: {  	v20 =	vld [tilespmem:$0x1FF40]  }
0x143: {  	v21 =	vld [tilespmem:$0x1FF50]  }
0x144: {  	v22 =	vld [tilespmem:$0x1FF60]  }
0x145: {  	v23 =	vld [tilespmem:$0x1FF70]  }
0x146: {  	v24 =	vld [tilespmem:$0x1FF80]  }
0x147: {  	v25 =	vld [tilespmem:$0x1FF90]  }
0x148: {  	v26 =	vld [tilespmem:$0x1FFA0]  }
0x149: {  	v27 =	vld [tilespmem:$0x1FFB0]  }
0x14a: {  	v28 =	vld [tilespmem:$0x1FFC0]  }
0x14b: {  	v29 =	vld [tilespmem:$0x1FFD0]  }
0x14c: {  	s25 =	sshll.u32 s22, $0x8;
	s29 =	simm.s32 $0x0;
	[sflag:s28] =	ssyncset.done @!p0 $0x0;
	v30 =	vld [tilespmem:$0x1FFE0]  }
0x14d: {  	s24 =	sshrl.u32 s22, $0x1;
	v31 =	vld [tilespmem:$0x1FFF0];
	[sflag:s28] =	ssyncadd.s32 @!p0 $0xFFFF9800;
	s28 =	simm.s32 $0x0  }
.LBB2_3:
0x14e: {  	v1 =	vmov s29  }
0x14f: {  	s30 =	sshra.s32 s28, $0x2;
	v1 =	vmul.u32 $0x500, v1  }
0x150: {  	v0 =	vld [tilespmem:s30+$0x1A00]  }
0x151: {  	v2 =	vld [tilespmem:s30+$0x1D40];
	v1 =	vbroadcast v1, $0x0  }
0x152: {  	v32 =	vmov v3;
	v3 =	vld [tilespmem:s30+$0x2080]  }
0x153: {  	v14 =	vmov v5;
	v4 =	vld [tilespmem:s30+$0x23C0];
	v5 =	vadd.s32 v5, v1  }
0x154: {  	v15 =	vmov v7;
	v6 =	vld [tilespmem:s30+$0x2700];
	v7 =	vadd.s32 v7, v1  }
0x155: {  	v16 =	vmov v9;
	v8 =	vld [tilespmem:s30+$0x2A40];
	v9 =	vadd.s32 v9, v1  }
0x156: {  	v10 =	vld [tilespmem:s30+$0x2D80]  }
0x157: {  	v12 =	vld [tilespmem:s30+$0x30C0]  }
0x158: {  	[tilespmem:v5+s16+$0x0] =	vst.idx.msk $0xffff, v0;
	v0 =	vld [tilespmem:$0x1FC60]  }
0x159: {  	[tilespmem:v7+s16+$0x0] =	vst.idx.msk $0xffff, v2;
	v2 =	vld [tilespmem:$0x1FC70]  }
0x15a: {  	[tilespmem:v9+s16+$0x0] =	vst.idx.msk $0xffff, v3;
	v3 =	vld [tilespmem:$0x1FC80]  }
0x15b: {  	v17 =	vmov v11;
	v11 =	vadd.s32 v11, v1  }
0x15c: {  	v18 =	vmov v13;
	v13 =	vadd.s32 v13, v1  }
0x15d: {  	v0 =	vadd.s32 v0, v1  }
0x15e: {  	v2 =	vadd.s32 v2, v1  }
0x15f: {  	v3 =	vadd.s32 v3, v1  }
0x160: {  	v5 =	vld [tilespmem:$0x1FC90];
	[tilespmem:v11+s16+$0x0] =	vst.idx.msk $0xffff, v4  }
0x161: {  	v7 =	vld [tilespmem:$0x1FCA0];
	[tilespmem:v13+s16+$0x0] =	vst.idx.msk $0xffff, v6  }
0x162: {  	v9 =	vld [tilespmem:$0x1FCB0];
	[tilespmem:v0+s16+$0x0] =	vst.idx.msk $0xffff, v8  }
0x163: {  	v11 =	vld [tilespmem:$0x1FCC0];
	[tilespmem:v2+s16+$0x0] =	vst.idx.msk $0xffff, v10  }
0x164: {  	v13 =	vld [tilespmem:$0x1FCD0];
	[tilespmem:v3+s16+$0x0] =	vst.idx.msk $0xffff, v12  }
0x165: {  	v0 =	vld [tilespmem:s30+$0x3400]  }
0x166: {  	v2 =	vld [tilespmem:s30+$0x3740]  }
0x167: {  	v3 =	vld [tilespmem:s30+$0x3A80]  }
0x168: {  	v5 =	vadd.s32 v5, v1;
	v4 =	vld [tilespmem:s30+$0x3DC0]  }
0x169: {  	v7 =	vadd.s32 v7, v1;
	v6 =	vld [tilespmem:s30+$0x4100]  }
0x16a: {  	v9 =	vadd.s32 v9, v1;
	v8 =	vld [tilespmem:s30+$0x4440]  }
0x16b: {  	v10 =	vld [tilespmem:s30+$0x4780]  }
0x16c: {  	v12 =	vld [tilespmem:s30+$0x4AC0]  }
0x16d: {  	[tilespmem:v5+s16+$0x0] =	vst.idx.msk $0xffff, v0;
	v0 =	vld [tilespmem:$0x1FCE0]  }
0x16e: {  	[tilespmem:v7+s16+$0x0] =	vst.idx.msk $0xffff, v2;
	v2 =	vld [tilespmem:$0x1FCF0]  }
0x16f: {  	[tilespmem:v9+s16+$0x0] =	vst.idx.msk $0xffff, v3;
	v3 =	vld [tilespmem:$0x1FD00]  }
0x170: {  	v11 =	vadd.s32 v11, v1  }
0x171: {  	v13 =	vadd.s32 v13, v1  }
0x172: {  	v0 =	vadd.s32 v0, v1  }
0x173: {  	v2 =	vadd.s32 v2, v1  }
0x174: {  	v3 =	vadd.s32 v3, v1  }
0x175: {  	[tilespmem:v11+s16+$0x0] =	vst.idx.msk $0xffff, v4  }
0x176: {  	[tilespmem:v13+s16+$0x0] =	vst.idx.msk $0xffff, v6  }
0x177: {  	v5 =	vld [tilespmem:$0x1FD10];
	[tilespmem:v0+s16+$0x0] =	vst.idx.msk $0xffff, v8  }
0x178: {  	v7 =	vld [tilespmem:$0x1FD20];
	[tilespmem:v2+s16+$0x0] =	vst.idx.msk $0xffff, v10  }
0x179: {  	v9 =	vld [tilespmem:$0x1FD30];
	[tilespmem:v3+s16+$0x0] =	vst.idx.msk $0xffff, v12  }
0x17a: {  	v0 =	vld [tilespmem:s30+$0x4E00]  }
0x17b: {  	v2 =	vld [tilespmem:s30+$0x5140]  }
0x17c: {  	v5 =	vadd.s32 v5, v1;
	v3 =	vld [tilespmem:s30+$0x5480]  }
0x17d: {  	v7 =	vadd.s32 v7, v1;
	v4 =	vld [tilespmem:s30+$0x57C0]  }
0x17e: {  	v9 =	vadd.s32 v9, v1;
	v6 =	vld [tilespmem:s30+$0x5B00]  }
0x17f: {  	v11 =	vadd.s32 v33, v1;
	v8 =	vld [tilespmem:s30+$0x5E40]  }
0x180: {  	v13 =	vadd.s32 v34, v1;
	v10 =	vld [tilespmem:s30+$0x6180]  }
0x181: {  	v12 =	vld [tilespmem:s30+$0x64C0];
	[tilespmem:v5+s16+$0x0] =	vst.idx.msk $0xffff, v0;
	v0 =	vadd.s32 v35, v1  }
0x182: {  	[tilespmem:v7+s16+$0x0] =	vst.idx.msk $0xffff, v2;
	v2 =	vadd.s32 v36, v1  }
0x183: {  	[tilespmem:v9+s16+$0x0] =	vst.idx.msk $0xffff, v3;
	v3 =	vadd.s32 v37, v1  }
0x184: {  	[tilespmem:v11+s16+$0x0] =	vst.idx.msk $0xffff, v4  }
0x185: {  	[tilespmem:v13+s16+$0x0] =	vst.idx.msk $0xffff, v6  }
0x186: {  	[tilespmem:v0+s16+$0x0] =	vst.idx.msk $0xffff, v8  }
0x187: {  	[tilespmem:v2+s16+$0x0] =	vst.idx.msk $0xffff, v10  }
0x188: {  	[tilespmem:v3+s16+$0x0] =	vst.idx.msk $0xffff, v12  }
0x189: {  	v0 =	vld [tilespmem:s30+$0x6800]  }
0x18a: {  	v2 =	vld [tilespmem:s30+$0x6B40]  }
0x18b: {  	v5 =	vadd.s32 v38, v1;
	v3 =	vld [tilespmem:s30+$0x6E80]  }
0x18c: {  	v7 =	vadd.s32 v39, v1;
	v4 =	vld [tilespmem:s30+$0x71C0]  }
0x18d: {  	v9 =	vadd.s32 v40, v1;
	v6 =	vld [tilespmem:s30+$0x7500]  }
0x18e: {  	v11 =	vadd.s32 v41, v1;
	v8 =	vld [tilespmem:s30+$0x7840]  }
0x18f: {  	v13 =	vadd.s32 v42, v1;
	v10 =	vld [tilespmem:s30+$0x7B80]  }
0x190: {  	v12 =	vld [tilespmem:s30+$0x7EC0];
	[tilespmem:v5+s16+$0x0] =	vst.idx.msk $0xffff, v0;
	v0 =	vadd.s32 v43, v1  }
0x191: {  	[tilespmem:v7+s16+$0x0] =	vst.idx.msk $0xffff, v2;
	v2 =	vadd.s32 v44, v1  }
0x192: {  	[tilespmem:v9+s16+$0x0] =	vst.idx.msk $0xffff, v3;
	v3 =	vadd.s32 v45, v1  }
0x193: {  	[tilespmem:v11+s16+$0x0] =	vst.idx.msk $0xffff, v4  }
0x194: {  	[tilespmem:v13+s16+$0x0] =	vst.idx.msk $0xffff, v6  }
0x195: {  	[tilespmem:v0+s16+$0x0] =	vst.idx.msk $0xffff, v8  }
0x196: {  	[tilespmem:v2+s16+$0x0] =	vst.idx.msk $0xffff, v10  }
0x197: {  	[tilespmem:v3+s16+$0x0] =	vst.idx.msk $0xffff, v12  }
0x198: {  	v0 =	vld [tilespmem:s30+$0x1A10]  }
0x199: {  	v2 =	vld [tilespmem:s30+$0x1D50]  }
0x19a: {  	v5 =	vadd.s32 v46, v1;
	v3 =	vld [tilespmem:s30+$0x2090]  }
0x19b: {  	v7 =	vadd.s32 v47, v1;
	v4 =	vld [tilespmem:s30+$0x23D0]  }
0x19c: {  	v9 =	vadd.s32 v48, v1;
	v6 =	vld [tilespmem:s30+$0x2710]  }
0x19d: {  	v11 =	vadd.s32 v49, v1;
	v8 =	vld [tilespmem:s30+$0x2A50]  }
0x19e: {  	v13 =	vadd.s32 v50, v1;
	v10 =	vld [tilespmem:s30+$0x2D90]  }
0x19f: {  	v12 =	vld [tilespmem:s30+$0x30D0];
	[tilespmem:v5+s16+$0x0] =	vst.idx.msk $0xffff, v0;
	v0 =	vadd.s32 v51, v1  }
0x1a0: {  	[tilespmem:v7+s16+$0x0] =	vst.idx.msk $0xffff, v2;
	v2 =	vadd.s32 v52, v1  }
0x1a1: {  	[tilespmem:v9+s16+$0x0] =	vst.idx.msk $0xffff, v3;
	v3 =	vadd.s32 v53, v1  }
0x1a2: {  	[tilespmem:v11+s16+$0x0] =	vst.idx.msk $0xffff, v4  }
0x1a3: {  	[tilespmem:v13+s16+$0x0] =	vst.idx.msk $0xffff, v6  }
0x1a4: {  	[tilespmem:v0+s16+$0x0] =	vst.idx.msk $0xffff, v8  }
0x1a5: {  	[tilespmem:v2+s16+$0x0] =	vst.idx.msk $0xffff, v10  }
0x1a6: {  	[tilespmem:v3+s16+$0x0] =	vst.idx.msk $0xffff, v12  }
0x1a7: {  	v0 =	vld [tilespmem:s30+$0x3410]  }
0x1a8: {  	v2 =	vld [tilespmem:s30+$0x3750]  }
0x1a9: {  	v5 =	vadd.s32 v54, v1;
	v3 =	vld [tilespmem:s30+$0x3A90]  }
0x1aa: {  	v7 =	vadd.s32 v55, v1;
	v4 =	vld [tilespmem:s30+$0x3DD0]  }
0x1ab: {  	v9 =	vadd.s32 v56, v1;
	v6 =	vld [tilespmem:s30+$0x4110]  }
0x1ac: {  	v11 =	vadd.s32 v57, v1;
	v8 =	vld [tilespmem:s30+$0x4450]  }
0x1ad: {  	v13 =	vadd.s32 v58, v1;
	v10 =	vld [tilespmem:s30+$0x4790]  }
0x1ae: {  	v12 =	vld [tilespmem:s30+$0x4AD0];
	[tilespmem:v5+s16+$0x0] =	vst.idx.msk $0xffff, v0;
	v0 =	vadd.s32 v59, v1  }
0x1af: {  	[tilespmem:v7+s16+$0x0] =	vst.idx.msk $0xffff, v2;
	v2 =	vadd.s32 v60, v1  }
0x1b0: {  	[tilespmem:v9+s16+$0x0] =	vst.idx.msk $0xffff, v3;
	v3 =	vadd.s32 v61, v1  }
0x1b1: {  	[tilespmem:v11+s16+$0x0] =	vst.idx.msk $0xffff, v4  }
0x1b2: {  	[tilespmem:v13+s16+$0x0] =	vst.idx.msk $0xffff, v6  }
0x1b3: {  	[tilespmem:v0+s16+$0x0] =	vst.idx.msk $0xffff, v8  }
0x1b4: {  	[tilespmem:v2+s16+$0x0] =	vst.idx.msk $0xffff, v10  }
0x1b5: {  	[tilespmem:v3+s16+$0x0] =	vst.idx.msk $0xffff, v12  }
0x1b6: {  	v0 =	vld [tilespmem:s30+$0x4E10]  }
0x1b7: {  	v2 =	vld [tilespmem:s30+$0x5150]  }
0x1b8: {  	v5 =	vadd.s32 v62, v1;
	v3 =	vld [tilespmem:s30+$0x5490]  }
0x1b9: {  	v7 =	vadd.s32 v63, v1;
	v4 =	vld [tilespmem:s30+$0x57D0]  }
0x1ba: {  	v9 =	vadd.s32 v19, v1;
	v6 =	vld [tilespmem:s30+$0x5B10]  }
0x1bb: {  	v11 =	vadd.s32 v20, v1;
	v8 =	vld [tilespmem:s30+$0x5E50]  }
0x1bc: {  	v13 =	vadd.s32 v21, v1;
	v10 =	vld [tilespmem:s30+$0x6190]  }
0x1bd: {  	v12 =	vld [tilespmem:s30+$0x64D0];
	[tilespmem:v5+s16+$0x0] =	vst.idx.msk $0xffff, v0;
	v0 =	vadd.s32 v22, v1  }
0x1be: {  	[tilespmem:v7+s16+$0x0] =	vst.idx.msk $0xffff, v2;
	v2 =	vadd.s32 v23, v1  }
0x1bf: {  	[tilespmem:v9+s16+$0x0] =	vst.idx.msk $0xffff, v3;
	v3 =	vadd.s32 v24, v1  }
0x1c0: {  	[tilespmem:v11+s16+$0x0] =	vst.idx.msk $0xffff, v4  }
0x1c1: {  	[tilespmem:v13+s16+$0x0] =	vst.idx.msk $0xffff, v6  }
0x1c2: {  	[tilespmem:v0+s16+$0x0] =	vst.idx.msk $0xffff, v8  }
0x1c3: {  	[tilespmem:v2+s16+$0x0] =	vst.idx.msk $0xffff, v10  }
0x1c4: {  	[tilespmem:v3+s16+$0x0] =	vst.idx.msk $0xffff, v12  }
0x1c5: {  	v0 =	vld [tilespmem:s30+$0x6810]  }
0x1c6: {  	v2 =	vld [tilespmem:s30+$0x6B50]  }
0x1c7: {  	v5 =	vadd.s32 v25, v1;
	v3 =	vld [tilespmem:s30+$0x6E90]  }
0x1c8: {  	v7 =	vadd.s32 v26, v1;
	v4 =	vld [tilespmem:s30+$0x71D0]  }
0x1c9: {  	v9 =	vadd.s32 v27, v1;
	v6 =	vld [tilespmem:s30+$0x7510]  }
0x1ca: {  	v11 =	vadd.s32 v28, v1;
	v8 =	vld [tilespmem:s30+$0x7850]  }
0x1cb: {  	v13 =	vadd.s32 v29, v1;
	v10 =	vld [tilespmem:s30+$0x7B90]  }
0x1cc: {  	v12 =	vld [tilespmem:s30+$0x7ED0];
	[tilespmem:v5+s16+$0x0] =	vst.idx.msk $0xffff, v0;
	v0 =	vadd.s32 v30, v1  }
0x1cd: {  	[tilespmem:v7+s16+$0x0] =	vst.idx.msk $0xffff, v2;
	v2 =	vadd.s32 v31, v1  }
0x1ce: {  	p1 =	sne.s32 s28, $0xC80;
	v1 =	vadd.s32 v32, v1;
	[tilespmem:v9+s16+$0x0] =	vst.idx.msk $0xffff, v3  }
.Ltmp0:
0x1cf: {  	[tilespmem:v11+s16+$0x0] =	vst.idx.msk $0xffff, v4;
	(pc) =	sbr.rel @p1 .LBB2_3-.Ltmp0, $4  }
0x1d0: {  	[tilespmem:v13+s16+$0x0] =	vst.idx.msk $0xffff, v6  }
0x1d1: {  	[tilespmem:v0+s16+$0x0] =	vst.idx.msk $0xffff, v8  }
0x1d2: {  	v5 =	vmov v14;
	[tilespmem:v2+s16+$0x0] =	vst.idx.msk $0xffff, v10  }
0x1d3: {  	s29 =	sadd.s32 $0x1, s29;
	s28 =	sadd.s32 $0x80, s28;
	v7 =	vmovc v15;
	v3 =	vmovc v32;
	v9 =	vmov v16;
	v11 =	vmov v17;
	v13 =	vmov v18;
	[tilespmem:v1+s16+$0x0] =	vst.idx.msk $0xffff, v12  }
0x1d4: {  	s24 =	smul.u32 $0x340000, s24  }
0x1d5: {  	s26 =	sor.u32 s6, s26  }
0x1d6: {  	s26 =	sor.u32 s24, s26  }
0x1d7: {  	s26 =	sshrl.u32 s26, $0x3  }
0x1d8: {  	s0 =	simm.s32 $0xEA00;
	s28 =	sadd.s32 s1, s26  }
0x1d9: {  	[hbm4b:s28+s3] =	stream.linear.scatter [tilespmem:s0], [sflag:$0x3], $0x20, $0x38;
	[tilespmem:$0x1EE00] =	vst v63  }
0x1da: {  	s0 =	simm.s32 $0xEA28;
	s29 =	sadd.s32 $0x10, s28  }
0x1db: {  	[hbm4b:s29+s3] =	stream.linear.scatter [tilespmem:s0], [sflag:$0x3], $0x20, $0x38;
	[tilespmem:$0x1EE00] =	vst v63  }
0x1dc: {  	s0 =	simm.s32 $0xEA50;
	s29 =	sadd.s32 $0x20, s28  }
0x1dd: {  	[hbm4b:s29+s3] =	stream.linear.scatter [tilespmem:s0], [sflag:$0x3], $0x20, $0x38;
	[tilespmem:$0x1EE00] =	vst v63  }
0x1de: {  	s0 =	simm.s32 $0xEA78;
	s29 =	sadd.s32 $0x30, s28  }
0x1df: {  	[hbm4b:s29+s3] =	stream.linear.scatter [tilespmem:s0], [sflag:$0x3], $0x20, $0x38;
	[tilespmem:$0x1EE00] =	vst v63  }
0x1e0: {  	s0 =	simm.s32 $0xEAA0;
	s29 =	sadd.s32 $0x40, s28  }
0x1e1: {  	[hbm4b:s29+s3] =	stream.linear.scatter [tilespmem:s0], [sflag:$0x3], $0x20, $0x38;
	[tilespmem:$0x1EE00] =	vst v63  }
0x1e2: {  	s30 =	simm.s32 $0xEB18;
	s0 =	simm.s32 $0xEAC8;
	s29 =	sadd.s32 $0x50, s28  }
0x1e3: {  	[hbm4b:s29+s3] =	stream.linear.scatter [tilespmem:s0], [sflag:$0x3], $0x20, $0x38;
	[tilespmem:$0x1EE00] =	vst v63  }
0x1e4: {  	s26 =	simm.s32 $0x140;
	s0 =	simm.s32 $0xEAF0;
	s29 =	sadd.s32 $0x60, s28  }
0x1e5: {  	[hbm4b:s29+s3] =	stream.linear.scatter [tilespmem:s0], [sflag:$0x3], $0x20, $0x38;
	[tilespmem:$0x1EE00] =	vst v63  }
0x1e6: {  	s31 =	sadd.s32 $0x70, s28;
	s28 =	sadd.s32 $0x1000, s28;
	s29 =	simm.s32 $0xA00  }
.LBB2_5:
0x1e7: {  	[hbm4b:s31+s3] =	stream.linear.scatter [tilespmem:s30], [sflag:$0x3], $0x20, $0x38;
	[tilespmem:$0x1EE00] =	vst v63  }
0x1e8: {  	s30 =	smov.u32 s26;
	s26 =	smov.u32 s29  }
0x1e9: {  	s0 =	sadd.s32 $0x500, s29;
	s26 =	sshra.s32 s26, $0x2;
	s31 =	sadd.s32 $0xEA00, s30  }
0x1ea: {  	[hbm4b:s28+s3] =	stream.linear.scatter [tilespmem:s31], [sflag:$0x3], $0x20, $0x38;
	[tilespmem:$0x1EE00] =	vst v63  }
0x1eb: {  	p1 =	sne.s32 s29, $0x20300;
	s29 =	sadd.s32 $0xEA28, s30;
	s31 =	sadd.s32 $0x10, s28  }
0x1ec: {  	[hbm4b:s31+s3] =	stream.linear.scatter [tilespmem:s29], [sflag:$0x3], $0x20, $0x38;
	[tilespmem:$0x1EE00] =	vst v63  }
0x1ed: {  	s29 =	sadd.s32 $0xEA50, s30;
	s31 =	sadd.s32 $0x20, s28  }
0x1ee: {  	[hbm4b:s31+s3] =	stream.linear.scatter [tilespmem:s29], [sflag:$0x3], $0x20, $0x38;
	[tilespmem:$0x1EE00] =	vst v63  }
0x1ef: {  	s29 =	sadd.s32 $0xEA78, s30;
	s31 =	sadd.s32 $0x30, s28  }
0x1f0: {  	[hbm4b:s31+s3] =	stream.linear.scatter [tilespmem:s29], [sflag:$0x3], $0x20, $0x38;
	[tilespmem:$0x1EE00] =	vst v63  }
0x1f1: {  	s29 =	sadd.s32 $0xEAA0, s30;
	s31 =	sadd.s32 $0x40, s28  }
0x1f2: {  	[hbm4b:s31+s3] =	stream.linear.scatter [tilespmem:s29], [sflag:$0x3], $0x20, $0x38;
	[tilespmem:$0x1EE00] =	vst v63  }
.Ltmp1:
0x1f3: {  	s29 =	sadd.s32 $0xEAC8, s30;
	s31 =	sadd.s32 $0x50, s28;
	(pc) =	sbr.rel @p1 .LBB2_5-.Ltmp1, $4  }
0x1f4: {  	[hbm4b:s31+s3] =	stream.linear.scatter [tilespmem:s29], [sflag:$0x3], $0x20, $0x38;
	[tilespmem:$0x1EE00] =	vst v63  }
0x1f5: {  	s29 =	sadd.s32 $0xEAF0, s30;
	s31 =	sadd.s32 $0x60, s28;
	s30 =	sadd.s32 $0xEB18, s30  }
0x1f6: {  	[hbm4b:s31+s3] =	stream.linear.scatter [tilespmem:s29], [sflag:$0x3], $0x20, $0x38;
	[tilespmem:$0x1EE00] =	vst v63  }
0x1f7: {  	s31 =	sadd.s32 $0x70, s28;
	s28 =	sadd.s32 $0x1000, s28;
	s29 =	smov.u32 s0  }
0x1f8: {  	[hbm4b:s31+s3] =	stream.linear.scatter [tilespmem:s30], [sflag:$0x3], $0x20, $0x38;
	[tilespmem:$0x1EE00] =	vst v63  }
0x1f9: {  	s0 =	sadd.s32 $0xEA00, s26  }
0x1fa: {  	[hbm4b:s28+s3] =	stream.linear.scatter [tilespmem:s0], [sflag:$0x3], $0x20, $0x38;
	[tilespmem:$0x1EE00] =	vst v63  }
0x1fb: {  	s31 =	sadd.s32 $0xEA28, s26;
	s29 =	sadd.s32 $0x10, s28  }
0x1fc: {  	[hbm4b:s29+s3] =	stream.linear.scatter [tilespmem:s31], [sflag:$0x3], $0x20, $0x38;
	[tilespmem:$0x1EE00] =	vst v63  }
0x1fd: {  	s30 =	sadd.s32 $0xEA50, s26;
	s31 =	sadd.s32 $0x20, s28  }
0x1fe: {  	[hbm4b:s31+s3] =	stream.linear.scatter [tilespmem:s30], [sflag:$0x3], $0x20, $0x38;
	[tilespmem:$0x1EE00] =	vst v63  }
0x1ff: {  	s30 =	sadd.s32 $0xEA78, s26;
	s31 =	sadd.s32 $0x30, s28  }
0x200: {  	[hbm4b:s31+s3] =	stream.linear.scatter [tilespmem:s30], [sflag:$0x3], $0x20, $0x38;
	[tilespmem:$0x1EE00] =	vst v63  }
0x201: {  	s30 =	sadd.s32 $0xEAA0, s26;
	s31 =	sadd.s32 $0x40, s28  }
0x202: {  	[hbm4b:s31+s3] =	stream.linear.scatter [tilespmem:s30], [sflag:$0x3], $0x20, $0x38;
	[tilespmem:$0x1EE00] =	vst v63  }
0x203: {  	p1 =	sne.s32 s22, $0x33;
	s30 =	sadd.s32 $0xEAC8, s26;
	s31 =	sadd.s32 $0x50, s28  }
0x204: {  	[hbm4b:s31+s3] =	stream.linear.scatter [tilespmem:s30], [sflag:$0x3], $0x20, $0x38;
	[tilespmem:$0x1EE00] =	vst v63  }
.Ltmp2:
0x205: {  	_ = 	snop;
	(pc) =	sbr.rel @p1 .LBB2_8-.Ltmp2, $4  }
0x206: {  	s30 =	sadd.s32 $0xEAF0, s26;
	s31 =	sadd.s32 $0x60, s28  }
0x207: {  	[hbm4b:s31+s3] =	stream.linear.scatter [tilespmem:s30], [sflag:$0x3], $0x20, $0x38;
	[tilespmem:$0x1EE00] =	vst v63  }
0x208: {  	s30 =	sadd.s32 $0xEB18, s26;
	s31 =	sadd.s32 $0x70, s28  }
0x209: {  	[hbm4b:s31+s3] =	stream.linear.scatter [tilespmem:s30], [sflag:$0x3], $0x20, $0x38;
	[tilespmem:$0x1EE00] =	vst v63  }
.Ltmp3:
0x20a: {  	(pc) =	sbr.rel .LBB2_9-.Ltmp3, $4  }
0x20b: {  	_ = 	snop  }
0x20c: {  	_ =	swait.ge [sflag:s17], $0x6800  }
0x20d: {  	[sflag:s17] =	ssyncset.done $0x0  }
0x20e: {  	[sflag:s17] =	ssyncadd.s32 $0xFFFF9800  }
.LBB2_8:
0x20f: {  	s0 =	sshrl.u32 s25, $0x2  }
.Ltmp4:
0x210: {  	s0 =	sadd.s32 $0xD40, s0;
	(pc) =	sbr.rel @p0 .LBB2_10-.Ltmp4, $4  }
0x211: {  	[tilespmem:s13], [sflag:$0x1] =	stream.indirect.gather [hbm4b:s4+s11], $0x340, s0, s11, $0xb8;
	[tilespmem:$0x1EE00] =	vst v63  }
0x212: {  	_ =	swait.ge [sflag:s17], $0x6800  }
0x213: {  	[sflag:s17] =	ssyncset.done $0x0  }
0x214: {  	[sflag:s17] =	ssyncadd.s32 $0xFFFF9800  }
.LBB2_9:
0x215: {  	_ =	swait.ge [sflag:s18], $0x6800  }
0x216: {  	[sflag:s18] =	ssyncset.done $0x0  }
0x217: {  	[sflag:s18] =	ssyncadd.s32 $0xFFFF9800  }
.LBB2_10:
0x218: {  	v33 =	vld [tilespmem:$0x1FD40]  }
0x219: {  	v34 =	vld [tilespmem:$0x1FD50]  }
0x21a: {  	v35 =	vld [tilespmem:$0x1FD60]  }
0x21b: {  	v36 =	vld [tilespmem:$0x1FD70]  }
0x21c: {  	v37 =	vld [tilespmem:$0x1FD80]  }
0x21d: {  	v38 =	vld [tilespmem:$0x1FD90]  }
0x21e: {  	v39 =	vld [tilespmem:$0x1FDA0]  }
0x21f: {  	v40 =	vld [tilespmem:$0x1FDB0]  }
0x220: {  	v41 =	vld [tilespmem:$0x1FDC0]  }
0x221: {  	v42 =	vld [tilespmem:$0x1FDD0]  }
0x222: {  	v43 =	vld [tilespmem:$0x1FDE0]  }
0x223: {  	v44 =	vld [tilespmem:$0x1FDF0]  }
0x224: {  	v45 =	vld [tilespmem:$0x1FE00]  }
0x225: {  	v46 =	vld [tilespmem:$0x1FE10]  }
0x226: {  	v47 =	vld [tilespmem:$0x1FE20]  }
0x227: {  	v48 =	vld [tilespmem:$0x1FE30]  }
0x228: {  	v49 =	vld [tilespmem:$0x1FE40]  }
0x229: {  	v50 =	vld [tilespmem:$0x1FE50]  }
0x22a: {  	v51 =	vld [tilespmem:$0x1FE60]  }
0x22b: {  	v52 =	vld [tilespmem:$0x1FE70]  }
0x22c: {  	v53 =	vld [tilespmem:$0x1FE80]  }
0x22d: {  	v54 =	vld [tilespmem:$0x1FE90]  }
0x22e: {  	v55 =	vld [tilespmem:$0x1FEA0]  }
0x22f: {  	v56 =	vld [tilespmem:$0x1FEB0]  }
0x230: {  	v57 =	vld [tilespmem:$0x1FEC0]  }
0x231: {  	v58 =	vld [tilespmem:$0x1FED0]  }
0x232: {  	v59 =	vld [tilespmem:$0x1FEE0]  }
0x233: {  	v60 =	vld [tilespmem:$0x1FEF0]  }
0x234: {  	v61 =	vld [tilespmem:$0x1FF00]  }
0x235: {  	v62 =	vld [tilespmem:$0x1FF10]  }
0x236: {  	v63 =	vld [tilespmem:$0x1FF20]  }
0x237: {  	v19 =	vld [tilespmem:$0x1FF30]  }
0x238: {  	v20 =	vld [tilespmem:$0x1FF40]  }
0x239: {  	v21 =	vld [tilespmem:$0x1FF50]  }
0x23a: {  	v22 =	vld [tilespmem:$0x1FF60]  }
0x23b: {  	v23 =	vld [tilespmem:$0x1FF70]  }
0x23c: {  	v24 =	vld [tilespmem:$0x1FF80]  }
0x23d: {  	v25 =	vld [tilespmem:$0x1FF90]  }
0x23e: {  	v26 =	vld [tilespmem:$0x1FFA0]  }
0x23f: {  	v27 =	vld [tilespmem:$0x1FFB0]  }
0x240: {  	v28 =	vld [tilespmem:$0x1FFC0]  }
0x241: {  	v29 =	vld [tilespmem:$0x1FFD0]  }
0x242: {  	v30 =	vld [tilespmem:$0x1FFE0]  }
0x243: {  	s25 =	simm.s32 $0x0;
	s26 =	simm.s32 $0x0;
	v31 =	vld [tilespmem:$0x1FFF0]  }
.LBB2_11:
0x244: {  	v0 =	vmov s26  }
0x245: {  	s28 =	sshra.s32 s25, $0x2;
	v0 =	vmul.u32 $0x500, v0  }
0x246: {  	v2 =	vld [tilespmem:s28+$0x8200]  }
0x247: {  	v3 =	vld [tilespmem:s28+$0x8540];
	v1 =	vbroadcast v0, $0x0  }
0x248: {  	v4 =	vld [tilespmem:s28+$0x8BC0]  }
0x249: {  	v6 =	vld [tilespmem:s28+$0x8F00];
	v5 =	vadd.s32 v14, v1  }
0x24a: {  	v8 =	vld [tilespmem:s28+$0x9240];
	v7 =	vadd.s32 v15, v1  }
0x24b: {  	v0 =	vld [tilespmem:s28+$0x8880];
	v9 =	vadd.s32 v16, v1  }
0x24c: {  	v10 =	vld [tilespmem:s28+$0x9580]  }
0x24d: {  	v12 =	vld [tilespmem:s28+$0x98C0]  }
0x24e: {  	[tilespmem:v5+s19+$0x0] =	vst.idx.msk $0xffff, v2;
	v5 =	vld [tilespmem:$0x1FC60]  }
0x24f: {  	[tilespmem:v7+s19+$0x0] =	vst.idx.msk $0xffff, v3;
	v7 =	vld [tilespmem:$0x1FC70]  }
0x250: {  	v11 =	vadd.s32 v17, v1;
	[tilespmem:v9+s19+$0x0] =	vst.idx.msk $0xffff, v0;
	v9 =	vld [tilespmem:$0x1FC80];
	_ =	sdelay $0x1  }
0x251: {  	v13 =	vadd.s32 v18, v1  }
0x252: {  	v2 =	vadd.s32 v5, v1  }
0x253: {  	v3 =	vadd.s32 v7, v1  }
0x254: {  	[tilespmem:v11+s19+$0x0] =	vst.idx.msk $0xffff, v4;
	v11 =	vld [tilespmem:$0x1FCA0];
	v0 =	vadd.s32 v9, v1;
	_ =	sdelay $0x1  }
0x255: {  	[tilespmem:v13+s19+$0x0] =	vst.idx.msk $0xffff, v6;
	v13 =	vld [tilespmem:$0x1FCD0]  }
0x256: {  	v9 =	vld [tilespmem:$0x1FCB0];
	[tilespmem:v2+s19+$0x0] =	vst.idx.msk $0xffff, v8  }
0x257: {  	[tilespmem:v3+s19+$0x0] =	vst.idx.msk $0xffff, v10;
	v10 =	vld [tilespmem:$0x1FC90]  }
0x258: {  	v7 =	vadd.s32 v11, v1;
	v11 =	vld [tilespmem:$0x1FCC0];
	[tilespmem:v0+s19+$0x0] =	vst.idx.msk $0xffff, v12  }
0x259: {  	v0 =	vld [tilespmem:s28+$0x9C00]  }
0x25a: {  	v2 =	vld [tilespmem:s28+$0x9F40]  }
0x25b: {  	v3 =	vld [tilespmem:s28+$0xA280]  }
0x25c: {  	v4 =	vld [tilespmem:s28+$0xA5C0];
	v5 =	vadd.s32 v10, v1  }
0x25d: {  	v6 =	vld [tilespmem:s28+$0xA900]  }
0x25e: {  	v8 =	vld [tilespmem:s28+$0xAC40]  }
0x25f: {  	v9 =	vadd.s32 v9, v1;
	v12 =	vld [tilespmem:s28+$0xB2C0]  }
0x260: {  	v10 =	vld [tilespmem:s28+$0xAF80]  }
0x261: {  	[tilespmem:v5+s19+$0x0] =	vst.idx.msk $0xffff, v0;
	v5 =	vld [tilespmem:$0x1FCE0]  }
0x262: {  	[tilespmem:v7+s19+$0x0] =	vst.idx.msk $0xffff, v2;
	v7 =	vld [tilespmem:$0x1FCF0];
	_ =	sdelay $0x1  }
0x263: {  	v11 =	vadd.s32 v11, v1;
	[tilespmem:v9+s19+$0x0] =	vst.idx.msk $0xffff, v3;
	v9 =	vld [tilespmem:$0x1FD00]  }
0x264: {  	v13 =	vadd.s32 v13, v1  }
0x265: {  	v0 =	vadd.s32 v5, v1  }
0x266: {  	v2 =	vadd.s32 v7, v1;
	_ =	sdelay $0x1  }
0x267: {  	[tilespmem:v11+s19+$0x0] =	vst.idx.msk $0xffff, v4;
	v3 =	vadd.s32 v9, v1  }
0x268: {  	[tilespmem:v13+s19+$0x0] =	vst.idx.msk $0xffff, v6  }
0x269: {  	[tilespmem:v0+s19+$0x0] =	vst.idx.msk $0xffff, v8  }
0x26a: {  	[tilespmem:v2+s19+$0x0] =	vst.idx.msk $0xffff, v10;
	v10 =	vld [tilespmem:$0x1FD10]  }
0x26b: {  	v11 =	vld [tilespmem:$0x1FD20]  }
0x26c: {  	v9 =	vld [tilespmem:$0x1FD30];
	[tilespmem:v3+s19+$0x0] =	vst.idx.msk $0xffff, v12  }
0x26d: {  	v0 =	vld [tilespmem:s28+$0xB600]  }
0x26e: {  	v2 =	vld [tilespmem:s28+$0xB940]  }
0x26f: {  	v3 =	vld [tilespmem:s28+$0xBC80];
	v5 =	vadd.s32 v10, v1  }
0x270: {  	v7 =	vadd.s32 v11, v1;
	v4 =	vld [tilespmem:s28+$0xBFC0]  }
0x271: {  	v9 =	vadd.s32 v9, v1;
	v6 =	vld [tilespmem:s28+$0xC300]  }
0x272: {  	v11 =	vadd.s32 v33, v1;
	v8 =	vld [tilespmem:s28+$0xC640]  }
0x273: {  	v13 =	vadd.s32 v34, v1;
	v12 =	vld [tilespmem:s28+$0xCCC0]  }
0x274: {  	v10 =	vld [tilespmem:s28+$0xC980];
	[tilespmem:v5+s19+$0x0] =	vst.idx.msk $0xffff, v0;
	v0 =	vadd.s32 v35, v1  }
0x275: {  	[tilespmem:v7+s19+$0x0] =	vst.idx.msk $0xffff, v2;
	v7 =	vadd.s32 v36, v1  }
0x276: {  	[tilespmem:v9+s19+$0x0] =	vst.idx.msk $0xffff, v3;
	v9 =	vadd.s32 v37, v1  }
0x277: {  	[tilespmem:v11+s19+$0x0] =	vst.idx.msk $0xffff, v4  }
0x278: {  	[tilespmem:v13+s19+$0x0] =	vst.idx.msk $0xffff, v6  }
0x279: {  	[tilespmem:v0+s19+$0x0] =	vst.idx.msk $0xffff, v8  }
0x27a: {  	[tilespmem:v7+s19+$0x0] =	vst.idx.msk $0xffff, v10  }
0x27b: {  	[tilespmem:v9+s19+$0x0] =	vst.idx.msk $0xffff, v12  }
0x27c: {  	v0 =	vld [tilespmem:s28+$0xD000]  }
0x27d: {  	v2 =	vld [tilespmem:s28+$0xD340]  }
0x27e: {  	v5 =	vadd.s32 v38, v1;
	v3 =	vld [tilespmem:s28+$0xD680]  }
0x27f: {  	v7 =	vadd.s32 v39, v1;
	v4 =	vld [tilespmem:s28+$0xD9C0]  }
0x280: {  	v9 =	vadd.s32 v40, v1;
	v6 =	vld [tilespmem:s28+$0xDD00]  }
0x281: {  	v11 =	vadd.s32 v41, v1;
	v8 =	vld [tilespmem:s28+$0xE040]  }
0x282: {  	v13 =	vadd.s32 v42, v1;
	v10 =	vld [tilespmem:s28+$0xE380]  }
0x283: {  	v12 =	vld [tilespmem:s28+$0xE6C0];
	[tilespmem:v5+s19+$0x0] =	vst.idx.msk $0xffff, v0;
	v0 =	vadd.s32 v43, v1  }
0x284: {  	[tilespmem:v7+s19+$0x0] =	vst.idx.msk $0xffff, v2;
	v7 =	vadd.s32 v44, v1  }
0x285: {  	[tilespmem:v9+s19+$0x0] =	vst.idx.msk $0xffff, v3;
	v9 =	vadd.s32 v45, v1  }
0x286: {  	[tilespmem:v11+s19+$0x0] =	vst.idx.msk $0xffff, v4  }
0x287: {  	[tilespmem:v13+s19+$0x0] =	vst.idx.msk $0xffff, v6  }
0x288: {  	[tilespmem:v0+s19+$0x0] =	vst.idx.msk $0xffff, v8  }
0x289: {  	[tilespmem:v7+s19+$0x0] =	vst.idx.msk $0xffff, v10  }
0x28a: {  	[tilespmem:v9+s19+$0x0] =	vst.idx.msk $0xffff, v12  }
0x28b: {  	v0 =	vld [tilespmem:s28+$0x8210]  }
0x28c: {  	v2 =	vld [tilespmem:s28+$0x8550]  }
0x28d: {  	v5 =	vadd.s32 v46, v1;
	v3 =	vld [tilespmem:s28+$0x8890]  }
0x28e: {  	v7 =	vadd.s32 v47, v1;
	v4 =	vld [tilespmem:s28+$0x8BD0]  }
0x28f: {  	v9 =	vadd.s32 v48, v1;
	v6 =	vld [tilespmem:s28+$0x8F10]  }
0x290: {  	v11 =	vadd.s32 v49, v1;
	v8 =	vld [tilespmem:s28+$0x9250]  }
0x291: {  	v13 =	vadd.s32 v50, v1;
	v10 =	vld [tilespmem:s28+$0x9590]  }
0x292: {  	v12 =	vld [tilespmem:s28+$0x98D0];
	[tilespmem:v5+s19+$0x0] =	vst.idx.msk $0xffff, v0;
	v0 =	vadd.s32 v51, v1  }
0x293: {  	[tilespmem:v7+s19+$0x0] =	vst.idx.msk $0xffff, v2;
	v7 =	vadd.s32 v52, v1  }
0x294: {  	[tilespmem:v9+s19+$0x0] =	vst.idx.msk $0xffff, v3;
	v9 =	vadd.s32 v53, v1  }
0x295: {  	[tilespmem:v11+s19+$0x0] =	vst.idx.msk $0xffff, v4  }
0x296: {  	[tilespmem:v13+s19+$0x0] =	vst.idx.msk $0xffff, v6  }
0x297: {  	[tilespmem:v0+s19+$0x0] =	vst.idx.msk $0xffff, v8  }
0x298: {  	[tilespmem:v7+s19+$0x0] =	vst.idx.msk $0xffff, v10  }
0x299: {  	[tilespmem:v9+s19+$0x0] =	vst.idx.msk $0xffff, v12  }
0x29a: {  	v0 =	vld [tilespmem:s28+$0x9C10]  }
0x29b: {  	v2 =	vld [tilespmem:s28+$0x9F50]  }
0x29c: {  	v5 =	vadd.s32 v54, v1;
	v3 =	vld [tilespmem:s28+$0xA290]  }
0x29d: {  	v7 =	vadd.s32 v55, v1;
	v4 =	vld [tilespmem:s28+$0xA5D0]  }
0x29e: {  	v9 =	vadd.s32 v56, v1;
	v6 =	vld [tilespmem:s28+$0xA910]  }
0x29f: {  	v11 =	vadd.s32 v57, v1;
	v8 =	vld [tilespmem:s28+$0xAC50]  }
0x2a0: {  	v13 =	vadd.s32 v58, v1;
	v10 =	vld [tilespmem:s28+$0xAF90]  }
0x2a1: {  	v12 =	vld [tilespmem:s28+$0xB2D0];
	[tilespmem:v5+s19+$0x0] =	vst.idx.msk $0xffff, v0;
	v0 =	vadd.s32 v59, v1  }
0x2a2: {  	[tilespmem:v7+s19+$0x0] =	vst.idx.msk $0xffff, v2;
	v7 =	vadd.s32 v60, v1  }
0x2a3: {  	[tilespmem:v9+s19+$0x0] =	vst.idx.msk $0xffff, v3;
	v9 =	vadd.s32 v61, v1  }
0x2a4: {  	[tilespmem:v11+s19+$0x0] =	vst.idx.msk $0xffff, v4  }
0x2a5: {  	[tilespmem:v13+s19+$0x0] =	vst.idx.msk $0xffff, v6  }
0x2a6: {  	[tilespmem:v0+s19+$0x0] =	vst.idx.msk $0xffff, v8  }
0x2a7: {  	[tilespmem:v7+s19+$0x0] =	vst.idx.msk $0xffff, v10  }
0x2a8: {  	[tilespmem:v9+s19+$0x0] =	vst.idx.msk $0xffff, v12  }
0x2a9: {  	v0 =	vld [tilespmem:s28+$0xB610]  }
0x2aa: {  	v2 =	vld [tilespmem:s28+$0xB950]  }
0x2ab: {  	v5 =	vadd.s32 v62, v1;
	v3 =	vld [tilespmem:s28+$0xBC90]  }
0x2ac: {  	v7 =	vadd.s32 v63, v1;
	v4 =	vld [tilespmem:s28+$0xBFD0]  }
0x2ad: {  	v9 =	vadd.s32 v19, v1;
	v6 =	vld [tilespmem:s28+$0xC310]  }
0x2ae: {  	v11 =	vadd.s32 v20, v1;
	v8 =	vld [tilespmem:s28+$0xC650]  }
0x2af: {  	v13 =	vadd.s32 v21, v1;
	v10 =	vld [tilespmem:s28+$0xC990]  }
0x2b0: {  	v12 =	vld [tilespmem:s28+$0xCCD0];
	[tilespmem:v5+s19+$0x0] =	vst.idx.msk $0xffff, v0;
	v0 =	vadd.s32 v22, v1  }
0x2b1: {  	[tilespmem:v7+s19+$0x0] =	vst.idx.msk $0xffff, v2;
	v7 =	vadd.s32 v23, v1  }
0x2b2: {  	[tilespmem:v9+s19+$0x0] =	vst.idx.msk $0xffff, v3;
	v9 =	vadd.s32 v24, v1  }
0x2b3: {  	[tilespmem:v11+s19+$0x0] =	vst.idx.msk $0xffff, v4  }
0x2b4: {  	[tilespmem:v13+s19+$0x0] =	vst.idx.msk $0xffff, v6  }
0x2b5: {  	[tilespmem:v0+s19+$0x0] =	vst.idx.msk $0xffff, v8  }
0x2b6: {  	[tilespmem:v7+s19+$0x0] =	vst.idx.msk $0xffff, v10  }
0x2b7: {  	[tilespmem:v9+s19+$0x0] =	vst.idx.msk $0xffff, v12  }
0x2b8: {  	v0 =	vld [tilespmem:s28+$0xD010]  }
0x2b9: {  	v2 =	vld [tilespmem:s28+$0xD350]  }
0x2ba: {  	v5 =	vadd.s32 v25, v1;
	v3 =	vld [tilespmem:s28+$0xD690]  }
0x2bb: {  	v7 =	vadd.s32 v26, v1;
	v4 =	vld [tilespmem:s28+$0xD9D0]  }
0x2bc: {  	v9 =	vadd.s32 v27, v1;
	v6 =	vld [tilespmem:s28+$0xDD10]  }
0x2bd: {  	v11 =	vadd.s32 v28, v1;
	v8 =	vld [tilespmem:s28+$0xE050]  }
0x2be: {  	v13 =	vadd.s32 v29, v1;
	v10 =	vld [tilespmem:s28+$0xE390]  }
0x2bf: {  	v12 =	vld [tilespmem:s28+$0xE6D0];
	[tilespmem:v5+s19+$0x0] =	vst.idx.msk $0xffff, v0;
	v5 =	vadd.s32 v30, v1  }
0x2c0: {  	[tilespmem:v7+s19+$0x0] =	vst.idx.msk $0xffff, v2;
	v7 =	vadd.s32 v31, v1  }
0x2c1: {  	p0 =	sne.s32 s25, $0xC80;
	v1 =	vadd.s32 v32, v1;
	[tilespmem:v9+s19+$0x0] =	vst.idx.msk $0xffff, v3  }
.Ltmp5:
0x2c2: {  	[tilespmem:v11+s19+$0x0] =	vst.idx.msk $0xffff, v4;
	(pc) =	sbr.rel @p0 .LBB2_11-.Ltmp5, $4  }
0x2c3: {  	[tilespmem:v13+s19+$0x0] =	vst.idx.msk $0xffff, v6  }
0x2c4: {  	[tilespmem:v5+s19+$0x0] =	vst.idx.msk $0xffff, v8  }
0x2c5: {  	[tilespmem:v7+s19+$0x0] =	vst.idx.msk $0xffff, v10  }
0x2c6: {  	s26 =	sadd.s32 $0x1, s26;
	s25 =	sadd.s32 $0x80, s25;
	[tilespmem:v1+s19+$0x0] =	vst.idx.msk $0xffff, v12  }
0x2c7: {  	s0 =	sor.u32 s6, s24  }
0x2c8: {  	s0 =	sor.u32 s23, s0  }
0x2c9: {  	s0 =	sshrl.u32 s0, $0x3  }
0x2ca: {  	s31 =	simm.s32 $0x16C00;
	s0 =	sadd.s32 s1, s0  }
0x2cb: {  	[hbm4b:s0+s3] =	stream.linear.scatter [tilespmem:s31], [sflag:$0x4], $0x20, $0x38;
	[tilespmem:$0x1EE00] =	vst v63  }
0x2cc: {  	s24 =	simm.s32 $0x16C28;
	s25 =	sadd.s32 $0x10, s0  }
0x2cd: {  	[hbm4b:s25+s3] =	stream.linear.scatter [tilespmem:s24], [sflag:$0x4], $0x20, $0x38;
	[tilespmem:$0x1EE00] =	vst v63  }
0x2ce: {  	s26 =	simm.s32 $0x16C50;
	s30 =	simm.s32 $0x16C78;
	s29 =	sadd.s32 $0x20, s0  }
0x2cf: {  	[hbm4b:s29+s3] =	stream.linear.scatter [tilespmem:s26], [sflag:$0x4], $0x20, $0x38;
	[tilespmem:$0x1EE00] =	vst v63  }
0x2d0: {  	s23 =	simm.s32 $0x140;
	s31 =	sadd.s32 $0x30, s0;
	s28 =	sadd.s32 $0x70, s0  }
0x2d1: {  	[hbm4b:s31+s3] =	stream.linear.scatter [tilespmem:s30], [sflag:$0x4], $0x20, $0x38;
	[tilespmem:$0x1EE00] =	vst v63  }
0x2d2: {  	s24 =	simm.s32 $0x16CA0;
	s25 =	sadd.s32 $0x40, s0;
	s26 =	simm.s32 $0x16CC8  }
0x2d3: {  	[hbm4b:s25+s3] =	stream.linear.scatter [tilespmem:s24], [sflag:$0x4], $0x20, $0x38;
	[tilespmem:$0x1EE00] =	vst v63  }
0x2d4: {  	s29 =	sadd.s32 $0x50, s0;
	s30 =	simm.s32 $0x16CF0;
	s31 =	sadd.s32 $0x60, s0  }
0x2d5: {  	[hbm4b:s29+s3] =	stream.linear.scatter [tilespmem:s26], [sflag:$0x4], $0x20, $0x38;
	[tilespmem:$0x1EE00] =	vst v63  }
0x2d6: {  	v5 =	vmov v14;
	s25 =	simm.s32 $0xA00;
	s24 =	sadd.s32 $0x1000, s0;
	s26 =	simm.s32 $0x16D18  }
0x2d7: {  	v7 =	vmovc v15;
	v3 =	vmovc v32;
	v9 =	vmov v16;
	v11 =	vmov v17;
	v13 =	vmov v18;
	[hbm4b:s31+s3] =	stream.linear.scatter [tilespmem:s30], [sflag:$0x4], $0x20, $0x38;
	[tilespmem:$0x1EE00] =	vst v63  }
.LBB2_13:
0x2d8: {  	[hbm4b:s28+s3] =	stream.linear.scatter [tilespmem:s26], [sflag:$0x4], $0x20, $0x38;
	[tilespmem:$0x1EE00] =	vst v63  }
0x2d9: {  	s0 =	smov.u32 s23;
	s23 =	smov.u32 s25  }
0x2da: {  	s29 =	sadd.s32 $0x500, s25;
	s23 =	sshra.s32 s23, $0x2;
	s26 =	sadd.s32 $0x16C00, s0  }
0x2db: {  	[hbm4b:s24+s3] =	stream.linear.scatter [tilespmem:s26], [sflag:$0x4], $0x20, $0x38;
	[tilespmem:$0x1EE00] =	vst v63  }
0x2dc: {  	p0 =	sne.s32 s25, $0x20300;
	s25 =	sadd.s32 $0x16C28, s0;
	s26 =	sadd.s32 $0x10, s24  }
0x2dd: {  	[hbm4b:s26+s3] =	stream.linear.scatter [tilespmem:s25], [sflag:$0x4], $0x20, $0x38;
	[tilespmem:$0x1EE00] =	vst v63  }
0x2de: {  	s25 =	sadd.s32 $0x16C50, s0;
	s26 =	sadd.s32 $0x20, s24  }
0x2df: {  	[hbm4b:s26+s3] =	stream.linear.scatter [tilespmem:s25], [sflag:$0x4], $0x20, $0x38;
	[tilespmem:$0x1EE00] =	vst v63  }
0x2e0: {  	s25 =	sadd.s32 $0x16C78, s0;
	s26 =	sadd.s32 $0x30, s24  }
0x2e1: {  	[hbm4b:s26+s3] =	stream.linear.scatter [tilespmem:s25], [sflag:$0x4], $0x20, $0x38;
	[tilespmem:$0x1EE00] =	vst v63  }
0x2e2: {  	s25 =	sadd.s32 $0x16CA0, s0;
	s26 =	sadd.s32 $0x40, s24  }
0x2e3: {  	[hbm4b:s26+s3] =	stream.linear.scatter [tilespmem:s25], [sflag:$0x4], $0x20, $0x38;
	[tilespmem:$0x1EE00] =	vst v63  }
.Ltmp6:
0x2e4: {  	s25 =	sadd.s32 $0x16CC8, s0;
	s26 =	sadd.s32 $0x50, s24;
	(pc) =	sbr.rel @p0 .LBB2_13-.Ltmp6, $4  }
0x2e5: {  	[hbm4b:s26+s3] =	stream.linear.scatter [tilespmem:s25], [sflag:$0x4], $0x20, $0x38;
	[tilespmem:$0x1EE00] =	vst v63  }
0x2e6: {  	s28 =	sadd.s32 $0x70, s24;
	s25 =	sadd.s32 $0x16CF0, s0;
	s26 =	sadd.s32 $0x60, s24  }
0x2e7: {  	[hbm4b:s26+s3] =	stream.linear.scatter [tilespmem:s25], [sflag:$0x4], $0x20, $0x38;
	[tilespmem:$0x1EE00] =	vst v63  }
0x2e8: {  	s24 =	sadd.s32 $0x1000, s24;
	s26 =	sadd.s32 $0x16D18, s0;
	s25 =	smov.u32 s29  }
0x2e9: {  	[hbm4b:s28+s3] =	stream.linear.scatter [tilespmem:s26], [sflag:$0x4], $0x20, $0x38;
	[tilespmem:$0x1EE00] =	vst v63  }
0x2ea: {  	s0 =	sadd.s32 $0x16C00, s23  }
0x2eb: {  	[hbm4b:s24+s3] =	stream.linear.scatter [tilespmem:s0], [sflag:$0x4], $0x20, $0x38;
	[tilespmem:$0x1EE00] =	vst v63  }
0x2ec: {  	s31 =	sadd.s32 $0x16C28, s23;
	s25 =	sadd.s32 $0x10, s24  }
0x2ed: {  	[hbm4b:s25+s3] =	stream.linear.scatter [tilespmem:s31], [sflag:$0x4], $0x20, $0x38;
	[tilespmem:$0x1EE00] =	vst v63  }
0x2ee: {  	s26 =	sadd.s32 $0x20, s24;
	s25 =	sadd.s32 $0x16C50, s23  }
0x2ef: {  	[hbm4b:s26+s3] =	stream.linear.scatter [tilespmem:s25], [sflag:$0x4], $0x20, $0x38;
	[tilespmem:$0x1EE00] =	vst v63  }
0x2f0: {  	s28 =	sadd.s32 $0x16C78, s23;
	s29 =	sadd.s32 $0x30, s24  }
0x2f1: {  	[hbm4b:s29+s3] =	stream.linear.scatter [tilespmem:s28], [sflag:$0x4], $0x20, $0x38;
	[tilespmem:$0x1EE00] =	vst v63  }
0x2f2: {  	s30 =	sadd.s32 $0x16CA0, s23;
	s22 =	sadd.s32 $0x1, s22;
	s31 =	sadd.s32 $0x40, s24  }
0x2f3: {  	[hbm4b:s31+s3] =	stream.linear.scatter [tilespmem:s30], [sflag:$0x4], $0x20, $0x38;
	[tilespmem:$0x1EE00] =	vst v63  }
0x2f4: {  	p0 =	sne.s32 s22, $0x34;
	s25 =	sadd.s32 $0x16CC8, s23;
	s26 =	sadd.s32 $0x50, s24  }
0x2f5: {  	[hbm4b:s26+s3] =	stream.linear.scatter [tilespmem:s25], [sflag:$0x4], $0x20, $0x38;
	[tilespmem:$0x1EE00] =	vst v63  }
.Ltmp7:
0x2f6: {  	_ = 	snop;
	(pc) =	sbr.rel @p0 .LBB2_2-.Ltmp7, $4  }
0x2f7: {  	s28 =	sadd.s32 $0x16CF0, s23;
	s29 =	sadd.s32 $0x60, s24  }
0x2f8: {  	[hbm4b:s29+s3] =	stream.linear.scatter [tilespmem:s28], [sflag:$0x4], $0x20, $0x38;
	[tilespmem:$0x1EE00] =	vst v63  }
0x2f9: {  	s30 =	sadd.s32 $0x16D18, s23;
	s31 =	sadd.s32 $0x70, s24  }
0x2fa: {  	[hbm4b:s31+s3] =	stream.linear.scatter [tilespmem:s30], [sflag:$0x4], $0x20, $0x38;
	[tilespmem:$0x1EE00] =	vst v63  }
0x2fb: {  	s21 =	sadd.s32 $0x1, s21  }
0x2fc: {  	_ =	swait.ge [sflag:s20], $0x6800;
	p0 =	sne.s32 s21, s7  }
.Ltmp8:
0x2fd: {  	[sflag:s20] =	ssyncset.done $0x0;
	(pc) =	sbr.rel @p0 .LBB2_1-.Ltmp8, $4  }
0x2fe: {  	[sflag:s20] =	ssyncadd.s32 $0xFFFF9800  }
0x2ff: {  	_ =	swait.ge [sflag:s18], $0x6800  }
0x300: {  	[sflag:s18] =	ssyncset.done $0x0  }
0x301: {  	[sflag:s18] =	ssyncadd.s32 $0xFFFF9800  }
0x302: {  	_ =	sfence.sel $0x180000  }
0x303: {  	[bflag:$0x0] =	sbarrier.arrive $0xFFFF  }
0x304: {  	_ =	strace $0x90000047  }
0x305: {  	[bflag:$0x2] =	sbarrier.arrive $0xFFFF  }
0x306: {  	p0 =	sne.s32 s2, $0x0;
	s0 =	rddreg [dreg:$0x2]  }
0x307: {  	s0 =	sadd.s32 @!p0 $0x100000, s0  }
0x308: {  	[sflag:s0] =	ssyncadd.tile.s32 @!p0 $0x1;
	_ =	shalt  }
.Lfunc_end2:
_tile_overlayer_lowered:
.L_overlay_start_2:
0x309: {  	(tag) =	ssettag $0x2  }
0x30a: {  	s0 =	rddreg [dreg:$0x0];
	s2 =	stileid.u32  }
0x30b: {  	s1 =	rddreg [dreg:$0x1];
	p0 =	sne.s32 s2, $0x0  }
0x30c: {  	s3 =	rddreg [dreg:$0x2];
	[bflag:$0x3] =	sbarrier.arrive $0xFFFF;
	s2 =	simm.s32 @!p0 $0x1C05  }
0x30d: {  	[timem:s3], [sflag:s2] =	dma.local @!p0 [hbm:s0], s1  }
0x30e: {  	s0 =	simm.s32 @!p0 $0x5  }
0x30f: {  	_ =	swait.ge @!p0 [sflag:s0], s1  }
0x310: {  	s1 =	ssub.s32 @!p0 $0x0, s1;
	[sflag:s0] =	ssyncset.done @!p0 $0x0  }
0x311: {  	[sflag:s0] =	ssyncadd.s32 @!p0 s1  }
0x312: {  	[bflag:$0x3] =	sbarrier.arrive $0xFFFF  }
0x313: {  	_ =	shalt  }

</sc_bundles>
